<compile_context>
chip_gen: v7x
topology: tpu7x:2x2x1
jax: 0.10.2.dev20260603
libtpu: 0.0.44.dev20260713+nightly
codegen_flags: <defaults>
</compile_context>

<pallas_src>
import dataclasses
import functools

import jax
import jax.numpy as jnp
from jax import lax
from jax.experimental import pallas as pl
from jax.experimental.pallas import tpu as pltpu
from jax.experimental.pallas import tpu_sc as plsc

_NC = 2
_NS = 16
_W = 80



def _xa_body(x_ref, w_ref, o_ref):
    o_ref[...] = jnp.dot(x_ref[...], w_ref[...],
                         preferred_element_type=jnp.float32,
                         precision=lax.Precision.DEFAULT)


def _tc_xa(x, W1a):
    n, fx = x.shape
    h = W1a.shape[1]
    return pl.pallas_call(
        _xa_body,
        out_shape=jax.ShapeDtypeStruct((n, h), jnp.float32),
    )(x, W1a)


def _edge_lin_body(eat_ref, w_ref, b_ref, o_ref):
    o_ref[...] = lax.dot_general(eat_ref[...], w_ref[...],
                                 dimension_numbers=(((0,), (0,)), ((), ())),
                                 preferred_element_type=jnp.float32,
                                 precision=lax.Precision.DEFAULT) + b_ref[...]


def _tc_edge_lin(eaT, W1b, b1):
    fe, e = eaT.shape
    h = W1b.shape[1]
    be = 6400
    return pl.pallas_call(
        _edge_lin_body,
        grid=(e // be,),
        in_specs=[
            pl.BlockSpec((fe, be), lambda i: (0, i)),
            pl.BlockSpec((fe, h), lambda i: (0, 0)),
            pl.BlockSpec((1, h), lambda i: (0, 0)),
        ],
        out_specs=pl.BlockSpec((be, h), lambda i: (i, 0)),
        out_shape=jax.ShapeDtypeStruct((e, h), jnp.float32),
    )(eaT, W1b, b1.reshape(1, h))


def _final_body(x_ref, hs0_ref, hs1_ref, cnt_ref, w2_ref, b2_ref,
                w3a_ref, w3b_ref, b3_ref, w4_ref, b4_ref, o_ref):
    hs = hs0_ref[...] + hs1_ref[...]
    cnt = lax.dot_general(cnt_ref[...], jnp.ones((32, 1), jnp.float32),
                          dimension_numbers=(((0,), (0,)), ((), ())),
                          preferred_element_type=jnp.float32,
                          precision=lax.Precision.DEFAULT)
    summed = jnp.dot(hs, w2_ref[...], preferred_element_type=jnp.float32,
                     precision=lax.Precision.DEFAULT) + cnt * b2_ref[...]
    mean = summed / jnp.maximum(cnt, 1.0)
    t = (jnp.dot(x_ref[...], w3a_ref[...], preferred_element_type=jnp.float32,
                 precision=lax.Precision.DEFAULT)
         + jnp.dot(mean, w3b_ref[...], preferred_element_type=jnp.float32,
                   precision=lax.Precision.DEFAULT)
         + b3_ref[...])
    t = jnp.maximum(t, 0.0)
    o_ref[...] = jnp.dot(t, w4_ref[...], preferred_element_type=jnp.float32,
                         precision=lax.Precision.DEFAULT) + b4_ref[...]


def _tc_final(x, hs0, hs1, cnt, W2, b2, W3a, W3b, b3, W4, b4):
    n, fx = x.shape
    h = W2.shape[0]
    bn = 2048
    grid = (n + bn - 1) // bn
    full = lambda r, c: pl.BlockSpec((r, c), lambda i: (0, 0))
    return pl.pallas_call(
        _final_body,
        grid=(grid,),
        in_specs=[
            pl.BlockSpec((bn, fx), lambda i: (i, 0)),
            pl.BlockSpec((bn, h), lambda i: (i, 0)),
            pl.BlockSpec((bn, h), lambda i: (i, 0)),
            pl.BlockSpec((32, bn), lambda i: (0, i)),
            full(h, h),
            full(1, h),
            full(fx, h),
            full(h, h),
            full(1, h),
            full(h, fx),
            full(1, fx),
        ],
        out_specs=pl.BlockSpec((bn, fx), lambda i: (i, 0)),
        out_shape=jax.ShapeDtypeStruct((n, fx), jnp.float32),
    )(x, hs0, hs1, cnt, W2, b2.reshape(1, h), W3a, W3b, b3.reshape(1, h),
      W4, b4.reshape(1, fx))



def _sc_edge(xa, ea128, rc2):
    n, h = xa.shape
    zrows = 32
    npad = ((n + _NS * zrows - 1) // (_NS * zrows)) * (_NS * zrows)
    per_worker = rc2.shape[1] * _W
    n_win = rc2.shape[1]
    per_tile_n = npad // _NS
    assert per_tile_n % zrows == 0

    mesh = plsc.VectorSubcoreMesh(core_axis_name="c", subcore_axis_name="s",
                                  num_cores=_NC, num_subcores=_NS)
    cp = pltpu.CompilerParams()
    if "needs_layout_passes" in pltpu.CompilerParams.__dataclass_fields__:
        cp = dataclasses.replace(cp, needs_layout_passes=False)

    @functools.partial(
        pl.kernel,
        compiler_params=cp,
        out_type=[
            jax.ShapeDtypeStruct((_NC, npad, h), jnp.float32),
            jax.ShapeDtypeStruct((_NC * _NS, npad), jnp.float32),
        ],
        mesh=mesh,
        scratch_types=[
            pltpu.VMEM((4, 2, _W), jnp.int32),
            pltpu.VMEM((_W, h), jnp.float32),
            pltpu.VMEM((_W, h), jnp.float32),
            pltpu.VMEM((_W, h), jnp.float32),
            pltpu.VMEM((zrows, h), jnp.float32),
            pltpu.VMEM((npad,), jnp.float32),
            pltpu.VMEM_SHARED((npad, h), jnp.float32),
            pltpu.SemaphoreType.DMA,
            pltpu.SemaphoreType.DMA,
            pltpu.SemaphoreType.DMA,
            pltpu.SemaphoreType.DMA,
            pltpu.SemaphoreType.DMA,
            pltpu.SemaphoreType.DMA,
            pltpu.SemaphoreType.DMA,
            pltpu.SemaphoreType.DMA,
            pltpu.SemaphoreType.DMA,
        ],
    )
    def sc_kernel(xa_hbm, ea_hbm, rc_hbm, hs_out, cnt_out,
                  idx, gbuf0, gbuf1, ebuf, zbuf, cntbuf, hs_acc,
                  isem0, isem1, isem2, isem3, gsem0, gsem1, esem,
                  ssem0, ssem1):
        core = lax.axis_index("c")
        sub = lax.axis_index("s")
        gbufs = (gbuf0, gbuf1)
        isems = (isem0, isem1, isem2, isem3)
        gsems = (gsem0, gsem1)
        ssems = (ssem0, ssem1)

        zero16 = jnp.zeros((16,), jnp.float32)
        one16 = jnp.ones((16,), jnp.float32)

        wid = core * _NS + sub
        nbase = sub * per_tile_n
        base = wid * per_worker

        def stage_idx(w, s):
            pltpu.async_copy(rc_hbm.at[wid, w], idx.at[s], isems[s])

        def wait_idx(s):
            pltpu.make_async_copy(rc_hbm.at[wid, 0], idx.at[s],
                                  isems[s]).wait()

        def stage_gather(w, s, b):
            pltpu.async_copy(xa_hbm.at[idx.at[s, 1]], gbufs[b], gsems[b])

        def wait_gather(s, b):
            pltpu.make_async_copy(xa_hbm.at[idx.at[s, 1]], gbufs[b],
                                  gsems[b]).wait()

        def stage_ea(w):
            pltpu.async_copy(ea_hbm.at[pl.ds(base + w * _W, _W)], ebuf, esem)

        def wait_ea():
            pltpu.make_async_copy(ea_hbm.at[pl.ds(base, _W)], ebuf,
                                  esem).wait()

        def wait_scatter(s, b):
            pltpu.make_async_copy(gbufs[b], hs_acc.at[idx.at[s, 0]],
                                  ssems[b]).wait()

        stage_idx(0, 0)
        stage_idx(1, 1)

        @pl.loop(0, zrows)
        def _(i):
            for j in range(h // 16):
                zbuf[i, pl.ds(j * 16, 16)] = zero16

        @pl.loop(0, npad // 16)
        def _(i):
            cntbuf[pl.ds(i * 16, 16)] = zero16

        for kk in range(per_tile_n // zrows):
            pltpu.sync_copy(zbuf, hs_acc.at[pl.ds(nbase + kk * zrows, zrows)])

        wait_idx(0)
        stage_gather(0, 0, 0)
        stage_ea(0)
        plsc.subcore_barrier()

        def body(w, s, b, first=False, has_next=True, has_next2=True):
            if has_next:
                wait_idx((s + 1) % 4)
            wait_gather(s, b)
            wait_ea()
            if not first:
                wait_scatter((s + 3) % 4, 1 - b)
            if has_next:
                stage_gather(w + 1, (s + 1) % 4, 1 - b)
            gb = gbufs[b]

            @pl.loop(0, _W, step=2)
            def _(i):
                for ii in range(2):
                    for j in range(h // 16):
                        c = pl.ds(j * 16, 16)
                        gb[i + ii, c] = jnp.maximum(gb[i + ii, c]
                                                    + ebuf[i + ii, c], 0.0)

            if has_next:
                stage_ea(w + 1)
            for k in range(_W // 16):
                iv = idx[s, 0, pl.ds(k * 16, 16)]
                plsc.addupdate_scatter(cntbuf, [iv], one16)
            pltpu.async_copy(gb, hs_acc.at[idx.at[s, 0]], ssems[b], add=True)
            if has_next2:
                stage_idx(w + 2, (s + 2) % 4)

        assert n_win >= 7 and (n_win - 2) % 4 == 3
        body(0, 0, 0, first=True)
        body(1, 1, 1)

        @pl.loop(0, (n_win - 5) // 4)
        def _(k):
            w0 = 2 + 4 * k
            body(w0 + 0, 2, 0)
            body(w0 + 1, 3, 1)
            body(w0 + 2, 0, 0)
            body(w0 + 3, 1, 1)

        body(n_win - 3, 2, 0)
        body(n_win - 2, 3, 1, has_next2=False)
        body(n_win - 1, 0, 0, has_next=False, has_next2=False)
        wait_scatter(0, 0)

        pltpu.sync_copy(cntbuf, cnt_out.at[wid])
        plsc.subcore_barrier()
        pltpu.sync_copy(hs_acc.at[pl.ds(nbase, per_tile_n)],
                        hs_out.at[core, pl.ds(nbase, per_tile_n)])

    return sc_kernel(xa, ea128, rc2)



def kernel(x, edge_index, edge_attr, u, batch, W1, b1, W2, b2, W3, b3, W4, b4):
    n, fx = x.shape
    e = edge_attr.shape[0]
    nw = _NC * _NS
    rc2 = jnp.stack(
        [edge_index[0].astype(jnp.int32).reshape(nw, e // (nw * _W), _W),
         edge_index[1].astype(jnp.int32).reshape(nw, e // (nw * _W), _W)],
        axis=2)
    W1a, W1b = W1[:fx], W1[fx:]
    W3a, W3b = W3[:fx], W3[fx:]

    xa = _tc_xa(x, W1a)
    ea128 = _tc_edge_lin(edge_attr.T, W1b, b1)
    hs_parts, cnt_tiles = _sc_edge(xa, ea128, rc2)
    return _tc_final(x, hs_parts[0], hs_parts[1], cnt_tiles,
                     W2, b2, W3a, W3b, b3, W4, b4)

# --- scband reference (transcript-rebuilt; emitter-appended) ---
"""Pipeline reference for scband-node-model-23562190586357 (READ-ONLY COPY).

The authoritative reference and input builder live on the scoring server;
editing this copy changes nothing except your own understanding.
"""

import jax, jax.numpy as jnp
import numpy as np

N = 10000
E = 320000
B = 16
F_X = 128
F_E = 16
F_U = 16
H = 128

def setup_inputs(seed: int = 0) -> dict:
    key = jax.random.key(seed)
    ks = jax.random.split(key, 16)
    x = jax.random.normal(ks[0], (N, F_X), dtype=jnp.float32)
    edge_index = jax.random.randint(ks[1], (2, E), 0, N, dtype=jnp.int64)
    edge_attr = jax.random.normal(ks[2], (E, F_E), dtype=jnp.float32)
    u = jax.random.normal(ks[3], (B, F_U), dtype=jnp.float32)
    batch = jnp.sort(jax.random.randint(ks[4], (N,), 0, B, dtype=jnp.int64))
    in_ch = F_X + F_E
    def lin(k, fan_in, fan_out):
        bound = 1.0 / np.sqrt(fan_in)
        kw, kb = jax.random.split(k)
        W = jax.random.uniform(kw, (fan_in, fan_out), minval=-bound, maxval=bound, dtype=jnp.float32)
        b = jax.random.uniform(kb, (fan_out,), minval=-bound, maxval=bound, dtype=jnp.float32)
        return W, b
    W1, b1 = lin(ks[5], in_ch, H)
    W2, b2 = lin(ks[6], H, H)
    W3, b3 = lin(ks[7], H + F_X, H)
    W4, b4 = lin(ks[8], H, F_X)
    return {"x": x, "edge_index": edge_index, "edge_attr": edge_attr, "u": u, "batch": batch,
            "W1": W1, "b1": b1, "W2": W2, "b2": b2, "W3": W3, "b3": b3, "W4": W4, "b4": b4}

def reference(x, edge_index, edge_attr, u, batch, W1, b1, W2, b2, W3, b3, W4, b4):
    row = edge_index[0]
    col = edge_index[1]
    out = jnp.concatenate([jnp.take(x, col, axis=0), edge_attr], axis=1)
    out = jax.nn.relu(out @ W1 + b1) @ W2 + b2
    summed = jax.ops.segment_sum(out, row, num_segments=x.shape[0])
    counts = jax.ops.segment_sum(jnp.ones((row.shape[0],), dtype=x.dtype), row, num_segments=x.shape[0])
    mean = summed / jnp.maximum(counts, 1.0)[:, None]
    out = jnp.concatenate([x, mean], axis=1)
    return jax.nn.relu(out @ W3 + b3) @ W4 + b4

if __name__ == "__main__":
    import jax
    _d = setup_inputs()
    print(jax.jit(kernel)(*tuple(_d.values())))

</pallas_src>

<mosaic_0001>
#map = affine_map<(d0, d1) -> (0, 0)>
#map1 = affine_map<(d0, d1) -> (0, 0, 0, 0)>
#map2 = affine_map<(d0, d1) -> (0, 0, 0)>
module attributes {stable_mosaic.version = 14 : i64} {
  func.func @sc_kernel(%arg0: i32, %arg1: i32, %arg2: memref<10000x128xf32, #tpu.memory_space<hbm>>, %arg3: memref<320000x128xf32, #tpu.memory_space<hbm>>, %arg4: memref<32x125x2x80xi32, #tpu.memory_space<hbm>>, %arg5: memref<2x10240x128xf32, #tpu.memory_space<hbm>>, %arg6: memref<32x10240xf32, #tpu.memory_space<hbm>>, %arg7: memref<4x2x80xi32, #tpu.memory_space<vmem>>, %arg8: memref<80x128xf32, #tpu.memory_space<vmem>>, %arg9: memref<80x128xf32, #tpu.memory_space<vmem>>, %arg10: memref<80x128xf32, #tpu.memory_space<vmem>>, %arg11: memref<32x128xf32, #tpu.memory_space<vmem>>, %arg12: memref<10240xf32, #tpu.memory_space<vmem>>, %arg13: memref<10240x128xf32, #tpu.memory_space<vmem_shared>>, %arg14: memref<!tpu.dma_semaphore, #tpu.memory_space<semaphore_mem>>, %arg15: memref<!tpu.dma_semaphore, #tpu.memory_space<semaphore_mem>>, %arg16: memref<!tpu.dma_semaphore, #tpu.memory_space<semaphore_mem>>, %arg17: memref<!tpu.dma_semaphore, #tpu.memory_space<semaphore_mem>>, %arg18: memref<!tpu.dma_semaphore, #tpu.memory_space<semaphore_mem>>, %arg19: memref<!tpu.dma_semaphore, #tpu.memory_space<semaphore_mem>>, %arg20: memref<!tpu.dma_semaphore, #tpu.memory_space<semaphore_mem>>, %arg21: memref<!tpu.dma_semaphore, #tpu.memory_space<semaphore_mem>>, %arg22: memref<!tpu.dma_semaphore, #tpu.memory_space<semaphore_mem>>) attributes {dimension_semantics = [#tpu.dimension_semantics<core_parallel>, #tpu.dimension_semantics<subcore_parallel>], iteration_bounds = array<i64: 2, 16>, scalar_prefetch = 0 : i64, scratch_operands = 16 : i64, tpu.core_type = #tpu.core_type<sc_vector_subcore>, window_params = [{transform_indices = #map}, {transform_indices = #map}, {transform_indices = #map1}, {transform_indices = #map2}, {transform_indices = #map}]} {
    %broadcast_in_dim3A = arith.constant 0.000000e+00 : f32
    %broadcast_in_dim3A_0 = vector.broadcast %broadcast_in_dim3A : f32 to vector<16xf32>
    %broadcast_in_dim3A_1 = arith.constant 1.000000e+00 : f32
    %broadcast_in_dim3A_2 = vector.broadcast %broadcast_in_dim3A_1 : f32 to vector<16xf32>
    %mul3A = arith.constant 16 : i32
    %mul3A_3 = arith.muli %arg0, %mul3A : i32
    %add3A = arith.addi %mul3A_3, %arg1 : i32
    %mul3A_4 = arith.constant 640 : i32
    %mul3A_5 = arith.muli %arg1, %mul3A_4 : i32
    %mul3A_6 = arith.constant 10000 : i32
    %mul3A_7 = arith.muli %add3A, %mul3A_6 : i32
    %dma_start3A = arith.constant 0 : i32
    %dma_start3A_8 = arith.constant 0 : i32
    %dma_start3A_9 = arith.constant 0 : i32
    %dma_start3A_10 = arith.constant 0 : i32
    %dma_start3A_11 = tpu.memref_slice %arg7[%dma_start3A_8, %dma_start3A_9, %dma_start3A_10] : memref<4x2x80xi32, #tpu.memory_space<vmem>> -> memref<1x2x80xi32, #tpu.memory_space<vmem>>
    %dma_start3A_12 = tpu.memref_squeeze %dma_start3A_11 : memref<1x2x80xi32, #tpu.memory_space<vmem>> -> memref<2x80xi32, #tpu.memory_space<vmem>>
    %dma_start3A_13 = arith.constant 0 : i32
    %dma_start3A_14 = arith.constant 0 : i32
    %dma_start3A_15 = tpu.memref_slice %arg4[%add3A, %dma_start3A, %dma_start3A_13, %dma_start3A_14] : memref<32x125x2x80xi32, #tpu.memory_space<hbm>> -> memref<1x1x2x80xi32, #tpu.memory_space<hbm>>
    %dma_start3A_16 = tpu.memref_squeeze %dma_start3A_15 : memref<1x1x2x80xi32, #tpu.memory_space<hbm>> -> memref<2x80xi32, #tpu.memory_space<hbm>>
    %dma_start3A_17 = arith.constant 0 : i32
    %dma_start3A_18 = arith.constant 0 : i32
    %dma_start3A_19 = tpu.memref_slice %arg7[%dma_start3A_8, %dma_start3A_17, %dma_start3A_18] : memref<4x2x80xi32, #tpu.memory_space<vmem>> -> memref<1x2x80xi32, #tpu.memory_space<vmem>>
    %dma_start3A_20 = tpu.memref_squeeze %dma_start3A_19 : memref<1x2x80xi32, #tpu.memory_space<vmem>> -> memref<2x80xi32, #tpu.memory_space<vmem>>
    %dma_start3A_21 = arith.constant 0 : i32
    %dma_start3A_22 = arith.constant 0 : i32
    %dma_start3A_23 = tpu.memref_slice %arg4[%add3A, %dma_start3A, %dma_start3A_21, %dma_start3A_22] : memref<32x125x2x80xi32, #tpu.memory_space<hbm>> -> memref<1x1x2x80xi32, #tpu.memory_space<hbm>>
    %dma_start3A_24 = tpu.memref_squeeze %dma_start3A_23 : memref<1x1x2x80xi32, #tpu.memory_space<hbm>> -> memref<2x80xi32, #tpu.memory_space<hbm>>
    tpu.enqueue_dma source(%dma_start3A_24 : memref<2x80xi32, #tpu.memory_space<hbm>>) target(%dma_start3A_20 : memref<2x80xi32, #tpu.memory_space<vmem>>) target_semaphore(%arg14 : memref<!tpu.dma_semaphore, #tpu.memory_space<semaphore_mem>>)
    %dma_start3A_25 = arith.constant 1 : i32
    %dma_start3A_26 = arith.constant 1 : i32
    %dma_start3A_27 = arith.constant 0 : i32
    %dma_start3A_28 = arith.constant 0 : i32
    %dma_start3A_29 = tpu.memref_slice %arg7[%dma_start3A_26, %dma_start3A_27, %dma_start3A_28] : memref<4x2x80xi32, #tpu.memory_space<vmem>> -> memref<1x2x80xi32, #tpu.memory_space<vmem>>
    %dma_start3A_30 = tpu.memref_squeeze %dma_start3A_29 : memref<1x2x80xi32, #tpu.memory_space<vmem>> -> memref<2x80xi32, #tpu.memory_space<vmem>>
    %dma_start3A_31 = arith.constant 0 : i32
    %dma_start3A_32 = arith.constant 0 : i32
    %dma_start3A_33 = tpu.memref_slice %arg4[%add3A, %dma_start3A_25, %dma_start3A_31, %dma_start3A_32] : memref<32x125x2x80xi32, #tpu.memory_space<hbm>> -> memref<1x1x2x80xi32, #tpu.memory_space<hbm>>
    %dma_start3A_34 = tpu.memref_squeeze %dma_start3A_33 : memref<1x1x2x80xi32, #tpu.memory_space<hbm>> -> memref<2x80xi32, #tpu.memory_space<hbm>>
    %dma_start3A_35 = arith.constant 0 : i32
    %dma_start3A_36 = arith.constant 0 : i32
    %dma_start3A_37 = tpu.memref_slice %arg7[%dma_start3A_26, %dma_start3A_35, %dma_start3A_36] : memref<4x2x80xi32, #tpu.memory_space<vmem>> -> memref<1x2x80xi32, #tpu.memory_space<vmem>>
    %dma_start3A_38 = tpu.memref_squeeze %dma_start3A_37 : memref<1x2x80xi32, #tpu.memory_space<vmem>> -> memref<2x80xi32, #tpu.memory_space<vmem>>
    %dma_start3A_39 = arith.constant 0 : i32
    %dma_start3A_40 = arith.constant 0 : i32
    %dma_start3A_41 = tpu.memref_slice %arg4[%add3A, %dma_start3A_25, %dma_start3A_39, %dma_start3A_40] : memref<32x125x2x80xi32, #tpu.memory_space<hbm>> -> memref<1x1x2x80xi32, #tpu.memory_space<hbm>>
    %dma_start3A_42 = tpu.memref_squeeze %dma_start3A_41 : memref<1x1x2x80xi32, #tpu.memory_space<hbm>> -> memref<2x80xi32, #tpu.memory_space<hbm>>
    tpu.enqueue_dma source(%dma_start3A_42 : memref<2x80xi32, #tpu.memory_space<hbm>>) target(%dma_start3A_38 : memref<2x80xi32, #tpu.memory_space<vmem>>) target_semaphore(%arg15 : memref<!tpu.dma_semaphore, #tpu.memory_space<semaphore_mem>>)
    %scan3A = arith.constant 0 : i32
    %scan3A_43 = arith.constant 32 : i32
    %scan3A_44 = arith.addi %scan3A, %scan3A_43 : i32
    %scan3A_45 = arith.constant 1 : i32
    scf.for %scan3A_625 = %scan3A to %scan3A_44 step %scan3A_45  : i32 {
      %mul3A_626 = arith.constant 1 : i32
      %mul3A_627 = arith.muli %scan3A_625, %mul3A_626 : i32
      %add3A_628 = arith.constant 0 : i32
      %add3A_629 = arith.addi %add3A_628, %mul3A_627 : i32
      %swap3A = arith.index_cast %add3A_629 : i32 to index
      %swap3A_630 = arith.constant 0 : index
      %swap3A_631 = tpu.vector_load %arg11[%swap3A, %swap3A_630] {strides = array<i32>} : memref<32x128xf32, #tpu.memory_space<vmem>>, vector<16xf32>,
      tpu.vector_store %arg11[%swap3A, %swap3A_630], %broadcast_in_dim3A_0 {strides = array<i32>} : memref<32x128xf32, #tpu.memory_space<vmem>>, vector<16xf32>,
      %swap3A_632 = arith.index_cast %add3A_629 : i32 to index
      %swap3A_633 = arith.constant 16 : index
      %swap3A_634 = tpu.vector_load %arg11[%swap3A_632, %swap3A_633] {strides = array<i32>} : memref<32x128xf32, #tpu.memory_space<vmem>>, vector<16xf32>,
      tpu.vector_store %arg11[%swap3A_632, %swap3A_633], %broadcast_in_dim3A_0 {strides = array<i32>} : memref<32x128xf32, #tpu.memory_space<vmem>>, vector<16xf32>,
      %swap3A_635 = arith.index_cast %add3A_629 : i32 to index
      %swap3A_636 = arith.constant 32 : index
      %swap3A_637 = tpu.vector_load %arg11[%swap3A_635, %swap3A_636] {strides = array<i32>} : memref<32x128xf32, #tpu.memory_space<vmem>>, vector<16xf32>,
      tpu.vector_store %arg11[%swap3A_635, %swap3A_636], %broadcast_in_dim3A_0 {strides = array<i32>} : memref<32x128xf32, #tpu.memory_space<vmem>>, vector<16xf32>,
      %swap3A_638 = arith.index_cast %add3A_629 : i32 to index
      %swap3A_639 = arith.constant 48 : index
      %swap3A_640 = tpu.vector_load %arg11[%swap3A_638, %swap3A_639] {strides = array<i32>} : memref<32x128xf32, #tpu.memory_space<vmem>>, vector<16xf32>,
      tpu.vector_store %arg11[%swap3A_638, %swap3A_639], %broadcast_in_dim3A_0 {strides = array<i32>} : memref<32x128xf32, #tpu.memory_space<vmem>>, vector<16xf32>,
      %swap3A_641 = arith.index_cast %add3A_629 : i32 to index
      %swap3A_642 = arith.constant 64 : index
      %swap3A_643 = tpu.vector_load %arg11[%swap3A_641, %swap3A_642] {strides = array<i32>} : memref<32x128xf32, #tpu.memory_space<vmem>>, vector<16xf32>,
      tpu.vector_store %arg11[%swap3A_641, %swap3A_642], %broadcast_in_dim3A_0 {strides = array<i32>} : memref<32x128xf32, #tpu.memory_space<vmem>>, vector<16xf32>,
      %swap3A_644 = arith.index_cast %add3A_629 : i32 to index
      %swap3A_645 = arith.constant 80 : index
      %swap3A_646 = tpu.vector_load %arg11[%swap3A_644, %swap3A_645] {strides = array<i32>} : memref<32x128xf32, #tpu.memory_space<vmem>>, vector<16xf32>,
      tpu.vector_store %arg11[%swap3A_644, %swap3A_645], %broadcast_in_dim3A_0 {strides = array<i32>} : memref<32x128xf32, #tpu.memory_space<vmem>>, vector<16xf32>,
      %swap3A_647 = arith.index_cast %add3A_629 : i32 to index
      %swap3A_648 = arith.constant 96 : index
      %swap3A_649 = tpu.vector_load %arg11[%swap3A_647, %swap3A_648] {strides = array<i32>} : memref<32x128xf32, #tpu.memory_space<vmem>>, vector<16xf32>,
      tpu.vector_store %arg11[%swap3A_647, %swap3A_648], %broadcast_in_dim3A_0 {strides = array<i32>} : memref<32x128xf32, #tpu.memory_space<vmem>>, vector<16xf32>,
      %swap3A_650 = arith.index_cast %add3A_629 : i32 to index
      %swap3A_651 = arith.constant 112 : index
      %swap3A_652 = tpu.vector_load %arg11[%swap3A_650, %swap3A_651] {strides = array<i32>} : memref<32x128xf32, #tpu.memory_space<vmem>>, vector<16xf32>,
      tpu.vector_store %arg11[%swap3A_650, %swap3A_651], %broadcast_in_dim3A_0 {strides = array<i32>} : memref<32x128xf32, #tpu.memory_space<vmem>>, vector<16xf32>,
    }
    %scan3A_46 = arith.constant 32 : i32
    %scan3A_47 = arith.constant 0 : i32
    %scan3A_48 = arith.constant 640 : i32
    %scan3A_49 = arith.addi %scan3A_47, %scan3A_48 : i32
    %scan3A_50 = arith.constant 1 : i32
    scf.for %scan3A_625 = %scan3A_47 to %scan3A_49 step %scan3A_50  : i32 {
      %mul3A_626 = arith.constant 1 : i32
      %mul3A_627 = arith.muli %scan3A_625, %mul3A_626 : i32
      %add3A_628 = arith.constant 0 : i32
      %add3A_629 = arith.addi %add3A_628, %mul3A_627 : i32
      %mul3A_630 = arith.constant 16 : i32
      %mul3A_631 = arith.muli %add3A_629, %mul3A_630 : i32
      %swap3A = arith.index_cast %mul3A_631 : i32 to index
      %swap3A_632 = tpu.vector_load %arg12[%swap3A] {strides = array<i32>} : memref<10240xf32, #tpu.memory_space<vmem>>, vector<16xf32>,
      tpu.vector_store %arg12[%swap3A], %broadcast_in_dim3A_0 {strides = array<i32>} : memref<10240xf32, #tpu.memory_space<vmem>>, vector<16xf32>,
    }
    %scan3A_51 = arith.constant 640 : i32
    %add3A_52 = arith.constant 0 : i32
    %add3A_53 = arith.addi %mul3A_5, %add3A_52 : i32
    "tpu.region"() ({
      %run_scoped3A = tpu.sem_alloc : memref<!tpu.dma_semaphore, #tpu.memory_space<semaphore_mem>>
      %dma_start3A_625 = arith.constant 0 : i32
      %dma_start3A_626 = tpu.memref_slice %arg13[%add3A_53, %dma_start3A_625] : memref<10240x128xf32, #tpu.memory_space<vmem_shared>> -> memref<32x128xf32, #tpu.memory_space<vmem_shared>>
      %dma_start3A_627 = arith.constant 0 : i32
      %dma_start3A_628 = tpu.memref_slice %arg13[%add3A_53, %dma_start3A_627] : memref<10240x128xf32, #tpu.memory_space<vmem_shared>> -> memref<32x128xf32, #tpu.memory_space<vmem_shared>>
      tpu.enqueue_dma source(%arg11 : memref<32x128xf32, #tpu.memory_space<vmem>>) target(%dma_start3A_628 : memref<32x128xf32, #tpu.memory_space<vmem_shared>>) target_semaphore(%run_scoped3A : memref<!tpu.dma_semaphore, #tpu.memory_space<semaphore_mem>>)
      %dma_wait3A_629 = arith.constant 0 : i32
      %dma_wait3A_630 = tpu.memref_slice %arg13[%add3A_53, %dma_wait3A_629] : memref<10240x128xf32, #tpu.memory_space<vmem_shared>> -> memref<32x128xf32, #tpu.memory_space<vmem_shared>>
      %dma_wait3A_631 = arith.constant 0 : i32
      %dma_wait3A_632 = tpu.memref_slice %arg13[%add3A_53, %dma_wait3A_631] : memref<10240x128xf32, #tpu.memory_space<vmem_shared>> -> memref<32x128xf32, #tpu.memory_space<vmem_shared>>
      tpu.wait_dma2 semaphore(%run_scoped3A : memref<!tpu.dma_semaphore, #tpu.memory_space<semaphore_mem>>) src(%arg11 : memref<32x128xf32, #tpu.memory_space<vmem>>) dst(%dma_wait3A_632 : memref<32x128xf32, #tpu.memory_space<vmem_shared>>)
      tpu.yield
    }) : () -> ()
    %add3A_54 = arith.constant 32 : i32
    %add3A_55 = arith.addi %mul3A_5, %add3A_54 : i32
    "tpu.region"() ({
      %run_scoped3A = tpu.sem_alloc : memref<!tpu.dma_semaphore, #tpu.memory_space<semaphore_mem>>
      %dma_start3A_625 = arith.constant 0 : i32
      %dma_start3A_626 = tpu.memref_slice %arg13[%add3A_55, %dma_start3A_625] : memref<10240x128xf32, #tpu.memory_space<vmem_shared>> -> memref<32x128xf32, #tpu.memory_space<vmem_shared>>
      %dma_start3A_627 = arith.constant 0 : i32
      %dma_start3A_628 = tpu.memref_slice %arg13[%add3A_55, %dma_start3A_627] : memref<10240x128xf32, #tpu.memory_space<vmem_shared>> -> memref<32x128xf32, #tpu.memory_space<vmem_shared>>
      tpu.enqueue_dma source(%arg11 : memref<32x128xf32, #tpu.memory_space<vmem>>) target(%dma_start3A_628 : memref<32x128xf32, #tpu.memory_space<vmem_shared>>) target_semaphore(%run_scoped3A : memref<!tpu.dma_semaphore, #tpu.memory_space<semaphore_mem>>)
      %dma_wait3A_629 = arith.constant 0 : i32
      %dma_wait3A_630 = tpu.memref_slice %arg13[%add3A_55, %dma_wait3A_629] : memref<10240x128xf32, #tpu.memory_space<vmem_shared>> -> memref<32x128xf32, #tpu.memory_space<vmem_shared>>
      %dma_wait3A_631 = arith.constant 0 : i32
      %dma_wait3A_632 = tpu.memref_slice %arg13[%add3A_55, %dma_wait3A_631] : memref<10240x128xf32, #tpu.memory_space<vmem_shared>> -> memref<32x128xf32, #tpu.memory_space<vmem_shared>>
      tpu.wait_dma2 semaphore(%run_scoped3A : memref<!tpu.dma_semaphore, #tpu.memory_space<semaphore_mem>>) src(%arg11 : memref<32x128xf32, #tpu.memory_space<vmem>>) dst(%dma_wait3A_632 : memref<32x128xf32, #tpu.memory_space<vmem_shared>>)
      tpu.yield
    }) : () -> ()
    %add3A_56 = arith.constant 64 : i32
    %add3A_57 = arith.addi %mul3A_5, %add3A_56 : i32
    "tpu.region"() ({
      %run_scoped3A = tpu.sem_alloc : memref<!tpu.dma_semaphore, #tpu.memory_space<semaphore_mem>>
      %dma_start3A_625 = arith.constant 0 : i32
      %dma_start3A_626 = tpu.memref_slice %arg13[%add3A_57, %dma_start3A_625] : memref<10240x128xf32, #tpu.memory_space<vmem_shared>> -> memref<32x128xf32, #tpu.memory_space<vmem_shared>>
      %dma_start3A_627 = arith.constant 0 : i32
      %dma_start3A_628 = tpu.memref_slice %arg13[%add3A_57, %dma_start3A_627] : memref<10240x128xf32, #tpu.memory_space<vmem_shared>> -> memref<32x128xf32, #tpu.memory_space<vmem_shared>>
      tpu.enqueue_dma source(%arg11 : memref<32x128xf32, #tpu.memory_space<vmem>>) target(%dma_start3A_628 : memref<32x128xf32, #tpu.memory_space<vmem_shared>>) target_semaphore(%run_scoped3A : memref<!tpu.dma_semaphore, #tpu.memory_space<semaphore_mem>>)
      %dma_wait3A_629 = arith.constant 0 : i32
      %dma_wait3A_630 = tpu.memref_slice %arg13[%add3A_57, %dma_wait3A_629] : memref<10240x128xf32, #tpu.memory_space<vmem_shared>> -> memref<32x128xf32, #tpu.memory_space<vmem_shared>>
      %dma_wait3A_631 = arith.constant 0 : i32
      %dma_wait3A_632 = tpu.memref_slice %arg13[%add3A_57, %dma_wait3A_631] : memref<10240x128xf32, #tpu.memory_space<vmem_shared>> -> memref<32x128xf32, #tpu.memory_space<vmem_shared>>
      tpu.wait_dma2 semaphore(%run_scoped3A : memref<!tpu.dma_semaphore, #tpu.memory_space<semaphore_mem>>) src(%arg11 : memref<32x128xf32, #tpu.memory_space<vmem>>) dst(%dma_wait3A_632 : memref<32x128xf32, #tpu.memory_space<vmem_shared>>)
      tpu.yield
    }) : () -> ()
    %add3A_58 = arith.constant 96 : i32
    %add3A_59 = arith.addi %mul3A_5, %add3A_58 : i32
    "tpu.region"() ({
      %run_scoped3A = tpu.sem_alloc : memref<!tpu.dma_semaphore, #tpu.memory_space<semaphore_mem>>
      %dma_start3A_625 = arith.constant 0 : i32
      %dma_start3A_626 = tpu.memref_slice %arg13[%add3A_59, %dma_start3A_625] : memref<10240x128xf32, #tpu.memory_space<vmem_shared>> -> memref<32x128xf32, #tpu.memory_space<vmem_shared>>
      %dma_start3A_627 = arith.constant 0 : i32
      %dma_start3A_628 = tpu.memref_slice %arg13[%add3A_59, %dma_start3A_627] : memref<10240x128xf32, #tpu.memory_space<vmem_shared>> -> memref<32x128xf32, #tpu.memory_space<vmem_shared>>
      tpu.enqueue_dma source(%arg11 : memref<32x128xf32, #tpu.memory_space<vmem>>) target(%dma_start3A_628 : memref<32x128xf32, #tpu.memory_space<vmem_shared>>) target_semaphore(%run_scoped3A : memref<!tpu.dma_semaphore, #tpu.memory_space<semaphore_mem>>)
      %dma_wait3A_629 = arith.constant 0 : i32
      %dma_wait3A_630 = tpu.memref_slice %arg13[%add3A_59, %dma_wait3A_629] : memref<10240x128xf32, #tpu.memory_space<vmem_shared>> -> memref<32x128xf32, #tpu.memory_space<vmem_shared>>
      %dma_wait3A_631 = arith.constant 0 : i32
      %dma_wait3A_632 = tpu.memref_slice %arg13[%add3A_59, %dma_wait3A_631] : memref<10240x128xf32, #tpu.memory_space<vmem_shared>> -> memref<32x128xf32, #tpu.memory_space<vmem_shared>>
      tpu.wait_dma2 semaphore(%run_scoped3A : memref<!tpu.dma_semaphore, #tpu.memory_space<semaphore_mem>>) src(%arg11 : memref<32x128xf32, #tpu.memory_space<vmem>>) dst(%dma_wait3A_632 : memref<32x128xf32, #tpu.memory_space<vmem_shared>>)
      tpu.yield
    }) : () -> ()
    %add3A_60 = arith.constant 128 : i32
    %add3A_61 = arith.addi %mul3A_5, %add3A_60 : i32
    "tpu.region"() ({
      %run_scoped3A = tpu.sem_alloc : memref<!tpu.dma_semaphore, #tpu.memory_space<semaphore_mem>>
      %dma_start3A_625 = arith.constant 0 : i32
      %dma_start3A_626 = tpu.memref_slice %arg13[%add3A_61, %dma_start3A_625] : memref<10240x128xf32, #tpu.memory_space<vmem_shared>> -> memref<32x128xf32, #tpu.memory_space<vmem_shared>>
      %dma_start3A_627 = arith.constant 0 : i32
      %dma_start3A_628 = tpu.memref_slice %arg13[%add3A_61, %dma_start3A_627] : memref<10240x128xf32, #tpu.memory_space<vmem_shared>> -> memref<32x128xf32, #tpu.memory_space<vmem_shared>>
      tpu.enqueue_dma source(%arg11 : memref<32x128xf32, #tpu.memory_space<vmem>>) target(%dma_start3A_628 : memref<32x128xf32, #tpu.memory_space<vmem_shared>>) target_semaphore(%run_scoped3A : memref<!tpu.dma_semaphore, #tpu.memory_space<semaphore_mem>>)
      %dma_wait3A_629 = arith.constant 0 : i32
      %dma_wait3A_630 = tpu.memref_slice %arg13[%add3A_61, %dma_wait3A_629] : memref<10240x128xf32, #tpu.memory_space<vmem_shared>> -> memref<32x128xf32, #tpu.memory_space<vmem_shared>>
      %dma_wait3A_631 = arith.constant 0 : i32
      %dma_wait3A_632 = tpu.memref_slice %arg13[%add3A_61, %dma_wait3A_631] : memref<10240x128xf32, #tpu.memory_space<vmem_shared>> -> memref<32x128xf32, #tpu.memory_space<vmem_shared>>
      tpu.wait_dma2 semaphore(%run_scoped3A : memref<!tpu.dma_semaphore, #tpu.memory_space<semaphore_mem>>) src(%arg11 : memref<32x128xf32, #tpu.memory_space<vmem>>) dst(%dma_wait3A_632 : memref<32x128xf32, #tpu.memory_space<vmem_shared>>)
      tpu.yield
    }) : () -> ()
    %add3A_62 = arith.constant 160 : i32
    %add3A_63 = arith.addi %mul3A_5, %add3A_62 : i32
    "tpu.region"() ({
      %run_scoped3A = tpu.sem_alloc : memref<!tpu.dma_semaphore, #tpu.memory_space<semaphore_mem>>
      %dma_start3A_625 = arith.constant 0 : i32
      %dma_start3A_626 = tpu.memref_slice %arg13[%add3A_63, %dma_start3A_625] : memref<10240x128xf32, #tpu.memory_space<vmem_shared>> -> memref<32x128xf32, #tpu.memory_space<vmem_shared>>
      %dma_start3A_627 = arith.constant 0 : i32
      %dma_start3A_628 = tpu.memref_slice %arg13[%add3A_63, %dma_start3A_627] : memref<10240x128xf32, #tpu.memory_space<vmem_shared>> -> memref<32x128xf32, #tpu.memory_space<vmem_shared>>
      tpu.enqueue_dma source(%arg11 : memref<32x128xf32, #tpu.memory_space<vmem>>) target(%dma_start3A_628 : memref<32x128xf32, #tpu.memory_space<vmem_shared>>) target_semaphore(%run_scoped3A : memref<!tpu.dma_semaphore, #tpu.memory_space<semaphore_mem>>)
      %dma_wait3A_629 = arith.constant 0 : i32
      %dma_wait3A_630 = tpu.memref_slice %arg13[%add3A_63, %dma_wait3A_629] : memref<10240x128xf32, #tpu.memory_space<vmem_shared>> -> memref<32x128xf32, #tpu.memory_space<vmem_shared>>
      %dma_wait3A_631 = arith.constant 0 : i32
      %dma_wait3A_632 = tpu.memref_slice %arg13[%add3A_63, %dma_wait3A_631] : memref<10240x128xf32, #tpu.memory_space<vmem_shared>> -> memref<32x128xf32, #tpu.memory_space<vmem_shared>>
      tpu.wait_dma2 semaphore(%run_scoped3A : memref<!tpu.dma_semaphore, #tpu.memory_space<semaphore_mem>>) src(%arg11 : memref<32x128xf32, #tpu.memory_space<vmem>>) dst(%dma_wait3A_632 : memref<32x128xf32, #tpu.memory_space<vmem_shared>>)
      tpu.yield
    }) : () -> ()
    %add3A_64 = arith.constant 192 : i32
    %add3A_65 = arith.addi %mul3A_5, %add3A_64 : i32
    "tpu.region"() ({
      %run_scoped3A = tpu.sem_alloc : memref<!tpu.dma_semaphore, #tpu.memory_space<semaphore_mem>>
      %dma_start3A_625 = arith.constant 0 : i32
      %dma_start3A_626 = tpu.memref_slice %arg13[%add3A_65, %dma_start3A_625] : memref<10240x128xf32, #tpu.memory_space<vmem_shared>> -> memref<32x128xf32, #tpu.memory_space<vmem_shared>>
      %dma_start3A_627 = arith.constant 0 : i32
      %dma_start3A_628 = tpu.memref_slice %arg13[%add3A_65, %dma_start3A_627] : memref<10240x128xf32, #tpu.memory_space<vmem_shared>> -> memref<32x128xf32, #tpu.memory_space<vmem_shared>>
      tpu.enqueue_dma source(%arg11 : memref<32x128xf32, #tpu.memory_space<vmem>>) target(%dma_start3A_628 : memref<32x128xf32, #tpu.memory_space<vmem_shared>>) target_semaphore(%run_scoped3A : memref<!tpu.dma_semaphore, #tpu.memory_space<semaphore_mem>>)
      %dma_wait3A_629 = arith.constant 0 : i32
      %dma_wait3A_630 = tpu.memref_slice %arg13[%add3A_65, %dma_wait3A_629] : memref<10240x128xf32, #tpu.memory_space<vmem_shared>> -> memref<32x128xf32, #tpu.memory_space<vmem_shared>>
      %dma_wait3A_631 = arith.constant 0 : i32
      %dma_wait3A_632 = tpu.memref_slice %arg13[%add3A_65, %dma_wait3A_631] : memref<10240x128xf32, #tpu.memory_space<vmem_shared>> -> memref<32x128xf32, #tpu.memory_space<vmem_shared>>
      tpu.wait_dma2 semaphore(%run_scoped3A : memref<!tpu.dma_semaphore, #tpu.memory_space<semaphore_mem>>) src(%arg11 : memref<32x128xf32, #tpu.memory_space<vmem>>) dst(%dma_wait3A_632 : memref<32x128xf32, #tpu.memory_space<vmem_shared>>)
      tpu.yield
    }) : () -> ()
    %add3A_66 = arith.constant 224 : i32
    %add3A_67 = arith.addi %mul3A_5, %add3A_66 : i32
    "tpu.region"() ({
      %run_scoped3A = tpu.sem_alloc : memref<!tpu.dma_semaphore, #tpu.memory_space<semaphore_mem>>
      %dma_start3A_625 = arith.constant 0 : i32
      %dma_start3A_626 = tpu.memref_slice %arg13[%add3A_67, %dma_start3A_625] : memref<10240x128xf32, #tpu.memory_space<vmem_shared>> -> memref<32x128xf32, #tpu.memory_space<vmem_shared>>
      %dma_start3A_627 = arith.constant 0 : i32
      %dma_start3A_628 = tpu.memref_slice %arg13[%add3A_67, %dma_start3A_627] : memref<10240x128xf32, #tpu.memory_space<vmem_shared>> -> memref<32x128xf32, #tpu.memory_space<vmem_shared>>
      tpu.enqueue_dma source(%arg11 : memref<32x128xf32, #tpu.memory_space<vmem>>) target(%dma_start3A_628 : memref<32x128xf32, #tpu.memory_space<vmem_shared>>) target_semaphore(%run_scoped3A : memref<!tpu.dma_semaphore, #tpu.memory_space<semaphore_mem>>)
      %dma_wait3A_629 = arith.constant 0 : i32
      %dma_wait3A_630 = tpu.memref_slice %arg13[%add3A_67, %dma_wait3A_629] : memref<10240x128xf32, #tpu.memory_space<vmem_shared>> -> memref<32x128xf32, #tpu.memory_space<vmem_shared>>
      %dma_wait3A_631 = arith.constant 0 : i32
      %dma_wait3A_632 = tpu.memref_slice %arg13[%add3A_67, %dma_wait3A_631] : memref<10240x128xf32, #tpu.memory_space<vmem_shared>> -> memref<32x128xf32, #tpu.memory_space<vmem_shared>>
      tpu.wait_dma2 semaphore(%run_scoped3A : memref<!tpu.dma_semaphore, #tpu.memory_space<semaphore_mem>>) src(%arg11 : memref<32x128xf32, #tpu.memory_space<vmem>>) dst(%dma_wait3A_632 : memref<32x128xf32, #tpu.memory_space<vmem_shared>>)
      tpu.yield
    }) : () -> ()
    %add3A_68 = arith.constant 256 : i32
    %add3A_69 = arith.addi %mul3A_5, %add3A_68 : i32
    "tpu.region"() ({
      %run_scoped3A = tpu.sem_alloc : memref<!tpu.dma_semaphore, #tpu.memory_space<semaphore_mem>>
      %dma_start3A_625 = arith.constant 0 : i32
      %dma_start3A_626 = tpu.memref_slice %arg13[%add3A_69, %dma_start3A_625] : memref<10240x128xf32, #tpu.memory_space<vmem_shared>> -> memref<32x128xf32, #tpu.memory_space<vmem_shared>>
      %dma_start3A_627 = arith.constant 0 : i32
      %dma_start3A_628 = tpu.memref_slice %arg13[%add3A_69, %dma_start3A_627] : memref<10240x128xf32, #tpu.memory_space<vmem_shared>> -> memref<32x128xf32, #tpu.memory_space<vmem_shared>>
      tpu.enqueue_dma source(%arg11 : memref<32x128xf32, #tpu.memory_space<vmem>>) target(%dma_start3A_628 : memref<32x128xf32, #tpu.memory_space<vmem_shared>>) target_semaphore(%run_scoped3A : memref<!tpu.dma_semaphore, #tpu.memory_space<semaphore_mem>>)
      %dma_wait3A_629 = arith.constant 0 : i32
      %dma_wait3A_630 = tpu.memref_slice %arg13[%add3A_69, %dma_wait3A_629] : memref<10240x128xf32, #tpu.memory_space<vmem_shared>> -> memref<32x128xf32, #tpu.memory_space<vmem_shared>>
      %dma_wait3A_631 = arith.constant 0 : i32
      %dma_wait3A_632 = tpu.memref_slice %arg13[%add3A_69, %dma_wait3A_631] : memref<10240x128xf32, #tpu.memory_space<vmem_shared>> -> memref<32x128xf32, #tpu.memory_space<vmem_shared>>
      tpu.wait_dma2 semaphore(%run_scoped3A : memref<!tpu.dma_semaphore, #tpu.memory_space<semaphore_mem>>) src(%arg11 : memref<32x128xf32, #tpu.memory_space<vmem>>) dst(%dma_wait3A_632 : memref<32x128xf32, #tpu.memory_space<vmem_shared>>)
      tpu.yield
    }) : () -> ()
    %add3A_70 = arith.constant 288 : i32
    %add3A_71 = arith.addi %mul3A_5, %add3A_70 : i32
    "tpu.region"() ({
      %run_scoped3A = tpu.sem_alloc : memref<!tpu.dma_semaphore, #tpu.memory_space<semaphore_mem>>
      %dma_start3A_625 = arith.constant 0 : i32
      %dma_start3A_626 = tpu.memref_slice %arg13[%add3A_71, %dma_start3A_625] : memref<10240x128xf32, #tpu.memory_space<vmem_shared>> -> memref<32x128xf32, #tpu.memory_space<vmem_shared>>
      %dma_start3A_627 = arith.constant 0 : i32
      %dma_start3A_628 = tpu.memref_slice %arg13[%add3A_71, %dma_start3A_627] : memref<10240x128xf32, #tpu.memory_space<vmem_shared>> -> memref<32x128xf32, #tpu.memory_space<vmem_shared>>
      tpu.enqueue_dma source(%arg11 : memref<32x128xf32, #tpu.memory_space<vmem>>) target(%dma_start3A_628 : memref<32x128xf32, #tpu.memory_space<vmem_shared>>) target_semaphore(%run_scoped3A : memref<!tpu.dma_semaphore, #tpu.memory_space<semaphore_mem>>)
      %dma_wait3A_629 = arith.constant 0 : i32
      %dma_wait3A_630 = tpu.memref_slice %arg13[%add3A_71, %dma_wait3A_629] : memref<10240x128xf32, #tpu.memory_space<vmem_shared>> -> memref<32x128xf32, #tpu.memory_space<vmem_shared>>
      %dma_wait3A_631 = arith.constant 0 : i32
      %dma_wait3A_632 = tpu.memref_slice %arg13[%add3A_71, %dma_wait3A_631] : memref<10240x128xf32, #tpu.memory_space<vmem_shared>> -> memref<32x128xf32, #tpu.memory_space<vmem_shared>>
      tpu.wait_dma2 semaphore(%run_scoped3A : memref<!tpu.dma_semaphore, #tpu.memory_space<semaphore_mem>>) src(%arg11 : memref<32x128xf32, #tpu.memory_space<vmem>>) dst(%dma_wait3A_632 : memref<32x128xf32, #tpu.memory_space<vmem_shared>>)
      tpu.yield
    }) : () -> ()
    %add3A_72 = arith.constant 320 : i32
    %add3A_73 = arith.addi %mul3A_5, %add3A_72 : i32
    "tpu.region"() ({
      %run_scoped3A = tpu.sem_alloc : memref<!tpu.dma_semaphore, #tpu.memory_space<semaphore_mem>>
      %dma_start3A_625 = arith.constant 0 : i32
      %dma_start3A_626 = tpu.memref_slice %arg13[%add3A_73, %dma_start3A_625] : memref<10240x128xf32, #tpu.memory_space<vmem_shared>> -> memref<32x128xf32, #tpu.memory_space<vmem_shared>>
      %dma_start3A_627 = arith.constant 0 : i32
      %dma_start3A_628 = tpu.memref_slice %arg13[%add3A_73, %dma_start3A_627] : memref<10240x128xf32, #tpu.memory_space<vmem_shared>> -> memref<32x128xf32, #tpu.memory_space<vmem_shared>>
      tpu.enqueue_dma source(%arg11 : memref<32x128xf32, #tpu.memory_space<vmem>>) target(%dma_start3A_628 : memref<32x128xf32, #tpu.memory_space<vmem_shared>>) target_semaphore(%run_scoped3A : memref<!tpu.dma_semaphore, #tpu.memory_space<semaphore_mem>>)
      %dma_wait3A_629 = arith.constant 0 : i32
      %dma_wait3A_630 = tpu.memref_slice %arg13[%add3A_73, %dma_wait3A_629] : memref<10240x128xf32, #tpu.memory_space<vmem_shared>> -> memref<32x128xf32, #tpu.memory_space<vmem_shared>>
      %dma_wait3A_631 = arith.constant 0 : i32
      %dma_wait3A_632 = tpu.memref_slice %arg13[%add3A_73, %dma_wait3A_631] : memref<10240x128xf32, #tpu.memory_space<vmem_shared>> -> memref<32x128xf32, #tpu.memory_space<vmem_shared>>
      tpu.wait_dma2 semaphore(%run_scoped3A : memref<!tpu.dma_semaphore, #tpu.memory_space<semaphore_mem>>) src(%arg11 : memref<32x128xf32, #tpu.memory_space<vmem>>) dst(%dma_wait3A_632 : memref<32x128xf32, #tpu.memory_space<vmem_shared>>)
      tpu.yield
    }) : () -> ()
    %add3A_74 = arith.constant 352 : i32
    %add3A_75 = arith.addi %mul3A_5, %add3A_74 : i32
    "tpu.region"() ({
      %run_scoped3A = tpu.sem_alloc : memref<!tpu.dma_semaphore, #tpu.memory_space<semaphore_mem>>
      %dma_start3A_625 = arith.constant 0 : i32
      %dma_start3A_626 = tpu.memref_slice %arg13[%add3A_75, %dma_start3A_625] : memref<10240x128xf32, #tpu.memory_space<vmem_shared>> -> memref<32x128xf32, #tpu.memory_space<vmem_shared>>
      %dma_start3A_627 = arith.constant 0 : i32
      %dma_start3A_628 = tpu.memref_slice %arg13[%add3A_75, %dma_start3A_627] : memref<10240x128xf32, #tpu.memory_space<vmem_shared>> -> memref<32x128xf32, #tpu.memory_space<vmem_shared>>
      tpu.enqueue_dma source(%arg11 : memref<32x128xf32, #tpu.memory_space<vmem>>) target(%dma_start3A_628 : memref<32x128xf32, #tpu.memory_space<vmem_shared>>) target_semaphore(%run_scoped3A : memref<!tpu.dma_semaphore, #tpu.memory_space<semaphore_mem>>)
      %dma_wait3A_629 = arith.constant 0 : i32
      %dma_wait3A_630 = tpu.memref_slice %arg13[%add3A_75, %dma_wait3A_629] : memref<10240x128xf32, #tpu.memory_space<vmem_shared>> -> memref<32x128xf32, #tpu.memory_space<vmem_shared>>
      %dma_wait3A_631 = arith.constant 0 : i32
      %dma_wait3A_632 = tpu.memref_slice %arg13[%add3A_75, %dma_wait3A_631] : memref<10240x128xf32, #tpu.memory_space<vmem_shared>> -> memref<32x128xf32, #tpu.memory_space<vmem_shared>>
      tpu.wait_dma2 semaphore(%run_scoped3A : memref<!tpu.dma_semaphore, #tpu.memory_space<semaphore_mem>>) src(%arg11 : memref<32x128xf32, #tpu.memory_space<vmem>>) dst(%dma_wait3A_632 : memref<32x128xf32, #tpu.memory_space<vmem_shared>>)
      tpu.yield
    }) : () -> ()
    %add3A_76 = arith.constant 384 : i32
    %add3A_77 = arith.addi %mul3A_5, %add3A_76 : i32
    "tpu.region"() ({
      %run_scoped3A = tpu.sem_alloc : memref<!tpu.dma_semaphore, #tpu.memory_space<semaphore_mem>>
      %dma_start3A_625 = arith.constant 0 : i32
      %dma_start3A_626 = tpu.memref_slice %arg13[%add3A_77, %dma_start3A_625] : memref<10240x128xf32, #tpu.memory_space<vmem_shared>> -> memref<32x128xf32, #tpu.memory_space<vmem_shared>>
      %dma_start3A_627 = arith.constant 0 : i32
      %dma_start3A_628 = tpu.memref_slice %arg13[%add3A_77, %dma_start3A_627] : memref<10240x128xf32, #tpu.memory_space<vmem_shared>> -> memref<32x128xf32, #tpu.memory_space<vmem_shared>>
      tpu.enqueue_dma source(%arg11 : memref<32x128xf32, #tpu.memory_space<vmem>>) target(%dma_start3A_628 : memref<32x128xf32, #tpu.memory_space<vmem_shared>>) target_semaphore(%run_scoped3A : memref<!tpu.dma_semaphore, #tpu.memory_space<semaphore_mem>>)
      %dma_wait3A_629 = arith.constant 0 : i32
      %dma_wait3A_630 = tpu.memref_slice %arg13[%add3A_77, %dma_wait3A_629] : memref<10240x128xf32, #tpu.memory_space<vmem_shared>> -> memref<32x128xf32, #tpu.memory_space<vmem_shared>>
      %dma_wait3A_631 = arith.constant 0 : i32
      %dma_wait3A_632 = tpu.memref_slice %arg13[%add3A_77, %dma_wait3A_631] : memref<10240x128xf32, #tpu.memory_space<vmem_shared>> -> memref<32x128xf32, #tpu.memory_space<vmem_shared>>
      tpu.wait_dma2 semaphore(%run_scoped3A : memref<!tpu.dma_semaphore, #tpu.memory_space<semaphore_mem>>) src(%arg11 : memref<32x128xf32, #tpu.memory_space<vmem>>) dst(%dma_wait3A_632 : memref<32x128xf32, #tpu.memory_space<vmem_shared>>)
      tpu.yield
    }) : () -> ()
    %add3A_78 = arith.constant 416 : i32
    %add3A_79 = arith.addi %mul3A_5, %add3A_78 : i32
    "tpu.region"() ({
      %run_scoped3A = tpu.sem_alloc : memref<!tpu.dma_semaphore, #tpu.memory_space<semaphore_mem>>
      %dma_start3A_625 = arith.constant 0 : i32
      %dma_start3A_626 = tpu.memref_slice %arg13[%add3A_79, %dma_start3A_625] : memref<10240x128xf32, #tpu.memory_space<vmem_shared>> -> memref<32x128xf32, #tpu.memory_space<vmem_shared>>
      %dma_start3A_627 = arith.constant 0 : i32
      %dma_start3A_628 = tpu.memref_slice %arg13[%add3A_79, %dma_start3A_627] : memref<10240x128xf32, #tpu.memory_space<vmem_shared>> -> memref<32x128xf32, #tpu.memory_space<vmem_shared>>
      tpu.enqueue_dma source(%arg11 : memref<32x128xf32, #tpu.memory_space<vmem>>) target(%dma_start3A_628 : memref<32x128xf32, #tpu.memory_space<vmem_shared>>) target_semaphore(%run_scoped3A : memref<!tpu.dma_semaphore, #tpu.memory_space<semaphore_mem>>)
      %dma_wait3A_629 = arith.constant 0 : i32
      %dma_wait3A_630 = tpu.memref_slice %arg13[%add3A_79, %dma_wait3A_629] : memref<10240x128xf32, #tpu.memory_space<vmem_shared>> -> memref<32x128xf32, #tpu.memory_space<vmem_shared>>
      %dma_wait3A_631 = arith.constant 0 : i32
      %dma_wait3A_632 = tpu.memref_slice %arg13[%add3A_79, %dma_wait3A_631] : memref<10240x128xf32, #tpu.memory_space<vmem_shared>> -> memref<32x128xf32, #tpu.memory_space<vmem_shared>>
      tpu.wait_dma2 semaphore(%run_scoped3A : memref<!tpu.dma_semaphore, #tpu.memory_space<semaphore_mem>>) src(%arg11 : memref<32x128xf32, #tpu.memory_space<vmem>>) dst(%dma_wait3A_632 : memref<32x128xf32, #tpu.memory_space<vmem_shared>>)
      tpu.yield
    }) : () -> ()
    %add3A_80 = arith.constant 448 : i32
    %add3A_81 = arith.addi %mul3A_5, %add3A_80 : i32
    "tpu.region"() ({
      %run_scoped3A = tpu.sem_alloc : memref<!tpu.dma_semaphore, #tpu.memory_space<semaphore_mem>>
      %dma_start3A_625 = arith.constant 0 : i32
      %dma_start3A_626 = tpu.memref_slice %arg13[%add3A_81, %dma_start3A_625] : memref<10240x128xf32, #tpu.memory_space<vmem_shared>> -> memref<32x128xf32, #tpu.memory_space<vmem_shared>>
      %dma_start3A_627 = arith.constant 0 : i32
      %dma_start3A_628 = tpu.memref_slice %arg13[%add3A_81, %dma_start3A_627] : memref<10240x128xf32, #tpu.memory_space<vmem_shared>> -> memref<32x128xf32, #tpu.memory_space<vmem_shared>>
      tpu.enqueue_dma source(%arg11 : memref<32x128xf32, #tpu.memory_space<vmem>>) target(%dma_start3A_628 : memref<32x128xf32, #tpu.memory_space<vmem_shared>>) target_semaphore(%run_scoped3A : memref<!tpu.dma_semaphore, #tpu.memory_space<semaphore_mem>>)
      %dma_wait3A_629 = arith.constant 0 : i32
      %dma_wait3A_630 = tpu.memref_slice %arg13[%add3A_81, %dma_wait3A_629] : memref<10240x128xf32, #tpu.memory_space<vmem_shared>> -> memref<32x128xf32, #tpu.memory_space<vmem_shared>>
      %dma_wait3A_631 = arith.constant 0 : i32
      %dma_wait3A_632 = tpu.memref_slice %arg13[%add3A_81, %dma_wait3A_631] : memref<10240x128xf32, #tpu.memory_space<vmem_shared>> -> memref<32x128xf32, #tpu.memory_space<vmem_shared>>
      tpu.wait_dma2 semaphore(%run_scoped3A : memref<!tpu.dma_semaphore, #tpu.memory_space<semaphore_mem>>) src(%arg11 : memref<32x128xf32, #tpu.memory_space<vmem>>) dst(%dma_wait3A_632 : memref<32x128xf32, #tpu.memory_space<vmem_shared>>)
      tpu.yield
    }) : () -> ()
    %add3A_82 = arith.constant 480 : i32
    %add3A_83 = arith.addi %mul3A_5, %add3A_82 : i32
    "tpu.region"() ({
      %run_scoped3A = tpu.sem_alloc : memref<!tpu.dma_semaphore, #tpu.memory_space<semaphore_mem>>
      %dma_start3A_625 = arith.constant 0 : i32
      %dma_start3A_626 = tpu.memref_slice %arg13[%add3A_83, %dma_start3A_625] : memref<10240x128xf32, #tpu.memory_space<vmem_shared>> -> memref<32x128xf32, #tpu.memory_space<vmem_shared>>
      %dma_start3A_627 = arith.constant 0 : i32
      %dma_start3A_628 = tpu.memref_slice %arg13[%add3A_83, %dma_start3A_627] : memref<10240x128xf32, #tpu.memory_space<vmem_shared>> -> memref<32x128xf32, #tpu.memory_space<vmem_shared>>
      tpu.enqueue_dma source(%arg11 : memref<32x128xf32, #tpu.memory_space<vmem>>) target(%dma_start3A_628 : memref<32x128xf32, #tpu.memory_space<vmem_shared>>) target_semaphore(%run_scoped3A : memref<!tpu.dma_semaphore, #tpu.memory_space<semaphore_mem>>)
      %dma_wait3A_629 = arith.constant 0 : i32
      %dma_wait3A_630 = tpu.memref_slice %arg13[%add3A_83, %dma_wait3A_629] : memref<10240x128xf32, #tpu.memory_space<vmem_shared>> -> memref<32x128xf32, #tpu.memory_space<vmem_shared>>
      %dma_wait3A_631 = arith.constant 0 : i32
      %dma_wait3A_632 = tpu.memref_slice %arg13[%add3A_83, %dma_wait3A_631] : memref<10240x128xf32, #tpu.memory_space<vmem_shared>> -> memref<32x128xf32, #tpu.memory_space<vmem_shared>>
      tpu.wait_dma2 semaphore(%run_scoped3A : memref<!tpu.dma_semaphore, #tpu.memory_space<semaphore_mem>>) src(%arg11 : memref<32x128xf32, #tpu.memory_space<vmem>>) dst(%dma_wait3A_632 : memref<32x128xf32, #tpu.memory_space<vmem_shared>>)
      tpu.yield
    }) : () -> ()
    %add3A_84 = arith.constant 512 : i32
    %add3A_85 = arith.addi %mul3A_5, %add3A_84 : i32
    "tpu.region"() ({
      %run_scoped3A = tpu.sem_alloc : memref<!tpu.dma_semaphore, #tpu.memory_space<semaphore_mem>>
      %dma_start3A_625 = arith.constant 0 : i32
      %dma_start3A_626 = tpu.memref_slice %arg13[%add3A_85, %dma_start3A_625] : memref<10240x128xf32, #tpu.memory_space<vmem_shared>> -> memref<32x128xf32, #tpu.memory_space<vmem_shared>>
      %dma_start3A_627 = arith.constant 0 : i32
      %dma_start3A_628 = tpu.memref_slice %arg13[%add3A_85, %dma_start3A_627] : memref<10240x128xf32, #tpu.memory_space<vmem_shared>> -> memref<32x128xf32, #tpu.memory_space<vmem_shared>>
      tpu.enqueue_dma source(%arg11 : memref<32x128xf32, #tpu.memory_space<vmem>>) target(%dma_start3A_628 : memref<32x128xf32, #tpu.memory_space<vmem_shared>>) target_semaphore(%run_scoped3A : memref<!tpu.dma_semaphore, #tpu.memory_space<semaphore_mem>>)
      %dma_wait3A_629 = arith.constant 0 : i32
      %dma_wait3A_630 = tpu.memref_slice %arg13[%add3A_85, %dma_wait3A_629] : memref<10240x128xf32, #tpu.memory_space<vmem_shared>> -> memref<32x128xf32, #tpu.memory_space<vmem_shared>>
      %dma_wait3A_631 = arith.constant 0 : i32
      %dma_wait3A_632 = tpu.memref_slice %arg13[%add3A_85, %dma_wait3A_631] : memref<10240x128xf32, #tpu.memory_space<vmem_shared>> -> memref<32x128xf32, #tpu.memory_space<vmem_shared>>
      tpu.wait_dma2 semaphore(%run_scoped3A : memref<!tpu.dma_semaphore, #tpu.memory_space<semaphore_mem>>) src(%arg11 : memref<32x128xf32, #tpu.memory_space<vmem>>) dst(%dma_wait3A_632 : memref<32x128xf32, #tpu.memory_space<vmem_shared>>)
      tpu.yield
    }) : () -> ()
    %add3A_86 = arith.constant 544 : i32
    %add3A_87 = arith.addi %mul3A_5, %add3A_86 : i32
    "tpu.region"() ({
      %run_scoped3A = tpu.sem_alloc : memref<!tpu.dma_semaphore, #tpu.memory_space<semaphore_mem>>
      %dma_start3A_625 = arith.constant 0 : i32
      %dma_start3A_626 = tpu.memref_slice %arg13[%add3A_87, %dma_start3A_625] : memref<10240x128xf32, #tpu.memory_space<vmem_shared>> -> memref<32x128xf32, #tpu.memory_space<vmem_shared>>
      %dma_start3A_627 = arith.constant 0 : i32
      %dma_start3A_628 = tpu.memref_slice %arg13[%add3A_87, %dma_start3A_627] : memref<10240x128xf32, #tpu.memory_space<vmem_shared>> -> memref<32x128xf32, #tpu.memory_space<vmem_shared>>
      tpu.enqueue_dma source(%arg11 : memref<32x128xf32, #tpu.memory_space<vmem>>) target(%dma_start3A_628 : memref<32x128xf32, #tpu.memory_space<vmem_shared>>) target_semaphore(%run_scoped3A : memref<!tpu.dma_semaphore, #tpu.memory_space<semaphore_mem>>)
      %dma_wait3A_629 = arith.constant 0 : i32
      %dma_wait3A_630 = tpu.memref_slice %arg13[%add3A_87, %dma_wait3A_629] : memref<10240x128xf32, #tpu.memory_space<vmem_shared>> -> memref<32x128xf32, #tpu.memory_space<vmem_shared>>
      %dma_wait3A_631 = arith.constant 0 : i32
      %dma_wait3A_632 = tpu.memref_slice %arg13[%add3A_87, %dma_wait3A_631] : memref<10240x128xf32, #tpu.memory_space<vmem_shared>> -> memref<32x128xf32, #tpu.memory_space<vmem_shared>>
      tpu.wait_dma2 semaphore(%run_scoped3A : memref<!tpu.dma_semaphore, #tpu.memory_space<semaphore_mem>>) src(%arg11 : memref<32x128xf32, #tpu.memory_space<vmem>>) dst(%dma_wait3A_632 : memref<32x128xf32, #tpu.memory_space<vmem_shared>>)
      tpu.yield
    }) : () -> ()
    %add3A_88 = arith.constant 576 : i32
    %add3A_89 = arith.addi %mul3A_5, %add3A_88 : i32
    "tpu.region"() ({
      %run_scoped3A = tpu.sem_alloc : memref<!tpu.dma_semaphore, #tpu.memory_space<semaphore_mem>>
      %dma_start3A_625 = arith.constant 0 : i32
      %dma_start3A_626 = tpu.memref_slice %arg13[%add3A_89, %dma_start3A_625] : memref<10240x128xf32, #tpu.memory_space<vmem_shared>> -> memref<32x128xf32, #tpu.memory_space<vmem_shared>>
      %dma_start3A_627 = arith.constant 0 : i32
      %dma_start3A_628 = tpu.memref_slice %arg13[%add3A_89, %dma_start3A_627] : memref<10240x128xf32, #tpu.memory_space<vmem_shared>> -> memref<32x128xf32, #tpu.memory_space<vmem_shared>>
      tpu.enqueue_dma source(%arg11 : memref<32x128xf32, #tpu.memory_space<vmem>>) target(%dma_start3A_628 : memref<32x128xf32, #tpu.memory_space<vmem_shared>>) target_semaphore(%run_scoped3A : memref<!tpu.dma_semaphore, #tpu.memory_space<semaphore_mem>>)
      %dma_wait3A_629 = arith.constant 0 : i32
      %dma_wait3A_630 = tpu.memref_slice %arg13[%add3A_89, %dma_wait3A_629] : memref<10240x128xf32, #tpu.memory_space<vmem_shared>> -> memref<32x128xf32, #tpu.memory_space<vmem_shared>>
      %dma_wait3A_631 = arith.constant 0 : i32
      %dma_wait3A_632 = tpu.memref_slice %arg13[%add3A_89, %dma_wait3A_631] : memref<10240x128xf32, #tpu.memory_space<vmem_shared>> -> memref<32x128xf32, #tpu.memory_space<vmem_shared>>
      tpu.wait_dma2 semaphore(%run_scoped3A : memref<!tpu.dma_semaphore, #tpu.memory_space<semaphore_mem>>) src(%arg11 : memref<32x128xf32, #tpu.memory_space<vmem>>) dst(%dma_wait3A_632 : memref<32x128xf32, #tpu.memory_space<vmem_shared>>)
      tpu.yield
    }) : () -> ()
    %add3A_90 = arith.constant 608 : i32
    %add3A_91 = arith.addi %mul3A_5, %add3A_90 : i32
    "tpu.region"() ({
      %run_scoped3A = tpu.sem_alloc : memref<!tpu.dma_semaphore, #tpu.memory_space<semaphore_mem>>
      %dma_start3A_625 = arith.constant 0 : i32
      %dma_start3A_626 = tpu.memref_slice %arg13[%add3A_91, %dma_start3A_625] : memref<10240x128xf32, #tpu.memory_space<vmem_shared>> -> memref<32x128xf32, #tpu.memory_space<vmem_shared>>
      %dma_start3A_627 = arith.constant 0 : i32
      %dma_start3A_628 = tpu.memref_slice %arg13[%add3A_91, %dma_start3A_627] : memref<10240x128xf32, #tpu.memory_space<vmem_shared>> -> memref<32x128xf32, #tpu.memory_space<vmem_shared>>
      tpu.enqueue_dma source(%arg11 : memref<32x128xf32, #tpu.memory_space<vmem>>) target(%dma_start3A_628 : memref<32x128xf32, #tpu.memory_space<vmem_shared>>) target_semaphore(%run_scoped3A : memref<!tpu.dma_semaphore, #tpu.memory_space<semaphore_mem>>)
      %dma_wait3A_629 = arith.constant 0 : i32
      %dma_wait3A_630 = tpu.memref_slice %arg13[%add3A_91, %dma_wait3A_629] : memref<10240x128xf32, #tpu.memory_space<vmem_shared>> -> memref<32x128xf32, #tpu.memory_space<vmem_shared>>
      %dma_wait3A_631 = arith.constant 0 : i32
      %dma_wait3A_632 = tpu.memref_slice %arg13[%add3A_91, %dma_wait3A_631] : memref<10240x128xf32, #tpu.memory_space<vmem_shared>> -> memref<32x128xf32, #tpu.memory_space<vmem_shared>>
      tpu.wait_dma2 semaphore(%run_scoped3A : memref<!tpu.dma_semaphore, #tpu.memory_space<semaphore_mem>>) src(%arg11 : memref<32x128xf32, #tpu.memory_space<vmem>>) dst(%dma_wait3A_632 : memref<32x128xf32, #tpu.memory_space<vmem_shared>>)
      tpu.yield
    }) : () -> ()
    %dma_wait3A = arith.constant 0 : i32
    %dma_wait3A_92 = arith.constant 0 : i32
    %dma_wait3A_93 = arith.constant 0 : i32
    %dma_wait3A_94 = arith.constant 0 : i32
    %dma_wait3A_95 = tpu.memref_slice %arg7[%dma_wait3A_92, %dma_wait3A_93, %dma_wait3A_94] : memref<4x2x80xi32, #tpu.memory_space<vmem>> -> memref<1x2x80xi32, #tpu.memory_space<vmem>>
    %dma_wait3A_96 = tpu.memref_squeeze %dma_wait3A_95 : memref<1x2x80xi32, #tpu.memory_space<vmem>> -> memref<2x80xi32, #tpu.memory_space<vmem>>
    %dma_wait3A_97 = arith.constant 0 : i32
    %dma_wait3A_98 = arith.constant 0 : i32
    %dma_wait3A_99 = tpu.memref_slice %arg4[%add3A, %dma_wait3A, %dma_wait3A_97, %dma_wait3A_98] : memref<32x125x2x80xi32, #tpu.memory_space<hbm>> -> memref<1x1x2x80xi32, #tpu.memory_space<hbm>>
    %dma_wait3A_100 = tpu.memref_squeeze %dma_wait3A_99 : memref<1x1x2x80xi32, #tpu.memory_space<hbm>> -> memref<2x80xi32, #tpu.memory_space<hbm>>
    %dma_wait3A_101 = arith.constant 0 : i32
    %dma_wait3A_102 = arith.constant 0 : i32
    %dma_wait3A_103 = tpu.memref_slice %arg7[%dma_wait3A_92, %dma_wait3A_101, %dma_wait3A_102] : memref<4x2x80xi32, #tpu.memory_space<vmem>> -> memref<1x2x80xi32, #tpu.memory_space<vmem>>
    %dma_wait3A_104 = tpu.memref_squeeze %dma_wait3A_103 : memref<1x2x80xi32, #tpu.memory_space<vmem>> -> memref<2x80xi32, #tpu.memory_space<vmem>>
    %dma_wait3A_105 = arith.constant 0 : i32
    %dma_wait3A_106 = arith.constant 0 : i32
    %dma_wait3A_107 = tpu.memref_slice %arg4[%add3A, %dma_wait3A, %dma_wait3A_105, %dma_wait3A_106] : memref<32x125x2x80xi32, #tpu.memory_space<hbm>> -> memref<1x1x2x80xi32, #tpu.memory_space<hbm>>
    %dma_wait3A_108 = tpu.memref_squeeze %dma_wait3A_107 : memref<1x1x2x80xi32, #tpu.memory_space<hbm>> -> memref<2x80xi32, #tpu.memory_space<hbm>>
    tpu.wait_dma2 semaphore(%arg14 : memref<!tpu.dma_semaphore, #tpu.memory_space<semaphore_mem>>) src(%dma_wait3A_108 : memref<2x80xi32, #tpu.memory_space<hbm>>) dst(%dma_wait3A_104 : memref<2x80xi32, #tpu.memory_space<vmem>>)
    %dma_start3A_109 = arith.constant 0 : i32
    %dma_start3A_110 = arith.constant 1 : i32
    %dma_start3A_111 = arith.constant 0 : i32
    %dma_start3A_112 = tpu.memref_slice %arg7[%dma_start3A_109, %dma_start3A_110, %dma_start3A_111] : memref<4x2x80xi32, #tpu.memory_space<vmem>> -> memref<1x1x80xi32, #tpu.memory_space<vmem>>
    %dma_start3A_113 = tpu.memref_squeeze %dma_start3A_112 : memref<1x1x80xi32, #tpu.memory_space<vmem>> -> memref<80xi32, #tpu.memory_space<vmem>>
    %dma_start3A_114 = arith.constant 0 : i32
    %dma_start3A_115 = arith.constant 0 : i32
    %dma_start3A_116 = tpu.memref_slice %arg2[%dma_start3A_114, %dma_start3A_115] : memref<10000x128xf32, #tpu.memory_space<hbm>> -> memref<10000x128xf32, #tpu.memory_space<hbm>>
    tpu.enqueue_indirect_dma source(%dma_start3A_116 : memref<10000x128xf32, #tpu.memory_space<hbm>>) target(%arg8 : memref<80x128xf32, #tpu.memory_space<vmem>>) offsets(%dma_start3A_113 : memref<80xi32, #tpu.memory_space<vmem>>) semaphore(%arg18 : memref<!tpu.dma_semaphore, #tpu.memory_space<semaphore_mem>>)
    %add3A_117 = arith.constant 0 : i32
    %add3A_118 = arith.addi %mul3A_7, %add3A_117 : i32
    %dma_start3A_119 = arith.constant 0 : i32
    %dma_start3A_120 = tpu.memref_slice %arg3[%add3A_118, %dma_start3A_119] : memref<320000x128xf32, #tpu.memory_space<hbm>> -> memref<80x128xf32, #tpu.memory_space<hbm>>
    %dma_start3A_121 = arith.constant 0 : i32
    %dma_start3A_122 = tpu.memref_slice %arg3[%add3A_118, %dma_start3A_121] : memref<320000x128xf32, #tpu.memory_space<hbm>> -> memref<80x128xf32, #tpu.memory_space<hbm>>
    tpu.enqueue_dma source(%dma_start3A_122 : memref<80x128xf32, #tpu.memory_space<hbm>>) target(%arg10 : memref<80x128xf32, #tpu.memory_space<vmem>>) target_semaphore(%arg20 : memref<!tpu.dma_semaphore, #tpu.memory_space<semaphore_mem>>)
    %barrier3A = arith.constant 0 : index
    tpu.barrier barrier_id(%barrier3A)
    %dma_wait3A_123 = arith.constant 0 : i32
    %dma_wait3A_124 = arith.constant 1 : i32
    %dma_wait3A_125 = arith.constant 0 : i32
    %dma_wait3A_126 = arith.constant 0 : i32
    %dma_wait3A_127 = tpu.memref_slice %arg7[%dma_wait3A_124, %dma_wait3A_125, %dma_wait3A_126] : memref<4x2x80xi32, #tpu.memory_space<vmem>> -> memref<1x2x80xi32, #tpu.memory_space<vmem>>
    %dma_wait3A_128 = tpu.memref_squeeze %dma_wait3A_127 : memref<1x2x80xi32, #tpu.memory_space<vmem>> -> memref<2x80xi32, #tpu.memory_space<vmem>>
    %dma_wait3A_129 = arith.constant 0 : i32
    %dma_wait3A_130 = arith.constant 0 : i32
    %dma_wait3A_131 = tpu.memref_slice %arg4[%add3A, %dma_wait3A_123, %dma_wait3A_129, %dma_wait3A_130] : memref<32x125x2x80xi32, #tpu.memory_space<hbm>> -> memref<1x1x2x80xi32, #tpu.memory_space<hbm>>
    %dma_wait3A_132 = tpu.memref_squeeze %dma_wait3A_131 : memref<1x1x2x80xi32, #tpu.memory_space<hbm>> -> memref<2x80xi32, #tpu.memory_space<hbm>>
    %dma_wait3A_133 = arith.constant 0 : i32
    %dma_wait3A_134 = arith.constant 0 : i32
    %dma_wait3A_135 = tpu.memref_slice %arg7[%dma_wait3A_124, %dma_wait3A_133, %dma_wait3A_134] : memref<4x2x80xi32, #tpu.memory_space<vmem>> -> memref<1x2x80xi32, #tpu.memory_space<vmem>>
    %dma_wait3A_136 = tpu.memref_squeeze %dma_wait3A_135 : memref<1x2x80xi32, #tpu.memory_space<vmem>> -> memref<2x80xi32, #tpu.memory_space<vmem>>
    %dma_wait3A_137 = arith.constant 0 : i32
    %dma_wait3A_138 = arith.constant 0 : i32
    %dma_wait3A_139 = tpu.memref_slice %arg4[%add3A, %dma_wait3A_123, %dma_wait3A_137, %dma_wait3A_138] : memref<32x125x2x80xi32, #tpu.memory_space<hbm>> -> memref<1x1x2x80xi32, #tpu.memory_space<hbm>>
    %dma_wait3A_140 = tpu.memref_squeeze %dma_wait3A_139 : memref<1x1x2x80xi32, #tpu.memory_space<hbm>> -> memref<2x80xi32, #tpu.memory_space<hbm>>
    tpu.wait_dma2 semaphore(%arg15 : memref<!tpu.dma_semaphore, #tpu.memory_space<semaphore_mem>>) src(%dma_wait3A_140 : memref<2x80xi32, #tpu.memory_space<hbm>>) dst(%dma_wait3A_136 : memref<2x80xi32, #tpu.memory_space<vmem>>)
    %dma_wait3A_141 = arith.constant 0 : i32
    %dma_wait3A_142 = arith.constant 1 : i32
    %dma_wait3A_143 = arith.constant 0 : i32
    %dma_wait3A_144 = tpu.memref_slice %arg7[%dma_wait3A_141, %dma_wait3A_142, %dma_wait3A_143] : memref<4x2x80xi32, #tpu.memory_space<vmem>> -> memref<1x1x80xi32, #tpu.memory_space<vmem>>
    %dma_wait3A_145 = tpu.memref_squeeze %dma_wait3A_144 : memref<1x1x80xi32, #tpu.memory_space<vmem>> -> memref<80xi32, #tpu.memory_space<vmem>>
    %dma_wait3A_146 = arith.constant 0 : i32
    %dma_wait3A_147 = arith.constant 0 : i32
    %dma_wait3A_148 = tpu.memref_slice %arg2[%dma_wait3A_146, %dma_wait3A_147] : memref<10000x128xf32, #tpu.memory_space<hbm>> -> memref<10000x128xf32, #tpu.memory_space<hbm>>
    tpu.wait_indirect_dma semaphore(%arg18 : memref<!tpu.dma_semaphore, #tpu.memory_space<semaphore_mem>>) src(%dma_wait3A_148 : memref<10000x128xf32, #tpu.memory_space<hbm>>) dst(%arg8 : memref<80x128xf32, #tpu.memory_space<vmem>>)
    %dma_wait3A_149 = arith.constant 0 : i32
    %dma_wait3A_150 = tpu.memref_slice %arg3[%mul3A_7, %dma_wait3A_149] : memref<320000x128xf32, #tpu.memory_space<hbm>> -> memref<80x128xf32, #tpu.memory_space<hbm>>
    %dma_wait3A_151 = arith.constant 0 : i32
    %dma_wait3A_152 = tpu.memref_slice %arg3[%mul3A_7, %dma_wait3A_151] : memref<320000x128xf32, #tpu.memory_space<hbm>> -> memref<80x128xf32, #tpu.memory_space<hbm>>
    tpu.wait_dma2 semaphore(%arg20 : memref<!tpu.dma_semaphore, #tpu.memory_space<semaphore_mem>>) src(%dma_wait3A_152 : memref<80x128xf32, #tpu.memory_space<hbm>>) dst(%arg10 : memref<80x128xf32, #tpu.memory_space<vmem>>)
    %dma_start3A_153 = arith.constant 1 : i32
    %dma_start3A_154 = arith.constant 1 : i32
    %dma_start3A_155 = arith.constant 0 : i32
    %dma_start3A_156 = tpu.memref_slice %arg7[%dma_start3A_153, %dma_start3A_154, %dma_start3A_155] : memref<4x2x80xi32, #tpu.memory_space<vmem>> -> memref<1x1x80xi32, #tpu.memory_space<vmem>>
    %dma_start3A_157 = tpu.memref_squeeze %dma_start3A_156 : memref<1x1x80xi32, #tpu.memory_space<vmem>> -> memref<80xi32, #tpu.memory_space<vmem>>
    %dma_start3A_158 = arith.constant 0 : i32
    %dma_start3A_159 = arith.constant 0 : i32
    %dma_start3A_160 = tpu.memref_slice %arg2[%dma_start3A_158, %dma_start3A_159] : memref<10000x128xf32, #tpu.memory_space<hbm>> -> memref<10000x128xf32, #tpu.memory_space<hbm>>
    tpu.enqueue_indirect_dma source(%dma_start3A_160 : memref<10000x128xf32, #tpu.memory_space<hbm>>) target(%arg9 : memref<80x128xf32, #tpu.memory_space<vmem>>) offsets(%dma_start3A_157 : memref<80xi32, #tpu.memory_space<vmem>>) semaphore(%arg19 : memref<!tpu.dma_semaphore, #tpu.memory_space<semaphore_mem>>)
    %scan3A_161 = arith.constant 0 : i32
    %scan3A_162 = arith.constant 40 : i32
    %scan3A_163 = arith.addi %scan3A_161, %scan3A_162 : i32
    %scan3A_164 = arith.constant 1 : i32
    scf.for %scan3A_625 = %scan3A_161 to %scan3A_163 step %scan3A_164  : i32 {
      %mul3A_626 = arith.constant 2 : i32
      %mul3A_627 = arith.muli %scan3A_625, %mul3A_626 : i32
      %add3A_628 = arith.constant 0 : i32
      %add3A_629 = arith.addi %add3A_628, %mul3A_627 : i32
      %add3A_630 = arith.constant 0 : i32
      %add3A_631 = arith.addi %add3A_629, %add3A_630 : i32
      %get3A_632 = arith.index_cast %add3A_631 : i32 to index
      %get3A_633 = arith.constant 0 : index
      %get3A_634 = tpu.vector_load %arg8[%get3A_632, %get3A_633] {strides = array<i32>} : memref<80x128xf32, #tpu.memory_space<vmem>>, vector<16xf32>,
      %add3A_635 = arith.constant 0 : i32
      %add3A_636 = arith.addi %add3A_629, %add3A_635 : i32
      %get3A_637 = arith.index_cast %add3A_636 : i32 to index
      %get3A_638 = arith.constant 0 : index
      %get3A_639 = tpu.vector_load %arg10[%get3A_637, %get3A_638] {strides = array<i32>} : memref<80x128xf32, #tpu.memory_space<vmem>>, vector<16xf32>,
      %add3A_640 = arith.addf %get3A_634, %get3A_639 : vector<16xf32>
      %max3A = arith.constant 0.000000e+00 : f32
      %max3A_641 = vector.broadcast %max3A : f32 to vector<16xf32>
      %max3A_642 = arith.maximumf %add3A_640, %max3A_641 : vector<16xf32>
      %add3A_643 = arith.constant 0 : i32
      %add3A_644 = arith.addi %add3A_629, %add3A_643 : i32
      %swap3A = arith.index_cast %add3A_644 : i32 to index
      %swap3A_645 = arith.constant 0 : index
      %swap3A_646 = tpu.vector_load %arg8[%swap3A, %swap3A_645] {strides = array<i32>} : memref<80x128xf32, #tpu.memory_space<vmem>>, vector<16xf32>,
      tpu.vector_store %arg8[%swap3A, %swap3A_645], %max3A_642 {strides = array<i32>} : memref<80x128xf32, #tpu.memory_space<vmem>>, vector<16xf32>,
      %add3A_647 = arith.constant 0 : i32
      %add3A_648 = arith.addi %add3A_629, %add3A_647 : i32
      %get3A_649 = arith.index_cast %add3A_648 : i32 to index
      %get3A_650 = arith.constant 16 : index
      %get3A_651 = tpu.vector_load %arg8[%get3A_649, %get3A_650] {strides = array<i32>} : memref<80x128xf32, #tpu.memory_space<vmem>>, vector<16xf32>,
      %add3A_652 = arith.constant 0 : i32
      %add3A_653 = arith.addi %add3A_629, %add3A_652 : i32
      %get3A_654 = arith.index_cast %add3A_653 : i32 to index
      %get3A_655 = arith.constant 16 : index
      %get3A_656 = tpu.vector_load %arg10[%get3A_654, %get3A_655] {strides = array<i32>} : memref<80x128xf32, #tpu.memory_space<vmem>>, vector<16xf32>,
      %add3A_657 = arith.addf %get3A_651, %get3A_656 : vector<16xf32>
      %max3A_658 = arith.constant 0.000000e+00 : f32
      %max3A_659 = vector.broadcast %max3A_658 : f32 to vector<16xf32>
      %max3A_660 = arith.maximumf %add3A_657, %max3A_659 : vector<16xf32>
      %add3A_661 = arith.constant 0 : i32
      %add3A_662 = arith.addi %add3A_629, %add3A_661 : i32
      %swap3A_663 = arith.index_cast %add3A_662 : i32 to index
      %swap3A_664 = arith.constant 16 : index
      %swap3A_665 = tpu.vector_load %arg8[%swap3A_663, %swap3A_664] {strides = array<i32>} : memref<80x128xf32, #tpu.memory_space<vmem>>, vector<16xf32>,
      tpu.vector_store %arg8[%swap3A_663, %swap3A_664], %max3A_660 {strides = array<i32>} : memref<80x128xf32, #tpu.memory_space<vmem>>, vector<16xf32>,
      %add3A_666 = arith.constant 0 : i32
      %add3A_667 = arith.addi %add3A_629, %add3A_666 : i32
      %get3A_668 = arith.index_cast %add3A_667 : i32 to index
      %get3A_669 = arith.constant 32 : index
      %get3A_670 = tpu.vector_load %arg8[%get3A_668, %get3A_669] {strides = array<i32>} : memref<80x128xf32, #tpu.memory_space<vmem>>, vector<16xf32>,
      %add3A_671 = arith.constant 0 : i32
      %add3A_672 = arith.addi %add3A_629, %add3A_671 : i32
      %get3A_673 = arith.index_cast %add3A_672 : i32 to index
      %get3A_674 = arith.constant 32 : index
      %get3A_675 = tpu.vector_load %arg10[%get3A_673, %get3A_674] {strides = array<i32>} : memref<80x128xf32, #tpu.memory_space<vmem>>, vector<16xf32>,
      %add3A_676 = arith.addf %get3A_670, %get3A_675 : vector<16xf32>
      %max3A_677 = arith.constant 0.000000e+00 : f32
      %max3A_678 = vector.broadcast %max3A_677 : f32 to vector<16xf32>
      %max3A_679 = arith.maximumf %add3A_676, %max3A_678 : vector<16xf32>
      %add3A_680 = arith.constant 0 : i32
      %add3A_681 = arith.addi %add3A_629, %add3A_680 : i32
      %swap3A_682 = arith.index_cast %add3A_681 : i32 to index
      %swap3A_683 = arith.constant 32 : index
      %swap3A_684 = tpu.vector_load %arg8[%swap3A_682, %swap3A_683] {strides = array<i32>} : memref<80x128xf32, #tpu.memory_space<vmem>>, vector<16xf32>,
      tpu.vector_store %arg8[%swap3A_682, %swap3A_683], %max3A_679 {strides = array<i32>} : memref<80x128xf32, #tpu.memory_space<vmem>>, vector<16xf32>,
      %add3A_685 = arith.constant 0 : i32
      %add3A_686 = arith.addi %add3A_629, %add3A_685 : i32
      %get3A_687 = arith.index_cast %add3A_686 : i32 to index
      %get3A_688 = arith.constant 48 : index
      %get3A_689 = tpu.vector_load %arg8[%get3A_687, %get3A_688] {strides = array<i32>} : memref<80x128xf32, #tpu.memory_space<vmem>>, vector<16xf32>,
      %add3A_690 = arith.constant 0 : i32
      %add3A_691 = arith.addi %add3A_629, %add3A_690 : i32
      %get3A_692 = arith.index_cast %add3A_691 : i32 to index
      %get3A_693 = arith.constant 48 : index
      %get3A_694 = tpu.vector_load %arg10[%get3A_692, %get3A_693] {strides = array<i32>} : memref<80x128xf32, #tpu.memory_space<vmem>>, vector<16xf32>,
      %add3A_695 = arith.addf %get3A_689, %get3A_694 : vector<16xf32>
      %max3A_696 = arith.constant 0.000000e+00 : f32
      %max3A_697 = vector.broadcast %max3A_696 : f32 to vector<16xf32>
      %max3A_698 = arith.maximumf %add3A_695, %max3A_697 : vector<16xf32>
      %add3A_699 = arith.constant 0 : i32
      %add3A_700 = arith.addi %add3A_629, %add3A_699 : i32
      %swap3A_701 = arith.index_cast %add3A_700 : i32 to index
      %swap3A_702 = arith.constant 48 : index
      %swap3A_703 = tpu.vector_load %arg8[%swap3A_701, %swap3A_702] {strides = array<i32>} : memref<80x128xf32, #tpu.memory_space<vmem>>, vector<16xf32>,
      tpu.vector_store %arg8[%swap3A_701, %swap3A_702], %max3A_698 {strides = array<i32>} : memref<80x128xf32, #tpu.memory_space<vmem>>, vector<16xf32>,
      %add3A_704 = arith.constant 0 : i32
      %add3A_705 = arith.addi %add3A_629, %add3A_704 : i32
      %get3A_706 = arith.index_cast %add3A_705 : i32 to index
      %get3A_707 = arith.constant 64 : index
      %get3A_708 = tpu.vector_load %arg8[%get3A_706, %get3A_707] {strides = array<i32>} : memref<80x128xf32, #tpu.memory_space<vmem>>, vector<16xf32>,
      %add3A_709 = arith.constant 0 : i32
      %add3A_710 = arith.addi %add3A_629, %add3A_709 : i32
      %get3A_711 = arith.index_cast %add3A_710 : i32 to index
      %get3A_712 = arith.constant 64 : index
      %get3A_713 = tpu.vector_load %arg10[%get3A_711, %get3A_712] {strides = array<i32>} : memref<80x128xf32, #tpu.memory_space<vmem>>, vector<16xf32>,
      %add3A_714 = arith.addf %get3A_708, %get3A_713 : vector<16xf32>
      %max3A_715 = arith.constant 0.000000e+00 : f32
      %max3A_716 = vector.broadcast %max3A_715 : f32 to vector<16xf32>
      %max3A_717 = arith.maximumf %add3A_714, %max3A_716 : vector<16xf32>
      %add3A_718 = arith.constant 0 : i32
      %add3A_719 = arith.addi %add3A_629, %add3A_718 : i32
      %swap3A_720 = arith.index_cast %add3A_719 : i32 to index
      %swap3A_721 = arith.constant 64 : index
      %swap3A_722 = tpu.vector_load %arg8[%swap3A_720, %swap3A_721] {strides = array<i32>} : memref<80x128xf32, #tpu.memory_space<vmem>>, vector<16xf32>,
      tpu.vector_store %arg8[%swap3A_720, %swap3A_721], %max3A_717 {strides = array<i32>} : memref<80x128xf32, #tpu.memory_space<vmem>>, vector<16xf32>,
      %add3A_723 = arith.constant 0 : i32
      %add3A_724 = arith.addi %add3A_629, %add3A_723 : i32
      %get3A_725 = arith.index_cast %add3A_724 : i32 to index
      %get3A_726 = arith.constant 80 : index
      %get3A_727 = tpu.vector_load %arg8[%get3A_725, %get3A_726] {strides = array<i32>} : memref<80x128xf32, #tpu.memory_space<vmem>>, vector<16xf32>,
      %add3A_728 = arith.constant 0 : i32
      %add3A_729 = arith.addi %add3A_629, %add3A_728 : i32
      %get3A_730 = arith.index_cast %add3A_729 : i32 to index
      %get3A_731 = arith.constant 80 : index
      %get3A_732 = tpu.vector_load %arg10[%get3A_730, %get3A_731] {strides = array<i32>} : memref<80x128xf32, #tpu.memory_space<vmem>>, vector<16xf32>,
      %add3A_733 = arith.addf %get3A_727, %get3A_732 : vector<16xf32>
      %max3A_734 = arith.constant 0.000000e+00 : f32
      %max3A_735 = vector.broadcast %max3A_734 : f32 to vector<16xf32>
      %max3A_736 = arith.maximumf %add3A_733, %max3A_735 : vector<16xf32>
      %add3A_737 = arith.constant 0 : i32
      %add3A_738 = arith.addi %add3A_629, %add3A_737 : i32
      %swap3A_739 = arith.index_cast %add3A_738 : i32 to index
      %swap3A_740 = arith.constant 80 : index
      %swap3A_741 = tpu.vector_load %arg8[%swap3A_739, %swap3A_740] {strides = array<i32>} : memref<80x128xf32, #tpu.memory_space<vmem>>, vector<16xf32>,
      tpu.vector_store %arg8[%swap3A_739, %swap3A_740], %max3A_736 {strides = array<i32>} : memref<80x128xf32, #tpu.memory_space<vmem>>, vector<16xf32>,
      %add3A_742 = arith.constant 0 : i32
      %add3A_743 = arith.addi %add3A_629, %add3A_742 : i32
      %get3A_744 = arith.index_cast %add3A_743 : i32 to index
      %get3A_745 = arith.constant 96 : index
      %get3A_746 = tpu.vector_load %arg8[%get3A_744, %get3A_745] {strides = array<i32>} : memref<80x128xf32, #tpu.memory_space<vmem>>, vector<16xf32>,
      %add3A_747 = arith.constant 0 : i32
      %add3A_748 = arith.addi %add3A_629, %add3A_747 : i32
      %get3A_749 = arith.index_cast %add3A_748 : i32 to index
      %get3A_750 = arith.constant 96 : index
      %get3A_751 = tpu.vector_load %arg10[%get3A_749, %get3A_750] {strides = array<i32>} : memref<80x128xf32, #tpu.memory_space<vmem>>, vector<16xf32>,
      %add3A_752 = arith.addf %get3A_746, %get3A_751 : vector<16xf32>
      %max3A_753 = arith.constant 0.000000e+00 : f32
      %max3A_754 = vector.broadcast %max3A_753 : f32 to vector<16xf32>
      %max3A_755 = arith.maximumf %add3A_752, %max3A_754 : vector<16xf32>
      %add3A_756 = arith.constant 0 : i32
      %add3A_757 = arith.addi %add3A_629, %add3A_756 : i32
      %swap3A_758 = arith.index_cast %add3A_757 : i32 to index
      %swap3A_759 = arith.constant 96 : index
      %swap3A_760 = tpu.vector_load %arg8[%swap3A_758, %swap3A_759] {strides = array<i32>} : memref<80x128xf32, #tpu.memory_space<vmem>>, vector<16xf32>,
      tpu.vector_store %arg8[%swap3A_758, %swap3A_759], %max3A_755 {strides = array<i32>} : memref<80x128xf32, #tpu.memory_space<vmem>>, vector<16xf32>,
      %add3A_761 = arith.constant 0 : i32
      %add3A_762 = arith.addi %add3A_629, %add3A_761 : i32
      %get3A_763 = arith.index_cast %add3A_762 : i32 to index
      %get3A_764 = arith.constant 112 : index
      %get3A_765 = tpu.vector_load %arg8[%get3A_763, %get3A_764] {strides = array<i32>} : memref<80x128xf32, #tpu.memory_space<vmem>>, vector<16xf32>,
      %add3A_766 = arith.constant 0 : i32
      %add3A_767 = arith.addi %add3A_629, %add3A_766 : i32
      %get3A_768 = arith.index_cast %add3A_767 : i32 to index
      %get3A_769 = arith.constant 112 : index
      %get3A_770 = tpu.vector_load %arg10[%get3A_768, %get3A_769] {strides = array<i32>} : memref<80x128xf32, #tpu.memory_space<vmem>>, vector<16xf32>,
      %add3A_771 = arith.addf %get3A_765, %get3A_770 : vector<16xf32>
      %max3A_772 = arith.constant 0.000000e+00 : f32
      %max3A_773 = vector.broadcast %max3A_772 : f32 to vector<16xf32>
      %max3A_774 = arith.maximumf %add3A_771, %max3A_773 : vector<16xf32>
      %add3A_775 = arith.constant 0 : i32
      %add3A_776 = arith.addi %add3A_629, %add3A_775 : i32
      %swap3A_777 = arith.index_cast %add3A_776 : i32 to index
      %swap3A_778 = arith.constant 112 : index
      %swap3A_779 = tpu.vector_load %arg8[%swap3A_777, %swap3A_778] {strides = array<i32>} : memref<80x128xf32, #tpu.memory_space<vmem>>, vector<16xf32>,
      tpu.vector_store %arg8[%swap3A_777, %swap3A_778], %max3A_774 {strides = array<i32>} : memref<80x128xf32, #tpu.memory_space<vmem>>, vector<16xf32>,
      %add3A_780 = arith.constant 1 : i32
      %add3A_781 = arith.addi %add3A_629, %add3A_780 : i32
      %get3A_782 = arith.index_cast %add3A_781 : i32 to index
      %get3A_783 = arith.constant 0 : index
      %get3A_784 = tpu.vector_load %arg8[%get3A_782, %get3A_783] {strides = array<i32>} : memref<80x128xf32, #tpu.memory_space<vmem>>, vector<16xf32>,
      %add3A_785 = arith.constant 1 : i32
      %add3A_786 = arith.addi %add3A_629, %add3A_785 : i32
      %get3A_787 = arith.index_cast %add3A_786 : i32 to index
      %get3A_788 = arith.constant 0 : index
      %get3A_789 = tpu.vector_load %arg10[%get3A_787, %get3A_788] {strides = array<i32>} : memref<80x128xf32, #tpu.memory_space<vmem>>, vector<16xf32>,
      %add3A_790 = arith.addf %get3A_784, %get3A_789 : vector<16xf32>
      %max3A_791 = arith.constant 0.000000e+00 : f32
      %max3A_792 = vector.broadcast %max3A_791 : f32 to vector<16xf32>
      %max3A_793 = arith.maximumf %add3A_790, %max3A_792 : vector<16xf32>
      %add3A_794 = arith.constant 1 : i32
      %add3A_795 = arith.addi %add3A_629, %add3A_794 : i32
      %swap3A_796 = arith.index_cast %add3A_795 : i32 to index
      %swap3A_797 = arith.constant 0 : index
      %swap3A_798 = tpu.vector_load %arg8[%swap3A_796, %swap3A_797] {strides = array<i32>} : memref<80x128xf32, #tpu.memory_space<vmem>>, vector<16xf32>,
      tpu.vector_store %arg8[%swap3A_796, %swap3A_797], %max3A_793 {strides = array<i32>} : memref<80x128xf32, #tpu.memory_space<vmem>>, vector<16xf32>,
      %add3A_799 = arith.constant 1 : i32
      %add3A_800 = arith.addi %add3A_629, %add3A_799 : i32
      %get3A_801 = arith.index_cast %add3A_800 : i32 to index
      %get3A_802 = arith.constant 16 : index
      %get3A_803 = tpu.vector_load %arg8[%get3A_801, %get3A_802] {strides = array<i32>} : memref<80x128xf32, #tpu.memory_space<vmem>>, vector<16xf32>,
      %add3A_804 = arith.constant 1 : i32
      %add3A_805 = arith.addi %add3A_629, %add3A_804 : i32
      %get3A_806 = arith.index_cast %add3A_805 : i32 to index
      %get3A_807 = arith.constant 16 : index
      %get3A_808 = tpu.vector_load %arg10[%get3A_806, %get3A_807] {strides = array<i32>} : memref<80x128xf32, #tpu.memory_space<vmem>>, vector<16xf32>,
      %add3A_809 = arith.addf %get3A_803, %get3A_808 : vector<16xf32>
      %max3A_810 = arith.constant 0.000000e+00 : f32
      %max3A_811 = vector.broadcast %max3A_810 : f32 to vector<16xf32>
      %max3A_812 = arith.maximumf %add3A_809, %max3A_811 : vector<16xf32>
      %add3A_813 = arith.constant 1 : i32
      %add3A_814 = arith.addi %add3A_629, %add3A_813 : i32
      %swap3A_815 = arith.index_cast %add3A_814 : i32 to index
      %swap3A_816 = arith.constant 16 : index
      %swap3A_817 = tpu.vector_load %arg8[%swap3A_815, %swap3A_816] {strides = array<i32>} : memref<80x128xf32, #tpu.memory_space<vmem>>, vector<16xf32>,
      tpu.vector_store %arg8[%swap3A_815, %swap3A_816], %max3A_812 {strides = array<i32>} : memref<80x128xf32, #tpu.memory_space<vmem>>, vector<16xf32>,
      %add3A_818 = arith.constant 1 : i32
      %add3A_819 = arith.addi %add3A_629, %add3A_818 : i32
      %get3A_820 = arith.index_cast %add3A_819 : i32 to index
      %get3A_821 = arith.constant 32 : index
      %get3A_822 = tpu.vector_load %arg8[%get3A_820, %get3A_821] {strides = array<i32>} : memref<80x128xf32, #tpu.memory_space<vmem>>, vector<16xf32>,
      %add3A_823 = arith.constant 1 : i32
      %add3A_824 = arith.addi %add3A_629, %add3A_823 : i32
      %get3A_825 = arith.index_cast %add3A_824 : i32 to index
      %get3A_826 = arith.constant 32 : index
      %get3A_827 = tpu.vector_load %arg10[%get3A_825, %get3A_826] {strides = array<i32>} : memref<80x128xf32, #tpu.memory_space<vmem>>, vector<16xf32>,
      %add3A_828 = arith.addf %get3A_822, %get3A_827 : vector<16xf32>
      %max3A_829 = arith.constant 0.000000e+00 : f32
      %max3A_830 = vector.broadcast %max3A_829 : f32 to vector<16xf32>
      %max3A_831 = arith.maximumf %add3A_828, %max3A_830 : vector<16xf32>
      %add3A_832 = arith.constant 1 : i32
      %add3A_833 = arith.addi %add3A_629, %add3A_832 : i32
      %swap3A_834 = arith.index_cast %add3A_833 : i32 to index
      %swap3A_835 = arith.constant 32 : index
      %swap3A_836 = tpu.vector_load %arg8[%swap3A_834, %swap3A_835] {strides = array<i32>} : memref<80x128xf32, #tpu.memory_space<vmem>>, vector<16xf32>,
      tpu.vector_store %arg8[%swap3A_834, %swap3A_835], %max3A_831 {strides = array<i32>} : memref<80x128xf32, #tpu.memory_space<vmem>>, vector<16xf32>,
      %add3A_837 = arith.constant 1 : i32
      %add3A_838 = arith.addi %add3A_629, %add3A_837 : i32
      %get3A_839 = arith.index_cast %add3A_838 : i32 to index
      %get3A_840 = arith.constant 48 : index
      %get3A_841 = tpu.vector_load %arg8[%get3A_839, %get3A_840] {strides = array<i32>} : memref<80x128xf32, #tpu.memory_space<vmem>>, vector<16xf32>,
      %add3A_842 = arith.constant 1 : i32
      %add3A_843 = arith.addi %add3A_629, %add3A_842 : i32
      %get3A_844 = arith.index_cast %add3A_843 : i32 to index
      %get3A_845 = arith.constant 48 : index
      %get3A_846 = tpu.vector_load %arg10[%get3A_844, %get3A_845] {strides = array<i32>} : memref<80x128xf32, #tpu.memory_space<vmem>>, vector<16xf32>,
      %add3A_847 = arith.addf %get3A_841, %get3A_846 : vector<16xf32>
      %max3A_848 = arith.constant 0.000000e+00 : f32
      %max3A_849 = vector.broadcast %max3A_848 : f32 to vector<16xf32>
      %max3A_850 = arith.maximumf %add3A_847, %max3A_849 : vector<16xf32>
      %add3A_851 = arith.constant 1 : i32
      %add3A_852 = arith.addi %add3A_629, %add3A_851 : i32
      %swap3A_853 = arith.index_cast %add3A_852 : i32 to index
      %swap3A_854 = arith.constant 48 : index
      %swap3A_855 = tpu.vector_load %arg8[%swap3A_853, %swap3A_854] {strides = array<i32>} : memref<80x128xf32, #tpu.memory_space<vmem>>, vector<16xf32>,
      tpu.vector_store %arg8[%swap3A_853, %swap3A_854], %max3A_850 {strides = array<i32>} : memref<80x128xf32, #tpu.memory_space<vmem>>, vector<16xf32>,
      %add3A_856 = arith.constant 1 : i32
      %add3A_857 = arith.addi %add3A_629, %add3A_856 : i32
      %get3A_858 = arith.index_cast %add3A_857 : i32 to index
      %get3A_859 = arith.constant 64 : index
      %get3A_860 = tpu.vector_load %arg8[%get3A_858, %get3A_859] {strides = array<i32>} : memref<80x128xf32, #tpu.memory_space<vmem>>, vector<16xf32>,
      %add3A_861 = arith.constant 1 : i32
      %add3A_862 = arith.addi %add3A_629, %add3A_861 : i32
      %get3A_863 = arith.index_cast %add3A_862 : i32 to index
      %get3A_864 = arith.constant 64 : index
      %get3A_865 = tpu.vector_load %arg10[%get3A_863, %get3A_864] {strides = array<i32>} : memref<80x128xf32, #tpu.memory_space<vmem>>, vector<16xf32>,
      %add3A_866 = arith.addf %get3A_860, %get3A_865 : vector<16xf32>
      %max3A_867 = arith.constant 0.000000e+00 : f32
      %max3A_868 = vector.broadcast %max3A_867 : f32 to vector<16xf32>
      %max3A_869 = arith.maximumf %add3A_866, %max3A_868 : vector<16xf32>
      %add3A_870 = arith.constant 1 : i32
      %add3A_871 = arith.addi %add3A_629, %add3A_870 : i32
      %swap3A_872 = arith.index_cast %add3A_871 : i32 to index
      %swap3A_873 = arith.constant 64 : index
      %swap3A_874 = tpu.vector_load %arg8[%swap3A_872, %swap3A_873] {strides = array<i32>} : memref<80x128xf32, #tpu.memory_space<vmem>>, vector<16xf32>,
      tpu.vector_store %arg8[%swap3A_872, %swap3A_873], %max3A_869 {strides = array<i32>} : memref<80x128xf32, #tpu.memory_space<vmem>>, vector<16xf32>,
      %add3A_875 = arith.constant 1 : i32
      %add3A_876 = arith.addi %add3A_629, %add3A_875 : i32
      %get3A_877 = arith.index_cast %add3A_876 : i32 to index
      %get3A_878 = arith.constant 80 : index
      %get3A_879 = tpu.vector_load %arg8[%get3A_877, %get3A_878] {strides = array<i32>} : memref<80x128xf32, #tpu.memory_space<vmem>>, vector<16xf32>,
      %add3A_880 = arith.constant 1 : i32
      %add3A_881 = arith.addi %add3A_629, %add3A_880 : i32
      %get3A_882 = arith.index_cast %add3A_881 : i32 to index
      %get3A_883 = arith.constant 80 : index
      %get3A_884 = tpu.vector_load %arg10[%get3A_882, %get3A_883] {strides = array<i32>} : memref<80x128xf32, #tpu.memory_space<vmem>>, vector<16xf32>,
      %add3A_885 = arith.addf %get3A_879, %get3A_884 : vector<16xf32>
      %max3A_886 = arith.constant 0.000000e+00 : f32
      %max3A_887 = vector.broadcast %max3A_886 : f32 to vector<16xf32>
      %max3A_888 = arith.maximumf %add3A_885, %max3A_887 : vector<16xf32>
      %add3A_889 = arith.constant 1 : i32
      %add3A_890 = arith.addi %add3A_629, %add3A_889 : i32
      %swap3A_891 = arith.index_cast %add3A_890 : i32 to index
      %swap3A_892 = arith.constant 80 : index
      %swap3A_893 = tpu.vector_load %arg8[%swap3A_891, %swap3A_892] {strides = array<i32>} : memref<80x128xf32, #tpu.memory_space<vmem>>, vector<16xf32>,
      tpu.vector_store %arg8[%swap3A_891, %swap3A_892], %max3A_888 {strides = array<i32>} : memref<80x128xf32, #tpu.memory_space<vmem>>, vector<16xf32>,
      %add3A_894 = arith.constant 1 : i32
      %add3A_895 = arith.addi %add3A_629, %add3A_894 : i32
      %get3A_896 = arith.index_cast %add3A_895 : i32 to index
      %get3A_897 = arith.constant 96 : index
      %get3A_898 = tpu.vector_load %arg8[%get3A_896, %get3A_897] {strides = array<i32>} : memref<80x128xf32, #tpu.memory_space<vmem>>, vector<16xf32>,
      %add3A_899 = arith.constant 1 : i32
      %add3A_900 = arith.addi %add3A_629, %add3A_899 : i32
      %get3A_901 = arith.index_cast %add3A_900 : i32 to index
      %get3A_902 = arith.constant 96 : index
      %get3A_903 = tpu.vector_load %arg10[%get3A_901, %get3A_902] {strides = array<i32>} : memref<80x128xf32, #tpu.memory_space<vmem>>, vector<16xf32>,
      %add3A_904 = arith.addf %get3A_898, %get3A_903 : vector<16xf32>
      %max3A_905 = arith.constant 0.000000e+00 : f32
      %max3A_906 = vector.broadcast %max3A_905 : f32 to vector<16xf32>
      %max3A_907 = arith.maximumf %add3A_904, %max3A_906 : vector<16xf32>
      %add3A_908 = arith.constant 1 : i32
      %add3A_909 = arith.addi %add3A_629, %add3A_908 : i32
      %swap3A_910 = arith.index_cast %add3A_909 : i32 to index
      %swap3A_911 = arith.constant 96 : index
      %swap3A_912 = tpu.vector_load %arg8[%swap3A_910, %swap3A_911] {strides = array<i32>} : memref<80x128xf32, #tpu.memory_space<vmem>>, vector<16xf32>,
      tpu.vector_store %arg8[%swap3A_910, %swap3A_911], %max3A_907 {strides = array<i32>} : memref<80x128xf32, #tpu.memory_space<vmem>>, vector<16xf32>,
      %add3A_913 = arith.constant 1 : i32
      %add3A_914 = arith.addi %add3A_629, %add3A_913 : i32
      %get3A_915 = arith.index_cast %add3A_914 : i32 to index
      %get3A_916 = arith.constant 112 : index
      %get3A_917 = tpu.vector_load %arg8[%get3A_915, %get3A_916] {strides = array<i32>} : memref<80x128xf32, #tpu.memory_space<vmem>>, vector<16xf32>,
      %add3A_918 = arith.constant 1 : i32
      %add3A_919 = arith.addi %add3A_629, %add3A_918 : i32
      %get3A_920 = arith.index_cast %add3A_919 : i32 to index
      %get3A_921 = arith.constant 112 : index
      %get3A_922 = tpu.vector_load %arg10[%get3A_920, %get3A_921] {strides = array<i32>} : memref<80x128xf32, #tpu.memory_space<vmem>>, vector<16xf32>,
      %add3A_923 = arith.addf %get3A_917, %get3A_922 : vector<16xf32>
      %max3A_924 = arith.constant 0.000000e+00 : f32
      %max3A_925 = vector.broadcast %max3A_924 : f32 to vector<16xf32>
      %max3A_926 = arith.maximumf %add3A_923, %max3A_925 : vector<16xf32>
      %add3A_927 = arith.constant 1 : i32
      %add3A_928 = arith.addi %add3A_629, %add3A_927 : i32
      %swap3A_929 = arith.index_cast %add3A_928 : i32 to index
      %swap3A_930 = arith.constant 112 : index
      %swap3A_931 = tpu.vector_load %arg8[%swap3A_929, %swap3A_930] {strides = array<i32>} : memref<80x128xf32, #tpu.memory_space<vmem>>, vector<16xf32>,
      tpu.vector_store %arg8[%swap3A_929, %swap3A_930], %max3A_926 {strides = array<i32>} : memref<80x128xf32, #tpu.memory_space<vmem>>, vector<16xf32>,
    }
    %scan3A_165 = arith.constant 40 : i32
    %add3A_166 = arith.constant 80 : i32
    %add3A_167 = arith.addi %mul3A_7, %add3A_166 : i32
    %dma_start3A_168 = arith.constant 0 : i32
    %dma_start3A_169 = tpu.memref_slice %arg3[%add3A_167, %dma_start3A_168] : memref<320000x128xf32, #tpu.memory_space<hbm>> -> memref<80x128xf32, #tpu.memory_space<hbm>>
    %dma_start3A_170 = arith.constant 0 : i32
    %dma_start3A_171 = tpu.memref_slice %arg3[%add3A_167, %dma_start3A_170] : memref<320000x128xf32, #tpu.memory_space<hbm>> -> memref<80x128xf32, #tpu.memory_space<hbm>>
    tpu.enqueue_dma source(%dma_start3A_171 : memref<80x128xf32, #tpu.memory_space<hbm>>) target(%arg10 : memref<80x128xf32, #tpu.memory_space<vmem>>) target_semaphore(%arg20 : memref<!tpu.dma_semaphore, #tpu.memory_space<semaphore_mem>>)
    %get3A = arith.constant 0 : i32
    %get3A_172 = arith.constant 0 : i32
    %get3A_173 = arith.index_cast %get3A : i32 to index
    %get3A_174 = arith.index_cast %get3A_172 : i32 to index
    %get3A_175 = arith.constant 0 : index
    %get3A_176 = tpu.vector_load %arg7[%get3A_173, %get3A_174, %get3A_175] {strides = array<i32>} : memref<4x2x80xi32, #tpu.memory_space<vmem>>, vector<16xi32>,
    tpu.vector_store_idx %arg12[%get3A_176], %broadcast_in_dim3A_2 {add = true} : memref<10240xf32, #tpu.memory_space<vmem>>[vector<16xi32>], vector<16xf32>,
    %get3A_177 = arith.constant 0 : i32
    %get3A_178 = arith.constant 0 : i32
    %get3A_179 = arith.index_cast %get3A_177 : i32 to index
    %get3A_180 = arith.index_cast %get3A_178 : i32 to index
    %get3A_181 = arith.constant 16 : index
    %get3A_182 = tpu.vector_load %arg7[%get3A_179, %get3A_180, %get3A_181] {strides = array<i32>} : memref<4x2x80xi32, #tpu.memory_space<vmem>>, vector<16xi32>,
    tpu.vector_store_idx %arg12[%get3A_182], %broadcast_in_dim3A_2 {add = true} : memref<10240xf32, #tpu.memory_space<vmem>>[vector<16xi32>], vector<16xf32>,
    %get3A_183 = arith.constant 0 : i32
    %get3A_184 = arith.constant 0 : i32
    %get3A_185 = arith.index_cast %get3A_183 : i32 to index
    %get3A_186 = arith.index_cast %get3A_184 : i32 to index
    %get3A_187 = arith.constant 32 : index
    %get3A_188 = tpu.vector_load %arg7[%get3A_185, %get3A_186, %get3A_187] {strides = array<i32>} : memref<4x2x80xi32, #tpu.memory_space<vmem>>, vector<16xi32>,
    tpu.vector_store_idx %arg12[%get3A_188], %broadcast_in_dim3A_2 {add = true} : memref<10240xf32, #tpu.memory_space<vmem>>[vector<16xi32>], vector<16xf32>,
    %get3A_189 = arith.constant 0 : i32
    %get3A_190 = arith.constant 0 : i32
    %get3A_191 = arith.index_cast %get3A_189 : i32 to index
    %get3A_192 = arith.index_cast %get3A_190 : i32 to index
    %get3A_193 = arith.constant 48 : index
    %get3A_194 = tpu.vector_load %arg7[%get3A_191, %get3A_192, %get3A_193] {strides = array<i32>} : memref<4x2x80xi32, #tpu.memory_space<vmem>>, vector<16xi32>,
    tpu.vector_store_idx %arg12[%get3A_194], %broadcast_in_dim3A_2 {add = true} : memref<10240xf32, #tpu.memory_space<vmem>>[vector<16xi32>], vector<16xf32>,
    %get3A_195 = arith.constant 0 : i32
    %get3A_196 = arith.constant 0 : i32
    %get3A_197 = arith.index_cast %get3A_195 : i32 to index
    %get3A_198 = arith.index_cast %get3A_196 : i32 to index
    %get3A_199 = arith.constant 64 : index
    %get3A_200 = tpu.vector_load %arg7[%get3A_197, %get3A_198, %get3A_199] {strides = array<i32>} : memref<4x2x80xi32, #tpu.memory_space<vmem>>, vector<16xi32>,
    tpu.vector_store_idx %arg12[%get3A_200], %broadcast_in_dim3A_2 {add = true} : memref<10240xf32, #tpu.memory_space<vmem>>[vector<16xi32>], vector<16xf32>,
    %dma_start3A_201 = arith.constant 0 : i32
    %dma_start3A_202 = arith.constant 0 : i32
    %dma_start3A_203 = arith.constant 0 : i32
    %dma_start3A_204 = tpu.memref_slice %arg7[%dma_start3A_201, %dma_start3A_202, %dma_start3A_203] : memref<4x2x80xi32, #tpu.memory_space<vmem>> -> memref<1x1x80xi32, #tpu.memory_space<vmem>>
    %dma_start3A_205 = tpu.memref_squeeze %dma_start3A_204 : memref<1x1x80xi32, #tpu.memory_space<vmem>> -> memref<80xi32, #tpu.memory_space<vmem>>
    %dma_start3A_206 = arith.constant 0 : i32
    %dma_start3A_207 = arith.constant 0 : i32
    %dma_start3A_208 = tpu.memref_slice %arg13[%dma_start3A_206, %dma_start3A_207] : memref<10240x128xf32, #tpu.memory_space<vmem_shared>> -> memref<10240x128xf32, #tpu.memory_space<vmem_shared>>
    tpu.enqueue_indirect_dma source(%arg8 : memref<80x128xf32, #tpu.memory_space<vmem>>) target(%dma_start3A_208 : memref<10240x128xf32, #tpu.memory_space<vmem_shared>>) offsets(%dma_start3A_205 : memref<80xi32, #tpu.memory_space<vmem>>) semaphore(%arg21 : memref<!tpu.dma_semaphore, #tpu.memory_space<semaphore_mem>>) {add = true}
    %dma_start3A_209 = arith.constant 2 : i32
    %dma_start3A_210 = arith.constant 2 : i32
    %dma_start3A_211 = arith.constant 0 : i32
    %dma_start3A_212 = arith.constant 0 : i32
    %dma_start3A_213 = tpu.memref_slice %arg7[%dma_start3A_210, %dma_start3A_211, %dma_start3A_212] : memref<4x2x80xi32, #tpu.memory_space<vmem>> -> memref<1x2x80xi32, #tpu.memory_space<vmem>>
    %dma_start3A_214 = tpu.memref_squeeze %dma_start3A_213 : memref<1x2x80xi32, #tpu.memory_space<vmem>> -> memref<2x80xi32, #tpu.memory_space<vmem>>
    %dma_start3A_215 = arith.constant 0 : i32
    %dma_start3A_216 = arith.constant 0 : i32
    %dma_start3A_217 = tpu.memref_slice %arg4[%add3A, %dma_start3A_209, %dma_start3A_215, %dma_start3A_216] : memref<32x125x2x80xi32, #tpu.memory_space<hbm>> -> memref<1x1x2x80xi32, #tpu.memory_space<hbm>>
    %dma_start3A_218 = tpu.memref_squeeze %dma_start3A_217 : memref<1x1x2x80xi32, #tpu.memory_space<hbm>> -> memref<2x80xi32, #tpu.memory_space<hbm>>
    %dma_start3A_219 = arith.constant 0 : i32
    %dma_start3A_220 = arith.constant 0 : i32
    %dma_start3A_221 = tpu.memref_slice %arg7[%dma_start3A_210, %dma_start3A_219, %dma_start3A_220] : memref<4x2x80xi32, #tpu.memory_space<vmem>> -> memref<1x2x80xi32, #tpu.memory_space<vmem>>
    %dma_start3A_222 = tpu.memref_squeeze %dma_start3A_221 : memref<1x2x80xi32, #tpu.memory_space<vmem>> -> memref<2x80xi32, #tpu.memory_space<vmem>>
    %dma_start3A_223 = arith.constant 0 : i32
    %dma_start3A_224 = arith.constant 0 : i32
    %dma_start3A_225 = tpu.memref_slice %arg4[%add3A, %dma_start3A_209, %dma_start3A_223, %dma_start3A_224] : memref<32x125x2x80xi32, #tpu.memory_space<hbm>> -> memref<1x1x2x80xi32, #tpu.memory_space<hbm>>
    %dma_start3A_226 = tpu.memref_squeeze %dma_start3A_225 : memref<1x1x2x80xi32, #tpu.memory_space<hbm>> -> memref<2x80xi32, #tpu.memory_space<hbm>>
    tpu.enqueue_dma source(%dma_start3A_226 : memref<2x80xi32, #tpu.memory_space<hbm>>) target(%dma_start3A_222 : memref<2x80xi32, #tpu.memory_space<vmem>>) target_semaphore(%arg16 : memref<!tpu.dma_semaphore, #tpu.memory_space<semaphore_mem>>)
    %dma_wait3A_227 = arith.constant 0 : i32
    %dma_wait3A_228 = arith.constant 2 : i32
    %dma_wait3A_229 = arith.constant 0 : i32
    %dma_wait3A_230 = arith.constant 0 : i32
    %dma_wait3A_231 = tpu.memref_slice %arg7[%dma_wait3A_228, %dma_wait3A_229, %dma_wait3A_230] : memref<4x2x80xi32, #tpu.memory_space<vmem>> -> memref<1x2x80xi32, #tpu.memory_space<vmem>>
    %dma_wait3A_232 = tpu.memref_squeeze %dma_wait3A_231 : memref<1x2x80xi32, #tpu.memory_space<vmem>> -> memref<2x80xi32, #tpu.memory_space<vmem>>
    %dma_wait3A_233 = arith.constant 0 : i32
    %dma_wait3A_234 = arith.constant 0 : i32
    %dma_wait3A_235 = tpu.memref_slice %arg4[%add3A, %dma_wait3A_227, %dma_wait3A_233, %dma_wait3A_234] : memref<32x125x2x80xi32, #tpu.memory_space<hbm>> -> memref<1x1x2x80xi32, #tpu.memory_space<hbm>>
    %dma_wait3A_236 = tpu.memref_squeeze %dma_wait3A_235 : memref<1x1x2x80xi32, #tpu.memory_space<hbm>> -> memref<2x80xi32, #tpu.memory_space<hbm>>
    %dma_wait3A_237 = arith.constant 0 : i32
    %dma_wait3A_238 = arith.constant 0 : i32
    %dma_wait3A_239 = tpu.memref_slice %arg7[%dma_wait3A_228, %dma_wait3A_237, %dma_wait3A_238] : memref<4x2x80xi32, #tpu.memory_space<vmem>> -> memref<1x2x80xi32, #tpu.memory_space<vmem>>
    %dma_wait3A_240 = tpu.memref_squeeze %dma_wait3A_239 : memref<1x2x80xi32, #tpu.memory_space<vmem>> -> memref<2x80xi32, #tpu.memory_space<vmem>>
    %dma_wait3A_241 = arith.constant 0 : i32
    %dma_wait3A_242 = arith.constant 0 : i32
    %dma_wait3A_243 = tpu.memref_slice %arg4[%add3A, %dma_wait3A_227, %dma_wait3A_241, %dma_wait3A_242] : memref<32x125x2x80xi32, #tpu.memory_space<hbm>> -> memref<1x1x2x80xi32, #tpu.memory_space<hbm>>
    %dma_wait3A_244 = tpu.memref_squeeze %dma_wait3A_243 : memref<1x1x2x80xi32, #tpu.memory_space<hbm>> -> memref<2x80xi32, #tpu.memory_space<hbm>>
    tpu.wait_dma2 semaphore(%arg16 : memref<!tpu.dma_semaphore, #tpu.memory_space<semaphore_mem>>) src(%dma_wait3A_244 : memref<2x80xi32, #tpu.memory_space<hbm>>) dst(%dma_wait3A_240 : memref<2x80xi32, #tpu.memory_space<vmem>>)
    %dma_wait3A_245 = arith.constant 1 : i32
    %dma_wait3A_246 = arith.constant 1 : i32
    %dma_wait3A_247 = arith.constant 0 : i32
    %dma_wait3A_248 = tpu.memref_slice %arg7[%dma_wait3A_245, %dma_wait3A_246, %dma_wait3A_247] : memref<4x2x80xi32, #tpu.memory_space<vmem>> -> memref<1x1x80xi32, #tpu.memory_space<vmem>>
    %dma_wait3A_249 = tpu.memref_squeeze %dma_wait3A_248 : memref<1x1x80xi32, #tpu.memory_space<vmem>> -> memref<80xi32, #tpu.memory_space<vmem>>
    %dma_wait3A_250 = arith.constant 0 : i32
    %dma_wait3A_251 = arith.constant 0 : i32
    %dma_wait3A_252 = tpu.memref_slice %arg2[%dma_wait3A_250, %dma_wait3A_251] : memref<10000x128xf32, #tpu.memory_space<hbm>> -> memref<10000x128xf32, #tpu.memory_space<hbm>>
    tpu.wait_indirect_dma semaphore(%arg19 : memref<!tpu.dma_semaphore, #tpu.memory_space<semaphore_mem>>) src(%dma_wait3A_252 : memref<10000x128xf32, #tpu.memory_space<hbm>>) dst(%arg9 : memref<80x128xf32, #tpu.memory_space<vmem>>)
    %dma_wait3A_253 = arith.constant 0 : i32
    %dma_wait3A_254 = tpu.memref_slice %arg3[%mul3A_7, %dma_wait3A_253] : memref<320000x128xf32, #tpu.memory_space<hbm>> -> memref<80x128xf32, #tpu.memory_space<hbm>>
    %dma_wait3A_255 = arith.constant 0 : i32
    %dma_wait3A_256 = tpu.memref_slice %arg3[%mul3A_7, %dma_wait3A_255] : memref<320000x128xf32, #tpu.memory_space<hbm>> -> memref<80x128xf32, #tpu.memory_space<hbm>>
    tpu.wait_dma2 semaphore(%arg20 : memref<!tpu.dma_semaphore, #tpu.memory_space<semaphore_mem>>) src(%dma_wait3A_256 : memref<80x128xf32, #tpu.memory_space<hbm>>) dst(%arg10 : memref<80x128xf32, #tpu.memory_space<vmem>>)
    %dma_wait3A_257 = arith.constant 0 : i32
    %dma_wait3A_258 = arith.constant 0 : i32
    %dma_wait3A_259 = arith.constant 0 : i32
    %dma_wait3A_260 = tpu.memref_slice %arg7[%dma_wait3A_257, %dma_wait3A_258, %dma_wait3A_259] : memref<4x2x80xi32, #tpu.memory_space<vmem>> -> memref<1x1x80xi32, #tpu.memory_space<vmem>>
    %dma_wait3A_261 = tpu.memref_squeeze %dma_wait3A_260 : memref<1x1x80xi32, #tpu.memory_space<vmem>> -> memref<80xi32, #tpu.memory_space<vmem>>
    %dma_wait3A_262 = arith.constant 0 : i32
    %dma_wait3A_263 = arith.constant 0 : i32
    %dma_wait3A_264 = tpu.memref_slice %arg13[%dma_wait3A_262, %dma_wait3A_263] : memref<10240x128xf32, #tpu.memory_space<vmem_shared>> -> memref<10240x128xf32, #tpu.memory_space<vmem_shared>>
    tpu.wait_indirect_dma semaphore(%arg21 : memref<!tpu.dma_semaphore, #tpu.memory_space<semaphore_mem>>) src(%arg8 : memref<80x128xf32, #tpu.memory_space<vmem>>) dst(%dma_wait3A_264 : memref<10240x128xf32, #tpu.memory_space<vmem_shared>>)
    %dma_start3A_265 = arith.constant 2 : i32
    %dma_start3A_266 = arith.constant 1 : i32
    %dma_start3A_267 = arith.constant 0 : i32
    %dma_start3A_268 = tpu.memref_slice %arg7[%dma_start3A_265, %dma_start3A_266, %dma_start3A_267] : memref<4x2x80xi32, #tpu.memory_space<vmem>> -> memref<1x1x80xi32, #tpu.memory_space<vmem>>
    %dma_start3A_269 = tpu.memref_squeeze %dma_start3A_268 : memref<1x1x80xi32, #tpu.memory_space<vmem>> -> memref<80xi32, #tpu.memory_space<vmem>>
    %dma_start3A_270 = arith.constant 0 : i32
    %dma_start3A_271 = arith.constant 0 : i32
    %dma_start3A_272 = tpu.memref_slice %arg2[%dma_start3A_270, %dma_start3A_271] : memref<10000x128xf32, #tpu.memory_space<hbm>> -> memref<10000x128xf32, #tpu.memory_space<hbm>>
    tpu.enqueue_indirect_dma source(%dma_start3A_272 : memref<10000x128xf32, #tpu.memory_space<hbm>>) target(%arg8 : memref<80x128xf32, #tpu.memory_space<vmem>>) offsets(%dma_start3A_269 : memref<80xi32, #tpu.memory_space<vmem>>) semaphore(%arg18 : memref<!tpu.dma_semaphore, #tpu.memory_space<semaphore_mem>>)
    %scan3A_273 = arith.constant 0 : i32
    %scan3A_274 = arith.constant 40 : i32
    %scan3A_275 = arith.addi %scan3A_273, %scan3A_274 : i32
    %scan3A_276 = arith.constant 1 : i32
    scf.for %scan3A_625 = %scan3A_273 to %scan3A_275 step %scan3A_276  : i32 {
      %mul3A_626 = arith.constant 2 : i32
      %mul3A_627 = arith.muli %scan3A_625, %mul3A_626 : i32
      %add3A_628 = arith.constant 0 : i32
      %add3A_629 = arith.addi %add3A_628, %mul3A_627 : i32
      %add3A_630 = arith.constant 0 : i32
      %add3A_631 = arith.addi %add3A_629, %add3A_630 : i32
      %get3A_632 = arith.index_cast %add3A_631 : i32 to index
      %get3A_633 = arith.constant 0 : index
      %get3A_634 = tpu.vector_load %arg9[%get3A_632, %get3A_633] {strides = array<i32>} : memref<80x128xf32, #tpu.memory_space<vmem>>, vector<16xf32>,
      %add3A_635 = arith.constant 0 : i32
      %add3A_636 = arith.addi %add3A_629, %add3A_635 : i32
      %get3A_637 = arith.index_cast %add3A_636 : i32 to index
      %get3A_638 = arith.constant 0 : index
      %get3A_639 = tpu.vector_load %arg10[%get3A_637, %get3A_638] {strides = array<i32>} : memref<80x128xf32, #tpu.memory_space<vmem>>, vector<16xf32>,
      %add3A_640 = arith.addf %get3A_634, %get3A_639 : vector<16xf32>
      %max3A = arith.constant 0.000000e+00 : f32
      %max3A_641 = vector.broadcast %max3A : f32 to vector<16xf32>
      %max3A_642 = arith.maximumf %add3A_640, %max3A_641 : vector<16xf32>
      %add3A_643 = arith.constant 0 : i32
      %add3A_644 = arith.addi %add3A_629, %add3A_643 : i32
      %swap3A = arith.index_cast %add3A_644 : i32 to index
      %swap3A_645 = arith.constant 0 : index
      %swap3A_646 = tpu.vector_load %arg9[%swap3A, %swap3A_645] {strides = array<i32>} : memref<80x128xf32, #tpu.memory_space<vmem>>, vector<16xf32>,
      tpu.vector_store %arg9[%swap3A, %swap3A_645], %max3A_642 {strides = array<i32>} : memref<80x128xf32, #tpu.memory_space<vmem>>, vector<16xf32>,
      %add3A_647 = arith.constant 0 : i32
      %add3A_648 = arith.addi %add3A_629, %add3A_647 : i32
      %get3A_649 = arith.index_cast %add3A_648 : i32 to index
      %get3A_650 = arith.constant 16 : index
      %get3A_651 = tpu.vector_load %arg9[%get3A_649, %get3A_650] {strides = array<i32>} : memref<80x128xf32, #tpu.memory_space<vmem>>, vector<16xf32>,
      %add3A_652 = arith.constant 0 : i32
      %add3A_653 = arith.addi %add3A_629, %add3A_652 : i32
      %get3A_654 = arith.index_cast %add3A_653 : i32 to index
      %get3A_655 = arith.constant 16 : index
      %get3A_656 = tpu.vector_load %arg10[%get3A_654, %get3A_655] {strides = array<i32>} : memref<80x128xf32, #tpu.memory_space<vmem>>, vector<16xf32>,
      %add3A_657 = arith.addf %get3A_651, %get3A_656 : vector<16xf32>
      %max3A_658 = arith.constant 0.000000e+00 : f32
      %max3A_659 = vector.broadcast %max3A_658 : f32 to vector<16xf32>
      %max3A_660 = arith.maximumf %add3A_657, %max3A_659 : vector<16xf32>
      %add3A_661 = arith.constant 0 : i32
      %add3A_662 = arith.addi %add3A_629, %add3A_661 : i32
      %swap3A_663 = arith.index_cast %add3A_662 : i32 to index
      %swap3A_664 = arith.constant 16 : index
      %swap3A_665 = tpu.vector_load %arg9[%swap3A_663, %swap3A_664] {strides = array<i32>} : memref<80x128xf32, #tpu.memory_space<vmem>>, vector<16xf32>,
      tpu.vector_store %arg9[%swap3A_663, %swap3A_664], %max3A_660 {strides = array<i32>} : memref<80x128xf32, #tpu.memory_space<vmem>>, vector<16xf32>,
      %add3A_666 = arith.constant 0 : i32
      %add3A_667 = arith.addi %add3A_629, %add3A_666 : i32
      %get3A_668 = arith.index_cast %add3A_667 : i32 to index
      %get3A_669 = arith.constant 32 : index
      %get3A_670 = tpu.vector_load %arg9[%get3A_668, %get3A_669] {strides = array<i32>} : memref<80x128xf32, #tpu.memory_space<vmem>>, vector<16xf32>,
      %add3A_671 = arith.constant 0 : i32
      %add3A_672 = arith.addi %add3A_629, %add3A_671 : i32
      %get3A_673 = arith.index_cast %add3A_672 : i32 to index
      %get3A_674 = arith.constant 32 : index
      %get3A_675 = tpu.vector_load %arg10[%get3A_673, %get3A_674] {strides = array<i32>} : memref<80x128xf32, #tpu.memory_space<vmem>>, vector<16xf32>,
      %add3A_676 = arith.addf %get3A_670, %get3A_675 : vector<16xf32>
      %max3A_677 = arith.constant 0.000000e+00 : f32
      %max3A_678 = vector.broadcast %max3A_677 : f32 to vector<16xf32>
      %max3A_679 = arith.maximumf %add3A_676, %max3A_678 : vector<16xf32>
      %add3A_680 = arith.constant 0 : i32
      %add3A_681 = arith.addi %add3A_629, %add3A_680 : i32
      %swap3A_682 = arith.index_cast %add3A_681 : i32 to index
      %swap3A_683 = arith.constant 32 : index
      %swap3A_684 = tpu.vector_load %arg9[%swap3A_682, %swap3A_683] {strides = array<i32>} : memref<80x128xf32, #tpu.memory_space<vmem>>, vector<16xf32>,
      tpu.vector_store %arg9[%swap3A_682, %swap3A_683], %max3A_679 {strides = array<i32>} : memref<80x128xf32, #tpu.memory_space<vmem>>, vector<16xf32>,
      %add3A_685 = arith.constant 0 : i32
      %add3A_686 = arith.addi %add3A_629, %add3A_685 : i32
      %get3A_687 = arith.index_cast %add3A_686 : i32 to index
      %get3A_688 = arith.constant 48 : index
      %get3A_689 = tpu.vector_load %arg9[%get3A_687, %get3A_688] {strides = array<i32>} : memref<80x128xf32, #tpu.memory_space<vmem>>, vector<16xf32>,
      %add3A_690 = arith.constant 0 : i32
      %add3A_691 = arith.addi %add3A_629, %add3A_690 : i32
      %get3A_692 = arith.index_cast %add3A_691 : i32 to index
      %get3A_693 = arith.constant 48 : index
      %get3A_694 = tpu.vector_load %arg10[%get3A_692, %get3A_693] {strides = array<i32>} : memref<80x128xf32, #tpu.memory_space<vmem>>, vector<16xf32>,
      %add3A_695 = arith.addf %get3A_689, %get3A_694 : vector<16xf32>
      %max3A_696 = arith.constant 0.000000e+00 : f32
      %max3A_697 = vector.broadcast %max3A_696 : f32 to vector<16xf32>
      %max3A_698 = arith.maximumf %add3A_695, %max3A_697 : vector<16xf32>
      %add3A_699 = arith.constant 0 : i32
      %add3A_700 = arith.addi %add3A_629, %add3A_699 : i32
      %swap3A_701 = arith.index_cast %add3A_700 : i32 to index
      %swap3A_702 = arith.constant 48 : index
      %swap3A_703 = tpu.vector_load %arg9[%swap3A_701, %swap3A_702] {strides = array<i32>} : memref<80x128xf32, #tpu.memory_space<vmem>>, vector<16xf32>,
      tpu.vector_store %arg9[%swap3A_701, %swap3A_702], %max3A_698 {strides = array<i32>} : memref<80x128xf32, #tpu.memory_space<vmem>>, vector<16xf32>,
      %add3A_704 = arith.constant 0 : i32
      %add3A_705 = arith.addi %add3A_629, %add3A_704 : i32
      %get3A_706 = arith.index_cast %add3A_705 : i32 to index
      %get3A_707 = arith.constant 64 : index
      %get3A_708 = tpu.vector_load %arg9[%get3A_706, %get3A_707] {strides = array<i32>} : memref<80x128xf32, #tpu.memory_space<vmem>>, vector<16xf32>,
      %add3A_709 = arith.constant 0 : i32
      %add3A_710 = arith.addi %add3A_629, %add3A_709 : i32
      %get3A_711 = arith.index_cast %add3A_710 : i32 to index
      %get3A_712 = arith.constant 64 : index
      %get3A_713 = tpu.vector_load %arg10[%get3A_711, %get3A_712] {strides = array<i32>} : memref<80x128xf32, #tpu.memory_space<vmem>>, vector<16xf32>,
      %add3A_714 = arith.addf %get3A_708, %get3A_713 : vector<16xf32>
      %max3A_715 = arith.constant 0.000000e+00 : f32
      %max3A_716 = vector.broadcast %max3A_715 : f32 to vector<16xf32>
      %max3A_717 = arith.maximumf %add3A_714, %max3A_716 : vector<16xf32>
      %add3A_718 = arith.constant 0 : i32
      %add3A_719 = arith.addi %add3A_629, %add3A_718 : i32
      %swap3A_720 = arith.index_cast %add3A_719 : i32 to index
      %swap3A_721 = arith.constant 64 : index
      %swap3A_722 = tpu.vector_load %arg9[%swap3A_720, %swap3A_721] {strides = array<i32>} : memref<80x128xf32, #tpu.memory_space<vmem>>, vector<16xf32>,
      tpu.vector_store %arg9[%swap3A_720, %swap3A_721], %max3A_717 {strides = array<i32>} : memref<80x128xf32, #tpu.memory_space<vmem>>, vector<16xf32>,
      %add3A_723 = arith.constant 0 : i32
      %add3A_724 = arith.addi %add3A_629, %add3A_723 : i32
      %get3A_725 = arith.index_cast %add3A_724 : i32 to index
      %get3A_726 = arith.constant 80 : index
      %get3A_727 = tpu.vector_load %arg9[%get3A_725, %get3A_726] {strides = array<i32>} : memref<80x128xf32, #tpu.memory_space<vmem>>, vector<16xf32>,
      %add3A_728 = arith.constant 0 : i32
      %add3A_729 = arith.addi %add3A_629, %add3A_728 : i32
      %get3A_730 = arith.index_cast %add3A_729 : i32 to index
      %get3A_731 = arith.constant 80 : index
      %get3A_732 = tpu.vector_load %arg10[%get3A_730, %get3A_731] {strides = array<i32>} : memref<80x128xf32, #tpu.memory_space<vmem>>, vector<16xf32>,
      %add3A_733 = arith.addf %get3A_727, %get3A_732 : vector<16xf32>
      %max3A_734 = arith.constant 0.000000e+00 : f32
      %max3A_735 = vector.broadcast %max3A_734 : f32 to vector<16xf32>
      %max3A_736 = arith.maximumf %add3A_733, %max3A_735 : vector<16xf32>
      %add3A_737 = arith.constant 0 : i32
      %add3A_738 = arith.addi %add3A_629, %add3A_737 : i32
      %swap3A_739 = arith.index_cast %add3A_738 : i32 to index
      %swap3A_740 = arith.constant 80 : index
      %swap3A_741 = tpu.vector_load %arg9[%swap3A_739, %swap3A_740] {strides = array<i32>} : memref<80x128xf32, #tpu.memory_space<vmem>>, vector<16xf32>,
      tpu.vector_store %arg9[%swap3A_739, %swap3A_740], %max3A_736 {strides = array<i32>} : memref<80x128xf32, #tpu.memory_space<vmem>>, vector<16xf32>,
      %add3A_742 = arith.constant 0 : i32
      %add3A_743 = arith.addi %add3A_629, %add3A_742 : i32
      %get3A_744 = arith.index_cast %add3A_743 : i32 to index
      %get3A_745 = arith.constant 96 : index
      %get3A_746 = tpu.vector_load %arg9[%get3A_744, %get3A_745] {strides = array<i32>} : memref<80x128xf32, #tpu.memory_space<vmem>>, vector<16xf32>,
      %add3A_747 = arith.constant 0 : i32
      %add3A_748 = arith.addi %add3A_629, %add3A_747 : i32
      %get3A_749 = arith.index_cast %add3A_748 : i32 to index
      %get3A_750 = arith.constant 96 : index
      %get3A_751 = tpu.vector_load %arg10[%get3A_749, %get3A_750] {strides = array<i32>} : memref<80x128xf32, #tpu.memory_space<vmem>>, vector<16xf32>,
      %add3A_752 = arith.addf %get3A_746, %get3A_751 : vector<16xf32>
      %max3A_753 = arith.constant 0.000000e+00 : f32
      %max3A_754 = vector.broadcast %max3A_753 : f32 to vector<16xf32>
      %max3A_755 = arith.maximumf %add3A_752, %max3A_754 : vector<16xf32>
      %add3A_756 = arith.constant 0 : i32
      %add3A_757 = arith.addi %add3A_629, %add3A_756 : i32
      %swap3A_758 = arith.index_cast %add3A_757 : i32 to index
      %swap3A_759 = arith.constant 96 : index
      %swap3A_760 = tpu.vector_load %arg9[%swap3A_758, %swap3A_759] {strides = array<i32>} : memref<80x128xf32, #tpu.memory_space<vmem>>, vector<16xf32>,
      tpu.vector_store %arg9[%swap3A_758, %swap3A_759], %max3A_755 {strides = array<i32>} : memref<80x128xf32, #tpu.memory_space<vmem>>, vector<16xf32>,
      %add3A_761 = arith.constant 0 : i32
      %add3A_762 = arith.addi %add3A_629, %add3A_761 : i32
      %get3A_763 = arith.index_cast %add3A_762 : i32 to index
      %get3A_764 = arith.constant 112 : index
      %get3A_765 = tpu.vector_load %arg9[%get3A_763, %get3A_764] {strides = array<i32>} : memref<80x128xf32, #tpu.memory_space<vmem>>, vector<16xf32>,
      %add3A_766 = arith.constant 0 : i32
      %add3A_767 = arith.addi %add3A_629, %add3A_766 : i32
      %get3A_768 = arith.index_cast %add3A_767 : i32 to index
      %get3A_769 = arith.constant 112 : index
      %get3A_770 = tpu.vector_load %arg10[%get3A_768, %get3A_769] {strides = array<i32>} : memref<80x128xf32, #tpu.memory_space<vmem>>, vector<16xf32>,
      %add3A_771 = arith.addf %get3A_765, %get3A_770 : vector<16xf32>
      %max3A_772 = arith.constant 0.000000e+00 : f32
      %max3A_773 = vector.broadcast %max3A_772 : f32 to vector<16xf32>
      %max3A_774 = arith.maximumf %add3A_771, %max3A_773 : vector<16xf32>
      %add3A_775 = arith.constant 0 : i32
      %add3A_776 = arith.addi %add3A_629, %add3A_775 : i32
      %swap3A_777 = arith.index_cast %add3A_776 : i32 to index
      %swap3A_778 = arith.constant 112 : index
      %swap3A_779 = tpu.vector_load %arg9[%swap3A_777, %swap3A_778] {strides = array<i32>} : memref<80x128xf32, #tpu.memory_space<vmem>>, vector<16xf32>,
      tpu.vector_store %arg9[%swap3A_777, %swap3A_778], %max3A_774 {strides = array<i32>} : memref<80x128xf32, #tpu.memory_space<vmem>>, vector<16xf32>,
      %add3A_780 = arith.constant 1 : i32
      %add3A_781 = arith.addi %add3A_629, %add3A_780 : i32
      %get3A_782 = arith.index_cast %add3A_781 : i32 to index
      %get3A_783 = arith.constant 0 : index
      %get3A_784 = tpu.vector_load %arg9[%get3A_782, %get3A_783] {strides = array<i32>} : memref<80x128xf32, #tpu.memory_space<vmem>>, vector<16xf32>,
      %add3A_785 = arith.constant 1 : i32
      %add3A_786 = arith.addi %add3A_629, %add3A_785 : i32
      %get3A_787 = arith.index_cast %add3A_786 : i32 to index
      %get3A_788 = arith.constant 0 : index
      %get3A_789 = tpu.vector_load %arg10[%get3A_787, %get3A_788] {strides = array<i32>} : memref<80x128xf32, #tpu.memory_space<vmem>>, vector<16xf32>,
      %add3A_790 = arith.addf %get3A_784, %get3A_789 : vector<16xf32>
      %max3A_791 = arith.constant 0.000000e+00 : f32
      %max3A_792 = vector.broadcast %max3A_791 : f32 to vector<16xf32>
      %max3A_793 = arith.maximumf %add3A_790, %max3A_792 : vector<16xf32>
      %add3A_794 = arith.constant 1 : i32
      %add3A_795 = arith.addi %add3A_629, %add3A_794 : i32
      %swap3A_796 = arith.index_cast %add3A_795 : i32 to index
      %swap3A_797 = arith.constant 0 : index
      %swap3A_798 = tpu.vector_load %arg9[%swap3A_796, %swap3A_797] {strides = array<i32>} : memref<80x128xf32, #tpu.memory_space<vmem>>, vector<16xf32>,
      tpu.vector_store %arg9[%swap3A_796, %swap3A_797], %max3A_793 {strides = array<i32>} : memref<80x128xf32, #tpu.memory_space<vmem>>, vector<16xf32>,
      %add3A_799 = arith.constant 1 : i32
      %add3A_800 = arith.addi %add3A_629, %add3A_799 : i32
      %get3A_801 = arith.index_cast %add3A_800 : i32 to index
      %get3A_802 = arith.constant 16 : index
      %get3A_803 = tpu.vector_load %arg9[%get3A_801, %get3A_802] {strides = array<i32>} : memref<80x128xf32, #tpu.memory_space<vmem>>, vector<16xf32>,
      %add3A_804 = arith.constant 1 : i32
      %add3A_805 = arith.addi %add3A_629, %add3A_804 : i32
      %get3A_806 = arith.index_cast %add3A_805 : i32 to index
      %get3A_807 = arith.constant 16 : index
      %get3A_808 = tpu.vector_load %arg10[%get3A_806, %get3A_807] {strides = array<i32>} : memref<80x128xf32, #tpu.memory_space<vmem>>, vector<16xf32>,
      %add3A_809 = arith.addf %get3A_803, %get3A_808 : vector<16xf32>
      %max3A_810 = arith.constant 0.000000e+00 : f32
      %max3A_811 = vector.broadcast %max3A_810 : f32 to vector<16xf32>
      %max3A_812 = arith.maximumf %add3A_809, %max3A_811 : vector<16xf32>
      %add3A_813 = arith.constant 1 : i32
      %add3A_814 = arith.addi %add3A_629, %add3A_813 : i32
      %swap3A_815 = arith.index_cast %add3A_814 : i32 to index
      %swap3A_816 = arith.constant 16 : index
      %swap3A_817 = tpu.vector_load %arg9[%swap3A_815, %swap3A_816] {strides = array<i32>} : memref<80x128xf32, #tpu.memory_space<vmem>>, vector<16xf32>,
      tpu.vector_store %arg9[%swap3A_815, %swap3A_816], %max3A_812 {strides = array<i32>} : memref<80x128xf32, #tpu.memory_space<vmem>>, vector<16xf32>,
      %add3A_818 = arith.constant 1 : i32
      %add3A_819 = arith.addi %add3A_629, %add3A_818 : i32
      %get3A_820 = arith.index_cast %add3A_819 : i32 to index
      %get3A_821 = arith.constant 32 : index
      %get3A_822 = tpu.vector_load %arg9[%get3A_820, %get3A_821] {strides = array<i32>} : memref<80x128xf32, #tpu.memory_space<vmem>>, vector<16xf32>,
      %add3A_823 = arith.constant 1 : i32
      %add3A_824 = arith.addi %add3A_629, %add3A_823 : i32
      %get3A_825 = arith.index_cast %add3A_824 : i32 to index
      %get3A_826 = arith.constant 32 : index
      %get3A_827 = tpu.vector_load %arg10[%get3A_825, %get3A_826] {strides = array<i32>} : memref<80x128xf32, #tpu.memory_space<vmem>>, vector<16xf32>,
      %add3A_828 = arith.addf %get3A_822, %get3A_827 : vector<16xf32>
      %max3A_829 = arith.constant 0.000000e+00 : f32
      %max3A_830 = vector.broadcast %max3A_829 : f32 to vector<16xf32>
      %max3A_831 = arith.maximumf %add3A_828, %max3A_830 : vector<16xf32>
      %add3A_832 = arith.constant 1 : i32
      %add3A_833 = arith.addi %add3A_629, %add3A_832 : i32
      %swap3A_834 = arith.index_cast %add3A_833 : i32 to index
      %swap3A_835 = arith.constant 32 : index
      %swap3A_836 = tpu.vector_load %arg9[%swap3A_834, %swap3A_835] {strides = array<i32>} : memref<80x128xf32, #tpu.memory_space<vmem>>, vector<16xf32>,
      tpu.vector_store %arg9[%swap3A_834, %swap3A_835], %max3A_831 {strides = array<i32>} : memref<80x128xf32, #tpu.memory_space<vmem>>, vector<16xf32>,
      %add3A_837 = arith.constant 1 : i32
      %add3A_838 = arith.addi %add3A_629, %add3A_837 : i32
      %get3A_839 = arith.index_cast %add3A_838 : i32 to index
      %get3A_840 = arith.constant 48 : index
      %get3A_841 = tpu.vector_load %arg9[%get3A_839, %get3A_840] {strides = array<i32>} : memref<80x128xf32, #tpu.memory_space<vmem>>, vector<16xf32>,
      %add3A_842 = arith.constant 1 : i32
      %add3A_843 = arith.addi %add3A_629, %add3A_842 : i32
      %get3A_844 = arith.index_cast %add3A_843 : i32 to index
      %get3A_845 = arith.constant 48 : index
      %get3A_846 = tpu.vector_load %arg10[%get3A_844, %get3A_845] {strides = array<i32>} : memref<80x128xf32, #tpu.memory_space<vmem>>, vector<16xf32>,
      %add3A_847 = arith.addf %get3A_841, %get3A_846 : vector<16xf32>
      %max3A_848 = arith.constant 0.000000e+00 : f32
      %max3A_849 = vector.broadcast %max3A_848 : f32 to vector<16xf32>
      %max3A_850 = arith.maximumf %add3A_847, %max3A_849 : vector<16xf32>
      %add3A_851 = arith.constant 1 : i32
      %add3A_852 = arith.addi %add3A_629, %add3A_851 : i32
      %swap3A_853 = arith.index_cast %add3A_852 : i32 to index
      %swap3A_854 = arith.constant 48 : index
      %swap3A_855 = tpu.vector_load %arg9[%swap3A_853, %swap3A_854] {strides = array<i32>} : memref<80x128xf32, #tpu.memory_space<vmem>>, vector<16xf32>,
      tpu.vector_store %arg9[%swap3A_853, %swap3A_854], %max3A_850 {strides = array<i32>} : memref<80x128xf32, #tpu.memory_space<vmem>>, vector<16xf32>,
      %add3A_856 = arith.constant 1 : i32
      %add3A_857 = arith.addi %add3A_629, %add3A_856 : i32
      %get3A_858 = arith.index_cast %add3A_857 : i32 to index
      %get3A_859 = arith.constant 64 : index
      %get3A_860 = tpu.vector_load %arg9[%get3A_858, %get3A_859] {strides = array<i32>} : memref<80x128xf32, #tpu.memory_space<vmem>>, vector<16xf32>,
      %add3A_861 = arith.constant 1 : i32
      %add3A_862 = arith.addi %add3A_629, %add3A_861 : i32
      %get3A_863 = arith.index_cast %add3A_862 : i32 to index
      %get3A_864 = arith.constant 64 : index
      %get3A_865 = tpu.vector_load %arg10[%get3A_863, %get3A_864] {strides = array<i32>} : memref<80x128xf32, #tpu.memory_space<vmem>>, vector<16xf32>,
      %add3A_866 = arith.addf %get3A_860, %get3A_865 : vector<16xf32>
      %max3A_867 = arith.constant 0.000000e+00 : f32
      %max3A_868 = vector.broadcast %max3A_867 : f32 to vector<16xf32>
      %max3A_869 = arith.maximumf %add3A_866, %max3A_868 : vector<16xf32>
      %add3A_870 = arith.constant 1 : i32
      %add3A_871 = arith.addi %add3A_629, %add3A_870 : i32
      %swap3A_872 = arith.index_cast %add3A_871 : i32 to index
      %swap3A_873 = arith.constant 64 : index
      %swap3A_874 = tpu.vector_load %arg9[%swap3A_872, %swap3A_873] {strides = array<i32>} : memref<80x128xf32, #tpu.memory_space<vmem>>, vector<16xf32>,
      tpu.vector_store %arg9[%swap3A_872, %swap3A_873], %max3A_869 {strides = array<i32>} : memref<80x128xf32, #tpu.memory_space<vmem>>, vector<16xf32>,
      %add3A_875 = arith.constant 1 : i32
      %add3A_876 = arith.addi %add3A_629, %add3A_875 : i32
      %get3A_877 = arith.index_cast %add3A_876 : i32 to index
      %get3A_878 = arith.constant 80 : index
      %get3A_879 = tpu.vector_load %arg9[%get3A_877, %get3A_878] {strides = array<i32>} : memref<80x128xf32, #tpu.memory_space<vmem>>, vector<16xf32>,
      %add3A_880 = arith.constant 1 : i32
      %add3A_881 = arith.addi %add3A_629, %add3A_880 : i32
      %get3A_882 = arith.index_cast %add3A_881 : i32 to index
      %get3A_883 = arith.constant 80 : index
      %get3A_884 = tpu.vector_load %arg10[%get3A_882, %get3A_883] {strides = array<i32>} : memref<80x128xf32, #tpu.memory_space<vmem>>, vector<16xf32>,
      %add3A_885 = arith.addf %get3A_879, %get3A_884 : vector<16xf32>
      %max3A_886 = arith.constant 0.000000e+00 : f32
      %max3A_887 = vector.broadcast %max3A_886 : f32 to vector<16xf32>
      %max3A_888 = arith.maximumf %add3A_885, %max3A_887 : vector<16xf32>
      %add3A_889 = arith.constant 1 : i32
      %add3A_890 = arith.addi %add3A_629, %add3A_889 : i32
      %swap3A_891 = arith.index_cast %add3A_890 : i32 to index
      %swap3A_892 = arith.constant 80 : index
      %swap3A_893 = tpu.vector_load %arg9[%swap3A_891, %swap3A_892] {strides = array<i32>} : memref<80x128xf32, #tpu.memory_space<vmem>>, vector<16xf32>,
      tpu.vector_store %arg9[%swap3A_891, %swap3A_892], %max3A_888 {strides = array<i32>} : memref<80x128xf32, #tpu.memory_space<vmem>>, vector<16xf32>,
      %add3A_894 = arith.constant 1 : i32
      %add3A_895 = arith.addi %add3A_629, %add3A_894 : i32
      %get3A_896 = arith.index_cast %add3A_895 : i32 to index
      %get3A_897 = arith.constant 96 : index
      %get3A_898 = tpu.vector_load %arg9[%get3A_896, %get3A_897] {strides = array<i32>} : memref<80x128xf32, #tpu.memory_space<vmem>>, vector<16xf32>,
      %add3A_899 = arith.constant 1 : i32
      %add3A_900 = arith.addi %add3A_629, %add3A_899 : i32
      %get3A_901 = arith.index_cast %add3A_900 : i32 to index
      %get3A_902 = arith.constant 96 : index
      %get3A_903 = tpu.vector_load %arg10[%get3A_901, %get3A_902] {strides = array<i32>} : memref<80x128xf32, #tpu.memory_space<vmem>>, vector<16xf32>,
      %add3A_904 = arith.addf %get3A_898, %get3A_903 : vector<16xf32>
      %max3A_905 = arith.constant 0.000000e+00 : f32
      %max3A_906 = vector.broadcast %max3A_905 : f32 to vector<16xf32>
      %max3A_907 = arith.maximumf %add3A_904, %max3A_906 : vector<16xf32>
      %add3A_908 = arith.constant 1 : i32
      %add3A_909 = arith.addi %add3A_629, %add3A_908 : i32
      %swap3A_910 = arith.index_cast %add3A_909 : i32 to index
      %swap3A_911 = arith.constant 96 : index
      %swap3A_912 = tpu.vector_load %arg9[%swap3A_910, %swap3A_911] {strides = array<i32>} : memref<80x128xf32, #tpu.memory_space<vmem>>, vector<16xf32>,
      tpu.vector_store %arg9[%swap3A_910, %swap3A_911], %max3A_907 {strides = array<i32>} : memref<80x128xf32, #tpu.memory_space<vmem>>, vector<16xf32>,
      %add3A_913 = arith.constant 1 : i32
      %add3A_914 = arith.addi %add3A_629, %add3A_913 : i32
      %get3A_915 = arith.index_cast %add3A_914 : i32 to index
      %get3A_916 = arith.constant 112 : index
      %get3A_917 = tpu.vector_load %arg9[%get3A_915, %get3A_916] {strides = array<i32>} : memref<80x128xf32, #tpu.memory_space<vmem>>, vector<16xf32>,
      %add3A_918 = arith.constant 1 : i32
      %add3A_919 = arith.addi %add3A_629, %add3A_918 : i32
      %get3A_920 = arith.index_cast %add3A_919 : i32 to index
      %get3A_921 = arith.constant 112 : index
      %get3A_922 = tpu.vector_load %arg10[%get3A_920, %get3A_921] {strides = array<i32>} : memref<80x128xf32, #tpu.memory_space<vmem>>, vector<16xf32>,
      %add3A_923 = arith.addf %get3A_917, %get3A_922 : vector<16xf32>
      %max3A_924 = arith.constant 0.000000e+00 : f32
      %max3A_925 = vector.broadcast %max3A_924 : f32 to vector<16xf32>
      %max3A_926 = arith.maximumf %add3A_923, %max3A_925 : vector<16xf32>
      %add3A_927 = arith.constant 1 : i32
      %add3A_928 = arith.addi %add3A_629, %add3A_927 : i32
      %swap3A_929 = arith.index_cast %add3A_928 : i32 to index
      %swap3A_930 = arith.constant 112 : index
      %swap3A_931 = tpu.vector_load %arg9[%swap3A_929, %swap3A_930] {strides = array<i32>} : memref<80x128xf32, #tpu.memory_space<vmem>>, vector<16xf32>,
      tpu.vector_store %arg9[%swap3A_929, %swap3A_930], %max3A_926 {strides = array<i32>} : memref<80x128xf32, #tpu.memory_space<vmem>>, vector<16xf32>,
    }
    %scan3A_277 = arith.constant 40 : i32
    %add3A_278 = arith.constant 160 : i32
    %add3A_279 = arith.addi %mul3A_7, %add3A_278 : i32
    %dma_start3A_280 = arith.constant 0 : i32
    %dma_start3A_281 = tpu.memref_slice %arg3[%add3A_279, %dma_start3A_280] : memref<320000x128xf32, #tpu.memory_space<hbm>> -> memref<80x128xf32, #tpu.memory_space<hbm>>
    %dma_start3A_282 = arith.constant 0 : i32
    %dma_start3A_283 = tpu.memref_slice %arg3[%add3A_279, %dma_start3A_282] : memref<320000x128xf32, #tpu.memory_space<hbm>> -> memref<80x128xf32, #tpu.memory_space<hbm>>
    tpu.enqueue_dma source(%dma_start3A_283 : memref<80x128xf32, #tpu.memory_space<hbm>>) target(%arg10 : memref<80x128xf32, #tpu.memory_space<vmem>>) target_semaphore(%arg20 : memref<!tpu.dma_semaphore, #tpu.memory_space<semaphore_mem>>)
    %get3A_284 = arith.constant 1 : i32
    %get3A_285 = arith.constant 0 : i32
    %get3A_286 = arith.index_cast %get3A_284 : i32 to index
    %get3A_287 = arith.index_cast %get3A_285 : i32 to index
    %get3A_288 = arith.constant 0 : index
    %get3A_289 = tpu.vector_load %arg7[%get3A_286, %get3A_287, %get3A_288] {strides = array<i32>} : memref<4x2x80xi32, #tpu.memory_space<vmem>>, vector<16xi32>,
    tpu.vector_store_idx %arg12[%get3A_289], %broadcast_in_dim3A_2 {add = true} : memref<10240xf32, #tpu.memory_space<vmem>>[vector<16xi32>], vector<16xf32>,
    %get3A_290 = arith.constant 1 : i32
    %get3A_291 = arith.constant 0 : i32
    %get3A_292 = arith.index_cast %get3A_290 : i32 to index
    %get3A_293 = arith.index_cast %get3A_291 : i32 to index
    %get3A_294 = arith.constant 16 : index
    %get3A_295 = tpu.vector_load %arg7[%get3A_292, %get3A_293, %get3A_294] {strides = array<i32>} : memref<4x2x80xi32, #tpu.memory_space<vmem>>, vector<16xi32>,
    tpu.vector_store_idx %arg12[%get3A_295], %broadcast_in_dim3A_2 {add = true} : memref<10240xf32, #tpu.memory_space<vmem>>[vector<16xi32>], vector<16xf32>,
    %get3A_296 = arith.constant 1 : i32
    %get3A_297 = arith.constant 0 : i32
    %get3A_298 = arith.index_cast %get3A_296 : i32 to index
    %get3A_299 = arith.index_cast %get3A_297 : i32 to index
    %get3A_300 = arith.constant 32 : index
    %get3A_301 = tpu.vector_load %arg7[%get3A_298, %get3A_299, %get3A_300] {strides = array<i32>} : memref<4x2x80xi32, #tpu.memory_space<vmem>>, vector<16xi32>,
    tpu.vector_store_idx %arg12[%get3A_301], %broadcast_in_dim3A_2 {add = true} : memref<10240xf32, #tpu.memory_space<vmem>>[vector<16xi32>], vector<16xf32>,
    %get3A_302 = arith.constant 1 : i32
    %get3A_303 = arith.constant 0 : i32
    %get3A_304 = arith.index_cast %get3A_302 : i32 to index
    %get3A_305 = arith.index_cast %get3A_303 : i32 to index
    %get3A_306 = arith.constant 48 : index
    %get3A_307 = tpu.vector_load %arg7[%get3A_304, %get3A_305, %get3A_306] {strides = array<i32>} : memref<4x2x80xi32, #tpu.memory_space<vmem>>, vector<16xi32>,
    tpu.vector_store_idx %arg12[%get3A_307], %broadcast_in_dim3A_2 {add = true} : memref<10240xf32, #tpu.memory_space<vmem>>[vector<16xi32>], vector<16xf32>,
    %get3A_308 = arith.constant 1 : i32
    %get3A_309 = arith.constant 0 : i32
    %get3A_310 = arith.index_cast %get3A_308 : i32 to index
    %get3A_311 = arith.index_cast %get3A_309 : i32 to index
    %get3A_312 = arith.constant 64 : index
    %get3A_313 = tpu.vector_load %arg7[%get3A_310, %get3A_311, %get3A_312] {strides = array<i32>} : memref<4x2x80xi32, #tpu.memory_space<vmem>>, vector<16xi32>,
    tpu.vector_store_idx %arg12[%get3A_313], %broadcast_in_dim3A_2 {add = true} : memref<10240xf32, #tpu.memory_space<vmem>>[vector<16xi32>], vector<16xf32>,
    %dma_start3A_314 = arith.constant 1 : i32
    %dma_start3A_315 = arith.constant 0 : i32
    %dma_start3A_316 = arith.constant 0 : i32
    %dma_start3A_317 = tpu.memref_slice %arg7[%dma_start3A_314, %dma_start3A_315, %dma_start3A_316] : memref<4x2x80xi32, #tpu.memory_space<vmem>> -> memref<1x1x80xi32, #tpu.memory_space<vmem>>
    %dma_start3A_318 = tpu.memref_squeeze %dma_start3A_317 : memref<1x1x80xi32, #tpu.memory_space<vmem>> -> memref<80xi32, #tpu.memory_space<vmem>>
    %dma_start3A_319 = arith.constant 0 : i32
    %dma_start3A_320 = arith.constant 0 : i32
    %dma_start3A_321 = tpu.memref_slice %arg13[%dma_start3A_319, %dma_start3A_320] : memref<10240x128xf32, #tpu.memory_space<vmem_shared>> -> memref<10240x128xf32, #tpu.memory_space<vmem_shared>>
    tpu.enqueue_indirect_dma source(%arg9 : memref<80x128xf32, #tpu.memory_space<vmem>>) target(%dma_start3A_321 : memref<10240x128xf32, #tpu.memory_space<vmem_shared>>) offsets(%dma_start3A_318 : memref<80xi32, #tpu.memory_space<vmem>>) semaphore(%arg22 : memref<!tpu.dma_semaphore, #tpu.memory_space<semaphore_mem>>) {add = true}
    %dma_start3A_322 = arith.constant 3 : i32
    %dma_start3A_323 = arith.constant 3 : i32
    %dma_start3A_324 = arith.constant 0 : i32
    %dma_start3A_325 = arith.constant 0 : i32
    %dma_start3A_326 = tpu.memref_slice %arg7[%dma_start3A_323, %dma_start3A_324, %dma_start3A_325] : memref<4x2x80xi32, #tpu.memory_space<vmem>> -> memref<1x2x80xi32, #tpu.memory_space<vmem>>
    %dma_start3A_327 = tpu.memref_squeeze %dma_start3A_326 : memref<1x2x80xi32, #tpu.memory_space<vmem>> -> memref<2x80xi32, #tpu.memory_space<vmem>>
    %dma_start3A_328 = arith.constant 0 : i32
    %dma_start3A_329 = arith.constant 0 : i32
    %dma_start3A_330 = tpu.memref_slice %arg4[%add3A, %dma_start3A_322, %dma_start3A_328, %dma_start3A_329] : memref<32x125x2x80xi32, #tpu.memory_space<hbm>> -> memref<1x1x2x80xi32, #tpu.memory_space<hbm>>
    %dma_start3A_331 = tpu.memref_squeeze %dma_start3A_330 : memref<1x1x2x80xi32, #tpu.memory_space<hbm>> -> memref<2x80xi32, #tpu.memory_space<hbm>>
    %dma_start3A_332 = arith.constant 0 : i32
    %dma_start3A_333 = arith.constant 0 : i32
    %dma_start3A_334 = tpu.memref_slice %arg7[%dma_start3A_323, %dma_start3A_332, %dma_start3A_333] : memref<4x2x80xi32, #tpu.memory_space<vmem>> -> memref<1x2x80xi32, #tpu.memory_space<vmem>>
    %dma_start3A_335 = tpu.memref_squeeze %dma_start3A_334 : memref<1x2x80xi32, #tpu.memory_space<vmem>> -> memref<2x80xi32, #tpu.memory_space<vmem>>
    %dma_start3A_336 = arith.constant 0 : i32
    %dma_start3A_337 = arith.constant 0 : i32
    %dma_start3A_338 = tpu.memref_slice %arg4[%add3A, %dma_start3A_322, %dma_start3A_336, %dma_start3A_337] : memref<32x125x2x80xi32, #tpu.memory_space<hbm>> -> memref<1x1x2x80xi32, #tpu.memory_space<hbm>>
    %dma_start3A_339 = tpu.memref_squeeze %dma_start3A_338 : memref<1x1x2x80xi32, #tpu.memory_space<hbm>> -> memref<2x80xi32, #tpu.memory_space<hbm>>
    tpu.enqueue_dma source(%dma_start3A_339 : memref<2x80xi32, #tpu.memory_space<hbm>>) target(%dma_start3A_335 : memref<2x80xi32, #tpu.memory_space<vmem>>) target_semaphore(%arg17 : memref<!tpu.dma_semaphore, #tpu.memory_space<semaphore_mem>>)
    %scan3A_340 = arith.constant 0 : i32
    %scan3A_341 = arith.constant 30 : i32
    %scan3A_342 = arith.addi %scan3A_340, %scan3A_341 : i32
    %scan3A_343 = arith.constant 1 : i32
    scf.for %scan3A_625 = %scan3A_340 to %scan3A_342 step %scan3A_343  : i32 {
      %mul3A_626 = arith.constant 1 : i32
      %mul3A_627 = arith.muli %scan3A_625, %mul3A_626 : i32
      %add3A_628 = arith.constant 0 : i32
      %add3A_629 = arith.addi %add3A_628, %mul3A_627 : i32
      %mul3A_630 = arith.constant 4 : i32
      %mul3A_631 = arith.muli %mul3A_630, %add3A_629 : i32
      %add3A_632 = arith.constant 2 : i32
      %add3A_633 = arith.addi %add3A_632, %mul3A_631 : i32
      %add3A_634 = arith.constant 0 : i32
      %add3A_635 = arith.addi %add3A_633, %add3A_634 : i32
      %dma_wait3A_636 = arith.constant 0 : i32
      %dma_wait3A_637 = arith.constant 3 : i32
      %dma_wait3A_638 = arith.constant 0 : i32
      %dma_wait3A_639 = arith.constant 0 : i32
      %dma_wait3A_640 = tpu.memref_slice %arg7[%dma_wait3A_637, %dma_wait3A_638, %dma_wait3A_639] : memref<4x2x80xi32, #tpu.memory_space<vmem>> -> memref<1x2x80xi32, #tpu.memory_space<vmem>>
      %dma_wait3A_641 = tpu.memref_squeeze %dma_wait3A_640 : memref<1x2x80xi32, #tpu.memory_space<vmem>> -> memref<2x80xi32, #tpu.memory_space<vmem>>
      %dma_wait3A_642 = arith.constant 0 : i32
      %dma_wait3A_643 = arith.constant 0 : i32
      %dma_wait3A_644 = tpu.memref_slice %arg4[%add3A, %dma_wait3A_636, %dma_wait3A_642, %dma_wait3A_643] : memref<32x125x2x80xi32, #tpu.memory_space<hbm>> -> memref<1x1x2x80xi32, #tpu.memory_space<hbm>>
      %dma_wait3A_645 = tpu.memref_squeeze %dma_wait3A_644 : memref<1x1x2x80xi32, #tpu.memory_space<hbm>> -> memref<2x80xi32, #tpu.memory_space<hbm>>
      %dma_wait3A_646 = arith.constant 0 : i32
      %dma_wait3A_647 = arith.constant 0 : i32
      %dma_wait3A_648 = tpu.memref_slice %arg7[%dma_wait3A_637, %dma_wait3A_646, %dma_wait3A_647] : memref<4x2x80xi32, #tpu.memory_space<vmem>> -> memref<1x2x80xi32, #tpu.memory_space<vmem>>
      %dma_wait3A_649 = tpu.memref_squeeze %dma_wait3A_648 : memref<1x2x80xi32, #tpu.memory_space<vmem>> -> memref<2x80xi32, #tpu.memory_space<vmem>>
      %dma_wait3A_650 = arith.constant 0 : i32
      %dma_wait3A_651 = arith.constant 0 : i32
      %dma_wait3A_652 = tpu.memref_slice %arg4[%add3A, %dma_wait3A_636, %dma_wait3A_650, %dma_wait3A_651] : memref<32x125x2x80xi32, #tpu.memory_space<hbm>> -> memref<1x1x2x80xi32, #tpu.memory_space<hbm>>
      %dma_wait3A_653 = tpu.memref_squeeze %dma_wait3A_652 : memref<1x1x2x80xi32, #tpu.memory_space<hbm>> -> memref<2x80xi32, #tpu.memory_space<hbm>>
      tpu.wait_dma2 semaphore(%arg17 : memref<!tpu.dma_semaphore, #tpu.memory_space<semaphore_mem>>) src(%dma_wait3A_653 : memref<2x80xi32, #tpu.memory_space<hbm>>) dst(%dma_wait3A_649 : memref<2x80xi32, #tpu.memory_space<vmem>>)
      %dma_wait3A_654 = arith.constant 2 : i32
      %dma_wait3A_655 = arith.constant 1 : i32
      %dma_wait3A_656 = arith.constant 0 : i32
      %dma_wait3A_657 = tpu.memref_slice %arg7[%dma_wait3A_654, %dma_wait3A_655, %dma_wait3A_656] : memref<4x2x80xi32, #tpu.memory_space<vmem>> -> memref<1x1x80xi32, #tpu.memory_space<vmem>>
      %dma_wait3A_658 = tpu.memref_squeeze %dma_wait3A_657 : memref<1x1x80xi32, #tpu.memory_space<vmem>> -> memref<80xi32, #tpu.memory_space<vmem>>
      %dma_wait3A_659 = arith.constant 0 : i32
      %dma_wait3A_660 = arith.constant 0 : i32
      %dma_wait3A_661 = tpu.memref_slice %arg2[%dma_wait3A_659, %dma_wait3A_660] : memref<10000x128xf32, #tpu.memory_space<hbm>> -> memref<10000x128xf32, #tpu.memory_space<hbm>>
      tpu.wait_indirect_dma semaphore(%arg18 : memref<!tpu.dma_semaphore, #tpu.memory_space<semaphore_mem>>) src(%dma_wait3A_661 : memref<10000x128xf32, #tpu.memory_space<hbm>>) dst(%arg8 : memref<80x128xf32, #tpu.memory_space<vmem>>)
      %dma_wait3A_662 = arith.constant 0 : i32
      %dma_wait3A_663 = tpu.memref_slice %arg3[%mul3A_7, %dma_wait3A_662] : memref<320000x128xf32, #tpu.memory_space<hbm>> -> memref<80x128xf32, #tpu.memory_space<hbm>>
      %dma_wait3A_664 = arith.constant 0 : i32
      %dma_wait3A_665 = tpu.memref_slice %arg3[%mul3A_7, %dma_wait3A_664] : memref<320000x128xf32, #tpu.memory_space<hbm>> -> memref<80x128xf32, #tpu.memory_space<hbm>>
      tpu.wait_dma2 semaphore(%arg20 : memref<!tpu.dma_semaphore, #tpu.memory_space<semaphore_mem>>) src(%dma_wait3A_665 : memref<80x128xf32, #tpu.memory_space<hbm>>) dst(%arg10 : memref<80x128xf32, #tpu.memory_space<vmem>>)
      %dma_wait3A_666 = arith.constant 1 : i32
      %dma_wait3A_667 = arith.constant 0 : i32
      %dma_wait3A_668 = arith.constant 0 : i32
      %dma_wait3A_669 = tpu.memref_slice %arg7[%dma_wait3A_666, %dma_wait3A_667, %dma_wait3A_668] : memref<4x2x80xi32, #tpu.memory_space<vmem>> -> memref<1x1x80xi32, #tpu.memory_space<vmem>>
      %dma_wait3A_670 = tpu.memref_squeeze %dma_wait3A_669 : memref<1x1x80xi32, #tpu.memory_space<vmem>> -> memref<80xi32, #tpu.memory_space<vmem>>
      %dma_wait3A_671 = arith.constant 0 : i32
      %dma_wait3A_672 = arith.constant 0 : i32
      %dma_wait3A_673 = tpu.memref_slice %arg13[%dma_wait3A_671, %dma_wait3A_672] : memref<10240x128xf32, #tpu.memory_space<vmem_shared>> -> memref<10240x128xf32, #tpu.memory_space<vmem_shared>>
      tpu.wait_indirect_dma semaphore(%arg22 : memref<!tpu.dma_semaphore, #tpu.memory_space<semaphore_mem>>) src(%arg9 : memref<80x128xf32, #tpu.memory_space<vmem>>) dst(%dma_wait3A_673 : memref<10240x128xf32, #tpu.memory_space<vmem_shared>>)
      %add3A_674 = arith.constant 1 : i32
      %add3A_675 = arith.addi %add3A_635, %add3A_674 : i32
      %dma_start3A_676 = arith.constant 3 : i32
      %dma_start3A_677 = arith.constant 1 : i32
      %dma_start3A_678 = arith.constant 0 : i32
      %dma_start3A_679 = tpu.memref_slice %arg7[%dma_start3A_676, %dma_start3A_677, %dma_start3A_678] : memref<4x2x80xi32, #tpu.memory_space<vmem>> -> memref<1x1x80xi32, #tpu.memory_space<vmem>>
      %dma_start3A_680 = tpu.memref_squeeze %dma_start3A_679 : memref<1x1x80xi32, #tpu.memory_space<vmem>> -> memref<80xi32, #tpu.memory_space<vmem>>
      %dma_start3A_681 = arith.constant 0 : i32
      %dma_start3A_682 = arith.constant 0 : i32
      %dma_start3A_683 = tpu.memref_slice %arg2[%dma_start3A_681, %dma_start3A_682] : memref<10000x128xf32, #tpu.memory_space<hbm>> -> memref<10000x128xf32, #tpu.memory_space<hbm>>
      tpu.enqueue_indirect_dma source(%dma_start3A_683 : memref<10000x128xf32, #tpu.memory_space<hbm>>) target(%arg9 : memref<80x128xf32, #tpu.memory_space<vmem>>) offsets(%dma_start3A_680 : memref<80xi32, #tpu.memory_space<vmem>>) semaphore(%arg19 : memref<!tpu.dma_semaphore, #tpu.memory_space<semaphore_mem>>)
      %scan3A_684 = arith.constant 0 : i32
      %scan3A_685 = arith.constant 40 : i32
      %scan3A_686 = arith.addi %scan3A_684, %scan3A_685 : i32
      %scan3A_687 = arith.constant 1 : i32
      scf.for %scan3A_1118 = %scan3A_684 to %scan3A_686 step %scan3A_687  : i32 {
        %mul3A_1119 = arith.constant 2 : i32
        %mul3A_1120 = arith.muli %scan3A_1118, %mul3A_1119 : i32
        %add3A_1121 = arith.constant 0 : i32
        %add3A_1122 = arith.addi %add3A_1121, %mul3A_1120 : i32
        %add3A_1123 = arith.constant 0 : i32
        %add3A_1124 = arith.addi %add3A_1122, %add3A_1123 : i32
        %get3A_1125 = arith.index_cast %add3A_1124 : i32 to index
        %get3A_1126 = arith.constant 0 : index
        %get3A_1127 = tpu.vector_load %arg8[%get3A_1125, %get3A_1126] {strides = array<i32>} : memref<80x128xf32, #tpu.memory_space<vmem>>, vector<16xf32>,
        %add3A_1128 = arith.constant 0 : i32
        %add3A_1129 = arith.addi %add3A_1122, %add3A_1128 : i32
        %get3A_1130 = arith.index_cast %add3A_1129 : i32 to index
        %get3A_1131 = arith.constant 0 : index
        %get3A_1132 = tpu.vector_load %arg10[%get3A_1130, %get3A_1131] {strides = array<i32>} : memref<80x128xf32, #tpu.memory_space<vmem>>, vector<16xf32>,
        %add3A_1133 = arith.addf %get3A_1127, %get3A_1132 : vector<16xf32>
        %max3A = arith.constant 0.000000e+00 : f32
        %max3A_1134 = vector.broadcast %max3A : f32 to vector<16xf32>
        %max3A_1135 = arith.maximumf %add3A_1133, %max3A_1134 : vector<16xf32>
        %add3A_1136 = arith.constant 0 : i32
        %add3A_1137 = arith.addi %add3A_1122, %add3A_1136 : i32
        %swap3A = arith.index_cast %add3A_1137 : i32 to index
        %swap3A_1138 = arith.constant 0 : index
        %swap3A_1139 = tpu.vector_load %arg8[%swap3A, %swap3A_1138] {strides = array<i32>} : memref<80x128xf32, #tpu.memory_space<vmem>>, vector<16xf32>,
        tpu.vector_store %arg8[%swap3A, %swap3A_1138], %max3A_1135 {strides = array<i32>} : memref<80x128xf32, #tpu.memory_space<vmem>>, vector<16xf32>,
        %add3A_1140 = arith.constant 0 : i32
        %add3A_1141 = arith.addi %add3A_1122, %add3A_1140 : i32
        %get3A_1142 = arith.index_cast %add3A_1141 : i32 to index
        %get3A_1143 = arith.constant 16 : index
        %get3A_1144 = tpu.vector_load %arg8[%get3A_1142, %get3A_1143] {strides = array<i32>} : memref<80x128xf32, #tpu.memory_space<vmem>>, vector<16xf32>,
        %add3A_1145 = arith.constant 0 : i32
        %add3A_1146 = arith.addi %add3A_1122, %add3A_1145 : i32
        %get3A_1147 = arith.index_cast %add3A_1146 : i32 to index
        %get3A_1148 = arith.constant 16 : index
        %get3A_1149 = tpu.vector_load %arg10[%get3A_1147, %get3A_1148] {strides = array<i32>} : memref<80x128xf32, #tpu.memory_space<vmem>>, vector<16xf32>,
        %add3A_1150 = arith.addf %get3A_1144, %get3A_1149 : vector<16xf32>
        %max3A_1151 = arith.constant 0.000000e+00 : f32
        %max3A_1152 = vector.broadcast %max3A_1151 : f32 to vector<16xf32>
        %max3A_1153 = arith.maximumf %add3A_1150, %max3A_1152 : vector<16xf32>
        %add3A_1154 = arith.constant 0 : i32
        %add3A_1155 = arith.addi %add3A_1122, %add3A_1154 : i32
        %swap3A_1156 = arith.index_cast %add3A_1155 : i32 to index
        %swap3A_1157 = arith.constant 16 : index
        %swap3A_1158 = tpu.vector_load %arg8[%swap3A_1156, %swap3A_1157] {strides = array<i32>} : memref<80x128xf32, #tpu.memory_space<vmem>>, vector<16xf32>,
        tpu.vector_store %arg8[%swap3A_1156, %swap3A_1157], %max3A_1153 {strides = array<i32>} : memref<80x128xf32, #tpu.memory_space<vmem>>, vector<16xf32>,
        %add3A_1159 = arith.constant 0 : i32
        %add3A_1160 = arith.addi %add3A_1122, %add3A_1159 : i32
        %get3A_1161 = arith.index_cast %add3A_1160 : i32 to index
        %get3A_1162 = arith.constant 32 : index
        %get3A_1163 = tpu.vector_load %arg8[%get3A_1161, %get3A_1162] {strides = array<i32>} : memref<80x128xf32, #tpu.memory_space<vmem>>, vector<16xf32>,
        %add3A_1164 = arith.constant 0 : i32
        %add3A_1165 = arith.addi %add3A_1122, %add3A_1164 : i32
        %get3A_1166 = arith.index_cast %add3A_1165 : i32 to index
        %get3A_1167 = arith.constant 32 : index
        %get3A_1168 = tpu.vector_load %arg10[%get3A_1166, %get3A_1167] {strides = array<i32>} : memref<80x128xf32, #tpu.memory_space<vmem>>, vector<16xf32>,
        %add3A_1169 = arith.addf %get3A_1163, %get3A_1168 : vector<16xf32>
        %max3A_1170 = arith.constant 0.000000e+00 : f32
        %max3A_1171 = vector.broadcast %max3A_1170 : f32 to vector<16xf32>
        %max3A_1172 = arith.maximumf %add3A_1169, %max3A_1171 : vector<16xf32>
        %add3A_1173 = arith.constant 0 : i32
        %add3A_1174 = arith.addi %add3A_1122, %add3A_1173 : i32
        %swap3A_1175 = arith.index_cast %add3A_1174 : i32 to index
        %swap3A_1176 = arith.constant 32 : index
        %swap3A_1177 = tpu.vector_load %arg8[%swap3A_1175, %swap3A_1176] {strides = array<i32>} : memref<80x128xf32, #tpu.memory_space<vmem>>, vector<16xf32>,
        tpu.vector_store %arg8[%swap3A_1175, %swap3A_1176], %max3A_1172 {strides = array<i32>} : memref<80x128xf32, #tpu.memory_space<vmem>>, vector<16xf32>,
        %add3A_1178 = arith.constant 0 : i32
        %add3A_1179 = arith.addi %add3A_1122, %add3A_1178 : i32
        %get3A_1180 = arith.index_cast %add3A_1179 : i32 to index
        %get3A_1181 = arith.constant 48 : index
        %get3A_1182 = tpu.vector_load %arg8[%get3A_1180, %get3A_1181] {strides = array<i32>} : memref<80x128xf32, #tpu.memory_space<vmem>>, vector<16xf32>,
        %add3A_1183 = arith.constant 0 : i32
        %add3A_1184 = arith.addi %add3A_1122, %add3A_1183 : i32
        %get3A_1185 = arith.index_cast %add3A_1184 : i32 to index
        %get3A_1186 = arith.constant 48 : index
        %get3A_1187 = tpu.vector_load %arg10[%get3A_1185, %get3A_1186] {strides = array<i32>} : memref<80x128xf32, #tpu.memory_space<vmem>>, vector<16xf32>,
        %add3A_1188 = arith.addf %get3A_1182, %get3A_1187 : vector<16xf32>
        %max3A_1189 = arith.constant 0.000000e+00 : f32
        %max3A_1190 = vector.broadcast %max3A_1189 : f32 to vector<16xf32>
        %max3A_1191 = arith.maximumf %add3A_1188, %max3A_1190 : vector<16xf32>
        %add3A_1192 = arith.constant 0 : i32
        %add3A_1193 = arith.addi %add3A_1122, %add3A_1192 : i32
        %swap3A_1194 = arith.index_cast %add3A_1193 : i32 to index
        %swap3A_1195 = arith.constant 48 : index
        %swap3A_1196 = tpu.vector_load %arg8[%swap3A_1194, %swap3A_1195] {strides = array<i32>} : memref<80x128xf32, #tpu.memory_space<vmem>>, vector<16xf32>,
        tpu.vector_store %arg8[%swap3A_1194, %swap3A_1195], %max3A_1191 {strides = array<i32>} : memref<80x128xf32, #tpu.memory_space<vmem>>, vector<16xf32>,
        %add3A_1197 = arith.constant 0 : i32
        %add3A_1198 = arith.addi %add3A_1122, %add3A_1197 : i32
        %get3A_1199 = arith.index_cast %add3A_1198 : i32 to index
        %get3A_1200 = arith.constant 64 : index
        %get3A_1201 = tpu.vector_load %arg8[%get3A_1199, %get3A_1200] {strides = array<i32>} : memref<80x128xf32, #tpu.memory_space<vmem>>, vector<16xf32>,
        %add3A_1202 = arith.constant 0 : i32
        %add3A_1203 = arith.addi %add3A_1122, %add3A_1202 : i32
        %get3A_1204 = arith.index_cast %add3A_1203 : i32 to index
        %get3A_1205 = arith.constant 64 : index
        %get3A_1206 = tpu.vector_load %arg10[%get3A_1204, %get3A_1205] {strides = array<i32>} : memref<80x128xf32, #tpu.memory_space<vmem>>, vector<16xf32>,
        %add3A_1207 = arith.addf %get3A_1201, %get3A_1206 : vector<16xf32>
        %max3A_1208 = arith.constant 0.000000e+00 : f32
        %max3A_1209 = vector.broadcast %max3A_1208 : f32 to vector<16xf32>
        %max3A_1210 = arith.maximumf %add3A_1207, %max3A_1209 : vector<16xf32>
        %add3A_1211 = arith.constant 0 : i32
        %add3A_1212 = arith.addi %add3A_1122, %add3A_1211 : i32
        %swap3A_1213 = arith.index_cast %add3A_1212 : i32 to index
        %swap3A_1214 = arith.constant 64 : index
        %swap3A_1215 = tpu.vector_load %arg8[%swap3A_1213, %swap3A_1214] {strides = array<i32>} : memref<80x128xf32, #tpu.memory_space<vmem>>, vector<16xf32>,
        tpu.vector_store %arg8[%swap3A_1213, %swap3A_1214], %max3A_1210 {strides = array<i32>} : memref<80x128xf32, #tpu.memory_space<vmem>>, vector<16xf32>,
        %add3A_1216 = arith.constant 0 : i32
        %add3A_1217 = arith.addi %add3A_1122, %add3A_1216 : i32
        %get3A_1218 = arith.index_cast %add3A_1217 : i32 to index
        %get3A_1219 = arith.constant 80 : index
        %get3A_1220 = tpu.vector_load %arg8[%get3A_1218, %get3A_1219] {strides = array<i32>} : memref<80x128xf32, #tpu.memory_space<vmem>>, vector<16xf32>,
        %add3A_1221 = arith.constant 0 : i32
        %add3A_1222 = arith.addi %add3A_1122, %add3A_1221 : i32
        %get3A_1223 = arith.index_cast %add3A_1222 : i32 to index
        %get3A_1224 = arith.constant 80 : index
        %get3A_1225 = tpu.vector_load %arg10[%get3A_1223, %get3A_1224] {strides = array<i32>} : memref<80x128xf32, #tpu.memory_space<vmem>>, vector<16xf32>,
        %add3A_1226 = arith.addf %get3A_1220, %get3A_1225 : vector<16xf32>
        %max3A_1227 = arith.constant 0.000000e+00 : f32
        %max3A_1228 = vector.broadcast %max3A_1227 : f32 to vector<16xf32>
        %max3A_1229 = arith.maximumf %add3A_1226, %max3A_1228 : vector<16xf32>
        %add3A_1230 = arith.constant 0 : i32
        %add3A_1231 = arith.addi %add3A_1122, %add3A_1230 : i32
        %swap3A_1232 = arith.index_cast %add3A_1231 : i32 to index
        %swap3A_1233 = arith.constant 80 : index
        %swap3A_1234 = tpu.vector_load %arg8[%swap3A_1232, %swap3A_1233] {strides = array<i32>} : memref<80x128xf32, #tpu.memory_space<vmem>>, vector<16xf32>,
        tpu.vector_store %arg8[%swap3A_1232, %swap3A_1233], %max3A_1229 {strides = array<i32>} : memref<80x128xf32, #tpu.memory_space<vmem>>, vector<16xf32>,
        %add3A_1235 = arith.constant 0 : i32
        %add3A_1236 = arith.addi %add3A_1122, %add3A_1235 : i32
        %get3A_1237 = arith.index_cast %add3A_1236 : i32 to index
        %get3A_1238 = arith.constant 96 : index
        %get3A_1239 = tpu.vector_load %arg8[%get3A_1237, %get3A_1238] {strides = array<i32>} : memref<80x128xf32, #tpu.memory_space<vmem>>, vector<16xf32>,
        %add3A_1240 = arith.constant 0 : i32
        %add3A_1241 = arith.addi %add3A_1122, %add3A_1240 : i32
        %get3A_1242 = arith.index_cast %add3A_1241 : i32 to index
        %get3A_1243 = arith.constant 96 : index
        %get3A_1244 = tpu.vector_load %arg10[%get3A_1242, %get3A_1243] {strides = array<i32>} : memref<80x128xf32, #tpu.memory_space<vmem>>, vector<16xf32>,
        %add3A_1245 = arith.addf %get3A_1239, %get3A_1244 : vector<16xf32>
        %max3A_1246 = arith.constant 0.000000e+00 : f32
        %max3A_1247 = vector.broadcast %max3A_1246 : f32 to vector<16xf32>
        %max3A_1248 = arith.maximumf %add3A_1245, %max3A_1247 : vector<16xf32>
        %add3A_1249 = arith.constant 0 : i32
        %add3A_1250 = arith.addi %add3A_1122, %add3A_1249 : i32
        %swap3A_1251 = arith.index_cast %add3A_1250 : i32 to index
        %swap3A_1252 = arith.constant 96 : index
        %swap3A_1253 = tpu.vector_load %arg8[%swap3A_1251, %swap3A_1252] {strides = array<i32>} : memref<80x128xf32, #tpu.memory_space<vmem>>, vector<16xf32>,
        tpu.vector_store %arg8[%swap3A_1251, %swap3A_1252], %max3A_1248 {strides = array<i32>} : memref<80x128xf32, #tpu.memory_space<vmem>>, vector<16xf32>,
        %add3A_1254 = arith.constant 0 : i32
        %add3A_1255 = arith.addi %add3A_1122, %add3A_1254 : i32
        %get3A_1256 = arith.index_cast %add3A_1255 : i32 to index
        %get3A_1257 = arith.constant 112 : index
        %get3A_1258 = tpu.vector_load %arg8[%get3A_1256, %get3A_1257] {strides = array<i32>} : memref<80x128xf32, #tpu.memory_space<vmem>>, vector<16xf32>,
        %add3A_1259 = arith.constant 0 : i32
        %add3A_1260 = arith.addi %add3A_1122, %add3A_1259 : i32
        %get3A_1261 = arith.index_cast %add3A_1260 : i32 to index
        %get3A_1262 = arith.constant 112 : index
        %get3A_1263 = tpu.vector_load %arg10[%get3A_1261, %get3A_1262] {strides = array<i32>} : memref<80x128xf32, #tpu.memory_space<vmem>>, vector<16xf32>,
        %add3A_1264 = arith.addf %get3A_1258, %get3A_1263 : vector<16xf32>
        %max3A_1265 = arith.constant 0.000000e+00 : f32
        %max3A_1266 = vector.broadcast %max3A_1265 : f32 to vector<16xf32>
        %max3A_1267 = arith.maximumf %add3A_1264, %max3A_1266 : vector<16xf32>
        %add3A_1268 = arith.constant 0 : i32
        %add3A_1269 = arith.addi %add3A_1122, %add3A_1268 : i32
        %swap3A_1270 = arith.index_cast %add3A_1269 : i32 to index
        %swap3A_1271 = arith.constant 112 : index
        %swap3A_1272 = tpu.vector_load %arg8[%swap3A_1270, %swap3A_1271] {strides = array<i32>} : memref<80x128xf32, #tpu.memory_space<vmem>>, vector<16xf32>,
        tpu.vector_store %arg8[%swap3A_1270, %swap3A_1271], %max3A_1267 {strides = array<i32>} : memref<80x128xf32, #tpu.memory_space<vmem>>, vector<16xf32>,
        %add3A_1273 = arith.constant 1 : i32
        %add3A_1274 = arith.addi %add3A_1122, %add3A_1273 : i32
        %get3A_1275 = arith.index_cast %add3A_1274 : i32 to index
        %get3A_1276 = arith.constant 0 : index
        %get3A_1277 = tpu.vector_load %arg8[%get3A_1275, %get3A_1276] {strides = array<i32>} : memref<80x128xf32, #tpu.memory_space<vmem>>, vector<16xf32>,
        %add3A_1278 = arith.constant 1 : i32
        %add3A_1279 = arith.addi %add3A_1122, %add3A_1278 : i32
        %get3A_1280 = arith.index_cast %add3A_1279 : i32 to index
        %get3A_1281 = arith.constant 0 : index
        %get3A_1282 = tpu.vector_load %arg10[%get3A_1280, %get3A_1281] {strides = array<i32>} : memref<80x128xf32, #tpu.memory_space<vmem>>, vector<16xf32>,
        %add3A_1283 = arith.addf %get3A_1277, %get3A_1282 : vector<16xf32>
        %max3A_1284 = arith.constant 0.000000e+00 : f32
        %max3A_1285 = vector.broadcast %max3A_1284 : f32 to vector<16xf32>
        %max3A_1286 = arith.maximumf %add3A_1283, %max3A_1285 : vector<16xf32>
        %add3A_1287 = arith.constant 1 : i32
        %add3A_1288 = arith.addi %add3A_1122, %add3A_1287 : i32
        %swap3A_1289 = arith.index_cast %add3A_1288 : i32 to index
        %swap3A_1290 = arith.constant 0 : index
        %swap3A_1291 = tpu.vector_load %arg8[%swap3A_1289, %swap3A_1290] {strides = array<i32>} : memref<80x128xf32, #tpu.memory_space<vmem>>, vector<16xf32>,
        tpu.vector_store %arg8[%swap3A_1289, %swap3A_1290], %max3A_1286 {strides = array<i32>} : memref<80x128xf32, #tpu.memory_space<vmem>>, vector<16xf32>,
        %add3A_1292 = arith.constant 1 : i32
        %add3A_1293 = arith.addi %add3A_1122, %add3A_1292 : i32
        %get3A_1294 = arith.index_cast %add3A_1293 : i32 to index
        %get3A_1295 = arith.constant 16 : index
        %get3A_1296 = tpu.vector_load %arg8[%get3A_1294, %get3A_1295] {strides = array<i32>} : memref<80x128xf32, #tpu.memory_space<vmem>>, vector<16xf32>,
        %add3A_1297 = arith.constant 1 : i32
        %add3A_1298 = arith.addi %add3A_1122, %add3A_1297 : i32
        %get3A_1299 = arith.index_cast %add3A_1298 : i32 to index
        %get3A_1300 = arith.constant 16 : index
        %get3A_1301 = tpu.vector_load %arg10[%get3A_1299, %get3A_1300] {strides = array<i32>} : memref<80x128xf32, #tpu.memory_space<vmem>>, vector<16xf32>,
        %add3A_1302 = arith.addf %get3A_1296, %get3A_1301 : vector<16xf32>
        %max3A_1303 = arith.constant 0.000000e+00 : f32
        %max3A_1304 = vector.broadcast %max3A_1303 : f32 to vector<16xf32>
        %max3A_1305 = arith.maximumf %add3A_1302, %max3A_1304 : vector<16xf32>
        %add3A_1306 = arith.constant 1 : i32
        %add3A_1307 = arith.addi %add3A_1122, %add3A_1306 : i32
        %swap3A_1308 = arith.index_cast %add3A_1307 : i32 to index
        %swap3A_1309 = arith.constant 16 : index
        %swap3A_1310 = tpu.vector_load %arg8[%swap3A_1308, %swap3A_1309] {strides = array<i32>} : memref<80x128xf32, #tpu.memory_space<vmem>>, vector<16xf32>,
        tpu.vector_store %arg8[%swap3A_1308, %swap3A_1309], %max3A_1305 {strides = array<i32>} : memref<80x128xf32, #tpu.memory_space<vmem>>, vector<16xf32>,
        %add3A_1311 = arith.constant 1 : i32
        %add3A_1312 = arith.addi %add3A_1122, %add3A_1311 : i32
        %get3A_1313 = arith.index_cast %add3A_1312 : i32 to index
        %get3A_1314 = arith.constant 32 : index
        %get3A_1315 = tpu.vector_load %arg8[%get3A_1313, %get3A_1314] {strides = array<i32>} : memref<80x128xf32, #tpu.memory_space<vmem>>, vector<16xf32>,
        %add3A_1316 = arith.constant 1 : i32
        %add3A_1317 = arith.addi %add3A_1122, %add3A_1316 : i32
        %get3A_1318 = arith.index_cast %add3A_1317 : i32 to index
        %get3A_1319 = arith.constant 32 : index
        %get3A_1320 = tpu.vector_load %arg10[%get3A_1318, %get3A_1319] {strides = array<i32>} : memref<80x128xf32, #tpu.memory_space<vmem>>, vector<16xf32>,
        %add3A_1321 = arith.addf %get3A_1315, %get3A_1320 : vector<16xf32>
        %max3A_1322 = arith.constant 0.000000e+00 : f32
        %max3A_1323 = vector.broadcast %max3A_1322 : f32 to vector<16xf32>
        %max3A_1324 = arith.maximumf %add3A_1321, %max3A_1323 : vector<16xf32>
        %add3A_1325 = arith.constant 1 : i32
        %add3A_1326 = arith.addi %add3A_1122, %add3A_1325 : i32
        %swap3A_1327 = arith.index_cast %add3A_1326 : i32 to index
        %swap3A_1328 = arith.constant 32 : index
        %swap3A_1329 = tpu.vector_load %arg8[%swap3A_1327, %swap3A_1328] {strides = array<i32>} : memref<80x128xf32, #tpu.memory_space<vmem>>, vector<16xf32>,
        tpu.vector_store %arg8[%swap3A_1327, %swap3A_1328], %max3A_1324 {strides = array<i32>} : memref<80x128xf32, #tpu.memory_space<vmem>>, vector<16xf32>,
        %add3A_1330 = arith.constant 1 : i32
        %add3A_1331 = arith.addi %add3A_1122, %add3A_1330 : i32
        %get3A_1332 = arith.index_cast %add3A_1331 : i32 to index
        %get3A_1333 = arith.constant 48 : index
        %get3A_1334 = tpu.vector_load %arg8[%get3A_1332, %get3A_1333] {strides = array<i32>} : memref<80x128xf32, #tpu.memory_space<vmem>>, vector<16xf32>,
        %add3A_1335 = arith.constant 1 : i32
        %add3A_1336 = arith.addi %add3A_1122, %add3A_1335 : i32
        %get3A_1337 = arith.index_cast %add3A_1336 : i32 to index
        %get3A_1338 = arith.constant 48 : index
        %get3A_1339 = tpu.vector_load %arg10[%get3A_1337, %get3A_1338] {strides = array<i32>} : memref<80x128xf32, #tpu.memory_space<vmem>>, vector<16xf32>,
        %add3A_1340 = arith.addf %get3A_1334, %get3A_1339 : vector<16xf32>
        %max3A_1341 = arith.constant 0.000000e+00 : f32
        %max3A_1342 = vector.broadcast %max3A_1341 : f32 to vector<16xf32>
        %max3A_1343 = arith.maximumf %add3A_1340, %max3A_1342 : vector<16xf32>
        %add3A_1344 = arith.constant 1 : i32
        %add3A_1345 = arith.addi %add3A_1122, %add3A_1344 : i32
        %swap3A_1346 = arith.index_cast %add3A_1345 : i32 to index
        %swap3A_1347 = arith.constant 48 : index
        %swap3A_1348 = tpu.vector_load %arg8[%swap3A_1346, %swap3A_1347] {strides = array<i32>} : memref<80x128xf32, #tpu.memory_space<vmem>>, vector<16xf32>,
        tpu.vector_store %arg8[%swap3A_1346, %swap3A_1347], %max3A_1343 {strides = array<i32>} : memref<80x128xf32, #tpu.memory_space<vmem>>, vector<16xf32>,
        %add3A_1349 = arith.constant 1 : i32
        %add3A_1350 = arith.addi %add3A_1122, %add3A_1349 : i32
        %get3A_1351 = arith.index_cast %add3A_1350 : i32 to index
        %get3A_1352 = arith.constant 64 : index
        %get3A_1353 = tpu.vector_load %arg8[%get3A_1351, %get3A_1352] {strides = array<i32>} : memref<80x128xf32, #tpu.memory_space<vmem>>, vector<16xf32>,
        %add3A_1354 = arith.constant 1 : i32
        %add3A_1355 = arith.addi %add3A_1122, %add3A_1354 : i32
        %get3A_1356 = arith.index_cast %add3A_1355 : i32 to index
        %get3A_1357 = arith.constant 64 : index
        %get3A_1358 = tpu.vector_load %arg10[%get3A_1356, %get3A_1357] {strides = array<i32>} : memref<80x128xf32, #tpu.memory_space<vmem>>, vector<16xf32>,
        %add3A_1359 = arith.addf %get3A_1353, %get3A_1358 : vector<16xf32>
        %max3A_1360 = arith.constant 0.000000e+00 : f32
        %max3A_1361 = vector.broadcast %max3A_1360 : f32 to vector<16xf32>
        %max3A_1362 = arith.maximumf %add3A_1359, %max3A_1361 : vector<16xf32>
        %add3A_1363 = arith.constant 1 : i32
        %add3A_1364 = arith.addi %add3A_1122, %add3A_1363 : i32
        %swap3A_1365 = arith.index_cast %add3A_1364 : i32 to index
        %swap3A_1366 = arith.constant 64 : index
        %swap3A_1367 = tpu.vector_load %arg8[%swap3A_1365, %swap3A_1366] {strides = array<i32>} : memref<80x128xf32, #tpu.memory_space<vmem>>, vector<16xf32>,
        tpu.vector_store %arg8[%swap3A_1365, %swap3A_1366], %max3A_1362 {strides = array<i32>} : memref<80x128xf32, #tpu.memory_space<vmem>>, vector<16xf32>,
        %add3A_1368 = arith.constant 1 : i32
        %add3A_1369 = arith.addi %add3A_1122, %add3A_1368 : i32
        %get3A_1370 = arith.index_cast %add3A_1369 : i32 to index
        %get3A_1371 = arith.constant 80 : index
        %get3A_1372 = tpu.vector_load %arg8[%get3A_1370, %get3A_1371] {strides = array<i32>} : memref<80x128xf32, #tpu.memory_space<vmem>>, vector<16xf32>,
        %add3A_1373 = arith.constant 1 : i32
        %add3A_1374 = arith.addi %add3A_1122, %add3A_1373 : i32
        %get3A_1375 = arith.index_cast %add3A_1374 : i32 to index
        %get3A_1376 = arith.constant 80 : index
        %get3A_1377 = tpu.vector_load %arg10[%get3A_1375, %get3A_1376] {strides = array<i32>} : memref<80x128xf32, #tpu.memory_space<vmem>>, vector<16xf32>,
        %add3A_1378 = arith.addf %get3A_1372, %get3A_1377 : vector<16xf32>
        %max3A_1379 = arith.constant 0.000000e+00 : f32
        %max3A_1380 = vector.broadcast %max3A_1379 : f32 to vector<16xf32>
        %max3A_1381 = arith.maximumf %add3A_1378, %max3A_1380 : vector<16xf32>
        %add3A_1382 = arith.constant 1 : i32
        %add3A_1383 = arith.addi %add3A_1122, %add3A_1382 : i32
        %swap3A_1384 = arith.index_cast %add3A_1383 : i32 to index
        %swap3A_1385 = arith.constant 80 : index
        %swap3A_1386 = tpu.vector_load %arg8[%swap3A_1384, %swap3A_1385] {strides = array<i32>} : memref<80x128xf32, #tpu.memory_space<vmem>>, vector<16xf32>,
        tpu.vector_store %arg8[%swap3A_1384, %swap3A_1385], %max3A_1381 {strides = array<i32>} : memref<80x128xf32, #tpu.memory_space<vmem>>, vector<16xf32>,
        %add3A_1387 = arith.constant 1 : i32
        %add3A_1388 = arith.addi %add3A_1122, %add3A_1387 : i32
        %get3A_1389 = arith.index_cast %add3A_1388 : i32 to index
        %get3A_1390 = arith.constant 96 : index
        %get3A_1391 = tpu.vector_load %arg8[%get3A_1389, %get3A_1390] {strides = array<i32>} : memref<80x128xf32, #tpu.memory_space<vmem>>, vector<16xf32>,
        %add3A_1392 = arith.constant 1 : i32
        %add3A_1393 = arith.addi %add3A_1122, %add3A_1392 : i32
        %get3A_1394 = arith.index_cast %add3A_1393 : i32 to index
        %get3A_1395 = arith.constant 96 : index
        %get3A_1396 = tpu.vector_load %arg10[%get3A_1394, %get3A_1395] {strides = array<i32>} : memref<80x128xf32, #tpu.memory_space<vmem>>, vector<16xf32>,
        %add3A_1397 = arith.addf %get3A_1391, %get3A_1396 : vector<16xf32>
        %max3A_1398 = arith.constant 0.000000e+00 : f32
        %max3A_1399 = vector.broadcast %max3A_1398 : f32 to vector<16xf32>
        %max3A_1400 = arith.maximumf %add3A_1397, %max3A_1399 : vector<16xf32>
        %add3A_1401 = arith.constant 1 : i32
        %add3A_1402 = arith.addi %add3A_1122, %add3A_1401 : i32
        %swap3A_1403 = arith.index_cast %add3A_1402 : i32 to index
        %swap3A_1404 = arith.constant 96 : index
        %swap3A_1405 = tpu.vector_load %arg8[%swap3A_1403, %swap3A_1404] {strides = array<i32>} : memref<80x128xf32, #tpu.memory_space<vmem>>, vector<16xf32>,
        tpu.vector_store %arg8[%swap3A_1403, %swap3A_1404], %max3A_1400 {strides = array<i32>} : memref<80x128xf32, #tpu.memory_space<vmem>>, vector<16xf32>,
        %add3A_1406 = arith.constant 1 : i32
        %add3A_1407 = arith.addi %add3A_1122, %add3A_1406 : i32
        %get3A_1408 = arith.index_cast %add3A_1407 : i32 to index
        %get3A_1409 = arith.constant 112 : index
        %get3A_1410 = tpu.vector_load %arg8[%get3A_1408, %get3A_1409] {strides = array<i32>} : memref<80x128xf32, #tpu.memory_space<vmem>>, vector<16xf32>,
        %add3A_1411 = arith.constant 1 : i32
        %add3A_1412 = arith.addi %add3A_1122, %add3A_1411 : i32
        %get3A_1413 = arith.index_cast %add3A_1412 : i32 to index
        %get3A_1414 = arith.constant 112 : index
        %get3A_1415 = tpu.vector_load %arg10[%get3A_1413, %get3A_1414] {strides = array<i32>} : memref<80x128xf32, #tpu.memory_space<vmem>>, vector<16xf32>,
        %add3A_1416 = arith.addf %get3A_1410, %get3A_1415 : vector<16xf32>
        %max3A_1417 = arith.constant 0.000000e+00 : f32
        %max3A_1418 = vector.broadcast %max3A_1417 : f32 to vector<16xf32>
        %max3A_1419 = arith.maximumf %add3A_1416, %max3A_1418 : vector<16xf32>
        %add3A_1420 = arith.constant 1 : i32
        %add3A_1421 = arith.addi %add3A_1122, %add3A_1420 : i32
        %swap3A_1422 = arith.index_cast %add3A_1421 : i32 to index
        %swap3A_1423 = arith.constant 112 : index
        %swap3A_1424 = tpu.vector_load %arg8[%swap3A_1422, %swap3A_1423] {strides = array<i32>} : memref<80x128xf32, #tpu.memory_space<vmem>>, vector<16xf32>,
        tpu.vector_store %arg8[%swap3A_1422, %swap3A_1423], %max3A_1419 {strides = array<i32>} : memref<80x128xf32, #tpu.memory_space<vmem>>, vector<16xf32>,
      }
      %scan3A_688 = arith.constant 40 : i32
      %add3A_689 = arith.constant 1 : i32
      %add3A_690 = arith.addi %add3A_635, %add3A_689 : i32
      %mul3A_691 = arith.constant 80 : i32
      %mul3A_692 = arith.muli %add3A_690, %mul3A_691 : i32
      %add3A_693 = arith.addi %mul3A_7, %mul3A_692 : i32
      %dma_start3A_694 = arith.constant 0 : i32
      %dma_start3A_695 = tpu.memref_slice %arg3[%add3A_693, %dma_start3A_694] : memref<320000x128xf32, #tpu.memory_space<hbm>> -> memref<80x128xf32, #tpu.memory_space<hbm>>
      %dma_start3A_696 = arith.constant 0 : i32
      %dma_start3A_697 = tpu.memref_slice %arg3[%add3A_693, %dma_start3A_696] : memref<320000x128xf32, #tpu.memory_space<hbm>> -> memref<80x128xf32, #tpu.memory_space<hbm>>
      tpu.enqueue_dma source(%dma_start3A_697 : memref<80x128xf32, #tpu.memory_space<hbm>>) target(%arg10 : memref<80x128xf32, #tpu.memory_space<vmem>>) target_semaphore(%arg20 : memref<!tpu.dma_semaphore, #tpu.memory_space<semaphore_mem>>)
      %get3A_698 = arith.constant 2 : i32
      %get3A_699 = arith.constant 0 : i32
      %get3A_700 = arith.index_cast %get3A_698 : i32 to index
      %get3A_701 = arith.index_cast %get3A_699 : i32 to index
      %get3A_702 = arith.constant 0 : index
      %get3A_703 = tpu.vector_load %arg7[%get3A_700, %get3A_701, %get3A_702] {strides = array<i32>} : memref<4x2x80xi32, #tpu.memory_space<vmem>>, vector<16xi32>,
      tpu.vector_store_idx %arg12[%get3A_703], %broadcast_in_dim3A_2 {add = true} : memref<10240xf32, #tpu.memory_space<vmem>>[vector<16xi32>], vector<16xf32>,
      %get3A_704 = arith.constant 2 : i32
      %get3A_705 = arith.constant 0 : i32
      %get3A_706 = arith.index_cast %get3A_704 : i32 to index
      %get3A_707 = arith.index_cast %get3A_705 : i32 to index
      %get3A_708 = arith.constant 16 : index
      %get3A_709 = tpu.vector_load %arg7[%get3A_706, %get3A_707, %get3A_708] {strides = array<i32>} : memref<4x2x80xi32, #tpu.memory_space<vmem>>, vector<16xi32>,
      tpu.vector_store_idx %arg12[%get3A_709], %broadcast_in_dim3A_2 {add = true} : memref<10240xf32, #tpu.memory_space<vmem>>[vector<16xi32>], vector<16xf32>,
      %get3A_710 = arith.constant 2 : i32
      %get3A_711 = arith.constant 0 : i32
      %get3A_712 = arith.index_cast %get3A_710 : i32 to index
      %get3A_713 = arith.index_cast %get3A_711 : i32 to index
      %get3A_714 = arith.constant 32 : index
      %get3A_715 = tpu.vector_load %arg7[%get3A_712, %get3A_713, %get3A_714] {strides = array<i32>} : memref<4x2x80xi32, #tpu.memory_space<vmem>>, vector<16xi32>,
      tpu.vector_store_idx %arg12[%get3A_715], %broadcast_in_dim3A_2 {add = true} : memref<10240xf32, #tpu.memory_space<vmem>>[vector<16xi32>], vector<16xf32>,
      %get3A_716 = arith.constant 2 : i32
      %get3A_717 = arith.constant 0 : i32
      %get3A_718 = arith.index_cast %get3A_716 : i32 to index
      %get3A_719 = arith.index_cast %get3A_717 : i32 to index
      %get3A_720 = arith.constant 48 : index
      %get3A_721 = tpu.vector_load %arg7[%get3A_718, %get3A_719, %get3A_720] {strides = array<i32>} : memref<4x2x80xi32, #tpu.memory_space<vmem>>, vector<16xi32>,
      tpu.vector_store_idx %arg12[%get3A_721], %broadcast_in_dim3A_2 {add = true} : memref<10240xf32, #tpu.memory_space<vmem>>[vector<16xi32>], vector<16xf32>,
      %get3A_722 = arith.constant 2 : i32
      %get3A_723 = arith.constant 0 : i32
      %get3A_724 = arith.index_cast %get3A_722 : i32 to index
      %get3A_725 = arith.index_cast %get3A_723 : i32 to index
      %get3A_726 = arith.constant 64 : index
      %get3A_727 = tpu.vector_load %arg7[%get3A_724, %get3A_725, %get3A_726] {strides = array<i32>} : memref<4x2x80xi32, #tpu.memory_space<vmem>>, vector<16xi32>,
      tpu.vector_store_idx %arg12[%get3A_727], %broadcast_in_dim3A_2 {add = true} : memref<10240xf32, #tpu.memory_space<vmem>>[vector<16xi32>], vector<16xf32>,
      %dma_start3A_728 = arith.constant 2 : i32
      %dma_start3A_729 = arith.constant 0 : i32
      %dma_start3A_730 = arith.constant 0 : i32
      %dma_start3A_731 = tpu.memref_slice %arg7[%dma_start3A_728, %dma_start3A_729, %dma_start3A_730] : memref<4x2x80xi32, #tpu.memory_space<vmem>> -> memref<1x1x80xi32, #tpu.memory_space<vmem>>
      %dma_start3A_732 = tpu.memref_squeeze %dma_start3A_731 : memref<1x1x80xi32, #tpu.memory_space<vmem>> -> memref<80xi32, #tpu.memory_space<vmem>>
      %dma_start3A_733 = arith.constant 0 : i32
      %dma_start3A_734 = arith.constant 0 : i32
      %dma_start3A_735 = tpu.memref_slice %arg13[%dma_start3A_733, %dma_start3A_734] : memref<10240x128xf32, #tpu.memory_space<vmem_shared>> -> memref<10240x128xf32, #tpu.memory_space<vmem_shared>>
      tpu.enqueue_indirect_dma source(%arg8 : memref<80x128xf32, #tpu.memory_space<vmem>>) target(%dma_start3A_735 : memref<10240x128xf32, #tpu.memory_space<vmem_shared>>) offsets(%dma_start3A_732 : memref<80xi32, #tpu.memory_space<vmem>>) semaphore(%arg21 : memref<!tpu.dma_semaphore, #tpu.memory_space<semaphore_mem>>) {add = true}
      %add3A_736 = arith.constant 2 : i32
      %add3A_737 = arith.addi %add3A_635, %add3A_736 : i32
      %dma_start3A_738 = arith.constant 0 : i32
      %dma_start3A_739 = arith.constant 0 : i32
      %dma_start3A_740 = arith.constant 0 : i32
      %dma_start3A_741 = tpu.memref_slice %arg7[%dma_start3A_738, %dma_start3A_739, %dma_start3A_740] : memref<4x2x80xi32, #tpu.memory_space<vmem>> -> memref<1x2x80xi32, #tpu.memory_space<vmem>>
      %dma_start3A_742 = tpu.memref_squeeze %dma_start3A_741 : memref<1x2x80xi32, #tpu.memory_space<vmem>> -> memref<2x80xi32, #tpu.memory_space<vmem>>
      %dma_start3A_743 = arith.constant 0 : i32
      %dma_start3A_744 = arith.constant 0 : i32
      %dma_start3A_745 = tpu.memref_slice %arg4[%add3A, %add3A_737, %dma_start3A_743, %dma_start3A_744] : memref<32x125x2x80xi32, #tpu.memory_space<hbm>> -> memref<1x1x2x80xi32, #tpu.memory_space<hbm>>
      %dma_start3A_746 = tpu.memref_squeeze %dma_start3A_745 : memref<1x1x2x80xi32, #tpu.memory_space<hbm>> -> memref<2x80xi32, #tpu.memory_space<hbm>>
      %dma_start3A_747 = arith.constant 0 : i32
      %dma_start3A_748 = arith.constant 0 : i32
      %dma_start3A_749 = tpu.memref_slice %arg7[%dma_start3A_738, %dma_start3A_747, %dma_start3A_748] : memref<4x2x80xi32, #tpu.memory_space<vmem>> -> memref<1x2x80xi32, #tpu.memory_space<vmem>>
      %dma_start3A_750 = tpu.memref_squeeze %dma_start3A_749 : memref<1x2x80xi32, #tpu.memory_space<vmem>> -> memref<2x80xi32, #tpu.memory_space<vmem>>
      %dma_start3A_751 = arith.constant 0 : i32
      %dma_start3A_752 = arith.constant 0 : i32
      %dma_start3A_753 = tpu.memref_slice %arg4[%add3A, %add3A_737, %dma_start3A_751, %dma_start3A_752] : memref<32x125x2x80xi32, #tpu.memory_space<hbm>> -> memref<1x1x2x80xi32, #tpu.memory_space<hbm>>
      %dma_start3A_754 = tpu.memref_squeeze %dma_start3A_753 : memref<1x1x2x80xi32, #tpu.memory_space<hbm>> -> memref<2x80xi32, #tpu.memory_space<hbm>>
      tpu.enqueue_dma source(%dma_start3A_754 : memref<2x80xi32, #tpu.memory_space<hbm>>) target(%dma_start3A_750 : memref<2x80xi32, #tpu.memory_space<vmem>>) target_semaphore(%arg14 : memref<!tpu.dma_semaphore, #tpu.memory_space<semaphore_mem>>)
      %add3A_755 = arith.constant 1 : i32
      %add3A_756 = arith.addi %add3A_633, %add3A_755 : i32
      %dma_wait3A_757 = arith.constant 0 : i32
      %dma_wait3A_758 = arith.constant 0 : i32
      %dma_wait3A_759 = arith.constant 0 : i32
      %dma_wait3A_760 = arith.constant 0 : i32
      %dma_wait3A_761 = tpu.memref_slice %arg7[%dma_wait3A_758, %dma_wait3A_759, %dma_wait3A_760] : memref<4x2x80xi32, #tpu.memory_space<vmem>> -> memref<1x2x80xi32, #tpu.memory_space<vmem>>
      %dma_wait3A_762 = tpu.memref_squeeze %dma_wait3A_761 : memref<1x2x80xi32, #tpu.memory_space<vmem>> -> memref<2x80xi32, #tpu.memory_space<vmem>>
      %dma_wait3A_763 = arith.constant 0 : i32
      %dma_wait3A_764 = arith.constant 0 : i32
      %dma_wait3A_765 = tpu.memref_slice %arg4[%add3A, %dma_wait3A_757, %dma_wait3A_763, %dma_wait3A_764] : memref<32x125x2x80xi32, #tpu.memory_space<hbm>> -> memref<1x1x2x80xi32, #tpu.memory_space<hbm>>
      %dma_wait3A_766 = tpu.memref_squeeze %dma_wait3A_765 : memref<1x1x2x80xi32, #tpu.memory_space<hbm>> -> memref<2x80xi32, #tpu.memory_space<hbm>>
      %dma_wait3A_767 = arith.constant 0 : i32
      %dma_wait3A_768 = arith.constant 0 : i32
      %dma_wait3A_769 = tpu.memref_slice %arg7[%dma_wait3A_758, %dma_wait3A_767, %dma_wait3A_768] : memref<4x2x80xi32, #tpu.memory_space<vmem>> -> memref<1x2x80xi32, #tpu.memory_space<vmem>>
      %dma_wait3A_770 = tpu.memref_squeeze %dma_wait3A_769 : memref<1x2x80xi32, #tpu.memory_space<vmem>> -> memref<2x80xi32, #tpu.memory_space<vmem>>
      %dma_wait3A_771 = arith.constant 0 : i32
      %dma_wait3A_772 = arith.constant 0 : i32
      %dma_wait3A_773 = tpu.memref_slice %arg4[%add3A, %dma_wait3A_757, %dma_wait3A_771, %dma_wait3A_772] : memref<32x125x2x80xi32, #tpu.memory_space<hbm>> -> memref<1x1x2x80xi32, #tpu.memory_space<hbm>>
      %dma_wait3A_774 = tpu.memref_squeeze %dma_wait3A_773 : memref<1x1x2x80xi32, #tpu.memory_space<hbm>> -> memref<2x80xi32, #tpu.memory_space<hbm>>
      tpu.wait_dma2 semaphore(%arg14 : memref<!tpu.dma_semaphore, #tpu.memory_space<semaphore_mem>>) src(%dma_wait3A_774 : memref<2x80xi32, #tpu.memory_space<hbm>>) dst(%dma_wait3A_770 : memref<2x80xi32, #tpu.memory_space<vmem>>)
      %dma_wait3A_775 = arith.constant 3 : i32
      %dma_wait3A_776 = arith.constant 1 : i32
      %dma_wait3A_777 = arith.constant 0 : i32
      %dma_wait3A_778 = tpu.memref_slice %arg7[%dma_wait3A_775, %dma_wait3A_776, %dma_wait3A_777] : memref<4x2x80xi32, #tpu.memory_space<vmem>> -> memref<1x1x80xi32, #tpu.memory_space<vmem>>
      %dma_wait3A_779 = tpu.memref_squeeze %dma_wait3A_778 : memref<1x1x80xi32, #tpu.memory_space<vmem>> -> memref<80xi32, #tpu.memory_space<vmem>>
      %dma_wait3A_780 = arith.constant 0 : i32
      %dma_wait3A_781 = arith.constant 0 : i32
      %dma_wait3A_782 = tpu.memref_slice %arg2[%dma_wait3A_780, %dma_wait3A_781] : memref<10000x128xf32, #tpu.memory_space<hbm>> -> memref<10000x128xf32, #tpu.memory_space<hbm>>
      tpu.wait_indirect_dma semaphore(%arg19 : memref<!tpu.dma_semaphore, #tpu.memory_space<semaphore_mem>>) src(%dma_wait3A_782 : memref<10000x128xf32, #tpu.memory_space<hbm>>) dst(%arg9 : memref<80x128xf32, #tpu.memory_space<vmem>>)
      %dma_wait3A_783 = arith.constant 0 : i32
      %dma_wait3A_784 = tpu.memref_slice %arg3[%mul3A_7, %dma_wait3A_783] : memref<320000x128xf32, #tpu.memory_space<hbm>> -> memref<80x128xf32, #tpu.memory_space<hbm>>
      %dma_wait3A_785 = arith.constant 0 : i32
      %dma_wait3A_786 = tpu.memref_slice %arg3[%mul3A_7, %dma_wait3A_785] : memref<320000x128xf32, #tpu.memory_space<hbm>> -> memref<80x128xf32, #tpu.memory_space<hbm>>
      tpu.wait_dma2 semaphore(%arg20 : memref<!tpu.dma_semaphore, #tpu.memory_space<semaphore_mem>>) src(%dma_wait3A_786 : memref<80x128xf32, #tpu.memory_space<hbm>>) dst(%arg10 : memref<80x128xf32, #tpu.memory_space<vmem>>)
      %dma_wait3A_787 = arith.constant 2 : i32
      %dma_wait3A_788 = arith.constant 0 : i32
      %dma_wait3A_789 = arith.constant 0 : i32
      %dma_wait3A_790 = tpu.memref_slice %arg7[%dma_wait3A_787, %dma_wait3A_788, %dma_wait3A_789] : memref<4x2x80xi32, #tpu.memory_space<vmem>> -> memref<1x1x80xi32, #tpu.memory_space<vmem>>
      %dma_wait3A_791 = tpu.memref_squeeze %dma_wait3A_790 : memref<1x1x80xi32, #tpu.memory_space<vmem>> -> memref<80xi32, #tpu.memory_space<vmem>>
      %dma_wait3A_792 = arith.constant 0 : i32
      %dma_wait3A_793 = arith.constant 0 : i32
      %dma_wait3A_794 = tpu.memref_slice %arg13[%dma_wait3A_792, %dma_wait3A_793] : memref<10240x128xf32, #tpu.memory_space<vmem_shared>> -> memref<10240x128xf32, #tpu.memory_space<vmem_shared>>
      tpu.wait_indirect_dma semaphore(%arg21 : memref<!tpu.dma_semaphore, #tpu.memory_space<semaphore_mem>>) src(%arg8 : memref<80x128xf32, #tpu.memory_space<vmem>>) dst(%dma_wait3A_794 : memref<10240x128xf32, #tpu.memory_space<vmem_shared>>)
      %add3A_795 = arith.constant 1 : i32
      %add3A_796 = arith.addi %add3A_756, %add3A_795 : i32
      %dma_start3A_797 = arith.constant 0 : i32
      %dma_start3A_798 = arith.constant 1 : i32
      %dma_start3A_799 = arith.constant 0 : i32
      %dma_start3A_800 = tpu.memref_slice %arg7[%dma_start3A_797, %dma_start3A_798, %dma_start3A_799] : memref<4x2x80xi32, #tpu.memory_space<vmem>> -> memref<1x1x80xi32, #tpu.memory_space<vmem>>
      %dma_start3A_801 = tpu.memref_squeeze %dma_start3A_800 : memref<1x1x80xi32, #tpu.memory_space<vmem>> -> memref<80xi32, #tpu.memory_space<vmem>>
      %dma_start3A_802 = arith.constant 0 : i32
      %dma_start3A_803 = arith.constant 0 : i32
      %dma_start3A_804 = tpu.memref_slice %arg2[%dma_start3A_802, %dma_start3A_803] : memref<10000x128xf32, #tpu.memory_space<hbm>> -> memref<10000x128xf32, #tpu.memory_space<hbm>>
      tpu.enqueue_indirect_dma source(%dma_start3A_804 : memref<10000x128xf32, #tpu.memory_space<hbm>>) target(%arg8 : memref<80x128xf32, #tpu.memory_space<vmem>>) offsets(%dma_start3A_801 : memref<80xi32, #tpu.memory_space<vmem>>) semaphore(%arg18 : memref<!tpu.dma_semaphore, #tpu.memory_space<semaphore_mem>>)
      %scan3A_805 = arith.constant 0 : i32
      %scan3A_806 = arith.constant 40 : i32
      %scan3A_807 = arith.addi %scan3A_805, %scan3A_806 : i32
      %scan3A_808 = arith.constant 1 : i32
      scf.for %scan3A_1118 = %scan3A_805 to %scan3A_807 step %scan3A_808  : i32 {
        %mul3A_1119 = arith.constant 2 : i32
        %mul3A_1120 = arith.muli %scan3A_1118, %mul3A_1119 : i32
        %add3A_1121 = arith.constant 0 : i32
        %add3A_1122 = arith.addi %add3A_1121, %mul3A_1120 : i32
        %add3A_1123 = arith.constant 0 : i32
        %add3A_1124 = arith.addi %add3A_1122, %add3A_1123 : i32
        %get3A_1125 = arith.index_cast %add3A_1124 : i32 to index
        %get3A_1126 = arith.constant 0 : index
        %get3A_1127 = tpu.vector_load %arg9[%get3A_1125, %get3A_1126] {strides = array<i32>} : memref<80x128xf32, #tpu.memory_space<vmem>>, vector<16xf32>,
        %add3A_1128 = arith.constant 0 : i32
        %add3A_1129 = arith.addi %add3A_1122, %add3A_1128 : i32
        %get3A_1130 = arith.index_cast %add3A_1129 : i32 to index
        %get3A_1131 = arith.constant 0 : index
        %get3A_1132 = tpu.vector_load %arg10[%get3A_1130, %get3A_1131] {strides = array<i32>} : memref<80x128xf32, #tpu.memory_space<vmem>>, vector<16xf32>,
        %add3A_1133 = arith.addf %get3A_1127, %get3A_1132 : vector<16xf32>
        %max3A = arith.constant 0.000000e+00 : f32
        %max3A_1134 = vector.broadcast %max3A : f32 to vector<16xf32>
        %max3A_1135 = arith.maximumf %add3A_1133, %max3A_1134 : vector<16xf32>
        %add3A_1136 = arith.constant 0 : i32
        %add3A_1137 = arith.addi %add3A_1122, %add3A_1136 : i32
        %swap3A = arith.index_cast %add3A_1137 : i32 to index
        %swap3A_1138 = arith.constant 0 : index
        %swap3A_1139 = tpu.vector_load %arg9[%swap3A, %swap3A_1138] {strides = array<i32>} : memref<80x128xf32, #tpu.memory_space<vmem>>, vector<16xf32>,
        tpu.vector_store %arg9[%swap3A, %swap3A_1138], %max3A_1135 {strides = array<i32>} : memref<80x128xf32, #tpu.memory_space<vmem>>, vector<16xf32>,
        %add3A_1140 = arith.constant 0 : i32
        %add3A_1141 = arith.addi %add3A_1122, %add3A_1140 : i32
        %get3A_1142 = arith.index_cast %add3A_1141 : i32 to index
        %get3A_1143 = arith.constant 16 : index
        %get3A_1144 = tpu.vector_load %arg9[%get3A_1142, %get3A_1143] {strides = array<i32>} : memref<80x128xf32, #tpu.memory_space<vmem>>, vector<16xf32>,
        %add3A_1145 = arith.constant 0 : i32
        %add3A_1146 = arith.addi %add3A_1122, %add3A_1145 : i32
        %get3A_1147 = arith.index_cast %add3A_1146 : i32 to index
        %get3A_1148 = arith.constant 16 : index
        %get3A_1149 = tpu.vector_load %arg10[%get3A_1147, %get3A_1148] {strides = array<i32>} : memref<80x128xf32, #tpu.memory_space<vmem>>, vector<16xf32>,
        %add3A_1150 = arith.addf %get3A_1144, %get3A_1149 : vector<16xf32>
        %max3A_1151 = arith.constant 0.000000e+00 : f32
        %max3A_1152 = vector.broadcast %max3A_1151 : f32 to vector<16xf32>
        %max3A_1153 = arith.maximumf %add3A_1150, %max3A_1152 : vector<16xf32>
        %add3A_1154 = arith.constant 0 : i32
        %add3A_1155 = arith.addi %add3A_1122, %add3A_1154 : i32
        %swap3A_1156 = arith.index_cast %add3A_1155 : i32 to index
        %swap3A_1157 = arith.constant 16 : index
        %swap3A_1158 = tpu.vector_load %arg9[%swap3A_1156, %swap3A_1157] {strides = array<i32>} : memref<80x128xf32, #tpu.memory_space<vmem>>, vector<16xf32>,
        tpu.vector_store %arg9[%swap3A_1156, %swap3A_1157], %max3A_1153 {strides = array<i32>} : memref<80x128xf32, #tpu.memory_space<vmem>>, vector<16xf32>,
        %add3A_1159 = arith.constant 0 : i32
        %add3A_1160 = arith.addi %add3A_1122, %add3A_1159 : i32
        %get3A_1161 = arith.index_cast %add3A_1160 : i32 to index
        %get3A_1162 = arith.constant 32 : index
        %get3A_1163 = tpu.vector_load %arg9[%get3A_1161, %get3A_1162] {strides = array<i32>} : memref<80x128xf32, #tpu.memory_space<vmem>>, vector<16xf32>,
        %add3A_1164 = arith.constant 0 : i32
        %add3A_1165 = arith.addi %add3A_1122, %add3A_1164 : i32
        %get3A_1166 = arith.index_cast %add3A_1165 : i32 to index
        %get3A_1167 = arith.constant 32 : index
        %get3A_1168 = tpu.vector_load %arg10[%get3A_1166, %get3A_1167] {strides = array<i32>} : memref<80x128xf32, #tpu.memory_space<vmem>>, vector<16xf32>,
        %add3A_1169 = arith.addf %get3A_1163, %get3A_1168 : vector<16xf32>
        %max3A_1170 = arith.constant 0.000000e+00 : f32
        %max3A_1171 = vector.broadcast %max3A_1170 : f32 to vector<16xf32>
        %max3A_1172 = arith.maximumf %add3A_1169, %max3A_1171 : vector<16xf32>
        %add3A_1173 = arith.constant 0 : i32
        %add3A_1174 = arith.addi %add3A_1122, %add3A_1173 : i32
        %swap3A_1175 = arith.index_cast %add3A_1174 : i32 to index
        %swap3A_1176 = arith.constant 32 : index
        %swap3A_1177 = tpu.vector_load %arg9[%swap3A_1175, %swap3A_1176] {strides = array<i32>} : memref<80x128xf32, #tpu.memory_space<vmem>>, vector<16xf32>,
        tpu.vector_store %arg9[%swap3A_1175, %swap3A_1176], %max3A_1172 {strides = array<i32>} : memref<80x128xf32, #tpu.memory_space<vmem>>, vector<16xf32>,
        %add3A_1178 = arith.constant 0 : i32
        %add3A_1179 = arith.addi %add3A_1122, %add3A_1178 : i32
        %get3A_1180 = arith.index_cast %add3A_1179 : i32 to index
        %get3A_1181 = arith.constant 48 : index
        %get3A_1182 = tpu.vector_load %arg9[%get3A_1180, %get3A_1181] {strides = array<i32>} : memref<80x128xf32, #tpu.memory_space<vmem>>, vector<16xf32>,
        %add3A_1183 = arith.constant 0 : i32
        %add3A_1184 = arith.addi %add3A_1122, %add3A_1183 : i32
        %get3A_1185 = arith.index_cast %add3A_1184 : i32 to index
        %get3A_1186 = arith.constant 48 : index
        %get3A_1187 = tpu.vector_load %arg10[%get3A_1185, %get3A_1186] {strides = array<i32>} : memref<80x128xf32, #tpu.memory_space<vmem>>, vector<16xf32>,
        %add3A_1188 = arith.addf %get3A_1182, %get3A_1187 : vector<16xf32>
        %max3A_1189 = arith.constant 0.000000e+00 : f32
        %max3A_1190 = vector.broadcast %max3A_1189 : f32 to vector<16xf32>
        %max3A_1191 = arith.maximumf %add3A_1188, %max3A_1190 : vector<16xf32>
        %add3A_1192 = arith.constant 0 : i32
        %add3A_1193 = arith.addi %add3A_1122, %add3A_1192 : i32
        %swap3A_1194 = arith.index_cast %add3A_1193 : i32 to index
        %swap3A_1195 = arith.constant 48 : index
        %swap3A_1196 = tpu.vector_load %arg9[%swap3A_1194, %swap3A_1195] {strides = array<i32>} : memref<80x128xf32, #tpu.memory_space<vmem>>, vector<16xf32>,
        tpu.vector_store %arg9[%swap3A_1194, %swap3A_1195], %max3A_1191 {strides = array<i32>} : memref<80x128xf32, #tpu.memory_space<vmem>>, vector<16xf32>,
        %add3A_1197 = arith.constant 0 : i32
        %add3A_1198 = arith.addi %add3A_1122, %add3A_1197 : i32
        %get3A_1199 = arith.index_cast %add3A_1198 : i32 to index
        %get3A_1200 = arith.constant 64 : index
        %get3A_1201 = tpu.vector_load %arg9[%get3A_1199, %get3A_1200] {strides = array<i32>} : memref<80x128xf32, #tpu.memory_space<vmem>>, vector<16xf32>,
        %add3A_1202 = arith.constant 0 : i32
        %add3A_1203 = arith.addi %add3A_1122, %add3A_1202 : i32
        %get3A_1204 = arith.index_cast %add3A_1203 : i32 to index
        %get3A_1205 = arith.constant 64 : index
        %get3A_1206 = tpu.vector_load %arg10[%get3A_1204, %get3A_1205] {strides = array<i32>} : memref<80x128xf32, #tpu.memory_space<vmem>>, vector<16xf32>,
        %add3A_1207 = arith.addf %get3A_1201, %get3A_1206 : vector<16xf32>
        %max3A_1208 = arith.constant 0.000000e+00 : f32
        %max3A_1209 = vector.broadcast %max3A_1208 : f32 to vector<16xf32>
        %max3A_1210 = arith.maximumf %add3A_1207, %max3A_1209 : vector<16xf32>
        %add3A_1211 = arith.constant 0 : i32
        %add3A_1212 = arith.addi %add3A_1122, %add3A_1211 : i32
        %swap3A_1213 = arith.index_cast %add3A_1212 : i32 to index
        %swap3A_1214 = arith.constant 64 : index
        %swap3A_1215 = tpu.vector_load %arg9[%swap3A_1213, %swap3A_1214] {strides = array<i32>} : memref<80x128xf32, #tpu.memory_space<vmem>>, vector<16xf32>,
        tpu.vector_store %arg9[%swap3A_1213, %swap3A_1214], %max3A_1210 {strides = array<i32>} : memref<80x128xf32, #tpu.memory_space<vmem>>, vector<16xf32>,
        %add3A_1216 = arith.constant 0 : i32
        %add3A_1217 = arith.addi %add3A_1122, %add3A_1216 : i32
        %get3A_1218 = arith.index_cast %add3A_1217 : i32 to index
        %get3A_1219 = arith.constant 80 : index
        %get3A_1220 = tpu.vector_load %arg9[%get3A_1218, %get3A_1219] {strides = array<i32>} : memref<80x128xf32, #tpu.memory_space<vmem>>, vector<16xf32>,
        %add3A_1221 = arith.constant 0 : i32
        %add3A_1222 = arith.addi %add3A_1122, %add3A_1221 : i32
        %get3A_1223 = arith.index_cast %add3A_1222 : i32 to index
        %get3A_1224 = arith.constant 80 : index
        %get3A_1225 = tpu.vector_load %arg10[%get3A_1223, %get3A_1224] {strides = array<i32>} : memref<80x128xf32, #tpu.memory_space<vmem>>, vector<16xf32>,
        %add3A_1226 = arith.addf %get3A_1220, %get3A_1225 : vector<16xf32>
        %max3A_1227 = arith.constant 0.000000e+00 : f32
        %max3A_1228 = vector.broadcast %max3A_1227 : f32 to vector<16xf32>
        %max3A_1229 = arith.maximumf %add3A_1226, %max3A_1228 : vector<16xf32>
        %add3A_1230 = arith.constant 0 : i32
        %add3A_1231 = arith.addi %add3A_1122, %add3A_1230 : i32
        %swap3A_1232 = arith.index_cast %add3A_1231 : i32 to index
        %swap3A_1233 = arith.constant 80 : index
        %swap3A_1234 = tpu.vector_load %arg9[%swap3A_1232, %swap3A_1233] {strides = array<i32>} : memref<80x128xf32, #tpu.memory_space<vmem>>, vector<16xf32>,
        tpu.vector_store %arg9[%swap3A_1232, %swap3A_1233], %max3A_1229 {strides = array<i32>} : memref<80x128xf32, #tpu.memory_space<vmem>>, vector<16xf32>,
        %add3A_1235 = arith.constant 0 : i32
        %add3A_1236 = arith.addi %add3A_1122, %add3A_1235 : i32
        %get3A_1237 = arith.index_cast %add3A_1236 : i32 to index
        %get3A_1238 = arith.constant 96 : index
        %get3A_1239 = tpu.vector_load %arg9[%get3A_1237, %get3A_1238] {strides = array<i32>} : memref<80x128xf32, #tpu.memory_space<vmem>>, vector<16xf32>,
        %add3A_1240 = arith.constant 0 : i32
        %add3A_1241 = arith.addi %add3A_1122, %add3A_1240 : i32
        %get3A_1242 = arith.index_cast %add3A_1241 : i32 to index
        %get3A_1243 = arith.constant 96 : index
        %get3A_1244 = tpu.vector_load %arg10[%get3A_1242, %get3A_1243] {strides = array<i32>} : memref<80x128xf32, #tpu.memory_space<vmem>>, vector<16xf32>,
        %add3A_1245 = arith.addf %get3A_1239, %get3A_1244 : vector<16xf32>
        %max3A_1246 = arith.constant 0.000000e+00 : f32
        %max3A_1247 = vector.broadcast %max3A_1246 : f32 to vector<16xf32>
        %max3A_1248 = arith.maximumf %add3A_1245, %max3A_1247 : vector<16xf32>
        %add3A_1249 = arith.constant 0 : i32
        %add3A_1250 = arith.addi %add3A_1122, %add3A_1249 : i32
        %swap3A_1251 = arith.index_cast %add3A_1250 : i32 to index
        %swap3A_1252 = arith.constant 96 : index
        %swap3A_1253 = tpu.vector_load %arg9[%swap3A_1251, %swap3A_1252] {strides = array<i32>} : memref<80x128xf32, #tpu.memory_space<vmem>>, vector<16xf32>,
        tpu.vector_store %arg9[%swap3A_1251, %swap3A_1252], %max3A_1248 {strides = array<i32>} : memref<80x128xf32, #tpu.memory_space<vmem>>, vector<16xf32>,
        %add3A_1254 = arith.constant 0 : i32
        %add3A_1255 = arith.addi %add3A_1122, %add3A_1254 : i32
        %get3A_1256 = arith.index_cast %add3A_1255 : i32 to index
        %get3A_1257 = arith.constant 112 : index
        %get3A_1258 = tpu.vector_load %arg9[%get3A_1256, %get3A_1257] {strides = array<i32>} : memref<80x128xf32, #tpu.memory_space<vmem>>, vector<16xf32>,
        %add3A_1259 = arith.constant 0 : i32
        %add3A_1260 = arith.addi %add3A_1122, %add3A_1259 : i32
        %get3A_1261 = arith.index_cast %add3A_1260 : i32 to index
        %get3A_1262 = arith.constant 112 : index
        %get3A_1263 = tpu.vector_load %arg10[%get3A_1261, %get3A_1262] {strides = array<i32>} : memref<80x128xf32, #tpu.memory_space<vmem>>, vector<16xf32>,
        %add3A_1264 = arith.addf %get3A_1258, %get3A_1263 : vector<16xf32>
        %max3A_1265 = arith.constant 0.000000e+00 : f32
        %max3A_1266 = vector.broadcast %max3A_1265 : f32 to vector<16xf32>
        %max3A_1267 = arith.maximumf %add3A_1264, %max3A_1266 : vector<16xf32>
        %add3A_1268 = arith.constant 0 : i32
        %add3A_1269 = arith.addi %add3A_1122, %add3A_1268 : i32
        %swap3A_1270 = arith.index_cast %add3A_1269 : i32 to index
        %swap3A_1271 = arith.constant 112 : index
        %swap3A_1272 = tpu.vector_load %arg9[%swap3A_1270, %swap3A_1271] {strides = array<i32>} : memref<80x128xf32, #tpu.memory_space<vmem>>, vector<16xf32>,
        tpu.vector_store %arg9[%swap3A_1270, %swap3A_1271], %max3A_1267 {strides = array<i32>} : memref<80x128xf32, #tpu.memory_space<vmem>>, vector<16xf32>,
        %add3A_1273 = arith.constant 1 : i32
        %add3A_1274 = arith.addi %add3A_1122, %add3A_1273 : i32
        %get3A_1275 = arith.index_cast %add3A_1274 : i32 to index
        %get3A_1276 = arith.constant 0 : index
        %get3A_1277 = tpu.vector_load %arg9[%get3A_1275, %get3A_1276] {strides = array<i32>} : memref<80x128xf32, #tpu.memory_space<vmem>>, vector<16xf32>,
        %add3A_1278 = arith.constant 1 : i32
        %add3A_1279 = arith.addi %add3A_1122, %add3A_1278 : i32
        %get3A_1280 = arith.index_cast %add3A_1279 : i32 to index
        %get3A_1281 = arith.constant 0 : index
        %get3A_1282 = tpu.vector_load %arg10[%get3A_1280, %get3A_1281] {strides = array<i32>} : memref<80x128xf32, #tpu.memory_space<vmem>>, vector<16xf32>,
        %add3A_1283 = arith.addf %get3A_1277, %get3A_1282 : vector<16xf32>
        %max3A_1284 = arith.constant 0.000000e+00 : f32
        %max3A_1285 = vector.broadcast %max3A_1284 : f32 to vector<16xf32>
        %max3A_1286 = arith.maximumf %add3A_1283, %max3A_1285 : vector<16xf32>
        %add3A_1287 = arith.constant 1 : i32
        %add3A_1288 = arith.addi %add3A_1122, %add3A_1287 : i32
        %swap3A_1289 = arith.index_cast %add3A_1288 : i32 to index
        %swap3A_1290 = arith.constant 0 : index
        %swap3A_1291 = tpu.vector_load %arg9[%swap3A_1289, %swap3A_1290] {strides = array<i32>} : memref<80x128xf32, #tpu.memory_space<vmem>>, vector<16xf32>,
        tpu.vector_store %arg9[%swap3A_1289, %swap3A_1290], %max3A_1286 {strides = array<i32>} : memref<80x128xf32, #tpu.memory_space<vmem>>, vector<16xf32>,
        %add3A_1292 = arith.constant 1 : i32
        %add3A_1293 = arith.addi %add3A_1122, %add3A_1292 : i32
        %get3A_1294 = arith.index_cast %add3A_1293 : i32 to index
        %get3A_1295 = arith.constant 16 : index
        %get3A_1296 = tpu.vector_load %arg9[%get3A_1294, %get3A_1295] {strides = array<i32>} : memref<80x128xf32, #tpu.memory_space<vmem>>, vector<16xf32>,
        %add3A_1297 = arith.constant 1 : i32
        %add3A_1298 = arith.addi %add3A_1122, %add3A_1297 : i32
        %get3A_1299 = arith.index_cast %add3A_1298 : i32 to index
        %get3A_1300 = arith.constant 16 : index
        %get3A_1301 = tpu.vector_load %arg10[%get3A_1299, %get3A_1300] {strides = array<i32>} : memref<80x128xf32, #tpu.memory_space<vmem>>, vector<16xf32>,
        %add3A_1302 = arith.addf %get3A_1296, %get3A_1301 : vector<16xf32>
        %max3A_1303 = arith.constant 0.000000e+00 : f32
        %max3A_1304 = vector.broadcast %max3A_1303 : f32 to vector<16xf32>
        %max3A_1305 = arith.maximumf %add3A_1302, %max3A_1304 : vector<16xf32>
        %add3A_1306 = arith.constant 1 : i32
        %add3A_1307 = arith.addi %add3A_1122, %add3A_1306 : i32
        %swap3A_1308 = arith.index_cast %add3A_1307 : i32 to index
        %swap3A_1309 = arith.constant 16 : index
        %swap3A_1310 = tpu.vector_load %arg9[%swap3A_1308, %swap3A_1309] {strides = array<i32>} : memref<80x128xf32, #tpu.memory_space<vmem>>, vector<16xf32>,
        tpu.vector_store %arg9[%swap3A_1308, %swap3A_1309], %max3A_1305 {strides = array<i32>} : memref<80x128xf32, #tpu.memory_space<vmem>>, vector<16xf32>,
        %add3A_1311 = arith.constant 1 : i32
        %add3A_1312 = arith.addi %add3A_1122, %add3A_1311 : i32
        %get3A_1313 = arith.index_cast %add3A_1312 : i32 to index
        %get3A_1314 = arith.constant 32 : index
        %get3A_1315 = tpu.vector_load %arg9[%get3A_1313, %get3A_1314] {strides = array<i32>} : memref<80x128xf32, #tpu.memory_space<vmem>>, vector<16xf32>,
        %add3A_1316 = arith.constant 1 : i32
        %add3A_1317 = arith.addi %add3A_1122, %add3A_1316 : i32
        %get3A_1318 = arith.index_cast %add3A_1317 : i32 to index
        %get3A_1319 = arith.constant 32 : index
        %get3A_1320 = tpu.vector_load %arg10[%get3A_1318, %get3A_1319] {strides = array<i32>} : memref<80x128xf32, #tpu.memory_space<vmem>>, vector<16xf32>,
        %add3A_1321 = arith.addf %get3A_1315, %get3A_1320 : vector<16xf32>
        %max3A_1322 = arith.constant 0.000000e+00 : f32
        %max3A_1323 = vector.broadcast %max3A_1322 : f32 to vector<16xf32>
        %max3A_1324 = arith.maximumf %add3A_1321, %max3A_1323 : vector<16xf32>
        %add3A_1325 = arith.constant 1 : i32
        %add3A_1326 = arith.addi %add3A_1122, %add3A_1325 : i32
        %swap3A_1327 = arith.index_cast %add3A_1326 : i32 to index
        %swap3A_1328 = arith.constant 32 : index
        %swap3A_1329 = tpu.vector_load %arg9[%swap3A_1327, %swap3A_1328] {strides = array<i32>} : memref<80x128xf32, #tpu.memory_space<vmem>>, vector<16xf32>,
        tpu.vector_store %arg9[%swap3A_1327, %swap3A_1328], %max3A_1324 {strides = array<i32>} : memref<80x128xf32, #tpu.memory_space<vmem>>, vector<16xf32>,
        %add3A_1330 = arith.constant 1 : i32
        %add3A_1331 = arith.addi %add3A_1122, %add3A_1330 : i32
        %get3A_1332 = arith.index_cast %add3A_1331 : i32 to index
        %get3A_1333 = arith.constant 48 : index
        %get3A_1334 = tpu.vector_load %arg9[%get3A_1332, %get3A_1333] {strides = array<i32>} : memref<80x128xf32, #tpu.memory_space<vmem>>, vector<16xf32>,
        %add3A_1335 = arith.constant 1 : i32
        %add3A_1336 = arith.addi %add3A_1122, %add3A_1335 : i32
        %get3A_1337 = arith.index_cast %add3A_1336 : i32 to index
        %get3A_1338 = arith.constant 48 : index
        %get3A_1339 = tpu.vector_load %arg10[%get3A_1337, %get3A_1338] {strides = array<i32>} : memref<80x128xf32, #tpu.memory_space<vmem>>, vector<16xf32>,
        %add3A_1340 = arith.addf %get3A_1334, %get3A_1339 : vector<16xf32>
        %max3A_1341 = arith.constant 0.000000e+00 : f32
        %max3A_1342 = vector.broadcast %max3A_1341 : f32 to vector<16xf32>
        %max3A_1343 = arith.maximumf %add3A_1340, %max3A_1342 : vector<16xf32>
        %add3A_1344 = arith.constant 1 : i32
        %add3A_1345 = arith.addi %add3A_1122, %add3A_1344 : i32
        %swap3A_1346 = arith.index_cast %add3A_1345 : i32 to index
        %swap3A_1347 = arith.constant 48 : index
        %swap3A_1348 = tpu.vector_load %arg9[%swap3A_1346, %swap3A_1347] {strides = array<i32>} : memref<80x128xf32, #tpu.memory_space<vmem>>, vector<16xf32>,
        tpu.vector_store %arg9[%swap3A_1346, %swap3A_1347], %max3A_1343 {strides = array<i32>} : memref<80x128xf32, #tpu.memory_space<vmem>>, vector<16xf32>,
        %add3A_1349 = arith.constant 1 : i32
        %add3A_1350 = arith.addi %add3A_1122, %add3A_1349 : i32
        %get3A_1351 = arith.index_cast %add3A_1350 : i32 to index
        %get3A_1352 = arith.constant 64 : index
        %get3A_1353 = tpu.vector_load %arg9[%get3A_1351, %get3A_1352] {strides = array<i32>} : memref<80x128xf32, #tpu.memory_space<vmem>>, vector<16xf32>,
        %add3A_1354 = arith.constant 1 : i32
        %add3A_1355 = arith.addi %add3A_1122, %add3A_1354 : i32
        %get3A_1356 = arith.index_cast %add3A_1355 : i32 to index
        %get3A_1357 = arith.constant 64 : index
        %get3A_1358 = tpu.vector_load %arg10[%get3A_1356, %get3A_1357] {strides = array<i32>} : memref<80x128xf32, #tpu.memory_space<vmem>>, vector<16xf32>,
        %add3A_1359 = arith.addf %get3A_1353, %get3A_1358 : vector<16xf32>
        %max3A_1360 = arith.constant 0.000000e+00 : f32
        %max3A_1361 = vector.broadcast %max3A_1360 : f32 to vector<16xf32>
        %max3A_1362 = arith.maximumf %add3A_1359, %max3A_1361 : vector<16xf32>
        %add3A_1363 = arith.constant 1 : i32
        %add3A_1364 = arith.addi %add3A_1122, %add3A_1363 : i32
        %swap3A_1365 = arith.index_cast %add3A_1364 : i32 to index
        %swap3A_1366 = arith.constant 64 : index
        %swap3A_1367 = tpu.vector_load %arg9[%swap3A_1365, %swap3A_1366] {strides = array<i32>} : memref<80x128xf32, #tpu.memory_space<vmem>>, vector<16xf32>,
        tpu.vector_store %arg9[%swap3A_1365, %swap3A_1366], %max3A_1362 {strides = array<i32>} : memref<80x128xf32, #tpu.memory_space<vmem>>, vector<16xf32>,
        %add3A_1368 = arith.constant 1 : i32
        %add3A_1369 = arith.addi %add3A_1122, %add3A_1368 : i32
        %get3A_1370 = arith.index_cast %add3A_1369 : i32 to index
        %get3A_1371 = arith.constant 80 : index
        %get3A_1372 = tpu.vector_load %arg9[%get3A_1370, %get3A_1371] {strides = array<i32>} : memref<80x128xf32, #tpu.memory_space<vmem>>, vector<16xf32>,
        %add3A_1373 = arith.constant 1 : i32
        %add3A_1374 = arith.addi %add3A_1122, %add3A_1373 : i32
        %get3A_1375 = arith.index_cast %add3A_1374 : i32 to index
        %get3A_1376 = arith.constant 80 : index
        %get3A_1377 = tpu.vector_load %arg10[%get3A_1375, %get3A_1376] {strides = array<i32>} : memref<80x128xf32, #tpu.memory_space<vmem>>, vector<16xf32>,
        %add3A_1378 = arith.addf %get3A_1372, %get3A_1377 : vector<16xf32>
        %max3A_1379 = arith.constant 0.000000e+00 : f32
        %max3A_1380 = vector.broadcast %max3A_1379 : f32 to vector<16xf32>
        %max3A_1381 = arith.maximumf %add3A_1378, %max3A_1380 : vector<16xf32>
        %add3A_1382 = arith.constant 1 : i32
        %add3A_1383 = arith.addi %add3A_1122, %add3A_1382 : i32
        %swap3A_1384 = arith.index_cast %add3A_1383 : i32 to index
        %swap3A_1385 = arith.constant 80 : index
        %swap3A_1386 = tpu.vector_load %arg9[%swap3A_1384, %swap3A_1385] {strides = array<i32>} : memref<80x128xf32, #tpu.memory_space<vmem>>, vector<16xf32>,
        tpu.vector_store %arg9[%swap3A_1384, %swap3A_1385], %max3A_1381 {strides = array<i32>} : memref<80x128xf32, #tpu.memory_space<vmem>>, vector<16xf32>,
        %add3A_1387 = arith.constant 1 : i32
        %add3A_1388 = arith.addi %add3A_1122, %add3A_1387 : i32
        %get3A_1389 = arith.index_cast %add3A_1388 : i32 to index
        %get3A_1390 = arith.constant 96 : index
        %get3A_1391 = tpu.vector_load %arg9[%get3A_1389, %get3A_1390] {strides = array<i32>} : memref<80x128xf32, #tpu.memory_space<vmem>>, vector<16xf32>,
        %add3A_1392 = arith.constant 1 : i32
        %add3A_1393 = arith.addi %add3A_1122, %add3A_1392 : i32
        %get3A_1394 = arith.index_cast %add3A_1393 : i32 to index
        %get3A_1395 = arith.constant 96 : index
        %get3A_1396 = tpu.vector_load %arg10[%get3A_1394, %get3A_1395] {strides = array<i32>} : memref<80x128xf32, #tpu.memory_space<vmem>>, vector<16xf32>,
        %add3A_1397 = arith.addf %get3A_1391, %get3A_1396 : vector<16xf32>
        %max3A_1398 = arith.constant 0.000000e+00 : f32
        %max3A_1399 = vector.broadcast %max3A_1398 : f32 to vector<16xf32>
        %max3A_1400 = arith.maximumf %add3A_1397, %max3A_1399 : vector<16xf32>
        %add3A_1401 = arith.constant 1 : i32
        %add3A_1402 = arith.addi %add3A_1122, %add3A_1401 : i32
        %swap3A_1403 = arith.index_cast %add3A_1402 : i32 to index
        %swap3A_1404 = arith.constant 96 : index
        %swap3A_1405 = tpu.vector_load %arg9[%swap3A_1403, %swap3A_1404] {strides = array<i32>} : memref<80x128xf32, #tpu.memory_space<vmem>>, vector<16xf32>,
        tpu.vector_store %arg9[%swap3A_1403, %swap3A_1404], %max3A_1400 {strides = array<i32>} : memref<80x128xf32, #tpu.memory_space<vmem>>, vector<16xf32>,
        %add3A_1406 = arith.constant 1 : i32
        %add3A_1407 = arith.addi %add3A_1122, %add3A_1406 : i32
        %get3A_1408 = arith.index_cast %add3A_1407 : i32 to index
        %get3A_1409 = arith.constant 112 : index
        %get3A_1410 = tpu.vector_load %arg9[%get3A_1408, %get3A_1409] {strides = array<i32>} : memref<80x128xf32, #tpu.memory_space<vmem>>, vector<16xf32>,
        %add3A_1411 = arith.constant 1 : i32
        %add3A_1412 = arith.addi %add3A_1122, %add3A_1411 : i32
        %get3A_1413 = arith.index_cast %add3A_1412 : i32 to index
        %get3A_1414 = arith.constant 112 : index
        %get3A_1415 = tpu.vector_load %arg10[%get3A_1413, %get3A_1414] {strides = array<i32>} : memref<80x128xf32, #tpu.memory_space<vmem>>, vector<16xf32>,
        %add3A_1416 = arith.addf %get3A_1410, %get3A_1415 : vector<16xf32>
        %max3A_1417 = arith.constant 0.000000e+00 : f32
        %max3A_1418 = vector.broadcast %max3A_1417 : f32 to vector<16xf32>
        %max3A_1419 = arith.maximumf %add3A_1416, %max3A_1418 : vector<16xf32>
        %add3A_1420 = arith.constant 1 : i32
        %add3A_1421 = arith.addi %add3A_1122, %add3A_1420 : i32
        %swap3A_1422 = arith.index_cast %add3A_1421 : i32 to index
        %swap3A_1423 = arith.constant 112 : index
        %swap3A_1424 = tpu.vector_load %arg9[%swap3A_1422, %swap3A_1423] {strides = array<i32>} : memref<80x128xf32, #tpu.memory_space<vmem>>, vector<16xf32>,
        tpu.vector_store %arg9[%swap3A_1422, %swap3A_1423], %max3A_1419 {strides = array<i32>} : memref<80x128xf32, #tpu.memory_space<vmem>>, vector<16xf32>,
      }
      %scan3A_809 = arith.constant 40 : i32
      %add3A_810 = arith.constant 1 : i32
      %add3A_811 = arith.addi %add3A_756, %add3A_810 : i32
      %mul3A_812 = arith.constant 80 : i32
      %mul3A_813 = arith.muli %add3A_811, %mul3A_812 : i32
      %add3A_814 = arith.addi %mul3A_7, %mul3A_813 : i32
      %dma_start3A_815 = arith.constant 0 : i32
      %dma_start3A_816 = tpu.memref_slice %arg3[%add3A_814, %dma_start3A_815] : memref<320000x128xf32, #tpu.memory_space<hbm>> -> memref<80x128xf32, #tpu.memory_space<hbm>>
      %dma_start3A_817 = arith.constant 0 : i32
      %dma_start3A_818 = tpu.memref_slice %arg3[%add3A_814, %dma_start3A_817] : memref<320000x128xf32, #tpu.memory_space<hbm>> -> memref<80x128xf32, #tpu.memory_space<hbm>>
      tpu.enqueue_dma source(%dma_start3A_818 : memref<80x128xf32, #tpu.memory_space<hbm>>) target(%arg10 : memref<80x128xf32, #tpu.memory_space<vmem>>) target_semaphore(%arg20 : memref<!tpu.dma_semaphore, #tpu.memory_space<semaphore_mem>>)
      %get3A_819 = arith.constant 3 : i32
      %get3A_820 = arith.constant 0 : i32
      %get3A_821 = arith.index_cast %get3A_819 : i32 to index
      %get3A_822 = arith.index_cast %get3A_820 : i32 to index
      %get3A_823 = arith.constant 0 : index
      %get3A_824 = tpu.vector_load %arg7[%get3A_821, %get3A_822, %get3A_823] {strides = array<i32>} : memref<4x2x80xi32, #tpu.memory_space<vmem>>, vector<16xi32>,
      tpu.vector_store_idx %arg12[%get3A_824], %broadcast_in_dim3A_2 {add = true} : memref<10240xf32, #tpu.memory_space<vmem>>[vector<16xi32>], vector<16xf32>,
      %get3A_825 = arith.constant 3 : i32
      %get3A_826 = arith.constant 0 : i32
      %get3A_827 = arith.index_cast %get3A_825 : i32 to index
      %get3A_828 = arith.index_cast %get3A_826 : i32 to index
      %get3A_829 = arith.constant 16 : index
      %get3A_830 = tpu.vector_load %arg7[%get3A_827, %get3A_828, %get3A_829] {strides = array<i32>} : memref<4x2x80xi32, #tpu.memory_space<vmem>>, vector<16xi32>,
      tpu.vector_store_idx %arg12[%get3A_830], %broadcast_in_dim3A_2 {add = true} : memref<10240xf32, #tpu.memory_space<vmem>>[vector<16xi32>], vector<16xf32>,
      %get3A_831 = arith.constant 3 : i32
      %get3A_832 = arith.constant 0 : i32
      %get3A_833 = arith.index_cast %get3A_831 : i32 to index
      %get3A_834 = arith.index_cast %get3A_832 : i32 to index
      %get3A_835 = arith.constant 32 : index
      %get3A_836 = tpu.vector_load %arg7[%get3A_833, %get3A_834, %get3A_835] {strides = array<i32>} : memref<4x2x80xi32, #tpu.memory_space<vmem>>, vector<16xi32>,
      tpu.vector_store_idx %arg12[%get3A_836], %broadcast_in_dim3A_2 {add = true} : memref<10240xf32, #tpu.memory_space<vmem>>[vector<16xi32>], vector<16xf32>,
      %get3A_837 = arith.constant 3 : i32
      %get3A_838 = arith.constant 0 : i32
      %get3A_839 = arith.index_cast %get3A_837 : i32 to index
      %get3A_840 = arith.index_cast %get3A_838 : i32 to index
      %get3A_841 = arith.constant 48 : index
      %get3A_842 = tpu.vector_load %arg7[%get3A_839, %get3A_840, %get3A_841] {strides = array<i32>} : memref<4x2x80xi32, #tpu.memory_space<vmem>>, vector<16xi32>,
      tpu.vector_store_idx %arg12[%get3A_842], %broadcast_in_dim3A_2 {add = true} : memref<10240xf32, #tpu.memory_space<vmem>>[vector<16xi32>], vector<16xf32>,
      %get3A_843 = arith.constant 3 : i32
      %get3A_844 = arith.constant 0 : i32
      %get3A_845 = arith.index_cast %get3A_843 : i32 to index
      %get3A_846 = arith.index_cast %get3A_844 : i32 to index
      %get3A_847 = arith.constant 64 : index
      %get3A_848 = tpu.vector_load %arg7[%get3A_845, %get3A_846, %get3A_847] {strides = array<i32>} : memref<4x2x80xi32, #tpu.memory_space<vmem>>, vector<16xi32>,
      tpu.vector_store_idx %arg12[%get3A_848], %broadcast_in_dim3A_2 {add = true} : memref<10240xf32, #tpu.memory_space<vmem>>[vector<16xi32>], vector<16xf32>,
      %dma_start3A_849 = arith.constant 3 : i32
      %dma_start3A_850 = arith.constant 0 : i32
      %dma_start3A_851 = arith.constant 0 : i32
      %dma_start3A_852 = tpu.memref_slice %arg7[%dma_start3A_849, %dma_start3A_850, %dma_start3A_851] : memref<4x2x80xi32, #tpu.memory_space<vmem>> -> memref<1x1x80xi32, #tpu.memory_space<vmem>>
      %dma_start3A_853 = tpu.memref_squeeze %dma_start3A_852 : memref<1x1x80xi32, #tpu.memory_space<vmem>> -> memref<80xi32, #tpu.memory_space<vmem>>
      %dma_start3A_854 = arith.constant 0 : i32
      %dma_start3A_855 = arith.constant 0 : i32
      %dma_start3A_856 = tpu.memref_slice %arg13[%dma_start3A_854, %dma_start3A_855] : memref<10240x128xf32, #tpu.memory_space<vmem_shared>> -> memref<10240x128xf32, #tpu.memory_space<vmem_shared>>
      tpu.enqueue_indirect_dma source(%arg9 : memref<80x128xf32, #tpu.memory_space<vmem>>) target(%dma_start3A_856 : memref<10240x128xf32, #tpu.memory_space<vmem_shared>>) offsets(%dma_start3A_853 : memref<80xi32, #tpu.memory_space<vmem>>) semaphore(%arg22 : memref<!tpu.dma_semaphore, #tpu.memory_space<semaphore_mem>>) {add = true}
      %add3A_857 = arith.constant 2 : i32
      %add3A_858 = arith.addi %add3A_756, %add3A_857 : i32
      %dma_start3A_859 = arith.constant 1 : i32
      %dma_start3A_860 = arith.constant 0 : i32
      %dma_start3A_861 = arith.constant 0 : i32
      %dma_start3A_862 = tpu.memref_slice %arg7[%dma_start3A_859, %dma_start3A_860, %dma_start3A_861] : memref<4x2x80xi32, #tpu.memory_space<vmem>> -> memref<1x2x80xi32, #tpu.memory_space<vmem>>
      %dma_start3A_863 = tpu.memref_squeeze %dma_start3A_862 : memref<1x2x80xi32, #tpu.memory_space<vmem>> -> memref<2x80xi32, #tpu.memory_space<vmem>>
      %dma_start3A_864 = arith.constant 0 : i32
      %dma_start3A_865 = arith.constant 0 : i32
      %dma_start3A_866 = tpu.memref_slice %arg4[%add3A, %add3A_858, %dma_start3A_864, %dma_start3A_865] : memref<32x125x2x80xi32, #tpu.memory_space<hbm>> -> memref<1x1x2x80xi32, #tpu.memory_space<hbm>>
      %dma_start3A_867 = tpu.memref_squeeze %dma_start3A_866 : memref<1x1x2x80xi32, #tpu.memory_space<hbm>> -> memref<2x80xi32, #tpu.memory_space<hbm>>
      %dma_start3A_868 = arith.constant 0 : i32
      %dma_start3A_869 = arith.constant 0 : i32
      %dma_start3A_870 = tpu.memref_slice %arg7[%dma_start3A_859, %dma_start3A_868, %dma_start3A_869] : memref<4x2x80xi32, #tpu.memory_space<vmem>> -> memref<1x2x80xi32, #tpu.memory_space<vmem>>
      %dma_start3A_871 = tpu.memref_squeeze %dma_start3A_870 : memref<1x2x80xi32, #tpu.memory_space<vmem>> -> memref<2x80xi32, #tpu.memory_space<vmem>>
      %dma_start3A_872 = arith.constant 0 : i32
      %dma_start3A_873 = arith.constant 0 : i32
      %dma_start3A_874 = tpu.memref_slice %arg4[%add3A, %add3A_858, %dma_start3A_872, %dma_start3A_873] : memref<32x125x2x80xi32, #tpu.memory_space<hbm>> -> memref<1x1x2x80xi32, #tpu.memory_space<hbm>>
      %dma_start3A_875 = tpu.memref_squeeze %dma_start3A_874 : memref<1x1x2x80xi32, #tpu.memory_space<hbm>> -> memref<2x80xi32, #tpu.memory_space<hbm>>
      tpu.enqueue_dma source(%dma_start3A_875 : memref<2x80xi32, #tpu.memory_space<hbm>>) target(%dma_start3A_871 : memref<2x80xi32, #tpu.memory_space<vmem>>) target_semaphore(%arg15 : memref<!tpu.dma_semaphore, #tpu.memory_space<semaphore_mem>>)
      %add3A_876 = arith.constant 2 : i32
      %add3A_877 = arith.addi %add3A_633, %add3A_876 : i32
      %dma_wait3A_878 = arith.constant 0 : i32
      %dma_wait3A_879 = arith.constant 1 : i32
      %dma_wait3A_880 = arith.constant 0 : i32
      %dma_wait3A_881 = arith.constant 0 : i32
      %dma_wait3A_882 = tpu.memref_slice %arg7[%dma_wait3A_879, %dma_wait3A_880, %dma_wait3A_881] : memref<4x2x80xi32, #tpu.memory_space<vmem>> -> memref<1x2x80xi32, #tpu.memory_space<vmem>>
      %dma_wait3A_883 = tpu.memref_squeeze %dma_wait3A_882 : memref<1x2x80xi32, #tpu.memory_space<vmem>> -> memref<2x80xi32, #tpu.memory_space<vmem>>
      %dma_wait3A_884 = arith.constant 0 : i32
      %dma_wait3A_885 = arith.constant 0 : i32
      %dma_wait3A_886 = tpu.memref_slice %arg4[%add3A, %dma_wait3A_878, %dma_wait3A_884, %dma_wait3A_885] : memref<32x125x2x80xi32, #tpu.memory_space<hbm>> -> memref<1x1x2x80xi32, #tpu.memory_space<hbm>>
      %dma_wait3A_887 = tpu.memref_squeeze %dma_wait3A_886 : memref<1x1x2x80xi32, #tpu.memory_space<hbm>> -> memref<2x80xi32, #tpu.memory_space<hbm>>
      %dma_wait3A_888 = arith.constant 0 : i32
      %dma_wait3A_889 = arith.constant 0 : i32
      %dma_wait3A_890 = tpu.memref_slice %arg7[%dma_wait3A_879, %dma_wait3A_888, %dma_wait3A_889] : memref<4x2x80xi32, #tpu.memory_space<vmem>> -> memref<1x2x80xi32, #tpu.memory_space<vmem>>
      %dma_wait3A_891 = tpu.memref_squeeze %dma_wait3A_890 : memref<1x2x80xi32, #tpu.memory_space<vmem>> -> memref<2x80xi32, #tpu.memory_space<vmem>>
      %dma_wait3A_892 = arith.constant 0 : i32
      %dma_wait3A_893 = arith.constant 0 : i32
      %dma_wait3A_894 = tpu.memref_slice %arg4[%add3A, %dma_wait3A_878, %dma_wait3A_892, %dma_wait3A_893] : memref<32x125x2x80xi32, #tpu.memory_space<hbm>> -> memref<1x1x2x80xi32, #tpu.memory_space<hbm>>
      %dma_wait3A_895 = tpu.memref_squeeze %dma_wait3A_894 : memref<1x1x2x80xi32, #tpu.memory_space<hbm>> -> memref<2x80xi32, #tpu.memory_space<hbm>>
      tpu.wait_dma2 semaphore(%arg15 : memref<!tpu.dma_semaphore, #tpu.memory_space<semaphore_mem>>) src(%dma_wait3A_895 : memref<2x80xi32, #tpu.memory_space<hbm>>) dst(%dma_wait3A_891 : memref<2x80xi32, #tpu.memory_space<vmem>>)
      %dma_wait3A_896 = arith.constant 0 : i32
      %dma_wait3A_897 = arith.constant 1 : i32
      %dma_wait3A_898 = arith.constant 0 : i32
      %dma_wait3A_899 = tpu.memref_slice %arg7[%dma_wait3A_896, %dma_wait3A_897, %dma_wait3A_898] : memref<4x2x80xi32, #tpu.memory_space<vmem>> -> memref<1x1x80xi32, #tpu.memory_space<vmem>>
      %dma_wait3A_900 = tpu.memref_squeeze %dma_wait3A_899 : memref<1x1x80xi32, #tpu.memory_space<vmem>> -> memref<80xi32, #tpu.memory_space<vmem>>
      %dma_wait3A_901 = arith.constant 0 : i32
      %dma_wait3A_902 = arith.constant 0 : i32
      %dma_wait3A_903 = tpu.memref_slice %arg2[%dma_wait3A_901, %dma_wait3A_902] : memref<10000x128xf32, #tpu.memory_space<hbm>> -> memref<10000x128xf32, #tpu.memory_space<hbm>>
      tpu.wait_indirect_dma semaphore(%arg18 : memref<!tpu.dma_semaphore, #tpu.memory_space<semaphore_mem>>) src(%dma_wait3A_903 : memref<10000x128xf32, #tpu.memory_space<hbm>>) dst(%arg8 : memref<80x128xf32, #tpu.memory_space<vmem>>)
      %dma_wait3A_904 = arith.constant 0 : i32
      %dma_wait3A_905 = tpu.memref_slice %arg3[%mul3A_7, %dma_wait3A_904] : memref<320000x128xf32, #tpu.memory_space<hbm>> -> memref<80x128xf32, #tpu.memory_space<hbm>>
      %dma_wait3A_906 = arith.constant 0 : i32
      %dma_wait3A_907 = tpu.memref_slice %arg3[%mul3A_7, %dma_wait3A_906] : memref<320000x128xf32, #tpu.memory_space<hbm>> -> memref<80x128xf32, #tpu.memory_space<hbm>>
      tpu.wait_dma2 semaphore(%arg20 : memref<!tpu.dma_semaphore, #tpu.memory_space<semaphore_mem>>) src(%dma_wait3A_907 : memref<80x128xf32, #tpu.memory_space<hbm>>) dst(%arg10 : memref<80x128xf32, #tpu.memory_space<vmem>>)
      %dma_wait3A_908 = arith.constant 3 : i32
      %dma_wait3A_909 = arith.constant 0 : i32
      %dma_wait3A_910 = arith.constant 0 : i32
      %dma_wait3A_911 = tpu.memref_slice %arg7[%dma_wait3A_908, %dma_wait3A_909, %dma_wait3A_910] : memref<4x2x80xi32, #tpu.memory_space<vmem>> -> memref<1x1x80xi32, #tpu.memory_space<vmem>>
      %dma_wait3A_912 = tpu.memref_squeeze %dma_wait3A_911 : memref<1x1x80xi32, #tpu.memory_space<vmem>> -> memref<80xi32, #tpu.memory_space<vmem>>
      %dma_wait3A_913 = arith.constant 0 : i32
      %dma_wait3A_914 = arith.constant 0 : i32
      %dma_wait3A_915 = tpu.memref_slice %arg13[%dma_wait3A_913, %dma_wait3A_914] : memref<10240x128xf32, #tpu.memory_space<vmem_shared>> -> memref<10240x128xf32, #tpu.memory_space<vmem_shared>>
      tpu.wait_indirect_dma semaphore(%arg22 : memref<!tpu.dma_semaphore, #tpu.memory_space<semaphore_mem>>) src(%arg9 : memref<80x128xf32, #tpu.memory_space<vmem>>) dst(%dma_wait3A_915 : memref<10240x128xf32, #tpu.memory_space<vmem_shared>>)
      %add3A_916 = arith.constant 1 : i32
      %add3A_917 = arith.addi %add3A_877, %add3A_916 : i32
      %dma_start3A_918 = arith.constant 1 : i32
      %dma_start3A_919 = arith.constant 1 : i32
      %dma_start3A_920 = arith.constant 0 : i32
      %dma_start3A_921 = tpu.memref_slice %arg7[%dma_start3A_918, %dma_start3A_919, %dma_start3A_920] : memref<4x2x80xi32, #tpu.memory_space<vmem>> -> memref<1x1x80xi32, #tpu.memory_space<vmem>>
      %dma_start3A_922 = tpu.memref_squeeze %dma_start3A_921 : memref<1x1x80xi32, #tpu.memory_space<vmem>> -> memref<80xi32, #tpu.memory_space<vmem>>
      %dma_start3A_923 = arith.constant 0 : i32
      %dma_start3A_924 = arith.constant 0 : i32
      %dma_start3A_925 = tpu.memref_slice %arg2[%dma_start3A_923, %dma_start3A_924] : memref<10000x128xf32, #tpu.memory_space<hbm>> -> memref<10000x128xf32, #tpu.memory_space<hbm>>
      tpu.enqueue_indirect_dma source(%dma_start3A_925 : memref<10000x128xf32, #tpu.memory_space<hbm>>) target(%arg9 : memref<80x128xf32, #tpu.memory_space<vmem>>) offsets(%dma_start3A_922 : memref<80xi32, #tpu.memory_space<vmem>>) semaphore(%arg19 : memref<!tpu.dma_semaphore, #tpu.memory_space<semaphore_mem>>)
      %scan3A_926 = arith.constant 0 : i32
      %scan3A_927 = arith.constant 40 : i32
      %scan3A_928 = arith.addi %scan3A_926, %scan3A_927 : i32
      %scan3A_929 = arith.constant 1 : i32
      scf.for %scan3A_1118 = %scan3A_926 to %scan3A_928 step %scan3A_929  : i32 {
        %mul3A_1119 = arith.constant 2 : i32
        %mul3A_1120 = arith.muli %scan3A_1118, %mul3A_1119 : i32
        %add3A_1121 = arith.constant 0 : i32
        %add3A_1122 = arith.addi %add3A_1121, %mul3A_1120 : i32
        %add3A_1123 = arith.constant 0 : i32
        %add3A_1124 = arith.addi %add3A_1122, %add3A_1123 : i32
        %get3A_1125 = arith.index_cast %add3A_1124 : i32 to index
        %get3A_1126 = arith.constant 0 : index
        %get3A_1127 = tpu.vector_load %arg8[%get3A_1125, %get3A_1126] {strides = array<i32>} : memref<80x128xf32, #tpu.memory_space<vmem>>, vector<16xf32>,
        %add3A_1128 = arith.constant 0 : i32
        %add3A_1129 = arith.addi %add3A_1122, %add3A_1128 : i32
        %get3A_1130 = arith.index_cast %add3A_1129 : i32 to index
        %get3A_1131 = arith.constant 0 : index
        %get3A_1132 = tpu.vector_load %arg10[%get3A_1130, %get3A_1131] {strides = array<i32>} : memref<80x128xf32, #tpu.memory_space<vmem>>, vector<16xf32>,
        %add3A_1133 = arith.addf %get3A_1127, %get3A_1132 : vector<16xf32>
        %max3A = arith.constant 0.000000e+00 : f32
        %max3A_1134 = vector.broadcast %max3A : f32 to vector<16xf32>
        %max3A_1135 = arith.maximumf %add3A_1133, %max3A_1134 : vector<16xf32>
        %add3A_1136 = arith.constant 0 : i32
        %add3A_1137 = arith.addi %add3A_1122, %add3A_1136 : i32
        %swap3A = arith.index_cast %add3A_1137 : i32 to index
        %swap3A_1138 = arith.constant 0 : index
        %swap3A_1139 = tpu.vector_load %arg8[%swap3A, %swap3A_1138] {strides = array<i32>} : memref<80x128xf32, #tpu.memory_space<vmem>>, vector<16xf32>,
        tpu.vector_store %arg8[%swap3A, %swap3A_1138], %max3A_1135 {strides = array<i32>} : memref<80x128xf32, #tpu.memory_space<vmem>>, vector<16xf32>,
        %add3A_1140 = arith.constant 0 : i32
        %add3A_1141 = arith.addi %add3A_1122, %add3A_1140 : i32
        %get3A_1142 = arith.index_cast %add3A_1141 : i32 to index
        %get3A_1143 = arith.constant 16 : index
        %get3A_1144 = tpu.vector_load %arg8[%get3A_1142, %get3A_1143] {strides = array<i32>} : memref<80x128xf32, #tpu.memory_space<vmem>>, vector<16xf32>,
        %add3A_1145 = arith.constant 0 : i32
        %add3A_1146 = arith.addi %add3A_1122, %add3A_1145 : i32
        %get3A_1147 = arith.index_cast %add3A_1146 : i32 to index
        %get3A_1148 = arith.constant 16 : index
        %get3A_1149 = tpu.vector_load %arg10[%get3A_1147, %get3A_1148] {strides = array<i32>} : memref<80x128xf32, #tpu.memory_space<vmem>>, vector<16xf32>,
        %add3A_1150 = arith.addf %get3A_1144, %get3A_1149 : vector<16xf32>
        %max3A_1151 = arith.constant 0.000000e+00 : f32
        %max3A_1152 = vector.broadcast %max3A_1151 : f32 to vector<16xf32>
        %max3A_1153 = arith.maximumf %add3A_1150, %max3A_1152 : vector<16xf32>
        %add3A_1154 = arith.constant 0 : i32
        %add3A_1155 = arith.addi %add3A_1122, %add3A_1154 : i32
        %swap3A_1156 = arith.index_cast %add3A_1155 : i32 to index
        %swap3A_1157 = arith.constant 16 : index
        %swap3A_1158 = tpu.vector_load %arg8[%swap3A_1156, %swap3A_1157] {strides = array<i32>} : memref<80x128xf32, #tpu.memory_space<vmem>>, vector<16xf32>,
        tpu.vector_store %arg8[%swap3A_1156, %swap3A_1157], %max3A_1153 {strides = array<i32>} : memref<80x128xf32, #tpu.memory_space<vmem>>, vector<16xf32>,
        %add3A_1159 = arith.constant 0 : i32
        %add3A_1160 = arith.addi %add3A_1122, %add3A_1159 : i32
        %get3A_1161 = arith.index_cast %add3A_1160 : i32 to index
        %get3A_1162 = arith.constant 32 : index
        %get3A_1163 = tpu.vector_load %arg8[%get3A_1161, %get3A_1162] {strides = array<i32>} : memref<80x128xf32, #tpu.memory_space<vmem>>, vector<16xf32>,
        %add3A_1164 = arith.constant 0 : i32
        %add3A_1165 = arith.addi %add3A_1122, %add3A_1164 : i32
        %get3A_1166 = arith.index_cast %add3A_1165 : i32 to index
        %get3A_1167 = arith.constant 32 : index
        %get3A_1168 = tpu.vector_load %arg10[%get3A_1166, %get3A_1167] {strides = array<i32>} : memref<80x128xf32, #tpu.memory_space<vmem>>, vector<16xf32>,
        %add3A_1169 = arith.addf %get3A_1163, %get3A_1168 : vector<16xf32>
        %max3A_1170 = arith.constant 0.000000e+00 : f32
        %max3A_1171 = vector.broadcast %max3A_1170 : f32 to vector<16xf32>
        %max3A_1172 = arith.maximumf %add3A_1169, %max3A_1171 : vector<16xf32>
        %add3A_1173 = arith.constant 0 : i32
        %add3A_1174 = arith.addi %add3A_1122, %add3A_1173 : i32
        %swap3A_1175 = arith.index_cast %add3A_1174 : i32 to index
        %swap3A_1176 = arith.constant 32 : index
        %swap3A_1177 = tpu.vector_load %arg8[%swap3A_1175, %swap3A_1176] {strides = array<i32>} : memref<80x128xf32, #tpu.memory_space<vmem>>, vector<16xf32>,
        tpu.vector_store %arg8[%swap3A_1175, %swap3A_1176], %max3A_1172 {strides = array<i32>} : memref<80x128xf32, #tpu.memory_space<vmem>>, vector<16xf32>,
        %add3A_1178 = arith.constant 0 : i32
        %add3A_1179 = arith.addi %add3A_1122, %add3A_1178 : i32
        %get3A_1180 = arith.index_cast %add3A_1179 : i32 to index
        %get3A_1181 = arith.constant 48 : index
        %get3A_1182 = tpu.vector_load %arg8[%get3A_1180, %get3A_1181] {strides = array<i32>} : memref<80x128xf32, #tpu.memory_space<vmem>>, vector<16xf32>,
        %add3A_1183 = arith.constant 0 : i32
        %add3A_1184 = arith.addi %add3A_1122, %add3A_1183 : i32
        %get3A_1185 = arith.index_cast %add3A_1184 : i32 to index
        %get3A_1186 = arith.constant 48 : index
        %get3A_1187 = tpu.vector_load %arg10[%get3A_1185, %get3A_1186] {strides = array<i32>} : memref<80x128xf32, #tpu.memory_space<vmem>>, vector<16xf32>,
        %add3A_1188 = arith.addf %get3A_1182, %get3A_1187 : vector<16xf32>
        %max3A_1189 = arith.constant 0.000000e+00 : f32
        %max3A_1190 = vector.broadcast %max3A_1189 : f32 to vector<16xf32>
        %max3A_1191 = arith.maximumf %add3A_1188, %max3A_1190 : vector<16xf32>
        %add3A_1192 = arith.constant 0 : i32
        %add3A_1193 = arith.addi %add3A_1122, %add3A_1192 : i32
        %swap3A_1194 = arith.index_cast %add3A_1193 : i32 to index
        %swap3A_1195 = arith.constant 48 : index
        %swap3A_1196 = tpu.vector_load %arg8[%swap3A_1194, %swap3A_1195] {strides = array<i32>} : memref<80x128xf32, #tpu.memory_space<vmem>>, vector<16xf32>,
        tpu.vector_store %arg8[%swap3A_1194, %swap3A_1195], %max3A_1191 {strides = array<i32>} : memref<80x128xf32, #tpu.memory_space<vmem>>, vector<16xf32>,
        %add3A_1197 = arith.constant 0 : i32
        %add3A_1198 = arith.addi %add3A_1122, %add3A_1197 : i32
        %get3A_1199 = arith.index_cast %add3A_1198 : i32 to index
        %get3A_1200 = arith.constant 64 : index
        %get3A_1201 = tpu.vector_load %arg8[%get3A_1199, %get3A_1200] {strides = array<i32>} : memref<80x128xf32, #tpu.memory_space<vmem>>, vector<16xf32>,
        %add3A_1202 = arith.constant 0 : i32
        %add3A_1203 = arith.addi %add3A_1122, %add3A_1202 : i32
        %get3A_1204 = arith.index_cast %add3A_1203 : i32 to index
        %get3A_1205 = arith.constant 64 : index
        %get3A_1206 = tpu.vector_load %arg10[%get3A_1204, %get3A_1205] {strides = array<i32>} : memref<80x128xf32, #tpu.memory_space<vmem>>, vector<16xf32>,
        %add3A_1207 = arith.addf %get3A_1201, %get3A_1206 : vector<16xf32>
        %max3A_1208 = arith.constant 0.000000e+00 : f32
        %max3A_1209 = vector.broadcast %max3A_1208 : f32 to vector<16xf32>
        %max3A_1210 = arith.maximumf %add3A_1207, %max3A_1209 : vector<16xf32>
        %add3A_1211 = arith.constant 0 : i32
        %add3A_1212 = arith.addi %add3A_1122, %add3A_1211 : i32
        %swap3A_1213 = arith.index_cast %add3A_1212 : i32 to index
        %swap3A_1214 = arith.constant 64 : index
        %swap3A_1215 = tpu.vector_load %arg8[%swap3A_1213, %swap3A_1214] {strides = array<i32>} : memref<80x128xf32, #tpu.memory_space<vmem>>, vector<16xf32>,
        tpu.vector_store %arg8[%swap3A_1213, %swap3A_1214], %max3A_1210 {strides = array<i32>} : memref<80x128xf32, #tpu.memory_space<vmem>>, vector<16xf32>,
        %add3A_1216 = arith.constant 0 : i32
        %add3A_1217 = arith.addi %add3A_1122, %add3A_1216 : i32
        %get3A_1218 = arith.index_cast %add3A_1217 : i32 to index
        %get3A_1219 = arith.constant 80 : index
        %get3A_1220 = tpu.vector_load %arg8[%get3A_1218, %get3A_1219] {strides = array<i32>} : memref<80x128xf32, #tpu.memory_space<vmem>>, vector<16xf32>,
        %add3A_1221 = arith.constant 0 : i32
        %add3A_1222 = arith.addi %add3A_1122, %add3A_1221 : i32
        %get3A_1223 = arith.index_cast %add3A_1222 : i32 to index
        %get3A_1224 = arith.constant 80 : index
        %get3A_1225 = tpu.vector_load %arg10[%get3A_1223, %get3A_1224] {strides = array<i32>} : memref<80x128xf32, #tpu.memory_space<vmem>>, vector<16xf32>,
        %add3A_1226 = arith.addf %get3A_1220, %get3A_1225 : vector<16xf32>
        %max3A_1227 = arith.constant 0.000000e+00 : f32
        %max3A_1228 = vector.broadcast %max3A_1227 : f32 to vector<16xf32>
        %max3A_1229 = arith.maximumf %add3A_1226, %max3A_1228 : vector<16xf32>
        %add3A_1230 = arith.constant 0 : i32
        %add3A_1231 = arith.addi %add3A_1122, %add3A_1230 : i32
        %swap3A_1232 = arith.index_cast %add3A_1231 : i32 to index
        %swap3A_1233 = arith.constant 80 : index
        %swap3A_1234 = tpu.vector_load %arg8[%swap3A_1232, %swap3A_1233] {strides = array<i32>} : memref<80x128xf32, #tpu.memory_space<vmem>>, vector<16xf32>,
        tpu.vector_store %arg8[%swap3A_1232, %swap3A_1233], %max3A_1229 {strides = array<i32>} : memref<80x128xf32, #tpu.memory_space<vmem>>, vector<16xf32>,
        %add3A_1235 = arith.constant 0 : i32
        %add3A_1236 = arith.addi %add3A_1122, %add3A_1235 : i32
        %get3A_1237 = arith.index_cast %add3A_1236 : i32 to index
        %get3A_1238 = arith.constant 96 : index
        %get3A_1239 = tpu.vector_load %arg8[%get3A_1237, %get3A_1238] {strides = array<i32>} : memref<80x128xf32, #tpu.memory_space<vmem>>, vector<16xf32>,
        %add3A_1240 = arith.constant 0 : i32
        %add3A_1241 = arith.addi %add3A_1122, %add3A_1240 : i32
        %get3A_1242 = arith.index_cast %add3A_1241 : i32 to index
        %get3A_1243 = arith.constant 96 : index
        %get3A_1244 = tpu.vector_load %arg10[%get3A_1242, %get3A_1243] {strides = array<i32>} : memref<80x128xf32, #tpu.memory_space<vmem>>, vector<16xf32>,
        %add3A_1245 = arith.addf %get3A_1239, %get3A_1244 : vector<16xf32>
        %max3A_1246 = arith.constant 0.000000e+00 : f32
        %max3A_1247 = vector.broadcast %max3A_1246 : f32 to vector<16xf32>
        %max3A_1248 = arith.maximumf %add3A_1245, %max3A_1247 : vector<16xf32>
        %add3A_1249 = arith.constant 0 : i32
        %add3A_1250 = arith.addi %add3A_1122, %add3A_1249 : i32
        %swap3A_1251 = arith.index_cast %add3A_1250 : i32 to index
        %swap3A_1252 = arith.constant 96 : index
        %swap3A_1253 = tpu.vector_load %arg8[%swap3A_1251, %swap3A_1252] {strides = array<i32>} : memref<80x128xf32, #tpu.memory_space<vmem>>, vector<16xf32>,
        tpu.vector_store %arg8[%swap3A_1251, %swap3A_1252], %max3A_1248 {strides = array<i32>} : memref<80x128xf32, #tpu.memory_space<vmem>>, vector<16xf32>,
        %add3A_1254 = arith.constant 0 : i32
        %add3A_1255 = arith.addi %add3A_1122, %add3A_1254 : i32
        %get3A_1256 = arith.index_cast %add3A_1255 : i32 to index
        %get3A_1257 = arith.constant 112 : index
        %get3A_1258 = tpu.vector_load %arg8[%get3A_1256, %get3A_1257] {strides = array<i32>} : memref<80x128xf32, #tpu.memory_space<vmem>>, vector<16xf32>,
        %add3A_1259 = arith.constant 0 : i32
        %add3A_1260 = arith.addi %add3A_1122, %add3A_1259 : i32
        %get3A_1261 = arith.index_cast %add3A_1260 : i32 to index
        %get3A_1262 = arith.constant 112 : index
        %get3A_1263 = tpu.vector_load %arg10[%get3A_1261, %get3A_1262] {strides = array<i32>} : memref<80x128xf32, #tpu.memory_space<vmem>>, vector<16xf32>,
        %add3A_1264 = arith.addf %get3A_1258, %get3A_1263 : vector<16xf32>
        %max3A_1265 = arith.constant 0.000000e+00 : f32
        %max3A_1266 = vector.broadcast %max3A_1265 : f32 to vector<16xf32>
        %max3A_1267 = arith.maximumf %add3A_1264, %max3A_1266 : vector<16xf32>
        %add3A_1268 = arith.constant 0 : i32
        %add3A_1269 = arith.addi %add3A_1122, %add3A_1268 : i32
        %swap3A_1270 = arith.index_cast %add3A_1269 : i32 to index
        %swap3A_1271 = arith.constant 112 : index
        %swap3A_1272 = tpu.vector_load %arg8[%swap3A_1270, %swap3A_1271] {strides = array<i32>} : memref<80x128xf32, #tpu.memory_space<vmem>>, vector<16xf32>,
        tpu.vector_store %arg8[%swap3A_1270, %swap3A_1271], %max3A_1267 {strides = array<i32>} : memref<80x128xf32, #tpu.memory_space<vmem>>, vector<16xf32>,
        %add3A_1273 = arith.constant 1 : i32
        %add3A_1274 = arith.addi %add3A_1122, %add3A_1273 : i32
        %get3A_1275 = arith.index_cast %add3A_1274 : i32 to index
        %get3A_1276 = arith.constant 0 : index
        %get3A_1277 = tpu.vector_load %arg8[%get3A_1275, %get3A_1276] {strides = array<i32>} : memref<80x128xf32, #tpu.memory_space<vmem>>, vector<16xf32>,
        %add3A_1278 = arith.constant 1 : i32
        %add3A_1279 = arith.addi %add3A_1122, %add3A_1278 : i32
        %get3A_1280 = arith.index_cast %add3A_1279 : i32 to index
        %get3A_1281 = arith.constant 0 : index
        %get3A_1282 = tpu.vector_load %arg10[%get3A_1280, %get3A_1281] {strides = array<i32>} : memref<80x128xf32, #tpu.memory_space<vmem>>, vector<16xf32>,
        %add3A_1283 = arith.addf %get3A_1277, %get3A_1282 : vector<16xf32>
        %max3A_1284 = arith.constant 0.000000e+00 : f32
        %max3A_1285 = vector.broadcast %max3A_1284 : f32 to vector<16xf32>
        %max3A_1286 = arith.maximumf %add3A_1283, %max3A_1285 : vector<16xf32>
        %add3A_1287 = arith.constant 1 : i32
        %add3A_1288 = arith.addi %add3A_1122, %add3A_1287 : i32
        %swap3A_1289 = arith.index_cast %add3A_1288 : i32 to index
        %swap3A_1290 = arith.constant 0 : index
        %swap3A_1291 = tpu.vector_load %arg8[%swap3A_1289, %swap3A_1290] {strides = array<i32>} : memref<80x128xf32, #tpu.memory_space<vmem>>, vector<16xf32>,
        tpu.vector_store %arg8[%swap3A_1289, %swap3A_1290], %max3A_1286 {strides = array<i32>} : memref<80x128xf32, #tpu.memory_space<vmem>>, vector<16xf32>,
        %add3A_1292 = arith.constant 1 : i32
        %add3A_1293 = arith.addi %add3A_1122, %add3A_1292 : i32
        %get3A_1294 = arith.index_cast %add3A_1293 : i32 to index
        %get3A_1295 = arith.constant 16 : index
        %get3A_1296 = tpu.vector_load %arg8[%get3A_1294, %get3A_1295] {strides = array<i32>} : memref<80x128xf32, #tpu.memory_space<vmem>>, vector<16xf32>,
        %add3A_1297 = arith.constant 1 : i32
        %add3A_1298 = arith.addi %add3A_1122, %add3A_1297 : i32
        %get3A_1299 = arith.index_cast %add3A_1298 : i32 to index
        %get3A_1300 = arith.constant 16 : index
        %get3A_1301 = tpu.vector_load %arg10[%get3A_1299, %get3A_1300] {strides = array<i32>} : memref<80x128xf32, #tpu.memory_space<vmem>>, vector<16xf32>,
        %add3A_1302 = arith.addf %get3A_1296, %get3A_1301 : vector<16xf32>
        %max3A_1303 = arith.constant 0.000000e+00 : f32
        %max3A_1304 = vector.broadcast %max3A_1303 : f32 to vector<16xf32>
        %max3A_1305 = arith.maximumf %add3A_1302, %max3A_1304 : vector<16xf32>
        %add3A_1306 = arith.constant 1 : i32
        %add3A_1307 = arith.addi %add3A_1122, %add3A_1306 : i32
        %swap3A_1308 = arith.index_cast %add3A_1307 : i32 to index
        %swap3A_1309 = arith.constant 16 : index
        %swap3A_1310 = tpu.vector_load %arg8[%swap3A_1308, %swap3A_1309] {strides = array<i32>} : memref<80x128xf32, #tpu.memory_space<vmem>>, vector<16xf32>,
        tpu.vector_store %arg8[%swap3A_1308, %swap3A_1309], %max3A_1305 {strides = array<i32>} : memref<80x128xf32, #tpu.memory_space<vmem>>, vector<16xf32>,
        %add3A_1311 = arith.constant 1 : i32
        %add3A_1312 = arith.addi %add3A_1122, %add3A_1311 : i32
        %get3A_1313 = arith.index_cast %add3A_1312 : i32 to index
        %get3A_1314 = arith.constant 32 : index
        %get3A_1315 = tpu.vector_load %arg8[%get3A_1313, %get3A_1314] {strides = array<i32>} : memref<80x128xf32, #tpu.memory_space<vmem>>, vector<16xf32>,
        %add3A_1316 = arith.constant 1 : i32
        %add3A_1317 = arith.addi %add3A_1122, %add3A_1316 : i32
        %get3A_1318 = arith.index_cast %add3A_1317 : i32 to index
        %get3A_1319 = arith.constant 32 : index
        %get3A_1320 = tpu.vector_load %arg10[%get3A_1318, %get3A_1319] {strides = array<i32>} : memref<80x128xf32, #tpu.memory_space<vmem>>, vector<16xf32>,
        %add3A_1321 = arith.addf %get3A_1315, %get3A_1320 : vector<16xf32>
        %max3A_1322 = arith.constant 0.000000e+00 : f32
        %max3A_1323 = vector.broadcast %max3A_1322 : f32 to vector<16xf32>
        %max3A_1324 = arith.maximumf %add3A_1321, %max3A_1323 : vector<16xf32>
        %add3A_1325 = arith.constant 1 : i32
        %add3A_1326 = arith.addi %add3A_1122, %add3A_1325 : i32
        %swap3A_1327 = arith.index_cast %add3A_1326 : i32 to index
        %swap3A_1328 = arith.constant 32 : index
        %swap3A_1329 = tpu.vector_load %arg8[%swap3A_1327, %swap3A_1328] {strides = array<i32>} : memref<80x128xf32, #tpu.memory_space<vmem>>, vector<16xf32>,
        tpu.vector_store %arg8[%swap3A_1327, %swap3A_1328], %max3A_1324 {strides = array<i32>} : memref<80x128xf32, #tpu.memory_space<vmem>>, vector<16xf32>,
        %add3A_1330 = arith.constant 1 : i32
        %add3A_1331 = arith.addi %add3A_1122, %add3A_1330 : i32
        %get3A_1332 = arith.index_cast %add3A_1331 : i32 to index
        %get3A_1333 = arith.constant 48 : index
        %get3A_1334 = tpu.vector_load %arg8[%get3A_1332, %get3A_1333] {strides = array<i32>} : memref<80x128xf32, #tpu.memory_space<vmem>>, vector<16xf32>,
        %add3A_1335 = arith.constant 1 : i32
        %add3A_1336 = arith.addi %add3A_1122, %add3A_1335 : i32
        %get3A_1337 = arith.index_cast %add3A_1336 : i32 to index
        %get3A_1338 = arith.constant 48 : index
        %get3A_1339 = tpu.vector_load %arg10[%get3A_1337, %get3A_1338] {strides = array<i32>} : memref<80x128xf32, #tpu.memory_space<vmem>>, vector<16xf32>,
        %add3A_1340 = arith.addf %get3A_1334, %get3A_1339 : vector<16xf32>
        %max3A_1341 = arith.constant 0.000000e+00 : f32
        %max3A_1342 = vector.broadcast %max3A_1341 : f32 to vector<16xf32>
        %max3A_1343 = arith.maximumf %add3A_1340, %max3A_1342 : vector<16xf32>
        %add3A_1344 = arith.constant 1 : i32
        %add3A_1345 = arith.addi %add3A_1122, %add3A_1344 : i32
        %swap3A_1346 = arith.index_cast %add3A_1345 : i32 to index
        %swap3A_1347 = arith.constant 48 : index
        %swap3A_1348 = tpu.vector_load %arg8[%swap3A_1346, %swap3A_1347] {strides = array<i32>} : memref<80x128xf32, #tpu.memory_space<vmem>>, vector<16xf32>,
        tpu.vector_store %arg8[%swap3A_1346, %swap3A_1347], %max3A_1343 {strides = array<i32>} : memref<80x128xf32, #tpu.memory_space<vmem>>, vector<16xf32>,
        %add3A_1349 = arith.constant 1 : i32
        %add3A_1350 = arith.addi %add3A_1122, %add3A_1349 : i32
        %get3A_1351 = arith.index_cast %add3A_1350 : i32 to index
        %get3A_1352 = arith.constant 64 : index
        %get3A_1353 = tpu.vector_load %arg8[%get3A_1351, %get3A_1352] {strides = array<i32>} : memref<80x128xf32, #tpu.memory_space<vmem>>, vector<16xf32>,
        %add3A_1354 = arith.constant 1 : i32
        %add3A_1355 = arith.addi %add3A_1122, %add3A_1354 : i32
        %get3A_1356 = arith.index_cast %add3A_1355 : i32 to index
        %get3A_1357 = arith.constant 64 : index
        %get3A_1358 = tpu.vector_load %arg10[%get3A_1356, %get3A_1357] {strides = array<i32>} : memref<80x128xf32, #tpu.memory_space<vmem>>, vector<16xf32>,
        %add3A_1359 = arith.addf %get3A_1353, %get3A_1358 : vector<16xf32>
        %max3A_1360 = arith.constant 0.000000e+00 : f32
        %max3A_1361 = vector.broadcast %max3A_1360 : f32 to vector<16xf32>
        %max3A_1362 = arith.maximumf %add3A_1359, %max3A_1361 : vector<16xf32>
        %add3A_1363 = arith.constant 1 : i32
        %add3A_1364 = arith.addi %add3A_1122, %add3A_1363 : i32
        %swap3A_1365 = arith.index_cast %add3A_1364 : i32 to index
        %swap3A_1366 = arith.constant 64 : index
        %swap3A_1367 = tpu.vector_load %arg8[%swap3A_1365, %swap3A_1366] {strides = array<i32>} : memref<80x128xf32, #tpu.memory_space<vmem>>, vector<16xf32>,
        tpu.vector_store %arg8[%swap3A_1365, %swap3A_1366], %max3A_1362 {strides = array<i32>} : memref<80x128xf32, #tpu.memory_space<vmem>>, vector<16xf32>,
        %add3A_1368 = arith.constant 1 : i32
        %add3A_1369 = arith.addi %add3A_1122, %add3A_1368 : i32
        %get3A_1370 = arith.index_cast %add3A_1369 : i32 to index
        %get3A_1371 = arith.constant 80 : index
        %get3A_1372 = tpu.vector_load %arg8[%get3A_1370, %get3A_1371] {strides = array<i32>} : memref<80x128xf32, #tpu.memory_space<vmem>>, vector<16xf32>,
        %add3A_1373 = arith.constant 1 : i32
        %add3A_1374 = arith.addi %add3A_1122, %add3A_1373 : i32
        %get3A_1375 = arith.index_cast %add3A_1374 : i32 to index
        %get3A_1376 = arith.constant 80 : index
        %get3A_1377 = tpu.vector_load %arg10[%get3A_1375, %get3A_1376] {strides = array<i32>} : memref<80x128xf32, #tpu.memory_space<vmem>>, vector<16xf32>,
        %add3A_1378 = arith.addf %get3A_1372, %get3A_1377 : vector<16xf32>
        %max3A_1379 = arith.constant 0.000000e+00 : f32
        %max3A_1380 = vector.broadcast %max3A_1379 : f32 to vector<16xf32>
        %max3A_1381 = arith.maximumf %add3A_1378, %max3A_1380 : vector<16xf32>
        %add3A_1382 = arith.constant 1 : i32
        %add3A_1383 = arith.addi %add3A_1122, %add3A_1382 : i32
        %swap3A_1384 = arith.index_cast %add3A_1383 : i32 to index
        %swap3A_1385 = arith.constant 80 : index
        %swap3A_1386 = tpu.vector_load %arg8[%swap3A_1384, %swap3A_1385] {strides = array<i32>} : memref<80x128xf32, #tpu.memory_space<vmem>>, vector<16xf32>,
        tpu.vector_store %arg8[%swap3A_1384, %swap3A_1385], %max3A_1381 {strides = array<i32>} : memref<80x128xf32, #tpu.memory_space<vmem>>, vector<16xf32>,
        %add3A_1387 = arith.constant 1 : i32
        %add3A_1388 = arith.addi %add3A_1122, %add3A_1387 : i32
        %get3A_1389 = arith.index_cast %add3A_1388 : i32 to index
        %get3A_1390 = arith.constant 96 : index
        %get3A_1391 = tpu.vector_load %arg8[%get3A_1389, %get3A_1390] {strides = array<i32>} : memref<80x128xf32, #tpu.memory_space<vmem>>, vector<16xf32>,
        %add3A_1392 = arith.constant 1 : i32
        %add3A_1393 = arith.addi %add3A_1122, %add3A_1392 : i32
        %get3A_1394 = arith.index_cast %add3A_1393 : i32 to index
        %get3A_1395 = arith.constant 96 : index
        %get3A_1396 = tpu.vector_load %arg10[%get3A_1394, %get3A_1395] {strides = array<i32>} : memref<80x128xf32, #tpu.memory_space<vmem>>, vector<16xf32>,
        %add3A_1397 = arith.addf %get3A_1391, %get3A_1396 : vector<16xf32>
        %max3A_1398 = arith.constant 0.000000e+00 : f32
        %max3A_1399 = vector.broadcast %max3A_1398 : f32 to vector<16xf32>
        %max3A_1400 = arith.maximumf %add3A_1397, %max3A_1399 : vector<16xf32>
        %add3A_1401 = arith.constant 1 : i32
        %add3A_1402 = arith.addi %add3A_1122, %add3A_1401 : i32
        %swap3A_1403 = arith.index_cast %add3A_1402 : i32 to index
        %swap3A_1404 = arith.constant 96 : index
        %swap3A_1405 = tpu.vector_load %arg8[%swap3A_1403, %swap3A_1404] {strides = array<i32>} : memref<80x128xf32, #tpu.memory_space<vmem>>, vector<16xf32>,
        tpu.vector_store %arg8[%swap3A_1403, %swap3A_1404], %max3A_1400 {strides = array<i32>} : memref<80x128xf32, #tpu.memory_space<vmem>>, vector<16xf32>,
        %add3A_1406 = arith.constant 1 : i32
        %add3A_1407 = arith.addi %add3A_1122, %add3A_1406 : i32
        %get3A_1408 = arith.index_cast %add3A_1407 : i32 to index
        %get3A_1409 = arith.constant 112 : index
        %get3A_1410 = tpu.vector_load %arg8[%get3A_1408, %get3A_1409] {strides = array<i32>} : memref<80x128xf32, #tpu.memory_space<vmem>>, vector<16xf32>,
        %add3A_1411 = arith.constant 1 : i32
        %add3A_1412 = arith.addi %add3A_1122, %add3A_1411 : i32
        %get3A_1413 = arith.index_cast %add3A_1412 : i32 to index
        %get3A_1414 = arith.constant 112 : index
        %get3A_1415 = tpu.vector_load %arg10[%get3A_1413, %get3A_1414] {strides = array<i32>} : memref<80x128xf32, #tpu.memory_space<vmem>>, vector<16xf32>,
        %add3A_1416 = arith.addf %get3A_1410, %get3A_1415 : vector<16xf32>
        %max3A_1417 = arith.constant 0.000000e+00 : f32
        %max3A_1418 = vector.broadcast %max3A_1417 : f32 to vector<16xf32>
        %max3A_1419 = arith.maximumf %add3A_1416, %max3A_1418 : vector<16xf32>
        %add3A_1420 = arith.constant 1 : i32
        %add3A_1421 = arith.addi %add3A_1122, %add3A_1420 : i32
        %swap3A_1422 = arith.index_cast %add3A_1421 : i32 to index
        %swap3A_1423 = arith.constant 112 : index
        %swap3A_1424 = tpu.vector_load %arg8[%swap3A_1422, %swap3A_1423] {strides = array<i32>} : memref<80x128xf32, #tpu.memory_space<vmem>>, vector<16xf32>,
        tpu.vector_store %arg8[%swap3A_1422, %swap3A_1423], %max3A_1419 {strides = array<i32>} : memref<80x128xf32, #tpu.memory_space<vmem>>, vector<16xf32>,
      }
      %scan3A_930 = arith.constant 40 : i32
      %add3A_931 = arith.constant 1 : i32
      %add3A_932 = arith.addi %add3A_877, %add3A_931 : i32
      %mul3A_933 = arith.constant 80 : i32
      %mul3A_934 = arith.muli %add3A_932, %mul3A_933 : i32
      %add3A_935 = arith.addi %mul3A_7, %mul3A_934 : i32
      %dma_start3A_936 = arith.constant 0 : i32
      %dma_start3A_937 = tpu.memref_slice %arg3[%add3A_935, %dma_start3A_936] : memref<320000x128xf32, #tpu.memory_space<hbm>> -> memref<80x128xf32, #tpu.memory_space<hbm>>
      %dma_start3A_938 = arith.constant 0 : i32
      %dma_start3A_939 = tpu.memref_slice %arg3[%add3A_935, %dma_start3A_938] : memref<320000x128xf32, #tpu.memory_space<hbm>> -> memref<80x128xf32, #tpu.memory_space<hbm>>
      tpu.enqueue_dma source(%dma_start3A_939 : memref<80x128xf32, #tpu.memory_space<hbm>>) target(%arg10 : memref<80x128xf32, #tpu.memory_space<vmem>>) target_semaphore(%arg20 : memref<!tpu.dma_semaphore, #tpu.memory_space<semaphore_mem>>)
      %get3A_940 = arith.constant 0 : i32
      %get3A_941 = arith.constant 0 : i32
      %get3A_942 = arith.index_cast %get3A_940 : i32 to index
      %get3A_943 = arith.index_cast %get3A_941 : i32 to index
      %get3A_944 = arith.constant 0 : index
      %get3A_945 = tpu.vector_load %arg7[%get3A_942, %get3A_943, %get3A_944] {strides = array<i32>} : memref<4x2x80xi32, #tpu.memory_space<vmem>>, vector<16xi32>,
      tpu.vector_store_idx %arg12[%get3A_945], %broadcast_in_dim3A_2 {add = true} : memref<10240xf32, #tpu.memory_space<vmem>>[vector<16xi32>], vector<16xf32>,
      %get3A_946 = arith.constant 0 : i32
      %get3A_947 = arith.constant 0 : i32
      %get3A_948 = arith.index_cast %get3A_946 : i32 to index
      %get3A_949 = arith.index_cast %get3A_947 : i32 to index
      %get3A_950 = arith.constant 16 : index
      %get3A_951 = tpu.vector_load %arg7[%get3A_948, %get3A_949, %get3A_950] {strides = array<i32>} : memref<4x2x80xi32, #tpu.memory_space<vmem>>, vector<16xi32>,
      tpu.vector_store_idx %arg12[%get3A_951], %broadcast_in_dim3A_2 {add = true} : memref<10240xf32, #tpu.memory_space<vmem>>[vector<16xi32>], vector<16xf32>,
      %get3A_952 = arith.constant 0 : i32
      %get3A_953 = arith.constant 0 : i32
      %get3A_954 = arith.index_cast %get3A_952 : i32 to index
      %get3A_955 = arith.index_cast %get3A_953 : i32 to index
      %get3A_956 = arith.constant 32 : index
      %get3A_957 = tpu.vector_load %arg7[%get3A_954, %get3A_955, %get3A_956] {strides = array<i32>} : memref<4x2x80xi32, #tpu.memory_space<vmem>>, vector<16xi32>,
      tpu.vector_store_idx %arg12[%get3A_957], %broadcast_in_dim3A_2 {add = true} : memref<10240xf32, #tpu.memory_space<vmem>>[vector<16xi32>], vector<16xf32>,
      %get3A_958 = arith.constant 0 : i32
      %get3A_959 = arith.constant 0 : i32
      %get3A_960 = arith.index_cast %get3A_958 : i32 to index
      %get3A_961 = arith.index_cast %get3A_959 : i32 to index
      %get3A_962 = arith.constant 48 : index
      %get3A_963 = tpu.vector_load %arg7[%get3A_960, %get3A_961, %get3A_962] {strides = array<i32>} : memref<4x2x80xi32, #tpu.memory_space<vmem>>, vector<16xi32>,
      tpu.vector_store_idx %arg12[%get3A_963], %broadcast_in_dim3A_2 {add = true} : memref<10240xf32, #tpu.memory_space<vmem>>[vector<16xi32>], vector<16xf32>,
      %get3A_964 = arith.constant 0 : i32
      %get3A_965 = arith.constant 0 : i32
      %get3A_966 = arith.index_cast %get3A_964 : i32 to index
      %get3A_967 = arith.index_cast %get3A_965 : i32 to index
      %get3A_968 = arith.constant 64 : index
      %get3A_969 = tpu.vector_load %arg7[%get3A_966, %get3A_967, %get3A_968] {strides = array<i32>} : memref<4x2x80xi32, #tpu.memory_space<vmem>>, vector<16xi32>,
      tpu.vector_store_idx %arg12[%get3A_969], %broadcast_in_dim3A_2 {add = true} : memref<10240xf32, #tpu.memory_space<vmem>>[vector<16xi32>], vector<16xf32>,
      %dma_start3A_970 = arith.constant 0 : i32
      %dma_start3A_971 = arith.constant 0 : i32
      %dma_start3A_972 = arith.constant 0 : i32
      %dma_start3A_973 = tpu.memref_slice %arg7[%dma_start3A_970, %dma_start3A_971, %dma_start3A_972] : memref<4x2x80xi32, #tpu.memory_space<vmem>> -> memref<1x1x80xi32, #tpu.memory_space<vmem>>
      %dma_start3A_974 = tpu.memref_squeeze %dma_start3A_973 : memref<1x1x80xi32, #tpu.memory_space<vmem>> -> memref<80xi32, #tpu.memory_space<vmem>>
      %dma_start3A_975 = arith.constant 0 : i32
      %dma_start3A_976 = arith.constant 0 : i32
      %dma_start3A_977 = tpu.memref_slice %arg13[%dma_start3A_975, %dma_start3A_976] : memref<10240x128xf32, #tpu.memory_space<vmem_shared>> -> memref<10240x128xf32, #tpu.memory_space<vmem_shared>>
      tpu.enqueue_indirect_dma source(%arg8 : memref<80x128xf32, #tpu.memory_space<vmem>>) target(%dma_start3A_977 : memref<10240x128xf32, #tpu.memory_space<vmem_shared>>) offsets(%dma_start3A_974 : memref<80xi32, #tpu.memory_space<vmem>>) semaphore(%arg21 : memref<!tpu.dma_semaphore, #tpu.memory_space<semaphore_mem>>) {add = true}
      %add3A_978 = arith.constant 2 : i32
      %add3A_979 = arith.addi %add3A_877, %add3A_978 : i32
      %dma_start3A_980 = arith.constant 2 : i32
      %dma_start3A_981 = arith.constant 0 : i32
      %dma_start3A_982 = arith.constant 0 : i32
      %dma_start3A_983 = tpu.memref_slice %arg7[%dma_start3A_980, %dma_start3A_981, %dma_start3A_982] : memref<4x2x80xi32, #tpu.memory_space<vmem>> -> memref<1x2x80xi32, #tpu.memory_space<vmem>>
      %dma_start3A_984 = tpu.memref_squeeze %dma_start3A_983 : memref<1x2x80xi32, #tpu.memory_space<vmem>> -> memref<2x80xi32, #tpu.memory_space<vmem>>
      %dma_start3A_985 = arith.constant 0 : i32
      %dma_start3A_986 = arith.constant 0 : i32
      %dma_start3A_987 = tpu.memref_slice %arg4[%add3A, %add3A_979, %dma_start3A_985, %dma_start3A_986] : memref<32x125x2x80xi32, #tpu.memory_space<hbm>> -> memref<1x1x2x80xi32, #tpu.memory_space<hbm>>
      %dma_start3A_988 = tpu.memref_squeeze %dma_start3A_987 : memref<1x1x2x80xi32, #tpu.memory_space<hbm>> -> memref<2x80xi32, #tpu.memory_space<hbm>>
      %dma_start3A_989 = arith.constant 0 : i32
      %dma_start3A_990 = arith.constant 0 : i32
      %dma_start3A_991 = tpu.memref_slice %arg7[%dma_start3A_980, %dma_start3A_989, %dma_start3A_990] : memref<4x2x80xi32, #tpu.memory_space<vmem>> -> memref<1x2x80xi32, #tpu.memory_space<vmem>>
      %dma_start3A_992 = tpu.memref_squeeze %dma_start3A_991 : memref<1x2x80xi32, #tpu.memory_space<vmem>> -> memref<2x80xi32, #tpu.memory_space<vmem>>
      %dma_start3A_993 = arith.constant 0 : i32
      %dma_start3A_994 = arith.constant 0 : i32
      %dma_start3A_995 = tpu.memref_slice %arg4[%add3A, %add3A_979, %dma_start3A_993, %dma_start3A_994] : memref<32x125x2x80xi32, #tpu.memory_space<hbm>> -> memref<1x1x2x80xi32, #tpu.memory_space<hbm>>
      %dma_start3A_996 = tpu.memref_squeeze %dma_start3A_995 : memref<1x1x2x80xi32, #tpu.memory_space<hbm>> -> memref<2x80xi32, #tpu.memory_space<hbm>>
      tpu.enqueue_dma source(%dma_start3A_996 : memref<2x80xi32, #tpu.memory_space<hbm>>) target(%dma_start3A_992 : memref<2x80xi32, #tpu.memory_space<vmem>>) target_semaphore(%arg16 : memref<!tpu.dma_semaphore, #tpu.memory_space<semaphore_mem>>)
      %add3A_997 = arith.constant 3 : i32
      %add3A_998 = arith.addi %add3A_633, %add3A_997 : i32
      %dma_wait3A_999 = arith.constant 0 : i32
      %dma_wait3A_1000 = arith.constant 2 : i32
      %dma_wait3A_1001 = arith.constant 0 : i32
      %dma_wait3A_1002 = arith.constant 0 : i32
      %dma_wait3A_1003 = tpu.memref_slice %arg7[%dma_wait3A_1000, %dma_wait3A_1001, %dma_wait3A_1002] : memref<4x2x80xi32, #tpu.memory_space<vmem>> -> memref<1x2x80xi32, #tpu.memory_space<vmem>>
      %dma_wait3A_1004 = tpu.memref_squeeze %dma_wait3A_1003 : memref<1x2x80xi32, #tpu.memory_space<vmem>> -> memref<2x80xi32, #tpu.memory_space<vmem>>
      %dma_wait3A_1005 = arith.constant 0 : i32
      %dma_wait3A_1006 = arith.constant 0 : i32
      %dma_wait3A_1007 = tpu.memref_slice %arg4[%add3A, %dma_wait3A_999, %dma_wait3A_1005, %dma_wait3A_1006] : memref<32x125x2x80xi32, #tpu.memory_space<hbm>> -> memref<1x1x2x80xi32, #tpu.memory_space<hbm>>
      %dma_wait3A_1008 = tpu.memref_squeeze %dma_wait3A_1007 : memref<1x1x2x80xi32, #tpu.memory_space<hbm>> -> memref<2x80xi32, #tpu.memory_space<hbm>>
      %dma_wait3A_1009 = arith.constant 0 : i32
      %dma_wait3A_1010 = arith.constant 0 : i32
      %dma_wait3A_1011 = tpu.memref_slice %arg7[%dma_wait3A_1000, %dma_wait3A_1009, %dma_wait3A_1010] : memref<4x2x80xi32, #tpu.memory_space<vmem>> -> memref<1x2x80xi32, #tpu.memory_space<vmem>>
      %dma_wait3A_1012 = tpu.memref_squeeze %dma_wait3A_1011 : memref<1x2x80xi32, #tpu.memory_space<vmem>> -> memref<2x80xi32, #tpu.memory_space<vmem>>
      %dma_wait3A_1013 = arith.constant 0 : i32
      %dma_wait3A_1014 = arith.constant 0 : i32
      %dma_wait3A_1015 = tpu.memref_slice %arg4[%add3A, %dma_wait3A_999, %dma_wait3A_1013, %dma_wait3A_1014] : memref<32x125x2x80xi32, #tpu.memory_space<hbm>> -> memref<1x1x2x80xi32, #tpu.memory_space<hbm>>
      %dma_wait3A_1016 = tpu.memref_squeeze %dma_wait3A_1015 : memref<1x1x2x80xi32, #tpu.memory_space<hbm>> -> memref<2x80xi32, #tpu.memory_space<hbm>>
      tpu.wait_dma2 semaphore(%arg16 : memref<!tpu.dma_semaphore, #tpu.memory_space<semaphore_mem>>) src(%dma_wait3A_1016 : memref<2x80xi32, #tpu.memory_space<hbm>>) dst(%dma_wait3A_1012 : memref<2x80xi32, #tpu.memory_space<vmem>>)
      %dma_wait3A_1017 = arith.constant 1 : i32
      %dma_wait3A_1018 = arith.constant 1 : i32
      %dma_wait3A_1019 = arith.constant 0 : i32
      %dma_wait3A_1020 = tpu.memref_slice %arg7[%dma_wait3A_1017, %dma_wait3A_1018, %dma_wait3A_1019] : memref<4x2x80xi32, #tpu.memory_space<vmem>> -> memref<1x1x80xi32, #tpu.memory_space<vmem>>
      %dma_wait3A_1021 = tpu.memref_squeeze %dma_wait3A_1020 : memref<1x1x80xi32, #tpu.memory_space<vmem>> -> memref<80xi32, #tpu.memory_space<vmem>>
      %dma_wait3A_1022 = arith.constant 0 : i32
      %dma_wait3A_1023 = arith.constant 0 : i32
      %dma_wait3A_1024 = tpu.memref_slice %arg2[%dma_wait3A_1022, %dma_wait3A_1023] : memref<10000x128xf32, #tpu.memory_space<hbm>> -> memref<10000x128xf32, #tpu.memory_space<hbm>>
      tpu.wait_indirect_dma semaphore(%arg19 : memref<!tpu.dma_semaphore, #tpu.memory_space<semaphore_mem>>) src(%dma_wait3A_1024 : memref<10000x128xf32, #tpu.memory_space<hbm>>) dst(%arg9 : memref<80x128xf32, #tpu.memory_space<vmem>>)
      %dma_wait3A_1025 = arith.constant 0 : i32
      %dma_wait3A_1026 = tpu.memref_slice %arg3[%mul3A_7, %dma_wait3A_1025] : memref<320000x128xf32, #tpu.memory_space<hbm>> -> memref<80x128xf32, #tpu.memory_space<hbm>>
      %dma_wait3A_1027 = arith.constant 0 : i32
      %dma_wait3A_1028 = tpu.memref_slice %arg3[%mul3A_7, %dma_wait3A_1027] : memref<320000x128xf32, #tpu.memory_space<hbm>> -> memref<80x128xf32, #tpu.memory_space<hbm>>
      tpu.wait_dma2 semaphore(%arg20 : memref<!tpu.dma_semaphore, #tpu.memory_space<semaphore_mem>>) src(%dma_wait3A_1028 : memref<80x128xf32, #tpu.memory_space<hbm>>) dst(%arg10 : memref<80x128xf32, #tpu.memory_space<vmem>>)
      %dma_wait3A_1029 = arith.constant 0 : i32
      %dma_wait3A_1030 = arith.constant 0 : i32
      %dma_wait3A_1031 = arith.constant 0 : i32
      %dma_wait3A_1032 = tpu.memref_slice %arg7[%dma_wait3A_1029, %dma_wait3A_1030, %dma_wait3A_1031] : memref<4x2x80xi32, #tpu.memory_space<vmem>> -> memref<1x1x80xi32, #tpu.memory_space<vmem>>
      %dma_wait3A_1033 = tpu.memref_squeeze %dma_wait3A_1032 : memref<1x1x80xi32, #tpu.memory_space<vmem>> -> memref<80xi32, #tpu.memory_space<vmem>>
      %dma_wait3A_1034 = arith.constant 0 : i32
      %dma_wait3A_1035 = arith.constant 0 : i32
      %dma_wait3A_1036 = tpu.memref_slice %arg13[%dma_wait3A_1034, %dma_wait3A_1035] : memref<10240x128xf32, #tpu.memory_space<vmem_shared>> -> memref<10240x128xf32, #tpu.memory_space<vmem_shared>>
      tpu.wait_indirect_dma semaphore(%arg21 : memref<!tpu.dma_semaphore, #tpu.memory_space<semaphore_mem>>) src(%arg8 : memref<80x128xf32, #tpu.memory_space<vmem>>) dst(%dma_wait3A_1036 : memref<10240x128xf32, #tpu.memory_space<vmem_shared>>)
      %add3A_1037 = arith.constant 1 : i32
      %add3A_1038 = arith.addi %add3A_998, %add3A_1037 : i32
      %dma_start3A_1039 = arith.constant 2 : i32
      %dma_start3A_1040 = arith.constant 1 : i32
      %dma_start3A_1041 = arith.constant 0 : i32
      %dma_start3A_1042 = tpu.memref_slice %arg7[%dma_start3A_1039, %dma_start3A_1040, %dma_start3A_1041] : memref<4x2x80xi32, #tpu.memory_space<vmem>> -> memref<1x1x80xi32, #tpu.memory_space<vmem>>
      %dma_start3A_1043 = tpu.memref_squeeze %dma_start3A_1042 : memref<1x1x80xi32, #tpu.memory_space<vmem>> -> memref<80xi32, #tpu.memory_space<vmem>>
      %dma_start3A_1044 = arith.constant 0 : i32
      %dma_start3A_1045 = arith.constant 0 : i32
      %dma_start3A_1046 = tpu.memref_slice %arg2[%dma_start3A_1044, %dma_start3A_1045] : memref<10000x128xf32, #tpu.memory_space<hbm>> -> memref<10000x128xf32, #tpu.memory_space<hbm>>
      tpu.enqueue_indirect_dma source(%dma_start3A_1046 : memref<10000x128xf32, #tpu.memory_space<hbm>>) target(%arg8 : memref<80x128xf32, #tpu.memory_space<vmem>>) offsets(%dma_start3A_1043 : memref<80xi32, #tpu.memory_space<vmem>>) semaphore(%arg18 : memref<!tpu.dma_semaphore, #tpu.memory_space<semaphore_mem>>)
      %scan3A_1047 = arith.constant 0 : i32
      %scan3A_1048 = arith.constant 40 : i32
      %scan3A_1049 = arith.addi %scan3A_1047, %scan3A_1048 : i32
      %scan3A_1050 = arith.constant 1 : i32
      scf.for %scan3A_1118 = %scan3A_1047 to %scan3A_1049 step %scan3A_1050  : i32 {
        %mul3A_1119 = arith.constant 2 : i32
        %mul3A_1120 = arith.muli %scan3A_1118, %mul3A_1119 : i32
        %add3A_1121 = arith.constant 0 : i32
        %add3A_1122 = arith.addi %add3A_1121, %mul3A_1120 : i32
        %add3A_1123 = arith.constant 0 : i32
        %add3A_1124 = arith.addi %add3A_1122, %add3A_1123 : i32
        %get3A_1125 = arith.index_cast %add3A_1124 : i32 to index
        %get3A_1126 = arith.constant 0 : index
        %get3A_1127 = tpu.vector_load %arg9[%get3A_1125, %get3A_1126] {strides = array<i32>} : memref<80x128xf32, #tpu.memory_space<vmem>>, vector<16xf32>,
        %add3A_1128 = arith.constant 0 : i32
        %add3A_1129 = arith.addi %add3A_1122, %add3A_1128 : i32
        %get3A_1130 = arith.index_cast %add3A_1129 : i32 to index
        %get3A_1131 = arith.constant 0 : index
        %get3A_1132 = tpu.vector_load %arg10[%get3A_1130, %get3A_1131] {strides = array<i32>} : memref<80x128xf32, #tpu.memory_space<vmem>>, vector<16xf32>,
        %add3A_1133 = arith.addf %get3A_1127, %get3A_1132 : vector<16xf32>
        %max3A = arith.constant 0.000000e+00 : f32
        %max3A_1134 = vector.broadcast %max3A : f32 to vector<16xf32>
        %max3A_1135 = arith.maximumf %add3A_1133, %max3A_1134 : vector<16xf32>
        %add3A_1136 = arith.constant 0 : i32
        %add3A_1137 = arith.addi %add3A_1122, %add3A_1136 : i32
        %swap3A = arith.index_cast %add3A_1137 : i32 to index
        %swap3A_1138 = arith.constant 0 : index
        %swap3A_1139 = tpu.vector_load %arg9[%swap3A, %swap3A_1138] {strides = array<i32>} : memref<80x128xf32, #tpu.memory_space<vmem>>, vector<16xf32>,
        tpu.vector_store %arg9[%swap3A, %swap3A_1138], %max3A_1135 {strides = array<i32>} : memref<80x128xf32, #tpu.memory_space<vmem>>, vector<16xf32>,
        %add3A_1140 = arith.constant 0 : i32
        %add3A_1141 = arith.addi %add3A_1122, %add3A_1140 : i32
        %get3A_1142 = arith.index_cast %add3A_1141 : i32 to index
        %get3A_1143 = arith.constant 16 : index
        %get3A_1144 = tpu.vector_load %arg9[%get3A_1142, %get3A_1143] {strides = array<i32>} : memref<80x128xf32, #tpu.memory_space<vmem>>, vector<16xf32>,
        %add3A_1145 = arith.constant 0 : i32
        %add3A_1146 = arith.addi %add3A_1122, %add3A_1145 : i32
        %get3A_1147 = arith.index_cast %add3A_1146 : i32 to index
        %get3A_1148 = arith.constant 16 : index
        %get3A_1149 = tpu.vector_load %arg10[%get3A_1147, %get3A_1148] {strides = array<i32>} : memref<80x128xf32, #tpu.memory_space<vmem>>, vector<16xf32>,
        %add3A_1150 = arith.addf %get3A_1144, %get3A_1149 : vector<16xf32>
        %max3A_1151 = arith.constant 0.000000e+00 : f32
        %max3A_1152 = vector.broadcast %max3A_1151 : f32 to vector<16xf32>
        %max3A_1153 = arith.maximumf %add3A_1150, %max3A_1152 : vector<16xf32>
        %add3A_1154 = arith.constant 0 : i32
        %add3A_1155 = arith.addi %add3A_1122, %add3A_1154 : i32
        %swap3A_1156 = arith.index_cast %add3A_1155 : i32 to index
        %swap3A_1157 = arith.constant 16 : index
        %swap3A_1158 = tpu.vector_load %arg9[%swap3A_1156, %swap3A_1157] {strides = array<i32>} : memref<80x128xf32, #tpu.memory_space<vmem>>, vector<16xf32>,
        tpu.vector_store %arg9[%swap3A_1156, %swap3A_1157], %max3A_1153 {strides = array<i32>} : memref<80x128xf32, #tpu.memory_space<vmem>>, vector<16xf32>,
        %add3A_1159 = arith.constant 0 : i32
        %add3A_1160 = arith.addi %add3A_1122, %add3A_1159 : i32
        %get3A_1161 = arith.index_cast %add3A_1160 : i32 to index
        %get3A_1162 = arith.constant 32 : index
        %get3A_1163 = tpu.vector_load %arg9[%get3A_1161, %get3A_1162] {strides = array<i32>} : memref<80x128xf32, #tpu.memory_space<vmem>>, vector<16xf32>,
        %add3A_1164 = arith.constant 0 : i32
        %add3A_1165 = arith.addi %add3A_1122, %add3A_1164 : i32
        %get3A_1166 = arith.index_cast %add3A_1165 : i32 to index
        %get3A_1167 = arith.constant 32 : index
        %get3A_1168 = tpu.vector_load %arg10[%get3A_1166, %get3A_1167] {strides = array<i32>} : memref<80x128xf32, #tpu.memory_space<vmem>>, vector<16xf32>,
        %add3A_1169 = arith.addf %get3A_1163, %get3A_1168 : vector<16xf32>
        %max3A_1170 = arith.constant 0.000000e+00 : f32
        %max3A_1171 = vector.broadcast %max3A_1170 : f32 to vector<16xf32>
        %max3A_1172 = arith.maximumf %add3A_1169, %max3A_1171 : vector<16xf32>
        %add3A_1173 = arith.constant 0 : i32
        %add3A_1174 = arith.addi %add3A_1122, %add3A_1173 : i32
        %swap3A_1175 = arith.index_cast %add3A_1174 : i32 to index
        %swap3A_1176 = arith.constant 32 : index
        %swap3A_1177 = tpu.vector_load %arg9[%swap3A_1175, %swap3A_1176] {strides = array<i32>} : memref<80x128xf32, #tpu.memory_space<vmem>>, vector<16xf32>,
        tpu.vector_store %arg9[%swap3A_1175, %swap3A_1176], %max3A_1172 {strides = array<i32>} : memref<80x128xf32, #tpu.memory_space<vmem>>, vector<16xf32>,
        %add3A_1178 = arith.constant 0 : i32
        %add3A_1179 = arith.addi %add3A_1122, %add3A_1178 : i32
        %get3A_1180 = arith.index_cast %add3A_1179 : i32 to index
        %get3A_1181 = arith.constant 48 : index
        %get3A_1182 = tpu.vector_load %arg9[%get3A_1180, %get3A_1181] {strides = array<i32>} : memref<80x128xf32, #tpu.memory_space<vmem>>, vector<16xf32>,
        %add3A_1183 = arith.constant 0 : i32
        %add3A_1184 = arith.addi %add3A_1122, %add3A_1183 : i32
        %get3A_1185 = arith.index_cast %add3A_1184 : i32 to index
        %get3A_1186 = arith.constant 48 : index
        %get3A_1187 = tpu.vector_load %arg10[%get3A_1185, %get3A_1186] {strides = array<i32>} : memref<80x128xf32, #tpu.memory_space<vmem>>, vector<16xf32>,
        %add3A_1188 = arith.addf %get3A_1182, %get3A_1187 : vector<16xf32>
        %max3A_1189 = arith.constant 0.000000e+00 : f32
        %max3A_1190 = vector.broadcast %max3A_1189 : f32 to vector<16xf32>
        %max3A_1191 = arith.maximumf %add3A_1188, %max3A_1190 : vector<16xf32>
        %add3A_1192 = arith.constant 0 : i32
        %add3A_1193 = arith.addi %add3A_1122, %add3A_1192 : i32
        %swap3A_1194 = arith.index_cast %add3A_1193 : i32 to index
        %swap3A_1195 = arith.constant 48 : index
        %swap3A_1196 = tpu.vector_load %arg9[%swap3A_1194, %swap3A_1195] {strides = array<i32>} : memref<80x128xf32, #tpu.memory_space<vmem>>, vector<16xf32>,
        tpu.vector_store %arg9[%swap3A_1194, %swap3A_1195], %max3A_1191 {strides = array<i32>} : memref<80x128xf32, #tpu.memory_space<vmem>>, vector<16xf32>,
        %add3A_1197 = arith.constant 0 : i32
        %add3A_1198 = arith.addi %add3A_1122, %add3A_1197 : i32
        %get3A_1199 = arith.index_cast %add3A_1198 : i32 to index
        %get3A_1200 = arith.constant 64 : index
        %get3A_1201 = tpu.vector_load %arg9[%get3A_1199, %get3A_1200] {strides = array<i32>} : memref<80x128xf32, #tpu.memory_space<vmem>>, vector<16xf32>,
        %add3A_1202 = arith.constant 0 : i32
        %add3A_1203 = arith.addi %add3A_1122, %add3A_1202 : i32
        %get3A_1204 = arith.index_cast %add3A_1203 : i32 to index
        %get3A_1205 = arith.constant 64 : index
        %get3A_1206 = tpu.vector_load %arg10[%get3A_1204, %get3A_1205] {strides = array<i32>} : memref<80x128xf32, #tpu.memory_space<vmem>>, vector<16xf32>,
        %add3A_1207 = arith.addf %get3A_1201, %get3A_1206 : vector<16xf32>
        %max3A_1208 = arith.constant 0.000000e+00 : f32
        %max3A_1209 = vector.broadcast %max3A_1208 : f32 to vector<16xf32>
        %max3A_1210 = arith.maximumf %add3A_1207, %max3A_1209 : vector<16xf32>
        %add3A_1211 = arith.constant 0 : i32
        %add3A_1212 = arith.addi %add3A_1122, %add3A_1211 : i32
        %swap3A_1213 = arith.index_cast %add3A_1212 : i32 to index
        %swap3A_1214 = arith.constant 64 : index
        %swap3A_1215 = tpu.vector_load %arg9[%swap3A_1213, %swap3A_1214] {strides = array<i32>} : memref<80x128xf32, #tpu.memory_space<vmem>>, vector<16xf32>,
        tpu.vector_store %arg9[%swap3A_1213, %swap3A_1214], %max3A_1210 {strides = array<i32>} : memref<80x128xf32, #tpu.memory_space<vmem>>, vector<16xf32>,
        %add3A_1216 = arith.constant 0 : i32
        %add3A_1217 = arith.addi %add3A_1122, %add3A_1216 : i32
        %get3A_1218 = arith.index_cast %add3A_1217 : i32 to index
        %get3A_1219 = arith.constant 80 : index
        %get3A_1220 = tpu.vector_load %arg9[%get3A_1218, %get3A_1219] {strides = array<i32>} : memref<80x128xf32, #tpu.memory_space<vmem>>, vector<16xf32>,
        %add3A_1221 = arith.constant 0 : i32
        %add3A_1222 = arith.addi %add3A_1122, %add3A_1221 : i32
        %get3A_1223 = arith.index_cast %add3A_1222 : i32 to index
        %get3A_1224 = arith.constant 80 : index
        %get3A_1225 = tpu.vector_load %arg10[%get3A_1223, %get3A_1224] {strides = array<i32>} : memref<80x128xf32, #tpu.memory_space<vmem>>, vector<16xf32>,
        %add3A_1226 = arith.addf %get3A_1220, %get3A_1225 : vector<16xf32>
        %max3A_1227 = arith.constant 0.000000e+00 : f32
        %max3A_1228 = vector.broadcast %max3A_1227 : f32 to vector<16xf32>
        %max3A_1229 = arith.maximumf %add3A_1226, %max3A_1228 : vector<16xf32>
        %add3A_1230 = arith.constant 0 : i32
        %add3A_1231 = arith.addi %add3A_1122, %add3A_1230 : i32
        %swap3A_1232 = arith.index_cast %add3A_1231 : i32 to index
        %swap3A_1233 = arith.constant 80 : index
        %swap3A_1234 = tpu.vector_load %arg9[%swap3A_1232, %swap3A_1233] {strides = array<i32>} : memref<80x128xf32, #tpu.memory_space<vmem>>, vector<16xf32>,
        tpu.vector_store %arg9[%swap3A_1232, %swap3A_1233], %max3A_1229 {strides = array<i32>} : memref<80x128xf32, #tpu.memory_space<vmem>>, vector<16xf32>,
        %add3A_1235 = arith.constant 0 : i32
        %add3A_1236 = arith.addi %add3A_1122, %add3A_1235 : i32
        %get3A_1237 = arith.index_cast %add3A_1236 : i32 to index
        %get3A_1238 = arith.constant 96 : index
        %get3A_1239 = tpu.vector_load %arg9[%get3A_1237, %get3A_1238] {strides = array<i32>} : memref<80x128xf32, #tpu.memory_space<vmem>>, vector<16xf32>,
        %add3A_1240 = arith.constant 0 : i32
        %add3A_1241 = arith.addi %add3A_1122, %add3A_1240 : i32
        %get3A_1242 = arith.index_cast %add3A_1241 : i32 to index
        %get3A_1243 = arith.constant 96 : index
        %get3A_1244 = tpu.vector_load %arg10[%get3A_1242, %get3A_1243] {strides = array<i32>} : memref<80x128xf32, #tpu.memory_space<vmem>>, vector<16xf32>,
        %add3A_1245 = arith.addf %get3A_1239, %get3A_1244 : vector<16xf32>
        %max3A_1246 = arith.constant 0.000000e+00 : f32
        %max3A_1247 = vector.broadcast %max3A_1246 : f32 to vector<16xf32>
        %max3A_1248 = arith.maximumf %add3A_1245, %max3A_1247 : vector<16xf32>
        %add3A_1249 = arith.constant 0 : i32
        %add3A_1250 = arith.addi %add3A_1122, %add3A_1249 : i32
        %swap3A_1251 = arith.index_cast %add3A_1250 : i32 to index
        %swap3A_1252 = arith.constant 96 : index
        %swap3A_1253 = tpu.vector_load %arg9[%swap3A_1251, %swap3A_1252] {strides = array<i32>} : memref<80x128xf32, #tpu.memory_space<vmem>>, vector<16xf32>,
        tpu.vector_store %arg9[%swap3A_1251, %swap3A_1252], %max3A_1248 {strides = array<i32>} : memref<80x128xf32, #tpu.memory_space<vmem>>, vector<16xf32>,
        %add3A_1254 = arith.constant 0 : i32
        %add3A_1255 = arith.addi %add3A_1122, %add3A_1254 : i32
        %get3A_1256 = arith.index_cast %add3A_1255 : i32 to index
        %get3A_1257 = arith.constant 112 : index
        %get3A_1258 = tpu.vector_load %arg9[%get3A_1256, %get3A_1257] {strides = array<i32>} : memref<80x128xf32, #tpu.memory_space<vmem>>, vector<16xf32>,
        %add3A_1259 = arith.constant 0 : i32
        %add3A_1260 = arith.addi %add3A_1122, %add3A_1259 : i32
        %get3A_1261 = arith.index_cast %add3A_1260 : i32 to index
        %get3A_1262 = arith.constant 112 : index
        %get3A_1263 = tpu.vector_load %arg10[%get3A_1261, %get3A_1262] {strides = array<i32>} : memref<80x128xf32, #tpu.memory_space<vmem>>, vector<16xf32>,
        %add3A_1264 = arith.addf %get3A_1258, %get3A_1263 : vector<16xf32>
        %max3A_1265 = arith.constant 0.000000e+00 : f32
        %max3A_1266 = vector.broadcast %max3A_1265 : f32 to vector<16xf32>
        %max3A_1267 = arith.maximumf %add3A_1264, %max3A_1266 : vector<16xf32>
        %add3A_1268 = arith.constant 0 : i32
        %add3A_1269 = arith.addi %add3A_1122, %add3A_1268 : i32
        %swap3A_1270 = arith.index_cast %add3A_1269 : i32 to index
        %swap3A_1271 = arith.constant 112 : index
        %swap3A_1272 = tpu.vector_load %arg9[%swap3A_1270, %swap3A_1271] {strides = array<i32>} : memref<80x128xf32, #tpu.memory_space<vmem>>, vector<16xf32>,
        tpu.vector_store %arg9[%swap3A_1270, %swap3A_1271], %max3A_1267 {strides = array<i32>} : memref<80x128xf32, #tpu.memory_space<vmem>>, vector<16xf32>,
        %add3A_1273 = arith.constant 1 : i32
        %add3A_1274 = arith.addi %add3A_1122, %add3A_1273 : i32
        %get3A_1275 = arith.index_cast %add3A_1274 : i32 to index
        %get3A_1276 = arith.constant 0 : index
        %get3A_1277 = tpu.vector_load %arg9[%get3A_1275, %get3A_1276] {strides = array<i32>} : memref<80x128xf32, #tpu.memory_space<vmem>>, vector<16xf32>,
        %add3A_1278 = arith.constant 1 : i32
        %add3A_1279 = arith.addi %add3A_1122, %add3A_1278 : i32
        %get3A_1280 = arith.index_cast %add3A_1279 : i32 to index
        %get3A_1281 = arith.constant 0 : index
        %get3A_1282 = tpu.vector_load %arg10[%get3A_1280, %get3A_1281] {strides = array<i32>} : memref<80x128xf32, #tpu.memory_space<vmem>>, vector<16xf32>,
        %add3A_1283 = arith.addf %get3A_1277, %get3A_1282 : vector<16xf32>
        %max3A_1284 = arith.constant 0.000000e+00 : f32
        %max3A_1285 = vector.broadcast %max3A_1284 : f32 to vector<16xf32>
        %max3A_1286 = arith.maximumf %add3A_1283, %max3A_1285 : vector<16xf32>
        %add3A_1287 = arith.constant 1 : i32
        %add3A_1288 = arith.addi %add3A_1122, %add3A_1287 : i32
        %swap3A_1289 = arith.index_cast %add3A_1288 : i32 to index
        %swap3A_1290 = arith.constant 0 : index
        %swap3A_1291 = tpu.vector_load %arg9[%swap3A_1289, %swap3A_1290] {strides = array<i32>} : memref<80x128xf32, #tpu.memory_space<vmem>>, vector<16xf32>,
        tpu.vector_store %arg9[%swap3A_1289, %swap3A_1290], %max3A_1286 {strides = array<i32>} : memref<80x128xf32, #tpu.memory_space<vmem>>, vector<16xf32>,
        %add3A_1292 = arith.constant 1 : i32
        %add3A_1293 = arith.addi %add3A_1122, %add3A_1292 : i32
        %get3A_1294 = arith.index_cast %add3A_1293 : i32 to index
        %get3A_1295 = arith.constant 16 : index
        %get3A_1296 = tpu.vector_load %arg9[%get3A_1294, %get3A_1295] {strides = array<i32>} : memref<80x128xf32, #tpu.memory_space<vmem>>, vector<16xf32>,
        %add3A_1297 = arith.constant 1 : i32
        %add3A_1298 = arith.addi %add3A_1122, %add3A_1297 : i32
        %get3A_1299 = arith.index_cast %add3A_1298 : i32 to index
        %get3A_1300 = arith.constant 16 : index
        %get3A_1301 = tpu.vector_load %arg10[%get3A_1299, %get3A_1300] {strides = array<i32>} : memref<80x128xf32, #tpu.memory_space<vmem>>, vector<16xf32>,
        %add3A_1302 = arith.addf %get3A_1296, %get3A_1301 : vector<16xf32>
        %max3A_1303 = arith.constant 0.000000e+00 : f32
        %max3A_1304 = vector.broadcast %max3A_1303 : f32 to vector<16xf32>
        %max3A_1305 = arith.maximumf %add3A_1302, %max3A_1304 : vector<16xf32>
        %add3A_1306 = arith.constant 1 : i32
        %add3A_1307 = arith.addi %add3A_1122, %add3A_1306 : i32
        %swap3A_1308 = arith.index_cast %add3A_1307 : i32 to index
        %swap3A_1309 = arith.constant 16 : index
        %swap3A_1310 = tpu.vector_load %arg9[%swap3A_1308, %swap3A_1309] {strides = array<i32>} : memref<80x128xf32, #tpu.memory_space<vmem>>, vector<16xf32>,
        tpu.vector_store %arg9[%swap3A_1308, %swap3A_1309], %max3A_1305 {strides = array<i32>} : memref<80x128xf32, #tpu.memory_space<vmem>>, vector<16xf32>,
        %add3A_1311 = arith.constant 1 : i32
        %add3A_1312 = arith.addi %add3A_1122, %add3A_1311 : i32
        %get3A_1313 = arith.index_cast %add3A_1312 : i32 to index
        %get3A_1314 = arith.constant 32 : index
        %get3A_1315 = tpu.vector_load %arg9[%get3A_1313, %get3A_1314] {strides = array<i32>} : memref<80x128xf32, #tpu.memory_space<vmem>>, vector<16xf32>,
        %add3A_1316 = arith.constant 1 : i32
        %add3A_1317 = arith.addi %add3A_1122, %add3A_1316 : i32
        %get3A_1318 = arith.index_cast %add3A_1317 : i32 to index
        %get3A_1319 = arith.constant 32 : index
        %get3A_1320 = tpu.vector_load %arg10[%get3A_1318, %get3A_1319] {strides = array<i32>} : memref<80x128xf32, #tpu.memory_space<vmem>>, vector<16xf32>,
        %add3A_1321 = arith.addf %get3A_1315, %get3A_1320 : vector<16xf32>
        %max3A_1322 = arith.constant 0.000000e+00 : f32
        %max3A_1323 = vector.broadcast %max3A_1322 : f32 to vector<16xf32>
        %max3A_1324 = arith.maximumf %add3A_1321, %max3A_1323 : vector<16xf32>
        %add3A_1325 = arith.constant 1 : i32
        %add3A_1326 = arith.addi %add3A_1122, %add3A_1325 : i32
        %swap3A_1327 = arith.index_cast %add3A_1326 : i32 to index
        %swap3A_1328 = arith.constant 32 : index
        %swap3A_1329 = tpu.vector_load %arg9[%swap3A_1327, %swap3A_1328] {strides = array<i32>} : memref<80x128xf32, #tpu.memory_space<vmem>>, vector<16xf32>,
        tpu.vector_store %arg9[%swap3A_1327, %swap3A_1328], %max3A_1324 {strides = array<i32>} : memref<80x128xf32, #tpu.memory_space<vmem>>, vector<16xf32>,
        %add3A_1330 = arith.constant 1 : i32
        %add3A_1331 = arith.addi %add3A_1122, %add3A_1330 : i32
        %get3A_1332 = arith.index_cast %add3A_1331 : i32 to index
        %get3A_1333 = arith.constant 48 : index
        %get3A_1334 = tpu.vector_load %arg9[%get3A_1332, %get3A_1333] {strides = array<i32>} : memref<80x128xf32, #tpu.memory_space<vmem>>, vector<16xf32>,
        %add3A_1335 = arith.constant 1 : i32
        %add3A_1336 = arith.addi %add3A_1122, %add3A_1335 : i32
        %get3A_1337 = arith.index_cast %add3A_1336 : i32 to index
        %get3A_1338 = arith.constant 48 : index
        %get3A_1339 = tpu.vector_load %arg10[%get3A_1337, %get3A_1338] {strides = array<i32>} : memref<80x128xf32, #tpu.memory_space<vmem>>, vector<16xf32>,
        %add3A_1340 = arith.addf %get3A_1334, %get3A_1339 : vector<16xf32>
        %max3A_1341 = arith.constant 0.000000e+00 : f32
        %max3A_1342 = vector.broadcast %max3A_1341 : f32 to vector<16xf32>
        %max3A_1343 = arith.maximumf %add3A_1340, %max3A_1342 : vector<16xf32>
        %add3A_1344 = arith.constant 1 : i32
        %add3A_1345 = arith.addi %add3A_1122, %add3A_1344 : i32
        %swap3A_1346 = arith.index_cast %add3A_1345 : i32 to index
        %swap3A_1347 = arith.constant 48 : index
        %swap3A_1348 = tpu.vector_load %arg9[%swap3A_1346, %swap3A_1347] {strides = array<i32>} : memref<80x128xf32, #tpu.memory_space<vmem>>, vector<16xf32>,
        tpu.vector_store %arg9[%swap3A_1346, %swap3A_1347], %max3A_1343 {strides = array<i32>} : memref<80x128xf32, #tpu.memory_space<vmem>>, vector<16xf32>,
        %add3A_1349 = arith.constant 1 : i32
        %add3A_1350 = arith.addi %add3A_1122, %add3A_1349 : i32
        %get3A_1351 = arith.index_cast %add3A_1350 : i32 to index
        %get3A_1352 = arith.constant 64 : index
        %get3A_1353 = tpu.vector_load %arg9[%get3A_1351, %get3A_1352] {strides = array<i32>} : memref<80x128xf32, #tpu.memory_space<vmem>>, vector<16xf32>,
        %add3A_1354 = arith.constant 1 : i32
        %add3A_1355 = arith.addi %add3A_1122, %add3A_1354 : i32
        %get3A_1356 = arith.index_cast %add3A_1355 : i32 to index
        %get3A_1357 = arith.constant 64 : index
        %get3A_1358 = tpu.vector_load %arg10[%get3A_1356, %get3A_1357] {strides = array<i32>} : memref<80x128xf32, #tpu.memory_space<vmem>>, vector<16xf32>,
        %add3A_1359 = arith.addf %get3A_1353, %get3A_1358 : vector<16xf32>
        %max3A_1360 = arith.constant 0.000000e+00 : f32
        %max3A_1361 = vector.broadcast %max3A_1360 : f32 to vector<16xf32>
        %max3A_1362 = arith.maximumf %add3A_1359, %max3A_1361 : vector<16xf32>
        %add3A_1363 = arith.constant 1 : i32
        %add3A_1364 = arith.addi %add3A_1122, %add3A_1363 : i32
        %swap3A_1365 = arith.index_cast %add3A_1364 : i32 to index
        %swap3A_1366 = arith.constant 64 : index
        %swap3A_1367 = tpu.vector_load %arg9[%swap3A_1365, %swap3A_1366] {strides = array<i32>} : memref<80x128xf32, #tpu.memory_space<vmem>>, vector<16xf32>,
        tpu.vector_store %arg9[%swap3A_1365, %swap3A_1366], %max3A_1362 {strides = array<i32>} : memref<80x128xf32, #tpu.memory_space<vmem>>, vector<16xf32>,
        %add3A_1368 = arith.constant 1 : i32
        %add3A_1369 = arith.addi %add3A_1122, %add3A_1368 : i32
        %get3A_1370 = arith.index_cast %add3A_1369 : i32 to index
        %get3A_1371 = arith.constant 80 : index
        %get3A_1372 = tpu.vector_load %arg9[%get3A_1370, %get3A_1371] {strides = array<i32>} : memref<80x128xf32, #tpu.memory_space<vmem>>, vector<16xf32>,
        %add3A_1373 = arith.constant 1 : i32
        %add3A_1374 = arith.addi %add3A_1122, %add3A_1373 : i32
        %get3A_1375 = arith.index_cast %add3A_1374 : i32 to index
        %get3A_1376 = arith.constant 80 : index
        %get3A_1377 = tpu.vector_load %arg10[%get3A_1375, %get3A_1376] {strides = array<i32>} : memref<80x128xf32, #tpu.memory_space<vmem>>, vector<16xf32>,
        %add3A_1378 = arith.addf %get3A_1372, %get3A_1377 : vector<16xf32>
        %max3A_1379 = arith.constant 0.000000e+00 : f32
        %max3A_1380 = vector.broadcast %max3A_1379 : f32 to vector<16xf32>
        %max3A_1381 = arith.maximumf %add3A_1378, %max3A_1380 : vector<16xf32>
        %add3A_1382 = arith.constant 1 : i32
        %add3A_1383 = arith.addi %add3A_1122, %add3A_1382 : i32
        %swap3A_1384 = arith.index_cast %add3A_1383 : i32 to index
        %swap3A_1385 = arith.constant 80 : index
        %swap3A_1386 = tpu.vector_load %arg9[%swap3A_1384, %swap3A_1385] {strides = array<i32>} : memref<80x128xf32, #tpu.memory_space<vmem>>, vector<16xf32>,
        tpu.vector_store %arg9[%swap3A_1384, %swap3A_1385], %max3A_1381 {strides = array<i32>} : memref<80x128xf32, #tpu.memory_space<vmem>>, vector<16xf32>,
        %add3A_1387 = arith.constant 1 : i32
        %add3A_1388 = arith.addi %add3A_1122, %add3A_1387 : i32
        %get3A_1389 = arith.index_cast %add3A_1388 : i32 to index
        %get3A_1390 = arith.constant 96 : index
        %get3A_1391 = tpu.vector_load %arg9[%get3A_1389, %get3A_1390] {strides = array<i32>} : memref<80x128xf32, #tpu.memory_space<vmem>>, vector<16xf32>,
        %add3A_1392 = arith.constant 1 : i32
        %add3A_1393 = arith.addi %add3A_1122, %add3A_1392 : i32
        %get3A_1394 = arith.index_cast %add3A_1393 : i32 to index
        %get3A_1395 = arith.constant 96 : index
        %get3A_1396 = tpu.vector_load %arg10[%get3A_1394, %get3A_1395] {strides = array<i32>} : memref<80x128xf32, #tpu.memory_space<vmem>>, vector<16xf32>,
        %add3A_1397 = arith.addf %get3A_1391, %get3A_1396 : vector<16xf32>
        %max3A_1398 = arith.constant 0.000000e+00 : f32
        %max3A_1399 = vector.broadcast %max3A_1398 : f32 to vector<16xf32>
        %max3A_1400 = arith.maximumf %add3A_1397, %max3A_1399 : vector<16xf32>
        %add3A_1401 = arith.constant 1 : i32
        %add3A_1402 = arith.addi %add3A_1122, %add3A_1401 : i32
        %swap3A_1403 = arith.index_cast %add3A_1402 : i32 to index
        %swap3A_1404 = arith.constant 96 : index
        %swap3A_1405 = tpu.vector_load %arg9[%swap3A_1403, %swap3A_1404] {strides = array<i32>} : memref<80x128xf32, #tpu.memory_space<vmem>>, vector<16xf32>,
        tpu.vector_store %arg9[%swap3A_1403, %swap3A_1404], %max3A_1400 {strides = array<i32>} : memref<80x128xf32, #tpu.memory_space<vmem>>, vector<16xf32>,
        %add3A_1406 = arith.constant 1 : i32
        %add3A_1407 = arith.addi %add3A_1122, %add3A_1406 : i32
        %get3A_1408 = arith.index_cast %add3A_1407 : i32 to index
        %get3A_1409 = arith.constant 112 : index
        %get3A_1410 = tpu.vector_load %arg9[%get3A_1408, %get3A_1409] {strides = array<i32>} : memref<80x128xf32, #tpu.memory_space<vmem>>, vector<16xf32>,
        %add3A_1411 = arith.constant 1 : i32
        %add3A_1412 = arith.addi %add3A_1122, %add3A_1411 : i32
        %get3A_1413 = arith.index_cast %add3A_1412 : i32 to index
        %get3A_1414 = arith.constant 112 : index
        %get3A_1415 = tpu.vector_load %arg10[%get3A_1413, %get3A_1414] {strides = array<i32>} : memref<80x128xf32, #tpu.memory_space<vmem>>, vector<16xf32>,
        %add3A_1416 = arith.addf %get3A_1410, %get3A_1415 : vector<16xf32>
        %max3A_1417 = arith.constant 0.000000e+00 : f32
        %max3A_1418 = vector.broadcast %max3A_1417 : f32 to vector<16xf32>
        %max3A_1419 = arith.maximumf %add3A_1416, %max3A_1418 : vector<16xf32>
        %add3A_1420 = arith.constant 1 : i32
        %add3A_1421 = arith.addi %add3A_1122, %add3A_1420 : i32
        %swap3A_1422 = arith.index_cast %add3A_1421 : i32 to index
        %swap3A_1423 = arith.constant 112 : index
        %swap3A_1424 = tpu.vector_load %arg9[%swap3A_1422, %swap3A_1423] {strides = array<i32>} : memref<80x128xf32, #tpu.memory_space<vmem>>, vector<16xf32>,
        tpu.vector_store %arg9[%swap3A_1422, %swap3A_1423], %max3A_1419 {strides = array<i32>} : memref<80x128xf32, #tpu.memory_space<vmem>>, vector<16xf32>,
      }
      %scan3A_1051 = arith.constant 40 : i32
      %add3A_1052 = arith.constant 1 : i32
      %add3A_1053 = arith.addi %add3A_998, %add3A_1052 : i32
      %mul3A_1054 = arith.constant 80 : i32
      %mul3A_1055 = arith.muli %add3A_1053, %mul3A_1054 : i32
      %add3A_1056 = arith.addi %mul3A_7, %mul3A_1055 : i32
      %dma_start3A_1057 = arith.constant 0 : i32
      %dma_start3A_1058 = tpu.memref_slice %arg3[%add3A_1056, %dma_start3A_1057] : memref<320000x128xf32, #tpu.memory_space<hbm>> -> memref<80x128xf32, #tpu.memory_space<hbm>>
      %dma_start3A_1059 = arith.constant 0 : i32
      %dma_start3A_1060 = tpu.memref_slice %arg3[%add3A_1056, %dma_start3A_1059] : memref<320000x128xf32, #tpu.memory_space<hbm>> -> memref<80x128xf32, #tpu.memory_space<hbm>>
      tpu.enqueue_dma source(%dma_start3A_1060 : memref<80x128xf32, #tpu.memory_space<hbm>>) target(%arg10 : memref<80x128xf32, #tpu.memory_space<vmem>>) target_semaphore(%arg20 : memref<!tpu.dma_semaphore, #tpu.memory_space<semaphore_mem>>)
      %get3A_1061 = arith.constant 1 : i32
      %get3A_1062 = arith.constant 0 : i32
      %get3A_1063 = arith.index_cast %get3A_1061 : i32 to index
      %get3A_1064 = arith.index_cast %get3A_1062 : i32 to index
      %get3A_1065 = arith.constant 0 : index
      %get3A_1066 = tpu.vector_load %arg7[%get3A_1063, %get3A_1064, %get3A_1065] {strides = array<i32>} : memref<4x2x80xi32, #tpu.memory_space<vmem>>, vector<16xi32>,
      tpu.vector_store_idx %arg12[%get3A_1066], %broadcast_in_dim3A_2 {add = true} : memref<10240xf32, #tpu.memory_space<vmem>>[vector<16xi32>], vector<16xf32>,
      %get3A_1067 = arith.constant 1 : i32
      %get3A_1068 = arith.constant 0 : i32
      %get3A_1069 = arith.index_cast %get3A_1067 : i32 to index
      %get3A_1070 = arith.index_cast %get3A_1068 : i32 to index
      %get3A_1071 = arith.constant 16 : index
      %get3A_1072 = tpu.vector_load %arg7[%get3A_1069, %get3A_1070, %get3A_1071] {strides = array<i32>} : memref<4x2x80xi32, #tpu.memory_space<vmem>>, vector<16xi32>,
      tpu.vector_store_idx %arg12[%get3A_1072], %broadcast_in_dim3A_2 {add = true} : memref<10240xf32, #tpu.memory_space<vmem>>[vector<16xi32>], vector<16xf32>,
      %get3A_1073 = arith.constant 1 : i32
      %get3A_1074 = arith.constant 0 : i32
      %get3A_1075 = arith.index_cast %get3A_1073 : i32 to index
      %get3A_1076 = arith.index_cast %get3A_1074 : i32 to index
      %get3A_1077 = arith.constant 32 : index
      %get3A_1078 = tpu.vector_load %arg7[%get3A_1075, %get3A_1076, %get3A_1077] {strides = array<i32>} : memref<4x2x80xi32, #tpu.memory_space<vmem>>, vector<16xi32>,
      tpu.vector_store_idx %arg12[%get3A_1078], %broadcast_in_dim3A_2 {add = true} : memref<10240xf32, #tpu.memory_space<vmem>>[vector<16xi32>], vector<16xf32>,
      %get3A_1079 = arith.constant 1 : i32
      %get3A_1080 = arith.constant 0 : i32
      %get3A_1081 = arith.index_cast %get3A_1079 : i32 to index
      %get3A_1082 = arith.index_cast %get3A_1080 : i32 to index
      %get3A_1083 = arith.constant 48 : index
      %get3A_1084 = tpu.vector_load %arg7[%get3A_1081, %get3A_1082, %get3A_1083] {strides = array<i32>} : memref<4x2x80xi32, #tpu.memory_space<vmem>>, vector<16xi32>,
      tpu.vector_store_idx %arg12[%get3A_1084], %broadcast_in_dim3A_2 {add = true} : memref<10240xf32, #tpu.memory_space<vmem>>[vector<16xi32>], vector<16xf32>,
      %get3A_1085 = arith.constant 1 : i32
      %get3A_1086 = arith.constant 0 : i32
      %get3A_1087 = arith.index_cast %get3A_1085 : i32 to index
      %get3A_1088 = arith.index_cast %get3A_1086 : i32 to index
      %get3A_1089 = arith.constant 64 : index
      %get3A_1090 = tpu.vector_load %arg7[%get3A_1087, %get3A_1088, %get3A_1089] {strides = array<i32>} : memref<4x2x80xi32, #tpu.memory_space<vmem>>, vector<16xi32>,
      tpu.vector_store_idx %arg12[%get3A_1090], %broadcast_in_dim3A_2 {add = true} : memref<10240xf32, #tpu.memory_space<vmem>>[vector<16xi32>], vector<16xf32>,
      %dma_start3A_1091 = arith.constant 1 : i32
      %dma_start3A_1092 = arith.constant 0 : i32
      %dma_start3A_1093 = arith.constant 0 : i32
      %dma_start3A_1094 = tpu.memref_slice %arg7[%dma_start3A_1091, %dma_start3A_1092, %dma_start3A_1093] : memref<4x2x80xi32, #tpu.memory_space<vmem>> -> memref<1x1x80xi32, #tpu.memory_space<vmem>>
      %dma_start3A_1095 = tpu.memref_squeeze %dma_start3A_1094 : memref<1x1x80xi32, #tpu.memory_space<vmem>> -> memref<80xi32, #tpu.memory_space<vmem>>
      %dma_start3A_1096 = arith.constant 0 : i32
      %dma_start3A_1097 = arith.constant 0 : i32
      %dma_start3A_1098 = tpu.memref_slice %arg13[%dma_start3A_1096, %dma_start3A_1097] : memref<10240x128xf32, #tpu.memory_space<vmem_shared>> -> memref<10240x128xf32, #tpu.memory_space<vmem_shared>>
      tpu.enqueue_indirect_dma source(%arg9 : memref<80x128xf32, #tpu.memory_space<vmem>>) target(%dma_start3A_1098 : memref<10240x128xf32, #tpu.memory_space<vmem_shared>>) offsets(%dma_start3A_1095 : memref<80xi32, #tpu.memory_space<vmem>>) semaphore(%arg22 : memref<!tpu.dma_semaphore, #tpu.memory_space<semaphore_mem>>) {add = true}
      %add3A_1099 = arith.constant 2 : i32
      %add3A_1100 = arith.addi %add3A_998, %add3A_1099 : i32
      %dma_start3A_1101 = arith.constant 3 : i32
      %dma_start3A_1102 = arith.constant 0 : i32
      %dma_start3A_1103 = arith.constant 0 : i32
      %dma_start3A_1104 = tpu.memref_slice %arg7[%dma_start3A_1101, %dma_start3A_1102, %dma_start3A_1103] : memref<4x2x80xi32, #tpu.memory_space<vmem>> -> memref<1x2x80xi32, #tpu.memory_space<vmem>>
      %dma_start3A_1105 = tpu.memref_squeeze %dma_start3A_1104 : memref<1x2x80xi32, #tpu.memory_space<vmem>> -> memref<2x80xi32, #tpu.memory_space<vmem>>
      %dma_start3A_1106 = arith.constant 0 : i32
      %dma_start3A_1107 = arith.constant 0 : i32
      %dma_start3A_1108 = tpu.memref_slice %arg4[%add3A, %add3A_1100, %dma_start3A_1106, %dma_start3A_1107] : memref<32x125x2x80xi32, #tpu.memory_space<hbm>> -> memref<1x1x2x80xi32, #tpu.memory_space<hbm>>
      %dma_start3A_1109 = tpu.memref_squeeze %dma_start3A_1108 : memref<1x1x2x80xi32, #tpu.memory_space<hbm>> -> memref<2x80xi32, #tpu.memory_space<hbm>>
      %dma_start3A_1110 = arith.constant 0 : i32
      %dma_start3A_1111 = arith.constant 0 : i32
      %dma_start3A_1112 = tpu.memref_slice %arg7[%dma_start3A_1101, %dma_start3A_1110, %dma_start3A_1111] : memref<4x2x80xi32, #tpu.memory_space<vmem>> -> memref<1x2x80xi32, #tpu.memory_space<vmem>>
      %dma_start3A_1113 = tpu.memref_squeeze %dma_start3A_1112 : memref<1x2x80xi32, #tpu.memory_space<vmem>> -> memref<2x80xi32, #tpu.memory_space<vmem>>
      %dma_start3A_1114 = arith.constant 0 : i32
      %dma_start3A_1115 = arith.constant 0 : i32
      %dma_start3A_1116 = tpu.memref_slice %arg4[%add3A, %add3A_1100, %dma_start3A_1114, %dma_start3A_1115] : memref<32x125x2x80xi32, #tpu.memory_space<hbm>> -> memref<1x1x2x80xi32, #tpu.memory_space<hbm>>
      %dma_start3A_1117 = tpu.memref_squeeze %dma_start3A_1116 : memref<1x1x2x80xi32, #tpu.memory_space<hbm>> -> memref<2x80xi32, #tpu.memory_space<hbm>>
      tpu.enqueue_dma source(%dma_start3A_1117 : memref<2x80xi32, #tpu.memory_space<hbm>>) target(%dma_start3A_1113 : memref<2x80xi32, #tpu.memory_space<vmem>>) target_semaphore(%arg17 : memref<!tpu.dma_semaphore, #tpu.memory_space<semaphore_mem>>)
    }
    %scan3A_344 = arith.constant 30 : i32
    %dma_wait3A_345 = arith.constant 0 : i32
    %dma_wait3A_346 = arith.constant 3 : i32
    %dma_wait3A_347 = arith.constant 0 : i32
    %dma_wait3A_348 = arith.constant 0 : i32
    %dma_wait3A_349 = tpu.memref_slice %arg7[%dma_wait3A_346, %dma_wait3A_347, %dma_wait3A_348] : memref<4x2x80xi32, #tpu.memory_space<vmem>> -> memref<1x2x80xi32, #tpu.memory_space<vmem>>
    %dma_wait3A_350 = tpu.memref_squeeze %dma_wait3A_349 : memref<1x2x80xi32, #tpu.memory_space<vmem>> -> memref<2x80xi32, #tpu.memory_space<vmem>>
    %dma_wait3A_351 = arith.constant 0 : i32
    %dma_wait3A_352 = arith.constant 0 : i32
    %dma_wait3A_353 = tpu.memref_slice %arg4[%add3A, %dma_wait3A_345, %dma_wait3A_351, %dma_wait3A_352] : memref<32x125x2x80xi32, #tpu.memory_space<hbm>> -> memref<1x1x2x80xi32, #tpu.memory_space<hbm>>
    %dma_wait3A_354 = tpu.memref_squeeze %dma_wait3A_353 : memref<1x1x2x80xi32, #tpu.memory_space<hbm>> -> memref<2x80xi32, #tpu.memory_space<hbm>>
    %dma_wait3A_355 = arith.constant 0 : i32
    %dma_wait3A_356 = arith.constant 0 : i32
    %dma_wait3A_357 = tpu.memref_slice %arg7[%dma_wait3A_346, %dma_wait3A_355, %dma_wait3A_356] : memref<4x2x80xi32, #tpu.memory_space<vmem>> -> memref<1x2x80xi32, #tpu.memory_space<vmem>>
    %dma_wait3A_358 = tpu.memref_squeeze %dma_wait3A_357 : memref<1x2x80xi32, #tpu.memory_space<vmem>> -> memref<2x80xi32, #tpu.memory_space<vmem>>
    %dma_wait3A_359 = arith.constant 0 : i32
    %dma_wait3A_360 = arith.constant 0 : i32
    %dma_wait3A_361 = tpu.memref_slice %arg4[%add3A, %dma_wait3A_345, %dma_wait3A_359, %dma_wait3A_360] : memref<32x125x2x80xi32, #tpu.memory_space<hbm>> -> memref<1x1x2x80xi32, #tpu.memory_space<hbm>>
    %dma_wait3A_362 = tpu.memref_squeeze %dma_wait3A_361 : memref<1x1x2x80xi32, #tpu.memory_space<hbm>> -> memref<2x80xi32, #tpu.memory_space<hbm>>
    tpu.wait_dma2 semaphore(%arg17 : memref<!tpu.dma_semaphore, #tpu.memory_space<semaphore_mem>>) src(%dma_wait3A_362 : memref<2x80xi32, #tpu.memory_space<hbm>>) dst(%dma_wait3A_358 : memref<2x80xi32, #tpu.memory_space<vmem>>)
    %dma_wait3A_363 = arith.constant 2 : i32
    %dma_wait3A_364 = arith.constant 1 : i32
    %dma_wait3A_365 = arith.constant 0 : i32
    %dma_wait3A_366 = tpu.memref_slice %arg7[%dma_wait3A_363, %dma_wait3A_364, %dma_wait3A_365] : memref<4x2x80xi32, #tpu.memory_space<vmem>> -> memref<1x1x80xi32, #tpu.memory_space<vmem>>
    %dma_wait3A_367 = tpu.memref_squeeze %dma_wait3A_366 : memref<1x1x80xi32, #tpu.memory_space<vmem>> -> memref<80xi32, #tpu.memory_space<vmem>>
    %dma_wait3A_368 = arith.constant 0 : i32
    %dma_wait3A_369 = arith.constant 0 : i32
    %dma_wait3A_370 = tpu.memref_slice %arg2[%dma_wait3A_368, %dma_wait3A_369] : memref<10000x128xf32, #tpu.memory_space<hbm>> -> memref<10000x128xf32, #tpu.memory_space<hbm>>
    tpu.wait_indirect_dma semaphore(%arg18 : memref<!tpu.dma_semaphore, #tpu.memory_space<semaphore_mem>>) src(%dma_wait3A_370 : memref<10000x128xf32, #tpu.memory_space<hbm>>) dst(%arg8 : memref<80x128xf32, #tpu.memory_space<vmem>>)
    %dma_wait3A_371 = arith.constant 0 : i32
    %dma_wait3A_372 = tpu.memref_slice %arg3[%mul3A_7, %dma_wait3A_371] : memref<320000x128xf32, #tpu.memory_space<hbm>> -> memref<80x128xf32, #tpu.memory_space<hbm>>
    %dma_wait3A_373 = arith.constant 0 : i32
    %dma_wait3A_374 = tpu.memref_slice %arg3[%mul3A_7, %dma_wait3A_373] : memref<320000x128xf32, #tpu.memory_space<hbm>> -> memref<80x128xf32, #tpu.memory_space<hbm>>
    tpu.wait_dma2 semaphore(%arg20 : memref<!tpu.dma_semaphore, #tpu.memory_space<semaphore_mem>>) src(%dma_wait3A_374 : memref<80x128xf32, #tpu.memory_space<hbm>>) dst(%arg10 : memref<80x128xf32, #tpu.memory_space<vmem>>)
    %dma_wait3A_375 = arith.constant 1 : i32
    %dma_wait3A_376 = arith.constant 0 : i32
    %dma_wait3A_377 = arith.constant 0 : i32
    %dma_wait3A_378 = tpu.memref_slice %arg7[%dma_wait3A_375, %dma_wait3A_376, %dma_wait3A_377] : memref<4x2x80xi32, #tpu.memory_space<vmem>> -> memref<1x1x80xi32, #tpu.memory_space<vmem>>
    %dma_wait3A_379 = tpu.memref_squeeze %dma_wait3A_378 : memref<1x1x80xi32, #tpu.memory_space<vmem>> -> memref<80xi32, #tpu.memory_space<vmem>>
    %dma_wait3A_380 = arith.constant 0 : i32
    %dma_wait3A_381 = arith.constant 0 : i32
    %dma_wait3A_382 = tpu.memref_slice %arg13[%dma_wait3A_380, %dma_wait3A_381] : memref<10240x128xf32, #tpu.memory_space<vmem_shared>> -> memref<10240x128xf32, #tpu.memory_space<vmem_shared>>
    tpu.wait_indirect_dma semaphore(%arg22 : memref<!tpu.dma_semaphore, #tpu.memory_space<semaphore_mem>>) src(%arg9 : memref<80x128xf32, #tpu.memory_space<vmem>>) dst(%dma_wait3A_382 : memref<10240x128xf32, #tpu.memory_space<vmem_shared>>)
    %dma_start3A_383 = arith.constant 3 : i32
    %dma_start3A_384 = arith.constant 1 : i32
    %dma_start3A_385 = arith.constant 0 : i32
    %dma_start3A_386 = tpu.memref_slice %arg7[%dma_start3A_383, %dma_start3A_384, %dma_start3A_385] : memref<4x2x80xi32, #tpu.memory_space<vmem>> -> memref<1x1x80xi32, #tpu.memory_space<vmem>>
    %dma_start3A_387 = tpu.memref_squeeze %dma_start3A_386 : memref<1x1x80xi32, #tpu.memory_space<vmem>> -> memref<80xi32, #tpu.memory_space<vmem>>
    %dma_start3A_388 = arith.constant 0 : i32
    %dma_start3A_389 = arith.constant 0 : i32
    %dma_start3A_390 = tpu.memref_slice %arg2[%dma_start3A_388, %dma_start3A_389] : memref<10000x128xf32, #tpu.memory_space<hbm>> -> memref<10000x128xf32, #tpu.memory_space<hbm>>
    tpu.enqueue_indirect_dma source(%dma_start3A_390 : memref<10000x128xf32, #tpu.memory_space<hbm>>) target(%arg9 : memref<80x128xf32, #tpu.memory_space<vmem>>) offsets(%dma_start3A_387 : memref<80xi32, #tpu.memory_space<vmem>>) semaphore(%arg19 : memref<!tpu.dma_semaphore, #tpu.memory_space<semaphore_mem>>)
    %scan3A_391 = arith.constant 0 : i32
    %scan3A_392 = arith.constant 40 : i32
    %scan3A_393 = arith.addi %scan3A_391, %scan3A_392 : i32
    %scan3A_394 = arith.constant 1 : i32
    scf.for %scan3A_625 = %scan3A_391 to %scan3A_393 step %scan3A_394  : i32 {
      %mul3A_626 = arith.constant 2 : i32
      %mul3A_627 = arith.muli %scan3A_625, %mul3A_626 : i32
      %add3A_628 = arith.constant 0 : i32
      %add3A_629 = arith.addi %add3A_628, %mul3A_627 : i32
      %add3A_630 = arith.constant 0 : i32
      %add3A_631 = arith.addi %add3A_629, %add3A_630 : i32
      %get3A_632 = arith.index_cast %add3A_631 : i32 to index
      %get3A_633 = arith.constant 0 : index
      %get3A_634 = tpu.vector_load %arg8[%get3A_632, %get3A_633] {strides = array<i32>} : memref<80x128xf32, #tpu.memory_space<vmem>>, vector<16xf32>,
      %add3A_635 = arith.constant 0 : i32
      %add3A_636 = arith.addi %add3A_629, %add3A_635 : i32
      %get3A_637 = arith.index_cast %add3A_636 : i32 to index
      %get3A_638 = arith.constant 0 : index
      %get3A_639 = tpu.vector_load %arg10[%get3A_637, %get3A_638] {strides = array<i32>} : memref<80x128xf32, #tpu.memory_space<vmem>>, vector<16xf32>,
      %add3A_640 = arith.addf %get3A_634, %get3A_639 : vector<16xf32>
      %max3A = arith.constant 0.000000e+00 : f32
      %max3A_641 = vector.broadcast %max3A : f32 to vector<16xf32>
      %max3A_642 = arith.maximumf %add3A_640, %max3A_641 : vector<16xf32>
      %add3A_643 = arith.constant 0 : i32
      %add3A_644 = arith.addi %add3A_629, %add3A_643 : i32
      %swap3A = arith.index_cast %add3A_644 : i32 to index
      %swap3A_645 = arith.constant 0 : index
      %swap3A_646 = tpu.vector_load %arg8[%swap3A, %swap3A_645] {strides = array<i32>} : memref<80x128xf32, #tpu.memory_space<vmem>>, vector<16xf32>,
      tpu.vector_store %arg8[%swap3A, %swap3A_645], %max3A_642 {strides = array<i32>} : memref<80x128xf32, #tpu.memory_space<vmem>>, vector<16xf32>,
      %add3A_647 = arith.constant 0 : i32
      %add3A_648 = arith.addi %add3A_629, %add3A_647 : i32
      %get3A_649 = arith.index_cast %add3A_648 : i32 to index
      %get3A_650 = arith.constant 16 : index
      %get3A_651 = tpu.vector_load %arg8[%get3A_649, %get3A_650] {strides = array<i32>} : memref<80x128xf32, #tpu.memory_space<vmem>>, vector<16xf32>,
      %add3A_652 = arith.constant 0 : i32
      %add3A_653 = arith.addi %add3A_629, %add3A_652 : i32
      %get3A_654 = arith.index_cast %add3A_653 : i32 to index
      %get3A_655 = arith.constant 16 : index
      %get3A_656 = tpu.vector_load %arg10[%get3A_654, %get3A_655] {strides = array<i32>} : memref<80x128xf32, #tpu.memory_space<vmem>>, vector<16xf32>,
      %add3A_657 = arith.addf %get3A_651, %get3A_656 : vector<16xf32>
      %max3A_658 = arith.constant 0.000000e+00 : f32
      %max3A_659 = vector.broadcast %max3A_658 : f32 to vector<16xf32>
      %max3A_660 = arith.maximumf %add3A_657, %max3A_659 : vector<16xf32>
      %add3A_661 = arith.constant 0 : i32
      %add3A_662 = arith.addi %add3A_629, %add3A_661 : i32
      %swap3A_663 = arith.index_cast %add3A_662 : i32 to index
      %swap3A_664 = arith.constant 16 : index
      %swap3A_665 = tpu.vector_load %arg8[%swap3A_663, %swap3A_664] {strides = array<i32>} : memref<80x128xf32, #tpu.memory_space<vmem>>, vector<16xf32>,
      tpu.vector_store %arg8[%swap3A_663, %swap3A_664], %max3A_660 {strides = array<i32>} : memref<80x128xf32, #tpu.memory_space<vmem>>, vector<16xf32>,
      %add3A_666 = arith.constant 0 : i32
      %add3A_667 = arith.addi %add3A_629, %add3A_666 : i32
      %get3A_668 = arith.index_cast %add3A_667 : i32 to index
      %get3A_669 = arith.constant 32 : index
      %get3A_670 = tpu.vector_load %arg8[%get3A_668, %get3A_669] {strides = array<i32>} : memref<80x128xf32, #tpu.memory_space<vmem>>, vector<16xf32>,
      %add3A_671 = arith.constant 0 : i32
      %add3A_672 = arith.addi %add3A_629, %add3A_671 : i32
      %get3A_673 = arith.index_cast %add3A_672 : i32 to index
      %get3A_674 = arith.constant 32 : index
      %get3A_675 = tpu.vector_load %arg10[%get3A_673, %get3A_674] {strides = array<i32>} : memref<80x128xf32, #tpu.memory_space<vmem>>, vector<16xf32>,
      %add3A_676 = arith.addf %get3A_670, %get3A_675 : vector<16xf32>
      %max3A_677 = arith.constant 0.000000e+00 : f32
      %max3A_678 = vector.broadcast %max3A_677 : f32 to vector<16xf32>
      %max3A_679 = arith.maximumf %add3A_676, %max3A_678 : vector<16xf32>
      %add3A_680 = arith.constant 0 : i32
      %add3A_681 = arith.addi %add3A_629, %add3A_680 : i32
      %swap3A_682 = arith.index_cast %add3A_681 : i32 to index
      %swap3A_683 = arith.constant 32 : index
      %swap3A_684 = tpu.vector_load %arg8[%swap3A_682, %swap3A_683] {strides = array<i32>} : memref<80x128xf32, #tpu.memory_space<vmem>>, vector<16xf32>,
      tpu.vector_store %arg8[%swap3A_682, %swap3A_683], %max3A_679 {strides = array<i32>} : memref<80x128xf32, #tpu.memory_space<vmem>>, vector<16xf32>,
      %add3A_685 = arith.constant 0 : i32
      %add3A_686 = arith.addi %add3A_629, %add3A_685 : i32
      %get3A_687 = arith.index_cast %add3A_686 : i32 to index
      %get3A_688 = arith.constant 48 : index
      %get3A_689 = tpu.vector_load %arg8[%get3A_687, %get3A_688] {strides = array<i32>} : memref<80x128xf32, #tpu.memory_space<vmem>>, vector<16xf32>,
      %add3A_690 = arith.constant 0 : i32
      %add3A_691 = arith.addi %add3A_629, %add3A_690 : i32
      %get3A_692 = arith.index_cast %add3A_691 : i32 to index
      %get3A_693 = arith.constant 48 : index
      %get3A_694 = tpu.vector_load %arg10[%get3A_692, %get3A_693] {strides = array<i32>} : memref<80x128xf32, #tpu.memory_space<vmem>>, vector<16xf32>,
      %add3A_695 = arith.addf %get3A_689, %get3A_694 : vector<16xf32>
      %max3A_696 = arith.constant 0.000000e+00 : f32
      %max3A_697 = vector.broadcast %max3A_696 : f32 to vector<16xf32>
      %max3A_698 = arith.maximumf %add3A_695, %max3A_697 : vector<16xf32>
      %add3A_699 = arith.constant 0 : i32
      %add3A_700 = arith.addi %add3A_629, %add3A_699 : i32
      %swap3A_701 = arith.index_cast %add3A_700 : i32 to index
      %swap3A_702 = arith.constant 48 : index
      %swap3A_703 = tpu.vector_load %arg8[%swap3A_701, %swap3A_702] {strides = array<i32>} : memref<80x128xf32, #tpu.memory_space<vmem>>, vector<16xf32>,
      tpu.vector_store %arg8[%swap3A_701, %swap3A_702], %max3A_698 {strides = array<i32>} : memref<80x128xf32, #tpu.memory_space<vmem>>, vector<16xf32>,
      %add3A_704 = arith.constant 0 : i32
      %add3A_705 = arith.addi %add3A_629, %add3A_704 : i32
      %get3A_706 = arith.index_cast %add3A_705 : i32 to index
      %get3A_707 = arith.constant 64 : index
      %get3A_708 = tpu.vector_load %arg8[%get3A_706, %get3A_707] {strides = array<i32>} : memref<80x128xf32, #tpu.memory_space<vmem>>, vector<16xf32>,
      %add3A_709 = arith.constant 0 : i32
      %add3A_710 = arith.addi %add3A_629, %add3A_709 : i32
      %get3A_711 = arith.index_cast %add3A_710 : i32 to index
      %get3A_712 = arith.constant 64 : index
      %get3A_713 = tpu.vector_load %arg10[%get3A_711, %get3A_712] {strides = array<i32>} : memref<80x128xf32, #tpu.memory_space<vmem>>, vector<16xf32>,
      %add3A_714 = arith.addf %get3A_708, %get3A_713 : vector<16xf32>
      %max3A_715 = arith.constant 0.000000e+00 : f32
      %max3A_716 = vector.broadcast %max3A_715 : f32 to vector<16xf32>
      %max3A_717 = arith.maximumf %add3A_714, %max3A_716 : vector<16xf32>
      %add3A_718 = arith.constant 0 : i32
      %add3A_719 = arith.addi %add3A_629, %add3A_718 : i32
      %swap3A_720 = arith.index_cast %add3A_719 : i32 to index
      %swap3A_721 = arith.constant 64 : index
      %swap3A_722 = tpu.vector_load %arg8[%swap3A_720, %swap3A_721] {strides = array<i32>} : memref<80x128xf32, #tpu.memory_space<vmem>>, vector<16xf32>,
      tpu.vector_store %arg8[%swap3A_720, %swap3A_721], %max3A_717 {strides = array<i32>} : memref<80x128xf32, #tpu.memory_space<vmem>>, vector<16xf32>,
      %add3A_723 = arith.constant 0 : i32
      %add3A_724 = arith.addi %add3A_629, %add3A_723 : i32
      %get3A_725 = arith.index_cast %add3A_724 : i32 to index
      %get3A_726 = arith.constant 80 : index
      %get3A_727 = tpu.vector_load %arg8[%get3A_725, %get3A_726] {strides = array<i32>} : memref<80x128xf32, #tpu.memory_space<vmem>>, vector<16xf32>,
      %add3A_728 = arith.constant 0 : i32
      %add3A_729 = arith.addi %add3A_629, %add3A_728 : i32
      %get3A_730 = arith.index_cast %add3A_729 : i32 to index
      %get3A_731 = arith.constant 80 : index
      %get3A_732 = tpu.vector_load %arg10[%get3A_730, %get3A_731] {strides = array<i32>} : memref<80x128xf32, #tpu.memory_space<vmem>>, vector<16xf32>,
      %add3A_733 = arith.addf %get3A_727, %get3A_732 : vector<16xf32>
      %max3A_734 = arith.constant 0.000000e+00 : f32
      %max3A_735 = vector.broadcast %max3A_734 : f32 to vector<16xf32>
      %max3A_736 = arith.maximumf %add3A_733, %max3A_735 : vector<16xf32>
      %add3A_737 = arith.constant 0 : i32
      %add3A_738 = arith.addi %add3A_629, %add3A_737 : i32
      %swap3A_739 = arith.index_cast %add3A_738 : i32 to index
      %swap3A_740 = arith.constant 80 : index
      %swap3A_741 = tpu.vector_load %arg8[%swap3A_739, %swap3A_740] {strides = array<i32>} : memref<80x128xf32, #tpu.memory_space<vmem>>, vector<16xf32>,
      tpu.vector_store %arg8[%swap3A_739, %swap3A_740], %max3A_736 {strides = array<i32>} : memref<80x128xf32, #tpu.memory_space<vmem>>, vector<16xf32>,
      %add3A_742 = arith.constant 0 : i32
      %add3A_743 = arith.addi %add3A_629, %add3A_742 : i32
      %get3A_744 = arith.index_cast %add3A_743 : i32 to index
      %get3A_745 = arith.constant 96 : index
      %get3A_746 = tpu.vector_load %arg8[%get3A_744, %get3A_745] {strides = array<i32>} : memref<80x128xf32, #tpu.memory_space<vmem>>, vector<16xf32>,
      %add3A_747 = arith.constant 0 : i32
      %add3A_748 = arith.addi %add3A_629, %add3A_747 : i32
      %get3A_749 = arith.index_cast %add3A_748 : i32 to index
      %get3A_750 = arith.constant 96 : index
      %get3A_751 = tpu.vector_load %arg10[%get3A_749, %get3A_750] {strides = array<i32>} : memref<80x128xf32, #tpu.memory_space<vmem>>, vector<16xf32>,
      %add3A_752 = arith.addf %get3A_746, %get3A_751 : vector<16xf32>
      %max3A_753 = arith.constant 0.000000e+00 : f32
      %max3A_754 = vector.broadcast %max3A_753 : f32 to vector<16xf32>
      %max3A_755 = arith.maximumf %add3A_752, %max3A_754 : vector<16xf32>
      %add3A_756 = arith.constant 0 : i32
      %add3A_757 = arith.addi %add3A_629, %add3A_756 : i32
      %swap3A_758 = arith.index_cast %add3A_757 : i32 to index
      %swap3A_759 = arith.constant 96 : index
      %swap3A_760 = tpu.vector_load %arg8[%swap3A_758, %swap3A_759] {strides = array<i32>} : memref<80x128xf32, #tpu.memory_space<vmem>>, vector<16xf32>,
      tpu.vector_store %arg8[%swap3A_758, %swap3A_759], %max3A_755 {strides = array<i32>} : memref<80x128xf32, #tpu.memory_space<vmem>>, vector<16xf32>,
      %add3A_761 = arith.constant 0 : i32
      %add3A_762 = arith.addi %add3A_629, %add3A_761 : i32
      %get3A_763 = arith.index_cast %add3A_762 : i32 to index
      %get3A_764 = arith.constant 112 : index
      %get3A_765 = tpu.vector_load %arg8[%get3A_763, %get3A_764] {strides = array<i32>} : memref<80x128xf32, #tpu.memory_space<vmem>>, vector<16xf32>,
      %add3A_766 = arith.constant 0 : i32
      %add3A_767 = arith.addi %add3A_629, %add3A_766 : i32
      %get3A_768 = arith.index_cast %add3A_767 : i32 to index
      %get3A_769 = arith.constant 112 : index
      %get3A_770 = tpu.vector_load %arg10[%get3A_768, %get3A_769] {strides = array<i32>} : memref<80x128xf32, #tpu.memory_space<vmem>>, vector<16xf32>,
      %add3A_771 = arith.addf %get3A_765, %get3A_770 : vector<16xf32>
      %max3A_772 = arith.constant 0.000000e+00 : f32
      %max3A_773 = vector.broadcast %max3A_772 : f32 to vector<16xf32>
      %max3A_774 = arith.maximumf %add3A_771, %max3A_773 : vector<16xf32>
      %add3A_775 = arith.constant 0 : i32
      %add3A_776 = arith.addi %add3A_629, %add3A_775 : i32
      %swap3A_777 = arith.index_cast %add3A_776 : i32 to index
      %swap3A_778 = arith.constant 112 : index
      %swap3A_779 = tpu.vector_load %arg8[%swap3A_777, %swap3A_778] {strides = array<i32>} : memref<80x128xf32, #tpu.memory_space<vmem>>, vector<16xf32>,
      tpu.vector_store %arg8[%swap3A_777, %swap3A_778], %max3A_774 {strides = array<i32>} : memref<80x128xf32, #tpu.memory_space<vmem>>, vector<16xf32>,
      %add3A_780 = arith.constant 1 : i32
      %add3A_781 = arith.addi %add3A_629, %add3A_780 : i32
      %get3A_782 = arith.index_cast %add3A_781 : i32 to index
      %get3A_783 = arith.constant 0 : index
      %get3A_784 = tpu.vector_load %arg8[%get3A_782, %get3A_783] {strides = array<i32>} : memref<80x128xf32, #tpu.memory_space<vmem>>, vector<16xf32>,
      %add3A_785 = arith.constant 1 : i32
      %add3A_786 = arith.addi %add3A_629, %add3A_785 : i32
      %get3A_787 = arith.index_cast %add3A_786 : i32 to index
      %get3A_788 = arith.constant 0 : index
      %get3A_789 = tpu.vector_load %arg10[%get3A_787, %get3A_788] {strides = array<i32>} : memref<80x128xf32, #tpu.memory_space<vmem>>, vector<16xf32>,
      %add3A_790 = arith.addf %get3A_784, %get3A_789 : vector<16xf32>
      %max3A_791 = arith.constant 0.000000e+00 : f32
      %max3A_792 = vector.broadcast %max3A_791 : f32 to vector<16xf32>
      %max3A_793 = arith.maximumf %add3A_790, %max3A_792 : vector<16xf32>
      %add3A_794 = arith.constant 1 : i32
      %add3A_795 = arith.addi %add3A_629, %add3A_794 : i32
      %swap3A_796 = arith.index_cast %add3A_795 : i32 to index
      %swap3A_797 = arith.constant 0 : index
      %swap3A_798 = tpu.vector_load %arg8[%swap3A_796, %swap3A_797] {strides = array<i32>} : memref<80x128xf32, #tpu.memory_space<vmem>>, vector<16xf32>,
      tpu.vector_store %arg8[%swap3A_796, %swap3A_797], %max3A_793 {strides = array<i32>} : memref<80x128xf32, #tpu.memory_space<vmem>>, vector<16xf32>,
      %add3A_799 = arith.constant 1 : i32
      %add3A_800 = arith.addi %add3A_629, %add3A_799 : i32
      %get3A_801 = arith.index_cast %add3A_800 : i32 to index
      %get3A_802 = arith.constant 16 : index
      %get3A_803 = tpu.vector_load %arg8[%get3A_801, %get3A_802] {strides = array<i32>} : memref<80x128xf32, #tpu.memory_space<vmem>>, vector<16xf32>,
      %add3A_804 = arith.constant 1 : i32
      %add3A_805 = arith.addi %add3A_629, %add3A_804 : i32
      %get3A_806 = arith.index_cast %add3A_805 : i32 to index
      %get3A_807 = arith.constant 16 : index
      %get3A_808 = tpu.vector_load %arg10[%get3A_806, %get3A_807] {strides = array<i32>} : memref<80x128xf32, #tpu.memory_space<vmem>>, vector<16xf32>,
      %add3A_809 = arith.addf %get3A_803, %get3A_808 : vector<16xf32>
      %max3A_810 = arith.constant 0.000000e+00 : f32
      %max3A_811 = vector.broadcast %max3A_810 : f32 to vector<16xf32>
      %max3A_812 = arith.maximumf %add3A_809, %max3A_811 : vector<16xf32>
      %add3A_813 = arith.constant 1 : i32
      %add3A_814 = arith.addi %add3A_629, %add3A_813 : i32
      %swap3A_815 = arith.index_cast %add3A_814 : i32 to index
      %swap3A_816 = arith.constant 16 : index
      %swap3A_817 = tpu.vector_load %arg8[%swap3A_815, %swap3A_816] {strides = array<i32>} : memref<80x128xf32, #tpu.memory_space<vmem>>, vector<16xf32>,
      tpu.vector_store %arg8[%swap3A_815, %swap3A_816], %max3A_812 {strides = array<i32>} : memref<80x128xf32, #tpu.memory_space<vmem>>, vector<16xf32>,
      %add3A_818 = arith.constant 1 : i32
      %add3A_819 = arith.addi %add3A_629, %add3A_818 : i32
      %get3A_820 = arith.index_cast %add3A_819 : i32 to index
      %get3A_821 = arith.constant 32 : index
      %get3A_822 = tpu.vector_load %arg8[%get3A_820, %get3A_821] {strides = array<i32>} : memref<80x128xf32, #tpu.memory_space<vmem>>, vector<16xf32>,
      %add3A_823 = arith.constant 1 : i32
      %add3A_824 = arith.addi %add3A_629, %add3A_823 : i32
      %get3A_825 = arith.index_cast %add3A_824 : i32 to index
      %get3A_826 = arith.constant 32 : index
      %get3A_827 = tpu.vector_load %arg10[%get3A_825, %get3A_826] {strides = array<i32>} : memref<80x128xf32, #tpu.memory_space<vmem>>, vector<16xf32>,
      %add3A_828 = arith.addf %get3A_822, %get3A_827 : vector<16xf32>
      %max3A_829 = arith.constant 0.000000e+00 : f32
      %max3A_830 = vector.broadcast %max3A_829 : f32 to vector<16xf32>
      %max3A_831 = arith.maximumf %add3A_828, %max3A_830 : vector<16xf32>
      %add3A_832 = arith.constant 1 : i32
      %add3A_833 = arith.addi %add3A_629, %add3A_832 : i32
      %swap3A_834 = arith.index_cast %add3A_833 : i32 to index
      %swap3A_835 = arith.constant 32 : index
      %swap3A_836 = tpu.vector_load %arg8[%swap3A_834, %swap3A_835] {strides = array<i32>} : memref<80x128xf32, #tpu.memory_space<vmem>>, vector<16xf32>,
      tpu.vector_store %arg8[%swap3A_834, %swap3A_835], %max3A_831 {strides = array<i32>} : memref<80x128xf32, #tpu.memory_space<vmem>>, vector<16xf32>,
      %add3A_837 = arith.constant 1 : i32
      %add3A_838 = arith.addi %add3A_629, %add3A_837 : i32
      %get3A_839 = arith.index_cast %add3A_838 : i32 to index
      %get3A_840 = arith.constant 48 : index
      %get3A_841 = tpu.vector_load %arg8[%get3A_839, %get3A_840] {strides = array<i32>} : memref<80x128xf32, #tpu.memory_space<vmem>>, vector<16xf32>,
      %add3A_842 = arith.constant 1 : i32
      %add3A_843 = arith.addi %add3A_629, %add3A_842 : i32
      %get3A_844 = arith.index_cast %add3A_843 : i32 to index
      %get3A_845 = arith.constant 48 : index
      %get3A_846 = tpu.vector_load %arg10[%get3A_844, %get3A_845] {strides = array<i32>} : memref<80x128xf32, #tpu.memory_space<vmem>>, vector<16xf32>,
      %add3A_847 = arith.addf %get3A_841, %get3A_846 : vector<16xf32>
      %max3A_848 = arith.constant 0.000000e+00 : f32
      %max3A_849 = vector.broadcast %max3A_848 : f32 to vector<16xf32>
      %max3A_850 = arith.maximumf %add3A_847, %max3A_849 : vector<16xf32>
      %add3A_851 = arith.constant 1 : i32
      %add3A_852 = arith.addi %add3A_629, %add3A_851 : i32
      %swap3A_853 = arith.index_cast %add3A_852 : i32 to index
      %swap3A_854 = arith.constant 48 : index
      %swap3A_855 = tpu.vector_load %arg8[%swap3A_853, %swap3A_854] {strides = array<i32>} : memref<80x128xf32, #tpu.memory_space<vmem>>, vector<16xf32>,
      tpu.vector_store %arg8[%swap3A_853, %swap3A_854], %max3A_850 {strides = array<i32>} : memref<80x128xf32, #tpu.memory_space<vmem>>, vector<16xf32>,
      %add3A_856 = arith.constant 1 : i32
      %add3A_857 = arith.addi %add3A_629, %add3A_856 : i32
      %get3A_858 = arith.index_cast %add3A_857 : i32 to index
      %get3A_859 = arith.constant 64 : index
      %get3A_860 = tpu.vector_load %arg8[%get3A_858, %get3A_859] {strides = array<i32>} : memref<80x128xf32, #tpu.memory_space<vmem>>, vector<16xf32>,
      %add3A_861 = arith.constant 1 : i32
      %add3A_862 = arith.addi %add3A_629, %add3A_861 : i32
      %get3A_863 = arith.index_cast %add3A_862 : i32 to index
      %get3A_864 = arith.constant 64 : index
      %get3A_865 = tpu.vector_load %arg10[%get3A_863, %get3A_864] {strides = array<i32>} : memref<80x128xf32, #tpu.memory_space<vmem>>, vector<16xf32>,
      %add3A_866 = arith.addf %get3A_860, %get3A_865 : vector<16xf32>
      %max3A_867 = arith.constant 0.000000e+00 : f32
      %max3A_868 = vector.broadcast %max3A_867 : f32 to vector<16xf32>
      %max3A_869 = arith.maximumf %add3A_866, %max3A_868 : vector<16xf32>
      %add3A_870 = arith.constant 1 : i32
      %add3A_871 = arith.addi %add3A_629, %add3A_870 : i32
      %swap3A_872 = arith.index_cast %add3A_871 : i32 to index
      %swap3A_873 = arith.constant 64 : index
      %swap3A_874 = tpu.vector_load %arg8[%swap3A_872, %swap3A_873] {strides = array<i32>} : memref<80x128xf32, #tpu.memory_space<vmem>>, vector<16xf32>,
      tpu.vector_store %arg8[%swap3A_872, %swap3A_873], %max3A_869 {strides = array<i32>} : memref<80x128xf32, #tpu.memory_space<vmem>>, vector<16xf32>,
      %add3A_875 = arith.constant 1 : i32
      %add3A_876 = arith.addi %add3A_629, %add3A_875 : i32
      %get3A_877 = arith.index_cast %add3A_876 : i32 to index
      %get3A_878 = arith.constant 80 : index
      %get3A_879 = tpu.vector_load %arg8[%get3A_877, %get3A_878] {strides = array<i32>} : memref<80x128xf32, #tpu.memory_space<vmem>>, vector<16xf32>,
      %add3A_880 = arith.constant 1 : i32
      %add3A_881 = arith.addi %add3A_629, %add3A_880 : i32
      %get3A_882 = arith.index_cast %add3A_881 : i32 to index
      %get3A_883 = arith.constant 80 : index
      %get3A_884 = tpu.vector_load %arg10[%get3A_882, %get3A_883] {strides = array<i32>} : memref<80x128xf32, #tpu.memory_space<vmem>>, vector<16xf32>,
      %add3A_885 = arith.addf %get3A_879, %get3A_884 : vector<16xf32>
      %max3A_886 = arith.constant 0.000000e+00 : f32
      %max3A_887 = vector.broadcast %max3A_886 : f32 to vector<16xf32>
      %max3A_888 = arith.maximumf %add3A_885, %max3A_887 : vector<16xf32>
      %add3A_889 = arith.constant 1 : i32
      %add3A_890 = arith.addi %add3A_629, %add3A_889 : i32
      %swap3A_891 = arith.index_cast %add3A_890 : i32 to index
      %swap3A_892 = arith.constant 80 : index
      %swap3A_893 = tpu.vector_load %arg8[%swap3A_891, %swap3A_892] {strides = array<i32>} : memref<80x128xf32, #tpu.memory_space<vmem>>, vector<16xf32>,
      tpu.vector_store %arg8[%swap3A_891, %swap3A_892], %max3A_888 {strides = array<i32>} : memref<80x128xf32, #tpu.memory_space<vmem>>, vector<16xf32>,
      %add3A_894 = arith.constant 1 : i32
      %add3A_895 = arith.addi %add3A_629, %add3A_894 : i32
      %get3A_896 = arith.index_cast %add3A_895 : i32 to index
      %get3A_897 = arith.constant 96 : index
      %get3A_898 = tpu.vector_load %arg8[%get3A_896, %get3A_897] {strides = array<i32>} : memref<80x128xf32, #tpu.memory_space<vmem>>, vector<16xf32>,
      %add3A_899 = arith.constant 1 : i32
      %add3A_900 = arith.addi %add3A_629, %add3A_899 : i32
      %get3A_901 = arith.index_cast %add3A_900 : i32 to index
      %get3A_902 = arith.constant 96 : index
      %get3A_903 = tpu.vector_load %arg10[%get3A_901, %get3A_902] {strides = array<i32>} : memref<80x128xf32, #tpu.memory_space<vmem>>, vector<16xf32>,
      %add3A_904 = arith.addf %get3A_898, %get3A_903 : vector<16xf32>
      %max3A_905 = arith.constant 0.000000e+00 : f32
      %max3A_906 = vector.broadcast %max3A_905 : f32 to vector<16xf32>
      %max3A_907 = arith.maximumf %add3A_904, %max3A_906 : vector<16xf32>
      %add3A_908 = arith.constant 1 : i32
      %add3A_909 = arith.addi %add3A_629, %add3A_908 : i32
      %swap3A_910 = arith.index_cast %add3A_909 : i32 to index
      %swap3A_911 = arith.constant 96 : index
      %swap3A_912 = tpu.vector_load %arg8[%swap3A_910, %swap3A_911] {strides = array<i32>} : memref<80x128xf32, #tpu.memory_space<vmem>>, vector<16xf32>,
      tpu.vector_store %arg8[%swap3A_910, %swap3A_911], %max3A_907 {strides = array<i32>} : memref<80x128xf32, #tpu.memory_space<vmem>>, vector<16xf32>,
      %add3A_913 = arith.constant 1 : i32
      %add3A_914 = arith.addi %add3A_629, %add3A_913 : i32
      %get3A_915 = arith.index_cast %add3A_914 : i32 to index
      %get3A_916 = arith.constant 112 : index
      %get3A_917 = tpu.vector_load %arg8[%get3A_915, %get3A_916] {strides = array<i32>} : memref<80x128xf32, #tpu.memory_space<vmem>>, vector<16xf32>,
      %add3A_918 = arith.constant 1 : i32
      %add3A_919 = arith.addi %add3A_629, %add3A_918 : i32
      %get3A_920 = arith.index_cast %add3A_919 : i32 to index
      %get3A_921 = arith.constant 112 : index
      %get3A_922 = tpu.vector_load %arg10[%get3A_920, %get3A_921] {strides = array<i32>} : memref<80x128xf32, #tpu.memory_space<vmem>>, vector<16xf32>,
      %add3A_923 = arith.addf %get3A_917, %get3A_922 : vector<16xf32>
      %max3A_924 = arith.constant 0.000000e+00 : f32
      %max3A_925 = vector.broadcast %max3A_924 : f32 to vector<16xf32>
      %max3A_926 = arith.maximumf %add3A_923, %max3A_925 : vector<16xf32>
      %add3A_927 = arith.constant 1 : i32
      %add3A_928 = arith.addi %add3A_629, %add3A_927 : i32
      %swap3A_929 = arith.index_cast %add3A_928 : i32 to index
      %swap3A_930 = arith.constant 112 : index
      %swap3A_931 = tpu.vector_load %arg8[%swap3A_929, %swap3A_930] {strides = array<i32>} : memref<80x128xf32, #tpu.memory_space<vmem>>, vector<16xf32>,
      tpu.vector_store %arg8[%swap3A_929, %swap3A_930], %max3A_926 {strides = array<i32>} : memref<80x128xf32, #tpu.memory_space<vmem>>, vector<16xf32>,
    }
    %scan3A_395 = arith.constant 40 : i32
    %add3A_396 = arith.constant 9840 : i32
    %add3A_397 = arith.addi %mul3A_7, %add3A_396 : i32
    %dma_start3A_398 = arith.constant 0 : i32
    %dma_start3A_399 = tpu.memref_slice %arg3[%add3A_397, %dma_start3A_398] : memref<320000x128xf32, #tpu.memory_space<hbm>> -> memref<80x128xf32, #tpu.memory_space<hbm>>
    %dma_start3A_400 = arith.constant 0 : i32
    %dma_start3A_401 = tpu.memref_slice %arg3[%add3A_397, %dma_start3A_400] : memref<320000x128xf32, #tpu.memory_space<hbm>> -> memref<80x128xf32, #tpu.memory_space<hbm>>
    tpu.enqueue_dma source(%dma_start3A_401 : memref<80x128xf32, #tpu.memory_space<hbm>>) target(%arg10 : memref<80x128xf32, #tpu.memory_space<vmem>>) target_semaphore(%arg20 : memref<!tpu.dma_semaphore, #tpu.memory_space<semaphore_mem>>)
    %get3A_402 = arith.constant 2 : i32
    %get3A_403 = arith.constant 0 : i32
    %get3A_404 = arith.index_cast %get3A_402 : i32 to index
    %get3A_405 = arith.index_cast %get3A_403 : i32 to index
    %get3A_406 = arith.constant 0 : index
    %get3A_407 = tpu.vector_load %arg7[%get3A_404, %get3A_405, %get3A_406] {strides = array<i32>} : memref<4x2x80xi32, #tpu.memory_space<vmem>>, vector<16xi32>,
    tpu.vector_store_idx %arg12[%get3A_407], %broadcast_in_dim3A_2 {add = true} : memref<10240xf32, #tpu.memory_space<vmem>>[vector<16xi32>], vector<16xf32>,
    %get3A_408 = arith.constant 2 : i32
    %get3A_409 = arith.constant 0 : i32
    %get3A_410 = arith.index_cast %get3A_408 : i32 to index
    %get3A_411 = arith.index_cast %get3A_409 : i32 to index
    %get3A_412 = arith.constant 16 : index
    %get3A_413 = tpu.vector_load %arg7[%get3A_410, %get3A_411, %get3A_412] {strides = array<i32>} : memref<4x2x80xi32, #tpu.memory_space<vmem>>, vector<16xi32>,
    tpu.vector_store_idx %arg12[%get3A_413], %broadcast_in_dim3A_2 {add = true} : memref<10240xf32, #tpu.memory_space<vmem>>[vector<16xi32>], vector<16xf32>,
    %get3A_414 = arith.constant 2 : i32
    %get3A_415 = arith.constant 0 : i32
    %get3A_416 = arith.index_cast %get3A_414 : i32 to index
    %get3A_417 = arith.index_cast %get3A_415 : i32 to index
    %get3A_418 = arith.constant 32 : index
    %get3A_419 = tpu.vector_load %arg7[%get3A_416, %get3A_417, %get3A_418] {strides = array<i32>} : memref<4x2x80xi32, #tpu.memory_space<vmem>>, vector<16xi32>,
    tpu.vector_store_idx %arg12[%get3A_419], %broadcast_in_dim3A_2 {add = true} : memref<10240xf32, #tpu.memory_space<vmem>>[vector<16xi32>], vector<16xf32>,
    %get3A_420 = arith.constant 2 : i32
    %get3A_421 = arith.constant 0 : i32
    %get3A_422 = arith.index_cast %get3A_420 : i32 to index
    %get3A_423 = arith.index_cast %get3A_421 : i32 to index
    %get3A_424 = arith.constant 48 : index
    %get3A_425 = tpu.vector_load %arg7[%get3A_422, %get3A_423, %get3A_424] {strides = array<i32>} : memref<4x2x80xi32, #tpu.memory_space<vmem>>, vector<16xi32>,
    tpu.vector_store_idx %arg12[%get3A_425], %broadcast_in_dim3A_2 {add = true} : memref<10240xf32, #tpu.memory_space<vmem>>[vector<16xi32>], vector<16xf32>,
    %get3A_426 = arith.constant 2 : i32
    %get3A_427 = arith.constant 0 : i32
    %get3A_428 = arith.index_cast %get3A_426 : i32 to index
    %get3A_429 = arith.index_cast %get3A_427 : i32 to index
    %get3A_430 = arith.constant 64 : index
    %get3A_431 = tpu.vector_load %arg7[%get3A_428, %get3A_429, %get3A_430] {strides = array<i32>} : memref<4x2x80xi32, #tpu.memory_space<vmem>>, vector<16xi32>,
    tpu.vector_store_idx %arg12[%get3A_431], %broadcast_in_dim3A_2 {add = true} : memref<10240xf32, #tpu.memory_space<vmem>>[vector<16xi32>], vector<16xf32>,
    %dma_start3A_432 = arith.constant 2 : i32
    %dma_start3A_433 = arith.constant 0 : i32
    %dma_start3A_434 = arith.constant 0 : i32
    %dma_start3A_435 = tpu.memref_slice %arg7[%dma_start3A_432, %dma_start3A_433, %dma_start3A_434] : memref<4x2x80xi32, #tpu.memory_space<vmem>> -> memref<1x1x80xi32, #tpu.memory_space<vmem>>
    %dma_start3A_436 = tpu.memref_squeeze %dma_start3A_435 : memref<1x1x80xi32, #tpu.memory_space<vmem>> -> memref<80xi32, #tpu.memory_space<vmem>>
    %dma_start3A_437 = arith.constant 0 : i32
    %dma_start3A_438 = arith.constant 0 : i32
    %dma_start3A_439 = tpu.memref_slice %arg13[%dma_start3A_437, %dma_start3A_438] : memref<10240x128xf32, #tpu.memory_space<vmem_shared>> -> memref<10240x128xf32, #tpu.memory_space<vmem_shared>>
    tpu.enqueue_indirect_dma source(%arg8 : memref<80x128xf32, #tpu.memory_space<vmem>>) target(%dma_start3A_439 : memref<10240x128xf32, #tpu.memory_space<vmem_shared>>) offsets(%dma_start3A_436 : memref<80xi32, #tpu.memory_space<vmem>>) semaphore(%arg21 : memref<!tpu.dma_semaphore, #tpu.memory_space<semaphore_mem>>) {add = true}
    %dma_start3A_440 = arith.constant 124 : i32
    %dma_start3A_441 = arith.constant 0 : i32
    %dma_start3A_442 = arith.constant 0 : i32
    %dma_start3A_443 = arith.constant 0 : i32
    %dma_start3A_444 = tpu.memref_slice %arg7[%dma_start3A_441, %dma_start3A_442, %dma_start3A_443] : memref<4x2x80xi32, #tpu.memory_space<vmem>> -> memref<1x2x80xi32, #tpu.memory_space<vmem>>
    %dma_start3A_445 = tpu.memref_squeeze %dma_start3A_444 : memref<1x2x80xi32, #tpu.memory_space<vmem>> -> memref<2x80xi32, #tpu.memory_space<vmem>>
    %dma_start3A_446 = arith.constant 0 : i32
    %dma_start3A_447 = arith.constant 0 : i32
    %dma_start3A_448 = tpu.memref_slice %arg4[%add3A, %dma_start3A_440, %dma_start3A_446, %dma_start3A_447] : memref<32x125x2x80xi32, #tpu.memory_space<hbm>> -> memref<1x1x2x80xi32, #tpu.memory_space<hbm>>
    %dma_start3A_449 = tpu.memref_squeeze %dma_start3A_448 : memref<1x1x2x80xi32, #tpu.memory_space<hbm>> -> memref<2x80xi32, #tpu.memory_space<hbm>>
    %dma_start3A_450 = arith.constant 0 : i32
    %dma_start3A_451 = arith.constant 0 : i32
    %dma_start3A_452 = tpu.memref_slice %arg7[%dma_start3A_441, %dma_start3A_450, %dma_start3A_451] : memref<4x2x80xi32, #tpu.memory_space<vmem>> -> memref<1x2x80xi32, #tpu.memory_space<vmem>>
    %dma_start3A_453 = tpu.memref_squeeze %dma_start3A_452 : memref<1x2x80xi32, #tpu.memory_space<vmem>> -> memref<2x80xi32, #tpu.memory_space<vmem>>
    %dma_start3A_454 = arith.constant 0 : i32
    %dma_start3A_455 = arith.constant 0 : i32
    %dma_start3A_456 = tpu.memref_slice %arg4[%add3A, %dma_start3A_440, %dma_start3A_454, %dma_start3A_455] : memref<32x125x2x80xi32, #tpu.memory_space<hbm>> -> memref<1x1x2x80xi32, #tpu.memory_space<hbm>>
    %dma_start3A_457 = tpu.memref_squeeze %dma_start3A_456 : memref<1x1x2x80xi32, #tpu.memory_space<hbm>> -> memref<2x80xi32, #tpu.memory_space<hbm>>
    tpu.enqueue_dma source(%dma_start3A_457 : memref<2x80xi32, #tpu.memory_space<hbm>>) target(%dma_start3A_453 : memref<2x80xi32, #tpu.memory_space<vmem>>) target_semaphore(%arg14 : memref<!tpu.dma_semaphore, #tpu.memory_space<semaphore_mem>>)
    %dma_wait3A_458 = arith.constant 0 : i32
    %dma_wait3A_459 = arith.constant 0 : i32
    %dma_wait3A_460 = arith.constant 0 : i32
    %dma_wait3A_461 = arith.constant 0 : i32
    %dma_wait3A_462 = tpu.memref_slice %arg7[%dma_wait3A_459, %dma_wait3A_460, %dma_wait3A_461] : memref<4x2x80xi32, #tpu.memory_space<vmem>> -> memref<1x2x80xi32, #tpu.memory_space<vmem>>
    %dma_wait3A_463 = tpu.memref_squeeze %dma_wait3A_462 : memref<1x2x80xi32, #tpu.memory_space<vmem>> -> memref<2x80xi32, #tpu.memory_space<vmem>>
    %dma_wait3A_464 = arith.constant 0 : i32
    %dma_wait3A_465 = arith.constant 0 : i32
    %dma_wait3A_466 = tpu.memref_slice %arg4[%add3A, %dma_wait3A_458, %dma_wait3A_464, %dma_wait3A_465] : memref<32x125x2x80xi32, #tpu.memory_space<hbm>> -> memref<1x1x2x80xi32, #tpu.memory_space<hbm>>
    %dma_wait3A_467 = tpu.memref_squeeze %dma_wait3A_466 : memref<1x1x2x80xi32, #tpu.memory_space<hbm>> -> memref<2x80xi32, #tpu.memory_space<hbm>>
    %dma_wait3A_468 = arith.constant 0 : i32
    %dma_wait3A_469 = arith.constant 0 : i32
    %dma_wait3A_470 = tpu.memref_slice %arg7[%dma_wait3A_459, %dma_wait3A_468, %dma_wait3A_469] : memref<4x2x80xi32, #tpu.memory_space<vmem>> -> memref<1x2x80xi32, #tpu.memory_space<vmem>>
    %dma_wait3A_471 = tpu.memref_squeeze %dma_wait3A_470 : memref<1x2x80xi32, #tpu.memory_space<vmem>> -> memref<2x80xi32, #tpu.memory_space<vmem>>
    %dma_wait3A_472 = arith.constant 0 : i32
    %dma_wait3A_473 = arith.constant 0 : i32
    %dma_wait3A_474 = tpu.memref_slice %arg4[%add3A, %dma_wait3A_458, %dma_wait3A_472, %dma_wait3A_473] : memref<32x125x2x80xi32, #tpu.memory_space<hbm>> -> memref<1x1x2x80xi32, #tpu.memory_space<hbm>>
    %dma_wait3A_475 = tpu.memref_squeeze %dma_wait3A_474 : memref<1x1x2x80xi32, #tpu.memory_space<hbm>> -> memref<2x80xi32, #tpu.memory_space<hbm>>
    tpu.wait_dma2 semaphore(%arg14 : memref<!tpu.dma_semaphore, #tpu.memory_space<semaphore_mem>>) src(%dma_wait3A_475 : memref<2x80xi32, #tpu.memory_space<hbm>>) dst(%dma_wait3A_471 : memref<2x80xi32, #tpu.memory_space<vmem>>)
    %dma_wait3A_476 = arith.constant 3 : i32
    %dma_wait3A_477 = arith.constant 1 : i32
    %dma_wait3A_478 = arith.constant 0 : i32
    %dma_wait3A_479 = tpu.memref_slice %arg7[%dma_wait3A_476, %dma_wait3A_477, %dma_wait3A_478] : memref<4x2x80xi32, #tpu.memory_space<vmem>> -> memref<1x1x80xi32, #tpu.memory_space<vmem>>
    %dma_wait3A_480 = tpu.memref_squeeze %dma_wait3A_479 : memref<1x1x80xi32, #tpu.memory_space<vmem>> -> memref<80xi32, #tpu.memory_space<vmem>>
    %dma_wait3A_481 = arith.constant 0 : i32
    %dma_wait3A_482 = arith.constant 0 : i32
    %dma_wait3A_483 = tpu.memref_slice %arg2[%dma_wait3A_481, %dma_wait3A_482] : memref<10000x128xf32, #tpu.memory_space<hbm>> -> memref<10000x128xf32, #tpu.memory_space<hbm>>
    tpu.wait_indirect_dma semaphore(%arg19 : memref<!tpu.dma_semaphore, #tpu.memory_space<semaphore_mem>>) src(%dma_wait3A_483 : memref<10000x128xf32, #tpu.memory_space<hbm>>) dst(%arg9 : memref<80x128xf32, #tpu.memory_space<vmem>>)
    %dma_wait3A_484 = arith.constant 0 : i32
    %dma_wait3A_485 = tpu.memref_slice %arg3[%mul3A_7, %dma_wait3A_484] : memref<320000x128xf32, #tpu.memory_space<hbm>> -> memref<80x128xf32, #tpu.memory_space<hbm>>
    %dma_wait3A_486 = arith.constant 0 : i32
    %dma_wait3A_487 = tpu.memref_slice %arg3[%mul3A_7, %dma_wait3A_486] : memref<320000x128xf32, #tpu.memory_space<hbm>> -> memref<80x128xf32, #tpu.memory_space<hbm>>
    tpu.wait_dma2 semaphore(%arg20 : memref<!tpu.dma_semaphore, #tpu.memory_space<semaphore_mem>>) src(%dma_wait3A_487 : memref<80x128xf32, #tpu.memory_space<hbm>>) dst(%arg10 : memref<80x128xf32, #tpu.memory_space<vmem>>)
    %dma_wait3A_488 = arith.constant 2 : i32
    %dma_wait3A_489 = arith.constant 0 : i32
    %dma_wait3A_490 = arith.constant 0 : i32
    %dma_wait3A_491 = tpu.memref_slice %arg7[%dma_wait3A_488, %dma_wait3A_489, %dma_wait3A_490] : memref<4x2x80xi32, #tpu.memory_space<vmem>> -> memref<1x1x80xi32, #tpu.memory_space<vmem>>
    %dma_wait3A_492 = tpu.memref_squeeze %dma_wait3A_491 : memref<1x1x80xi32, #tpu.memory_space<vmem>> -> memref<80xi32, #tpu.memory_space<vmem>>
    %dma_wait3A_493 = arith.constant 0 : i32
    %dma_wait3A_494 = arith.constant 0 : i32
    %dma_wait3A_495 = tpu.memref_slice %arg13[%dma_wait3A_493, %dma_wait3A_494] : memref<10240x128xf32, #tpu.memory_space<vmem_shared>> -> memref<10240x128xf32, #tpu.memory_space<vmem_shared>>
    tpu.wait_indirect_dma semaphore(%arg21 : memref<!tpu.dma_semaphore, #tpu.memory_space<semaphore_mem>>) src(%arg8 : memref<80x128xf32, #tpu.memory_space<vmem>>) dst(%dma_wait3A_495 : memref<10240x128xf32, #tpu.memory_space<vmem_shared>>)
    %dma_start3A_496 = arith.constant 0 : i32
    %dma_start3A_497 = arith.constant 1 : i32
    %dma_start3A_498 = arith.constant 0 : i32
    %dma_start3A_499 = tpu.memref_slice %arg7[%dma_start3A_496, %dma_start3A_497, %dma_start3A_498] : memref<4x2x80xi32, #tpu.memory_space<vmem>> -> memref<1x1x80xi32, #tpu.memory_space<vmem>>
    %dma_start3A_500 = tpu.memref_squeeze %dma_start3A_499 : memref<1x1x80xi32, #tpu.memory_space<vmem>> -> memref<80xi32, #tpu.memory_space<vmem>>
    %dma_start3A_501 = arith.constant 0 : i32
    %dma_start3A_502 = arith.constant 0 : i32
    %dma_start3A_503 = tpu.memref_slice %arg2[%dma_start3A_501, %dma_start3A_502] : memref<10000x128xf32, #tpu.memory_space<hbm>> -> memref<10000x128xf32, #tpu.memory_space<hbm>>
    tpu.enqueue_indirect_dma source(%dma_start3A_503 : memref<10000x128xf32, #tpu.memory_space<hbm>>) target(%arg8 : memref<80x128xf32, #tpu.memory_space<vmem>>) offsets(%dma_start3A_500 : memref<80xi32, #tpu.memory_space<vmem>>) semaphore(%arg18 : memref<!tpu.dma_semaphore, #tpu.memory_space<semaphore_mem>>)
    %scan3A_504 = arith.constant 0 : i32
    %scan3A_505 = arith.constant 40 : i32
    %scan3A_506 = arith.addi %scan3A_504, %scan3A_505 : i32
    %scan3A_507 = arith.constant 1 : i32
    scf.for %scan3A_625 = %scan3A_504 to %scan3A_506 step %scan3A_507  : i32 {
      %mul3A_626 = arith.constant 2 : i32
      %mul3A_627 = arith.muli %scan3A_625, %mul3A_626 : i32
      %add3A_628 = arith.constant 0 : i32
      %add3A_629 = arith.addi %add3A_628, %mul3A_627 : i32
      %add3A_630 = arith.constant 0 : i32
      %add3A_631 = arith.addi %add3A_629, %add3A_630 : i32
      %get3A_632 = arith.index_cast %add3A_631 : i32 to index
      %get3A_633 = arith.constant 0 : index
      %get3A_634 = tpu.vector_load %arg9[%get3A_632, %get3A_633] {strides = array<i32>} : memref<80x128xf32, #tpu.memory_space<vmem>>, vector<16xf32>,
      %add3A_635 = arith.constant 0 : i32
      %add3A_636 = arith.addi %add3A_629, %add3A_635 : i32
      %get3A_637 = arith.index_cast %add3A_636 : i32 to index
      %get3A_638 = arith.constant 0 : index
      %get3A_639 = tpu.vector_load %arg10[%get3A_637, %get3A_638] {strides = array<i32>} : memref<80x128xf32, #tpu.memory_space<vmem>>, vector<16xf32>,
      %add3A_640 = arith.addf %get3A_634, %get3A_639 : vector<16xf32>
      %max3A = arith.constant 0.000000e+00 : f32
      %max3A_641 = vector.broadcast %max3A : f32 to vector<16xf32>
      %max3A_642 = arith.maximumf %add3A_640, %max3A_641 : vector<16xf32>
      %add3A_643 = arith.constant 0 : i32
      %add3A_644 = arith.addi %add3A_629, %add3A_643 : i32
      %swap3A = arith.index_cast %add3A_644 : i32 to index
      %swap3A_645 = arith.constant 0 : index
      %swap3A_646 = tpu.vector_load %arg9[%swap3A, %swap3A_645] {strides = array<i32>} : memref<80x128xf32, #tpu.memory_space<vmem>>, vector<16xf32>,
      tpu.vector_store %arg9[%swap3A, %swap3A_645], %max3A_642 {strides = array<i32>} : memref<80x128xf32, #tpu.memory_space<vmem>>, vector<16xf32>,
      %add3A_647 = arith.constant 0 : i32
      %add3A_648 = arith.addi %add3A_629, %add3A_647 : i32
      %get3A_649 = arith.index_cast %add3A_648 : i32 to index
      %get3A_650 = arith.constant 16 : index
      %get3A_651 = tpu.vector_load %arg9[%get3A_649, %get3A_650] {strides = array<i32>} : memref<80x128xf32, #tpu.memory_space<vmem>>, vector<16xf32>,
      %add3A_652 = arith.constant 0 : i32
      %add3A_653 = arith.addi %add3A_629, %add3A_652 : i32
      %get3A_654 = arith.index_cast %add3A_653 : i32 to index
      %get3A_655 = arith.constant 16 : index
      %get3A_656 = tpu.vector_load %arg10[%get3A_654, %get3A_655] {strides = array<i32>} : memref<80x128xf32, #tpu.memory_space<vmem>>, vector<16xf32>,
      %add3A_657 = arith.addf %get3A_651, %get3A_656 : vector<16xf32>
      %max3A_658 = arith.constant 0.000000e+00 : f32
      %max3A_659 = vector.broadcast %max3A_658 : f32 to vector<16xf32>
      %max3A_660 = arith.maximumf %add3A_657, %max3A_659 : vector<16xf32>
      %add3A_661 = arith.constant 0 : i32
      %add3A_662 = arith.addi %add3A_629, %add3A_661 : i32
      %swap3A_663 = arith.index_cast %add3A_662 : i32 to index
      %swap3A_664 = arith.constant 16 : index
      %swap3A_665 = tpu.vector_load %arg9[%swap3A_663, %swap3A_664] {strides = array<i32>} : memref<80x128xf32, #tpu.memory_space<vmem>>, vector<16xf32>,
      tpu.vector_store %arg9[%swap3A_663, %swap3A_664], %max3A_660 {strides = array<i32>} : memref<80x128xf32, #tpu.memory_space<vmem>>, vector<16xf32>,
      %add3A_666 = arith.constant 0 : i32
      %add3A_667 = arith.addi %add3A_629, %add3A_666 : i32
      %get3A_668 = arith.index_cast %add3A_667 : i32 to index
      %get3A_669 = arith.constant 32 : index
      %get3A_670 = tpu.vector_load %arg9[%get3A_668, %get3A_669] {strides = array<i32>} : memref<80x128xf32, #tpu.memory_space<vmem>>, vector<16xf32>,
      %add3A_671 = arith.constant 0 : i32
      %add3A_672 = arith.addi %add3A_629, %add3A_671 : i32
      %get3A_673 = arith.index_cast %add3A_672 : i32 to index
      %get3A_674 = arith.constant 32 : index
      %get3A_675 = tpu.vector_load %arg10[%get3A_673, %get3A_674] {strides = array<i32>} : memref<80x128xf32, #tpu.memory_space<vmem>>, vector<16xf32>,
      %add3A_676 = arith.addf %get3A_670, %get3A_675 : vector<16xf32>
      %max3A_677 = arith.constant 0.000000e+00 : f32
      %max3A_678 = vector.broadcast %max3A_677 : f32 to vector<16xf32>
      %max3A_679 = arith.maximumf %add3A_676, %max3A_678 : vector<16xf32>
      %add3A_680 = arith.constant 0 : i32
      %add3A_681 = arith.addi %add3A_629, %add3A_680 : i32
      %swap3A_682 = arith.index_cast %add3A_681 : i32 to index
      %swap3A_683 = arith.constant 32 : index
      %swap3A_684 = tpu.vector_load %arg9[%swap3A_682, %swap3A_683] {strides = array<i32>} : memref<80x128xf32, #tpu.memory_space<vmem>>, vector<16xf32>,
      tpu.vector_store %arg9[%swap3A_682, %swap3A_683], %max3A_679 {strides = array<i32>} : memref<80x128xf32, #tpu.memory_space<vmem>>, vector<16xf32>,
      %add3A_685 = arith.constant 0 : i32
      %add3A_686 = arith.addi %add3A_629, %add3A_685 : i32
      %get3A_687 = arith.index_cast %add3A_686 : i32 to index
      %get3A_688 = arith.constant 48 : index
      %get3A_689 = tpu.vector_load %arg9[%get3A_687, %get3A_688] {strides = array<i32>} : memref<80x128xf32, #tpu.memory_space<vmem>>, vector<16xf32>,
      %add3A_690 = arith.constant 0 : i32
      %add3A_691 = arith.addi %add3A_629, %add3A_690 : i32
      %get3A_692 = arith.index_cast %add3A_691 : i32 to index
      %get3A_693 = arith.constant 48 : index
      %get3A_694 = tpu.vector_load %arg10[%get3A_692, %get3A_693] {strides = array<i32>} : memref<80x128xf32, #tpu.memory_space<vmem>>, vector<16xf32>,
      %add3A_695 = arith.addf %get3A_689, %get3A_694 : vector<16xf32>
      %max3A_696 = arith.constant 0.000000e+00 : f32
      %max3A_697 = vector.broadcast %max3A_696 : f32 to vector<16xf32>
      %max3A_698 = arith.maximumf %add3A_695, %max3A_697 : vector<16xf32>
      %add3A_699 = arith.constant 0 : i32
      %add3A_700 = arith.addi %add3A_629, %add3A_699 : i32
      %swap3A_701 = arith.index_cast %add3A_700 : i32 to index
      %swap3A_702 = arith.constant 48 : index
      %swap3A_703 = tpu.vector_load %arg9[%swap3A_701, %swap3A_702] {strides = array<i32>} : memref<80x128xf32, #tpu.memory_space<vmem>>, vector<16xf32>,
      tpu.vector_store %arg9[%swap3A_701, %swap3A_702], %max3A_698 {strides = array<i32>} : memref<80x128xf32, #tpu.memory_space<vmem>>, vector<16xf32>,
      %add3A_704 = arith.constant 0 : i32
      %add3A_705 = arith.addi %add3A_629, %add3A_704 : i32
      %get3A_706 = arith.index_cast %add3A_705 : i32 to index
      %get3A_707 = arith.constant 64 : index
      %get3A_708 = tpu.vector_load %arg9[%get3A_706, %get3A_707] {strides = array<i32>} : memref<80x128xf32, #tpu.memory_space<vmem>>, vector<16xf32>,
      %add3A_709 = arith.constant 0 : i32
      %add3A_710 = arith.addi %add3A_629, %add3A_709 : i32
      %get3A_711 = arith.index_cast %add3A_710 : i32 to index
      %get3A_712 = arith.constant 64 : index
      %get3A_713 = tpu.vector_load %arg10[%get3A_711, %get3A_712] {strides = array<i32>} : memref<80x128xf32, #tpu.memory_space<vmem>>, vector<16xf32>,
      %add3A_714 = arith.addf %get3A_708, %get3A_713 : vector<16xf32>
      %max3A_715 = arith.constant 0.000000e+00 : f32
      %max3A_716 = vector.broadcast %max3A_715 : f32 to vector<16xf32>
      %max3A_717 = arith.maximumf %add3A_714, %max3A_716 : vector<16xf32>
      %add3A_718 = arith.constant 0 : i32
      %add3A_719 = arith.addi %add3A_629, %add3A_718 : i32
      %swap3A_720 = arith.index_cast %add3A_719 : i32 to index
      %swap3A_721 = arith.constant 64 : index
      %swap3A_722 = tpu.vector_load %arg9[%swap3A_720, %swap3A_721] {strides = array<i32>} : memref<80x128xf32, #tpu.memory_space<vmem>>, vector<16xf32>,
      tpu.vector_store %arg9[%swap3A_720, %swap3A_721], %max3A_717 {strides = array<i32>} : memref<80x128xf32, #tpu.memory_space<vmem>>, vector<16xf32>,
      %add3A_723 = arith.constant 0 : i32
      %add3A_724 = arith.addi %add3A_629, %add3A_723 : i32
      %get3A_725 = arith.index_cast %add3A_724 : i32 to index
      %get3A_726 = arith.constant 80 : index
      %get3A_727 = tpu.vector_load %arg9[%get3A_725, %get3A_726] {strides = array<i32>} : memref<80x128xf32, #tpu.memory_space<vmem>>, vector<16xf32>,
      %add3A_728 = arith.constant 0 : i32
      %add3A_729 = arith.addi %add3A_629, %add3A_728 : i32
      %get3A_730 = arith.index_cast %add3A_729 : i32 to index
      %get3A_731 = arith.constant 80 : index
      %get3A_732 = tpu.vector_load %arg10[%get3A_730, %get3A_731] {strides = array<i32>} : memref<80x128xf32, #tpu.memory_space<vmem>>, vector<16xf32>,
      %add3A_733 = arith.addf %get3A_727, %get3A_732 : vector<16xf32>
      %max3A_734 = arith.constant 0.000000e+00 : f32
      %max3A_735 = vector.broadcast %max3A_734 : f32 to vector<16xf32>
      %max3A_736 = arith.maximumf %add3A_733, %max3A_735 : vector<16xf32>
      %add3A_737 = arith.constant 0 : i32
      %add3A_738 = arith.addi %add3A_629, %add3A_737 : i32
      %swap3A_739 = arith.index_cast %add3A_738 : i32 to index
      %swap3A_740 = arith.constant 80 : index
      %swap3A_741 = tpu.vector_load %arg9[%swap3A_739, %swap3A_740] {strides = array<i32>} : memref<80x128xf32, #tpu.memory_space<vmem>>, vector<16xf32>,
      tpu.vector_store %arg9[%swap3A_739, %swap3A_740], %max3A_736 {strides = array<i32>} : memref<80x128xf32, #tpu.memory_space<vmem>>, vector<16xf32>,
      %add3A_742 = arith.constant 0 : i32
      %add3A_743 = arith.addi %add3A_629, %add3A_742 : i32
      %get3A_744 = arith.index_cast %add3A_743 : i32 to index
      %get3A_745 = arith.constant 96 : index
      %get3A_746 = tpu.vector_load %arg9[%get3A_744, %get3A_745] {strides = array<i32>} : memref<80x128xf32, #tpu.memory_space<vmem>>, vector<16xf32>,
      %add3A_747 = arith.constant 0 : i32
      %add3A_748 = arith.addi %add3A_629, %add3A_747 : i32
      %get3A_749 = arith.index_cast %add3A_748 : i32 to index
      %get3A_750 = arith.constant 96 : index
      %get3A_751 = tpu.vector_load %arg10[%get3A_749, %get3A_750] {strides = array<i32>} : memref<80x128xf32, #tpu.memory_space<vmem>>, vector<16xf32>,
      %add3A_752 = arith.addf %get3A_746, %get3A_751 : vector<16xf32>
      %max3A_753 = arith.constant 0.000000e+00 : f32
      %max3A_754 = vector.broadcast %max3A_753 : f32 to vector<16xf32>
      %max3A_755 = arith.maximumf %add3A_752, %max3A_754 : vector<16xf32>
      %add3A_756 = arith.constant 0 : i32
      %add3A_757 = arith.addi %add3A_629, %add3A_756 : i32
      %swap3A_758 = arith.index_cast %add3A_757 : i32 to index
      %swap3A_759 = arith.constant 96 : index
      %swap3A_760 = tpu.vector_load %arg9[%swap3A_758, %swap3A_759] {strides = array<i32>} : memref<80x128xf32, #tpu.memory_space<vmem>>, vector<16xf32>,
      tpu.vector_store %arg9[%swap3A_758, %swap3A_759], %max3A_755 {strides = array<i32>} : memref<80x128xf32, #tpu.memory_space<vmem>>, vector<16xf32>,
      %add3A_761 = arith.constant 0 : i32
      %add3A_762 = arith.addi %add3A_629, %add3A_761 : i32
      %get3A_763 = arith.index_cast %add3A_762 : i32 to index
      %get3A_764 = arith.constant 112 : index
      %get3A_765 = tpu.vector_load %arg9[%get3A_763, %get3A_764] {strides = array<i32>} : memref<80x128xf32, #tpu.memory_space<vmem>>, vector<16xf32>,
      %add3A_766 = arith.constant 0 : i32
      %add3A_767 = arith.addi %add3A_629, %add3A_766 : i32
      %get3A_768 = arith.index_cast %add3A_767 : i32 to index
      %get3A_769 = arith.constant 112 : index
      %get3A_770 = tpu.vector_load %arg10[%get3A_768, %get3A_769] {strides = array<i32>} : memref<80x128xf32, #tpu.memory_space<vmem>>, vector<16xf32>,
      %add3A_771 = arith.addf %get3A_765, %get3A_770 : vector<16xf32>
      %max3A_772 = arith.constant 0.000000e+00 : f32
      %max3A_773 = vector.broadcast %max3A_772 : f32 to vector<16xf32>
      %max3A_774 = arith.maximumf %add3A_771, %max3A_773 : vector<16xf32>
      %add3A_775 = arith.constant 0 : i32
      %add3A_776 = arith.addi %add3A_629, %add3A_775 : i32
      %swap3A_777 = arith.index_cast %add3A_776 : i32 to index
      %swap3A_778 = arith.constant 112 : index
      %swap3A_779 = tpu.vector_load %arg9[%swap3A_777, %swap3A_778] {strides = array<i32>} : memref<80x128xf32, #tpu.memory_space<vmem>>, vector<16xf32>,
      tpu.vector_store %arg9[%swap3A_777, %swap3A_778], %max3A_774 {strides = array<i32>} : memref<80x128xf32, #tpu.memory_space<vmem>>, vector<16xf32>,
      %add3A_780 = arith.constant 1 : i32
      %add3A_781 = arith.addi %add3A_629, %add3A_780 : i32
      %get3A_782 = arith.index_cast %add3A_781 : i32 to index
      %get3A_783 = arith.constant 0 : index
      %get3A_784 = tpu.vector_load %arg9[%get3A_782, %get3A_783] {strides = array<i32>} : memref<80x128xf32, #tpu.memory_space<vmem>>, vector<16xf32>,
      %add3A_785 = arith.constant 1 : i32
      %add3A_786 = arith.addi %add3A_629, %add3A_785 : i32
      %get3A_787 = arith.index_cast %add3A_786 : i32 to index
      %get3A_788 = arith.constant 0 : index
      %get3A_789 = tpu.vector_load %arg10[%get3A_787, %get3A_788] {strides = array<i32>} : memref<80x128xf32, #tpu.memory_space<vmem>>, vector<16xf32>,
      %add3A_790 = arith.addf %get3A_784, %get3A_789 : vector<16xf32>
      %max3A_791 = arith.constant 0.000000e+00 : f32
      %max3A_792 = vector.broadcast %max3A_791 : f32 to vector<16xf32>
      %max3A_793 = arith.maximumf %add3A_790, %max3A_792 : vector<16xf32>
      %add3A_794 = arith.constant 1 : i32
      %add3A_795 = arith.addi %add3A_629, %add3A_794 : i32
      %swap3A_796 = arith.index_cast %add3A_795 : i32 to index
      %swap3A_797 = arith.constant 0 : index
      %swap3A_798 = tpu.vector_load %arg9[%swap3A_796, %swap3A_797] {strides = array<i32>} : memref<80x128xf32, #tpu.memory_space<vmem>>, vector<16xf32>,
      tpu.vector_store %arg9[%swap3A_796, %swap3A_797], %max3A_793 {strides = array<i32>} : memref<80x128xf32, #tpu.memory_space<vmem>>, vector<16xf32>,
      %add3A_799 = arith.constant 1 : i32
      %add3A_800 = arith.addi %add3A_629, %add3A_799 : i32
      %get3A_801 = arith.index_cast %add3A_800 : i32 to index
      %get3A_802 = arith.constant 16 : index
      %get3A_803 = tpu.vector_load %arg9[%get3A_801, %get3A_802] {strides = array<i32>} : memref<80x128xf32, #tpu.memory_space<vmem>>, vector<16xf32>,
      %add3A_804 = arith.constant 1 : i32
      %add3A_805 = arith.addi %add3A_629, %add3A_804 : i32
      %get3A_806 = arith.index_cast %add3A_805 : i32 to index
      %get3A_807 = arith.constant 16 : index
      %get3A_808 = tpu.vector_load %arg10[%get3A_806, %get3A_807] {strides = array<i32>} : memref<80x128xf32, #tpu.memory_space<vmem>>, vector<16xf32>,
      %add3A_809 = arith.addf %get3A_803, %get3A_808 : vector<16xf32>
      %max3A_810 = arith.constant 0.000000e+00 : f32
      %max3A_811 = vector.broadcast %max3A_810 : f32 to vector<16xf32>
      %max3A_812 = arith.maximumf %add3A_809, %max3A_811 : vector<16xf32>
      %add3A_813 = arith.constant 1 : i32
      %add3A_814 = arith.addi %add3A_629, %add3A_813 : i32
      %swap3A_815 = arith.index_cast %add3A_814 : i32 to index
      %swap3A_816 = arith.constant 16 : index
      %swap3A_817 = tpu.vector_load %arg9[%swap3A_815, %swap3A_816] {strides = array<i32>} : memref<80x128xf32, #tpu.memory_space<vmem>>, vector<16xf32>,
      tpu.vector_store %arg9[%swap3A_815, %swap3A_816], %max3A_812 {strides = array<i32>} : memref<80x128xf32, #tpu.memory_space<vmem>>, vector<16xf32>,
      %add3A_818 = arith.constant 1 : i32
      %add3A_819 = arith.addi %add3A_629, %add3A_818 : i32
      %get3A_820 = arith.index_cast %add3A_819 : i32 to index
      %get3A_821 = arith.constant 32 : index
      %get3A_822 = tpu.vector_load %arg9[%get3A_820, %get3A_821] {strides = array<i32>} : memref<80x128xf32, #tpu.memory_space<vmem>>, vector<16xf32>,
      %add3A_823 = arith.constant 1 : i32
      %add3A_824 = arith.addi %add3A_629, %add3A_823 : i32
      %get3A_825 = arith.index_cast %add3A_824 : i32 to index
      %get3A_826 = arith.constant 32 : index
      %get3A_827 = tpu.vector_load %arg10[%get3A_825, %get3A_826] {strides = array<i32>} : memref<80x128xf32, #tpu.memory_space<vmem>>, vector<16xf32>,
      %add3A_828 = arith.addf %get3A_822, %get3A_827 : vector<16xf32>
      %max3A_829 = arith.constant 0.000000e+00 : f32
      %max3A_830 = vector.broadcast %max3A_829 : f32 to vector<16xf32>
      %max3A_831 = arith.maximumf %add3A_828, %max3A_830 : vector<16xf32>
      %add3A_832 = arith.constant 1 : i32
      %add3A_833 = arith.addi %add3A_629, %add3A_832 : i32
      %swap3A_834 = arith.index_cast %add3A_833 : i32 to index
      %swap3A_835 = arith.constant 32 : index
      %swap3A_836 = tpu.vector_load %arg9[%swap3A_834, %swap3A_835] {strides = array<i32>} : memref<80x128xf32, #tpu.memory_space<vmem>>, vector<16xf32>,
      tpu.vector_store %arg9[%swap3A_834, %swap3A_835], %max3A_831 {strides = array<i32>} : memref<80x128xf32, #tpu.memory_space<vmem>>, vector<16xf32>,
      %add3A_837 = arith.constant 1 : i32
      %add3A_838 = arith.addi %add3A_629, %add3A_837 : i32
      %get3A_839 = arith.index_cast %add3A_838 : i32 to index
      %get3A_840 = arith.constant 48 : index
      %get3A_841 = tpu.vector_load %arg9[%get3A_839, %get3A_840] {strides = array<i32>} : memref<80x128xf32, #tpu.memory_space<vmem>>, vector<16xf32>,
      %add3A_842 = arith.constant 1 : i32
      %add3A_843 = arith.addi %add3A_629, %add3A_842 : i32
      %get3A_844 = arith.index_cast %add3A_843 : i32 to index
      %get3A_845 = arith.constant 48 : index
      %get3A_846 = tpu.vector_load %arg10[%get3A_844, %get3A_845] {strides = array<i32>} : memref<80x128xf32, #tpu.memory_space<vmem>>, vector<16xf32>,
      %add3A_847 = arith.addf %get3A_841, %get3A_846 : vector<16xf32>
      %max3A_848 = arith.constant 0.000000e+00 : f32
      %max3A_849 = vector.broadcast %max3A_848 : f32 to vector<16xf32>
      %max3A_850 = arith.maximumf %add3A_847, %max3A_849 : vector<16xf32>
      %add3A_851 = arith.constant 1 : i32
      %add3A_852 = arith.addi %add3A_629, %add3A_851 : i32
      %swap3A_853 = arith.index_cast %add3A_852 : i32 to index
      %swap3A_854 = arith.constant 48 : index
      %swap3A_855 = tpu.vector_load %arg9[%swap3A_853, %swap3A_854] {strides = array<i32>} : memref<80x128xf32, #tpu.memory_space<vmem>>, vector<16xf32>,
      tpu.vector_store %arg9[%swap3A_853, %swap3A_854], %max3A_850 {strides = array<i32>} : memref<80x128xf32, #tpu.memory_space<vmem>>, vector<16xf32>,
      %add3A_856 = arith.constant 1 : i32
      %add3A_857 = arith.addi %add3A_629, %add3A_856 : i32
      %get3A_858 = arith.index_cast %add3A_857 : i32 to index
      %get3A_859 = arith.constant 64 : index
      %get3A_860 = tpu.vector_load %arg9[%get3A_858, %get3A_859] {strides = array<i32>} : memref<80x128xf32, #tpu.memory_space<vmem>>, vector<16xf32>,
      %add3A_861 = arith.constant 1 : i32
      %add3A_862 = arith.addi %add3A_629, %add3A_861 : i32
      %get3A_863 = arith.index_cast %add3A_862 : i32 to index
      %get3A_864 = arith.constant 64 : index
      %get3A_865 = tpu.vector_load %arg10[%get3A_863, %get3A_864] {strides = array<i32>} : memref<80x128xf32, #tpu.memory_space<vmem>>, vector<16xf32>,
      %add3A_866 = arith.addf %get3A_860, %get3A_865 : vector<16xf32>
      %max3A_867 = arith.constant 0.000000e+00 : f32
      %max3A_868 = vector.broadcast %max3A_867 : f32 to vector<16xf32>
      %max3A_869 = arith.maximumf %add3A_866, %max3A_868 : vector<16xf32>
      %add3A_870 = arith.constant 1 : i32
      %add3A_871 = arith.addi %add3A_629, %add3A_870 : i32
      %swap3A_872 = arith.index_cast %add3A_871 : i32 to index
      %swap3A_873 = arith.constant 64 : index
      %swap3A_874 = tpu.vector_load %arg9[%swap3A_872, %swap3A_873] {strides = array<i32>} : memref<80x128xf32, #tpu.memory_space<vmem>>, vector<16xf32>,
      tpu.vector_store %arg9[%swap3A_872, %swap3A_873], %max3A_869 {strides = array<i32>} : memref<80x128xf32, #tpu.memory_space<vmem>>, vector<16xf32>,
      %add3A_875 = arith.constant 1 : i32
      %add3A_876 = arith.addi %add3A_629, %add3A_875 : i32
      %get3A_877 = arith.index_cast %add3A_876 : i32 to index
      %get3A_878 = arith.constant 80 : index
      %get3A_879 = tpu.vector_load %arg9[%get3A_877, %get3A_878] {strides = array<i32>} : memref<80x128xf32, #tpu.memory_space<vmem>>, vector<16xf32>,
      %add3A_880 = arith.constant 1 : i32
      %add3A_881 = arith.addi %add3A_629, %add3A_880 : i32
      %get3A_882 = arith.index_cast %add3A_881 : i32 to index
      %get3A_883 = arith.constant 80 : index
      %get3A_884 = tpu.vector_load %arg10[%get3A_882, %get3A_883] {strides = array<i32>} : memref<80x128xf32, #tpu.memory_space<vmem>>, vector<16xf32>,
      %add3A_885 = arith.addf %get3A_879, %get3A_884 : vector<16xf32>
      %max3A_886 = arith.constant 0.000000e+00 : f32
      %max3A_887 = vector.broadcast %max3A_886 : f32 to vector<16xf32>
      %max3A_888 = arith.maximumf %add3A_885, %max3A_887 : vector<16xf32>
      %add3A_889 = arith.constant 1 : i32
      %add3A_890 = arith.addi %add3A_629, %add3A_889 : i32
      %swap3A_891 = arith.index_cast %add3A_890 : i32 to index
      %swap3A_892 = arith.constant 80 : index
      %swap3A_893 = tpu.vector_load %arg9[%swap3A_891, %swap3A_892] {strides = array<i32>} : memref<80x128xf32, #tpu.memory_space<vmem>>, vector<16xf32>,
      tpu.vector_store %arg9[%swap3A_891, %swap3A_892], %max3A_888 {strides = array<i32>} : memref<80x128xf32, #tpu.memory_space<vmem>>, vector<16xf32>,
      %add3A_894 = arith.constant 1 : i32
      %add3A_895 = arith.addi %add3A_629, %add3A_894 : i32
      %get3A_896 = arith.index_cast %add3A_895 : i32 to index
      %get3A_897 = arith.constant 96 : index
      %get3A_898 = tpu.vector_load %arg9[%get3A_896, %get3A_897] {strides = array<i32>} : memref<80x128xf32, #tpu.memory_space<vmem>>, vector<16xf32>,
      %add3A_899 = arith.constant 1 : i32
      %add3A_900 = arith.addi %add3A_629, %add3A_899 : i32
      %get3A_901 = arith.index_cast %add3A_900 : i32 to index
      %get3A_902 = arith.constant 96 : index
      %get3A_903 = tpu.vector_load %arg10[%get3A_901, %get3A_902] {strides = array<i32>} : memref<80x128xf32, #tpu.memory_space<vmem>>, vector<16xf32>,
      %add3A_904 = arith.addf %get3A_898, %get3A_903 : vector<16xf32>
      %max3A_905 = arith.constant 0.000000e+00 : f32
      %max3A_906 = vector.broadcast %max3A_905 : f32 to vector<16xf32>
      %max3A_907 = arith.maximumf %add3A_904, %max3A_906 : vector<16xf32>
      %add3A_908 = arith.constant 1 : i32
      %add3A_909 = arith.addi %add3A_629, %add3A_908 : i32
      %swap3A_910 = arith.index_cast %add3A_909 : i32 to index
      %swap3A_911 = arith.constant 96 : index
      %swap3A_912 = tpu.vector_load %arg9[%swap3A_910, %swap3A_911] {strides = array<i32>} : memref<80x128xf32, #tpu.memory_space<vmem>>, vector<16xf32>,
      tpu.vector_store %arg9[%swap3A_910, %swap3A_911], %max3A_907 {strides = array<i32>} : memref<80x128xf32, #tpu.memory_space<vmem>>, vector<16xf32>,
      %add3A_913 = arith.constant 1 : i32
      %add3A_914 = arith.addi %add3A_629, %add3A_913 : i32
      %get3A_915 = arith.index_cast %add3A_914 : i32 to index
      %get3A_916 = arith.constant 112 : index
      %get3A_917 = tpu.vector_load %arg9[%get3A_915, %get3A_916] {strides = array<i32>} : memref<80x128xf32, #tpu.memory_space<vmem>>, vector<16xf32>,
      %add3A_918 = arith.constant 1 : i32
      %add3A_919 = arith.addi %add3A_629, %add3A_918 : i32
      %get3A_920 = arith.index_cast %add3A_919 : i32 to index
      %get3A_921 = arith.constant 112 : index
      %get3A_922 = tpu.vector_load %arg10[%get3A_920, %get3A_921] {strides = array<i32>} : memref<80x128xf32, #tpu.memory_space<vmem>>, vector<16xf32>,
      %add3A_923 = arith.addf %get3A_917, %get3A_922 : vector<16xf32>
      %max3A_924 = arith.constant 0.000000e+00 : f32
      %max3A_925 = vector.broadcast %max3A_924 : f32 to vector<16xf32>
      %max3A_926 = arith.maximumf %add3A_923, %max3A_925 : vector<16xf32>
      %add3A_927 = arith.constant 1 : i32
      %add3A_928 = arith.addi %add3A_629, %add3A_927 : i32
      %swap3A_929 = arith.index_cast %add3A_928 : i32 to index
      %swap3A_930 = arith.constant 112 : index
      %swap3A_931 = tpu.vector_load %arg9[%swap3A_929, %swap3A_930] {strides = array<i32>} : memref<80x128xf32, #tpu.memory_space<vmem>>, vector<16xf32>,
      tpu.vector_store %arg9[%swap3A_929, %swap3A_930], %max3A_926 {strides = array<i32>} : memref<80x128xf32, #tpu.memory_space<vmem>>, vector<16xf32>,
    }
    %scan3A_508 = arith.constant 40 : i32
    %add3A_509 = arith.constant 9920 : i32
    %add3A_510 = arith.addi %mul3A_7, %add3A_509 : i32
    %dma_start3A_511 = arith.constant 0 : i32
    %dma_start3A_512 = tpu.memref_slice %arg3[%add3A_510, %dma_start3A_511] : memref<320000x128xf32, #tpu.memory_space<hbm>> -> memref<80x128xf32, #tpu.memory_space<hbm>>
    %dma_start3A_513 = arith.constant 0 : i32
    %dma_start3A_514 = tpu.memref_slice %arg3[%add3A_510, %dma_start3A_513] : memref<320000x128xf32, #tpu.memory_space<hbm>> -> memref<80x128xf32, #tpu.memory_space<hbm>>
    tpu.enqueue_dma source(%dma_start3A_514 : memref<80x128xf32, #tpu.memory_space<hbm>>) target(%arg10 : memref<80x128xf32, #tpu.memory_space<vmem>>) target_semaphore(%arg20 : memref<!tpu.dma_semaphore, #tpu.memory_space<semaphore_mem>>)
    %get3A_515 = arith.constant 3 : i32
    %get3A_516 = arith.constant 0 : i32
    %get3A_517 = arith.index_cast %get3A_515 : i32 to index
    %get3A_518 = arith.index_cast %get3A_516 : i32 to index
    %get3A_519 = arith.constant 0 : index
    %get3A_520 = tpu.vector_load %arg7[%get3A_517, %get3A_518, %get3A_519] {strides = array<i32>} : memref<4x2x80xi32, #tpu.memory_space<vmem>>, vector<16xi32>,
    tpu.vector_store_idx %arg12[%get3A_520], %broadcast_in_dim3A_2 {add = true} : memref<10240xf32, #tpu.memory_space<vmem>>[vector<16xi32>], vector<16xf32>,
    %get3A_521 = arith.constant 3 : i32
    %get3A_522 = arith.constant 0 : i32
    %get3A_523 = arith.index_cast %get3A_521 : i32 to index
    %get3A_524 = arith.index_cast %get3A_522 : i32 to index
    %get3A_525 = arith.constant 16 : index
    %get3A_526 = tpu.vector_load %arg7[%get3A_523, %get3A_524, %get3A_525] {strides = array<i32>} : memref<4x2x80xi32, #tpu.memory_space<vmem>>, vector<16xi32>,
    tpu.vector_store_idx %arg12[%get3A_526], %broadcast_in_dim3A_2 {add = true} : memref<10240xf32, #tpu.memory_space<vmem>>[vector<16xi32>], vector<16xf32>,
    %get3A_527 = arith.constant 3 : i32
    %get3A_528 = arith.constant 0 : i32
    %get3A_529 = arith.index_cast %get3A_527 : i32 to index
    %get3A_530 = arith.index_cast %get3A_528 : i32 to index
    %get3A_531 = arith.constant 32 : index
    %get3A_532 = tpu.vector_load %arg7[%get3A_529, %get3A_530, %get3A_531] {strides = array<i32>} : memref<4x2x80xi32, #tpu.memory_space<vmem>>, vector<16xi32>,
    tpu.vector_store_idx %arg12[%get3A_532], %broadcast_in_dim3A_2 {add = true} : memref<10240xf32, #tpu.memory_space<vmem>>[vector<16xi32>], vector<16xf32>,
    %get3A_533 = arith.constant 3 : i32
    %get3A_534 = arith.constant 0 : i32
    %get3A_535 = arith.index_cast %get3A_533 : i32 to index
    %get3A_536 = arith.index_cast %get3A_534 : i32 to index
    %get3A_537 = arith.constant 48 : index
    %get3A_538 = tpu.vector_load %arg7[%get3A_535, %get3A_536, %get3A_537] {strides = array<i32>} : memref<4x2x80xi32, #tpu.memory_space<vmem>>, vector<16xi32>,
    tpu.vector_store_idx %arg12[%get3A_538], %broadcast_in_dim3A_2 {add = true} : memref<10240xf32, #tpu.memory_space<vmem>>[vector<16xi32>], vector<16xf32>,
    %get3A_539 = arith.constant 3 : i32
    %get3A_540 = arith.constant 0 : i32
    %get3A_541 = arith.index_cast %get3A_539 : i32 to index
    %get3A_542 = arith.index_cast %get3A_540 : i32 to index
    %get3A_543 = arith.constant 64 : index
    %get3A_544 = tpu.vector_load %arg7[%get3A_541, %get3A_542, %get3A_543] {strides = array<i32>} : memref<4x2x80xi32, #tpu.memory_space<vmem>>, vector<16xi32>,
    tpu.vector_store_idx %arg12[%get3A_544], %broadcast_in_dim3A_2 {add = true} : memref<10240xf32, #tpu.memory_space<vmem>>[vector<16xi32>], vector<16xf32>,
    %dma_start3A_545 = arith.constant 3 : i32
    %dma_start3A_546 = arith.constant 0 : i32
    %dma_start3A_547 = arith.constant 0 : i32
    %dma_start3A_548 = tpu.memref_slice %arg7[%dma_start3A_545, %dma_start3A_546, %dma_start3A_547] : memref<4x2x80xi32, #tpu.memory_space<vmem>> -> memref<1x1x80xi32, #tpu.memory_space<vmem>>
    %dma_start3A_549 = tpu.memref_squeeze %dma_start3A_548 : memref<1x1x80xi32, #tpu.memory_space<vmem>> -> memref<80xi32, #tpu.memory_space<vmem>>
    %dma_start3A_550 = arith.constant 0 : i32
    %dma_start3A_551 = arith.constant 0 : i32
    %dma_start3A_552 = tpu.memref_slice %arg13[%dma_start3A_550, %dma_start3A_551] : memref<10240x128xf32, #tpu.memory_space<vmem_shared>> -> memref<10240x128xf32, #tpu.memory_space<vmem_shared>>
    tpu.enqueue_indirect_dma source(%arg9 : memref<80x128xf32, #tpu.memory_space<vmem>>) target(%dma_start3A_552 : memref<10240x128xf32, #tpu.memory_space<vmem_shared>>) offsets(%dma_start3A_549 : memref<80xi32, #tpu.memory_space<vmem>>) semaphore(%arg22 : memref<!tpu.dma_semaphore, #tpu.memory_space<semaphore_mem>>) {add = true}
    %dma_wait3A_553 = arith.constant 0 : i32
    %dma_wait3A_554 = arith.constant 1 : i32
    %dma_wait3A_555 = arith.constant 0 : i32
    %dma_wait3A_556 = tpu.memref_slice %arg7[%dma_wait3A_553, %dma_wait3A_554, %dma_wait3A_555] : memref<4x2x80xi32, #tpu.memory_space<vmem>> -> memref<1x1x80xi32, #tpu.memory_space<vmem>>
    %dma_wait3A_557 = tpu.memref_squeeze %dma_wait3A_556 : memref<1x1x80xi32, #tpu.memory_space<vmem>> -> memref<80xi32, #tpu.memory_space<vmem>>
    %dma_wait3A_558 = arith.constant 0 : i32
    %dma_wait3A_559 = arith.constant 0 : i32
    %dma_wait3A_560 = tpu.memref_slice %arg2[%dma_wait3A_558, %dma_wait3A_559] : memref<10000x128xf32, #tpu.memory_space<hbm>> -> memref<10000x128xf32, #tpu.memory_space<hbm>>
    tpu.wait_indirect_dma semaphore(%arg18 : memref<!tpu.dma_semaphore, #tpu.memory_space<semaphore_mem>>) src(%dma_wait3A_560 : memref<10000x128xf32, #tpu.memory_space<hbm>>) dst(%arg8 : memref<80x128xf32, #tpu.memory_space<vmem>>)
    %dma_wait3A_561 = arith.constant 0 : i32
    %dma_wait3A_562 = tpu.memref_slice %arg3[%mul3A_7, %dma_wait3A_561] : memref<320000x128xf32, #tpu.memory_space<hbm>> -> memref<80x128xf32, #tpu.memory_space<hbm>>
    %dma_wait3A_563 = arith.constant 0 : i32
    %dma_wait3A_564 = tpu.memref_slice %arg3[%mul3A_7, %dma_wait3A_563] : memref<320000x128xf32, #tpu.memory_space<hbm>> -> memref<80x128xf32, #tpu.memory_space<hbm>>
    tpu.wait_dma2 semaphore(%arg20 : memref<!tpu.dma_semaphore, #tpu.memory_space<semaphore_mem>>) src(%dma_wait3A_564 : memref<80x128xf32, #tpu.memory_space<hbm>>) dst(%arg10 : memref<80x128xf32, #tpu.memory_space<vmem>>)
    %dma_wait3A_565 = arith.constant 3 : i32
    %dma_wait3A_566 = arith.constant 0 : i32
    %dma_wait3A_567 = arith.constant 0 : i32
    %dma_wait3A_568 = tpu.memref_slice %arg7[%dma_wait3A_565, %dma_wait3A_566, %dma_wait3A_567] : memref<4x2x80xi32, #tpu.memory_space<vmem>> -> memref<1x1x80xi32, #tpu.memory_space<vmem>>
    %dma_wait3A_569 = tpu.memref_squeeze %dma_wait3A_568 : memref<1x1x80xi32, #tpu.memory_space<vmem>> -> memref<80xi32, #tpu.memory_space<vmem>>
    %dma_wait3A_570 = arith.constant 0 : i32
    %dma_wait3A_571 = arith.constant 0 : i32
    %dma_wait3A_572 = tpu.memref_slice %arg13[%dma_wait3A_570, %dma_wait3A_571] : memref<10240x128xf32, #tpu.memory_space<vmem_shared>> -> memref<10240x128xf32, #tpu.memory_space<vmem_shared>>
    tpu.wait_indirect_dma semaphore(%arg22 : memref<!tpu.dma_semaphore, #tpu.memory_space<semaphore_mem>>) src(%arg9 : memref<80x128xf32, #tpu.memory_space<vmem>>) dst(%dma_wait3A_572 : memref<10240x128xf32, #tpu.memory_space<vmem_shared>>)
    %scan3A_573 = arith.constant 0 : i32
    %scan3A_574 = arith.constant 40 : i32
    %scan3A_575 = arith.addi %scan3A_573, %scan3A_574 : i32
    %scan3A_576 = arith.constant 1 : i32
    scf.for %scan3A_625 = %scan3A_573 to %scan3A_575 step %scan3A_576  : i32 {
      %mul3A_626 = arith.constant 2 : i32
      %mul3A_627 = arith.muli %scan3A_625, %mul3A_626 : i32
      %add3A_628 = arith.constant 0 : i32
      %add3A_629 = arith.addi %add3A_628, %mul3A_627 : i32
      %add3A_630 = arith.constant 0 : i32
      %add3A_631 = arith.addi %add3A_629, %add3A_630 : i32
      %get3A_632 = arith.index_cast %add3A_631 : i32 to index
      %get3A_633 = arith.constant 0 : index
      %get3A_634 = tpu.vector_load %arg8[%get3A_632, %get3A_633] {strides = array<i32>} : memref<80x128xf32, #tpu.memory_space<vmem>>, vector<16xf32>,
      %add3A_635 = arith.constant 0 : i32
      %add3A_636 = arith.addi %add3A_629, %add3A_635 : i32
      %get3A_637 = arith.index_cast %add3A_636 : i32 to index
      %get3A_638 = arith.constant 0 : index
      %get3A_639 = tpu.vector_load %arg10[%get3A_637, %get3A_638] {strides = array<i32>} : memref<80x128xf32, #tpu.memory_space<vmem>>, vector<16xf32>,
      %add3A_640 = arith.addf %get3A_634, %get3A_639 : vector<16xf32>
      %max3A = arith.constant 0.000000e+00 : f32
      %max3A_641 = vector.broadcast %max3A : f32 to vector<16xf32>
      %max3A_642 = arith.maximumf %add3A_640, %max3A_641 : vector<16xf32>
      %add3A_643 = arith.constant 0 : i32
      %add3A_644 = arith.addi %add3A_629, %add3A_643 : i32
      %swap3A = arith.index_cast %add3A_644 : i32 to index
      %swap3A_645 = arith.constant 0 : index
      %swap3A_646 = tpu.vector_load %arg8[%swap3A, %swap3A_645] {strides = array<i32>} : memref<80x128xf32, #tpu.memory_space<vmem>>, vector<16xf32>,
      tpu.vector_store %arg8[%swap3A, %swap3A_645], %max3A_642 {strides = array<i32>} : memref<80x128xf32, #tpu.memory_space<vmem>>, vector<16xf32>,
      %add3A_647 = arith.constant 0 : i32
      %add3A_648 = arith.addi %add3A_629, %add3A_647 : i32
      %get3A_649 = arith.index_cast %add3A_648 : i32 to index
      %get3A_650 = arith.constant 16 : index
      %get3A_651 = tpu.vector_load %arg8[%get3A_649, %get3A_650] {strides = array<i32>} : memref<80x128xf32, #tpu.memory_space<vmem>>, vector<16xf32>,
      %add3A_652 = arith.constant 0 : i32
      %add3A_653 = arith.addi %add3A_629, %add3A_652 : i32
      %get3A_654 = arith.index_cast %add3A_653 : i32 to index
      %get3A_655 = arith.constant 16 : index
      %get3A_656 = tpu.vector_load %arg10[%get3A_654, %get3A_655] {strides = array<i32>} : memref<80x128xf32, #tpu.memory_space<vmem>>, vector<16xf32>,
      %add3A_657 = arith.addf %get3A_651, %get3A_656 : vector<16xf32>
      %max3A_658 = arith.constant 0.000000e+00 : f32
      %max3A_659 = vector.broadcast %max3A_658 : f32 to vector<16xf32>
      %max3A_660 = arith.maximumf %add3A_657, %max3A_659 : vector<16xf32>
      %add3A_661 = arith.constant 0 : i32
      %add3A_662 = arith.addi %add3A_629, %add3A_661 : i32
      %swap3A_663 = arith.index_cast %add3A_662 : i32 to index
      %swap3A_664 = arith.constant 16 : index
      %swap3A_665 = tpu.vector_load %arg8[%swap3A_663, %swap3A_664] {strides = array<i32>} : memref<80x128xf32, #tpu.memory_space<vmem>>, vector<16xf32>,
      tpu.vector_store %arg8[%swap3A_663, %swap3A_664], %max3A_660 {strides = array<i32>} : memref<80x128xf32, #tpu.memory_space<vmem>>, vector<16xf32>,
      %add3A_666 = arith.constant 0 : i32
      %add3A_667 = arith.addi %add3A_629, %add3A_666 : i32
      %get3A_668 = arith.index_cast %add3A_667 : i32 to index
      %get3A_669 = arith.constant 32 : index
      %get3A_670 = tpu.vector_load %arg8[%get3A_668, %get3A_669] {strides = array<i32>} : memref<80x128xf32, #tpu.memory_space<vmem>>, vector<16xf32>,
      %add3A_671 = arith.constant 0 : i32
      %add3A_672 = arith.addi %add3A_629, %add3A_671 : i32
      %get3A_673 = arith.index_cast %add3A_672 : i32 to index
      %get3A_674 = arith.constant 32 : index
      %get3A_675 = tpu.vector_load %arg10[%get3A_673, %get3A_674] {strides = array<i32>} : memref<80x128xf32, #tpu.memory_space<vmem>>, vector<16xf32>,
      %add3A_676 = arith.addf %get3A_670, %get3A_675 : vector<16xf32>
      %max3A_677 = arith.constant 0.000000e+00 : f32
      %max3A_678 = vector.broadcast %max3A_677 : f32 to vector<16xf32>
      %max3A_679 = arith.maximumf %add3A_676, %max3A_678 : vector<16xf32>
      %add3A_680 = arith.constant 0 : i32
      %add3A_681 = arith.addi %add3A_629, %add3A_680 : i32
      %swap3A_682 = arith.index_cast %add3A_681 : i32 to index
      %swap3A_683 = arith.constant 32 : index
      %swap3A_684 = tpu.vector_load %arg8[%swap3A_682, %swap3A_683] {strides = array<i32>} : memref<80x128xf32, #tpu.memory_space<vmem>>, vector<16xf32>,
      tpu.vector_store %arg8[%swap3A_682, %swap3A_683], %max3A_679 {strides = array<i32>} : memref<80x128xf32, #tpu.memory_space<vmem>>, vector<16xf32>,
      %add3A_685 = arith.constant 0 : i32
      %add3A_686 = arith.addi %add3A_629, %add3A_685 : i32
      %get3A_687 = arith.index_cast %add3A_686 : i32 to index
      %get3A_688 = arith.constant 48 : index
      %get3A_689 = tpu.vector_load %arg8[%get3A_687, %get3A_688] {strides = array<i32>} : memref<80x128xf32, #tpu.memory_space<vmem>>, vector<16xf32>,
      %add3A_690 = arith.constant 0 : i32
      %add3A_691 = arith.addi %add3A_629, %add3A_690 : i32
      %get3A_692 = arith.index_cast %add3A_691 : i32 to index
      %get3A_693 = arith.constant 48 : index
      %get3A_694 = tpu.vector_load %arg10[%get3A_692, %get3A_693] {strides = array<i32>} : memref<80x128xf32, #tpu.memory_space<vmem>>, vector<16xf32>,
      %add3A_695 = arith.addf %get3A_689, %get3A_694 : vector<16xf32>
      %max3A_696 = arith.constant 0.000000e+00 : f32
      %max3A_697 = vector.broadcast %max3A_696 : f32 to vector<16xf32>
      %max3A_698 = arith.maximumf %add3A_695, %max3A_697 : vector<16xf32>
      %add3A_699 = arith.constant 0 : i32
      %add3A_700 = arith.addi %add3A_629, %add3A_699 : i32
      %swap3A_701 = arith.index_cast %add3A_700 : i32 to index
      %swap3A_702 = arith.constant 48 : index
      %swap3A_703 = tpu.vector_load %arg8[%swap3A_701, %swap3A_702] {strides = array<i32>} : memref<80x128xf32, #tpu.memory_space<vmem>>, vector<16xf32>,
      tpu.vector_store %arg8[%swap3A_701, %swap3A_702], %max3A_698 {strides = array<i32>} : memref<80x128xf32, #tpu.memory_space<vmem>>, vector<16xf32>,
      %add3A_704 = arith.constant 0 : i32
      %add3A_705 = arith.addi %add3A_629, %add3A_704 : i32
      %get3A_706 = arith.index_cast %add3A_705 : i32 to index
      %get3A_707 = arith.constant 64 : index
      %get3A_708 = tpu.vector_load %arg8[%get3A_706, %get3A_707] {strides = array<i32>} : memref<80x128xf32, #tpu.memory_space<vmem>>, vector<16xf32>,
      %add3A_709 = arith.constant 0 : i32
      %add3A_710 = arith.addi %add3A_629, %add3A_709 : i32
      %get3A_711 = arith.index_cast %add3A_710 : i32 to index
      %get3A_712 = arith.constant 64 : index
      %get3A_713 = tpu.vector_load %arg10[%get3A_711, %get3A_712] {strides = array<i32>} : memref<80x128xf32, #tpu.memory_space<vmem>>, vector<16xf32>,
      %add3A_714 = arith.addf %get3A_708, %get3A_713 : vector<16xf32>
      %max3A_715 = arith.constant 0.000000e+00 : f32
      %max3A_716 = vector.broadcast %max3A_715 : f32 to vector<16xf32>
      %max3A_717 = arith.maximumf %add3A_714, %max3A_716 : vector<16xf32>
      %add3A_718 = arith.constant 0 : i32
      %add3A_719 = arith.addi %add3A_629, %add3A_718 : i32
      %swap3A_720 = arith.index_cast %add3A_719 : i32 to index
      %swap3A_721 = arith.constant 64 : index
      %swap3A_722 = tpu.vector_load %arg8[%swap3A_720, %swap3A_721] {strides = array<i32>} : memref<80x128xf32, #tpu.memory_space<vmem>>, vector<16xf32>,
      tpu.vector_store %arg8[%swap3A_720, %swap3A_721], %max3A_717 {strides = array<i32>} : memref<80x128xf32, #tpu.memory_space<vmem>>, vector<16xf32>,
      %add3A_723 = arith.constant 0 : i32
      %add3A_724 = arith.addi %add3A_629, %add3A_723 : i32
      %get3A_725 = arith.index_cast %add3A_724 : i32 to index
      %get3A_726 = arith.constant 80 : index
      %get3A_727 = tpu.vector_load %arg8[%get3A_725, %get3A_726] {strides = array<i32>} : memref<80x128xf32, #tpu.memory_space<vmem>>, vector<16xf32>,
      %add3A_728 = arith.constant 0 : i32
      %add3A_729 = arith.addi %add3A_629, %add3A_728 : i32
      %get3A_730 = arith.index_cast %add3A_729 : i32 to index
      %get3A_731 = arith.constant 80 : index
      %get3A_732 = tpu.vector_load %arg10[%get3A_730, %get3A_731] {strides = array<i32>} : memref<80x128xf32, #tpu.memory_space<vmem>>, vector<16xf32>,
      %add3A_733 = arith.addf %get3A_727, %get3A_732 : vector<16xf32>
      %max3A_734 = arith.constant 0.000000e+00 : f32
      %max3A_735 = vector.broadcast %max3A_734 : f32 to vector<16xf32>
      %max3A_736 = arith.maximumf %add3A_733, %max3A_735 : vector<16xf32>
      %add3A_737 = arith.constant 0 : i32
      %add3A_738 = arith.addi %add3A_629, %add3A_737 : i32
      %swap3A_739 = arith.index_cast %add3A_738 : i32 to index
      %swap3A_740 = arith.constant 80 : index
      %swap3A_741 = tpu.vector_load %arg8[%swap3A_739, %swap3A_740] {strides = array<i32>} : memref<80x128xf32, #tpu.memory_space<vmem>>, vector<16xf32>,
      tpu.vector_store %arg8[%swap3A_739, %swap3A_740], %max3A_736 {strides = array<i32>} : memref<80x128xf32, #tpu.memory_space<vmem>>, vector<16xf32>,
      %add3A_742 = arith.constant 0 : i32
      %add3A_743 = arith.addi %add3A_629, %add3A_742 : i32
      %get3A_744 = arith.index_cast %add3A_743 : i32 to index
      %get3A_745 = arith.constant 96 : index
      %get3A_746 = tpu.vector_load %arg8[%get3A_744, %get3A_745] {strides = array<i32>} : memref<80x128xf32, #tpu.memory_space<vmem>>, vector<16xf32>,
      %add3A_747 = arith.constant 0 : i32
      %add3A_748 = arith.addi %add3A_629, %add3A_747 : i32
      %get3A_749 = arith.index_cast %add3A_748 : i32 to index
      %get3A_750 = arith.constant 96 : index
      %get3A_751 = tpu.vector_load %arg10[%get3A_749, %get3A_750] {strides = array<i32>} : memref<80x128xf32, #tpu.memory_space<vmem>>, vector<16xf32>,
      %add3A_752 = arith.addf %get3A_746, %get3A_751 : vector<16xf32>
      %max3A_753 = arith.constant 0.000000e+00 : f32
      %max3A_754 = vector.broadcast %max3A_753 : f32 to vector<16xf32>
      %max3A_755 = arith.maximumf %add3A_752, %max3A_754 : vector<16xf32>
      %add3A_756 = arith.constant 0 : i32
      %add3A_757 = arith.addi %add3A_629, %add3A_756 : i32
      %swap3A_758 = arith.index_cast %add3A_757 : i32 to index
      %swap3A_759 = arith.constant 96 : index
      %swap3A_760 = tpu.vector_load %arg8[%swap3A_758, %swap3A_759] {strides = array<i32>} : memref<80x128xf32, #tpu.memory_space<vmem>>, vector<16xf32>,
      tpu.vector_store %arg8[%swap3A_758, %swap3A_759], %max3A_755 {strides = array<i32>} : memref<80x128xf32, #tpu.memory_space<vmem>>, vector<16xf32>,
      %add3A_761 = arith.constant 0 : i32
      %add3A_762 = arith.addi %add3A_629, %add3A_761 : i32
      %get3A_763 = arith.index_cast %add3A_762 : i32 to index
      %get3A_764 = arith.constant 112 : index
      %get3A_765 = tpu.vector_load %arg8[%get3A_763, %get3A_764] {strides = array<i32>} : memref<80x128xf32, #tpu.memory_space<vmem>>, vector<16xf32>,
      %add3A_766 = arith.constant 0 : i32
      %add3A_767 = arith.addi %add3A_629, %add3A_766 : i32
      %get3A_768 = arith.index_cast %add3A_767 : i32 to index
      %get3A_769 = arith.constant 112 : index
      %get3A_770 = tpu.vector_load %arg10[%get3A_768, %get3A_769] {strides = array<i32>} : memref<80x128xf32, #tpu.memory_space<vmem>>, vector<16xf32>,
      %add3A_771 = arith.addf %get3A_765, %get3A_770 : vector<16xf32>
      %max3A_772 = arith.constant 0.000000e+00 : f32
      %max3A_773 = vector.broadcast %max3A_772 : f32 to vector<16xf32>
      %max3A_774 = arith.maximumf %add3A_771, %max3A_773 : vector<16xf32>
      %add3A_775 = arith.constant 0 : i32
      %add3A_776 = arith.addi %add3A_629, %add3A_775 : i32
      %swap3A_777 = arith.index_cast %add3A_776 : i32 to index
      %swap3A_778 = arith.constant 112 : index
      %swap3A_779 = tpu.vector_load %arg8[%swap3A_777, %swap3A_778] {strides = array<i32>} : memref<80x128xf32, #tpu.memory_space<vmem>>, vector<16xf32>,
      tpu.vector_store %arg8[%swap3A_777, %swap3A_778], %max3A_774 {strides = array<i32>} : memref<80x128xf32, #tpu.memory_space<vmem>>, vector<16xf32>,
      %add3A_780 = arith.constant 1 : i32
      %add3A_781 = arith.addi %add3A_629, %add3A_780 : i32
      %get3A_782 = arith.index_cast %add3A_781 : i32 to index
      %get3A_783 = arith.constant 0 : index
      %get3A_784 = tpu.vector_load %arg8[%get3A_782, %get3A_783] {strides = array<i32>} : memref<80x128xf32, #tpu.memory_space<vmem>>, vector<16xf32>,
      %add3A_785 = arith.constant 1 : i32
      %add3A_786 = arith.addi %add3A_629, %add3A_785 : i32
      %get3A_787 = arith.index_cast %add3A_786 : i32 to index
      %get3A_788 = arith.constant 0 : index
      %get3A_789 = tpu.vector_load %arg10[%get3A_787, %get3A_788] {strides = array<i32>} : memref<80x128xf32, #tpu.memory_space<vmem>>, vector<16xf32>,
      %add3A_790 = arith.addf %get3A_784, %get3A_789 : vector<16xf32>
      %max3A_791 = arith.constant 0.000000e+00 : f32
      %max3A_792 = vector.broadcast %max3A_791 : f32 to vector<16xf32>
      %max3A_793 = arith.maximumf %add3A_790, %max3A_792 : vector<16xf32>
      %add3A_794 = arith.constant 1 : i32
      %add3A_795 = arith.addi %add3A_629, %add3A_794 : i32
      %swap3A_796 = arith.index_cast %add3A_795 : i32 to index
      %swap3A_797 = arith.constant 0 : index
      %swap3A_798 = tpu.vector_load %arg8[%swap3A_796, %swap3A_797] {strides = array<i32>} : memref<80x128xf32, #tpu.memory_space<vmem>>, vector<16xf32>,
      tpu.vector_store %arg8[%swap3A_796, %swap3A_797], %max3A_793 {strides = array<i32>} : memref<80x128xf32, #tpu.memory_space<vmem>>, vector<16xf32>,
      %add3A_799 = arith.constant 1 : i32
      %add3A_800 = arith.addi %add3A_629, %add3A_799 : i32
      %get3A_801 = arith.index_cast %add3A_800 : i32 to index
      %get3A_802 = arith.constant 16 : index
      %get3A_803 = tpu.vector_load %arg8[%get3A_801, %get3A_802] {strides = array<i32>} : memref<80x128xf32, #tpu.memory_space<vmem>>, vector<16xf32>,
      %add3A_804 = arith.constant 1 : i32
      %add3A_805 = arith.addi %add3A_629, %add3A_804 : i32
      %get3A_806 = arith.index_cast %add3A_805 : i32 to index
      %get3A_807 = arith.constant 16 : index
      %get3A_808 = tpu.vector_load %arg10[%get3A_806, %get3A_807] {strides = array<i32>} : memref<80x128xf32, #tpu.memory_space<vmem>>, vector<16xf32>,
      %add3A_809 = arith.addf %get3A_803, %get3A_808 : vector<16xf32>
      %max3A_810 = arith.constant 0.000000e+00 : f32
      %max3A_811 = vector.broadcast %max3A_810 : f32 to vector<16xf32>
      %max3A_812 = arith.maximumf %add3A_809, %max3A_811 : vector<16xf32>
      %add3A_813 = arith.constant 1 : i32
      %add3A_814 = arith.addi %add3A_629, %add3A_813 : i32
      %swap3A_815 = arith.index_cast %add3A_814 : i32 to index
      %swap3A_816 = arith.constant 16 : index
      %swap3A_817 = tpu.vector_load %arg8[%swap3A_815, %swap3A_816] {strides = array<i32>} : memref<80x128xf32, #tpu.memory_space<vmem>>, vector<16xf32>,
      tpu.vector_store %arg8[%swap3A_815, %swap3A_816], %max3A_812 {strides = array<i32>} : memref<80x128xf32, #tpu.memory_space<vmem>>, vector<16xf32>,
      %add3A_818 = arith.constant 1 : i32
      %add3A_819 = arith.addi %add3A_629, %add3A_818 : i32
      %get3A_820 = arith.index_cast %add3A_819 : i32 to index
      %get3A_821 = arith.constant 32 : index
      %get3A_822 = tpu.vector_load %arg8[%get3A_820, %get3A_821] {strides = array<i32>} : memref<80x128xf32, #tpu.memory_space<vmem>>, vector<16xf32>,
      %add3A_823 = arith.constant 1 : i32
      %add3A_824 = arith.addi %add3A_629, %add3A_823 : i32
      %get3A_825 = arith.index_cast %add3A_824 : i32 to index
      %get3A_826 = arith.constant 32 : index
      %get3A_827 = tpu.vector_load %arg10[%get3A_825, %get3A_826] {strides = array<i32>} : memref<80x128xf32, #tpu.memory_space<vmem>>, vector<16xf32>,
      %add3A_828 = arith.addf %get3A_822, %get3A_827 : vector<16xf32>
      %max3A_829 = arith.constant 0.000000e+00 : f32
      %max3A_830 = vector.broadcast %max3A_829 : f32 to vector<16xf32>
      %max3A_831 = arith.maximumf %add3A_828, %max3A_830 : vector<16xf32>
      %add3A_832 = arith.constant 1 : i32
      %add3A_833 = arith.addi %add3A_629, %add3A_832 : i32
      %swap3A_834 = arith.index_cast %add3A_833 : i32 to index
      %swap3A_835 = arith.constant 32 : index
      %swap3A_836 = tpu.vector_load %arg8[%swap3A_834, %swap3A_835] {strides = array<i32>} : memref<80x128xf32, #tpu.memory_space<vmem>>, vector<16xf32>,
      tpu.vector_store %arg8[%swap3A_834, %swap3A_835], %max3A_831 {strides = array<i32>} : memref<80x128xf32, #tpu.memory_space<vmem>>, vector<16xf32>,
      %add3A_837 = arith.constant 1 : i32
      %add3A_838 = arith.addi %add3A_629, %add3A_837 : i32
      %get3A_839 = arith.index_cast %add3A_838 : i32 to index
      %get3A_840 = arith.constant 48 : index
      %get3A_841 = tpu.vector_load %arg8[%get3A_839, %get3A_840] {strides = array<i32>} : memref<80x128xf32, #tpu.memory_space<vmem>>, vector<16xf32>,
      %add3A_842 = arith.constant 1 : i32
      %add3A_843 = arith.addi %add3A_629, %add3A_842 : i32
      %get3A_844 = arith.index_cast %add3A_843 : i32 to index
      %get3A_845 = arith.constant 48 : index
      %get3A_846 = tpu.vector_load %arg10[%get3A_844, %get3A_845] {strides = array<i32>} : memref<80x128xf32, #tpu.memory_space<vmem>>, vector<16xf32>,
      %add3A_847 = arith.addf %get3A_841, %get3A_846 : vector<16xf32>
      %max3A_848 = arith.constant 0.000000e+00 : f32
      %max3A_849 = vector.broadcast %max3A_848 : f32 to vector<16xf32>
      %max3A_850 = arith.maximumf %add3A_847, %max3A_849 : vector<16xf32>
      %add3A_851 = arith.constant 1 : i32
      %add3A_852 = arith.addi %add3A_629, %add3A_851 : i32
      %swap3A_853 = arith.index_cast %add3A_852 : i32 to index
      %swap3A_854 = arith.constant 48 : index
      %swap3A_855 = tpu.vector_load %arg8[%swap3A_853, %swap3A_854] {strides = array<i32>} : memref<80x128xf32, #tpu.memory_space<vmem>>, vector<16xf32>,
      tpu.vector_store %arg8[%swap3A_853, %swap3A_854], %max3A_850 {strides = array<i32>} : memref<80x128xf32, #tpu.memory_space<vmem>>, vector<16xf32>,
      %add3A_856 = arith.constant 1 : i32
      %add3A_857 = arith.addi %add3A_629, %add3A_856 : i32
      %get3A_858 = arith.index_cast %add3A_857 : i32 to index
      %get3A_859 = arith.constant 64 : index
      %get3A_860 = tpu.vector_load %arg8[%get3A_858, %get3A_859] {strides = array<i32>} : memref<80x128xf32, #tpu.memory_space<vmem>>, vector<16xf32>,
      %add3A_861 = arith.constant 1 : i32
      %add3A_862 = arith.addi %add3A_629, %add3A_861 : i32
      %get3A_863 = arith.index_cast %add3A_862 : i32 to index
      %get3A_864 = arith.constant 64 : index
      %get3A_865 = tpu.vector_load %arg10[%get3A_863, %get3A_864] {strides = array<i32>} : memref<80x128xf32, #tpu.memory_space<vmem>>, vector<16xf32>,
      %add3A_866 = arith.addf %get3A_860, %get3A_865 : vector<16xf32>
      %max3A_867 = arith.constant 0.000000e+00 : f32
      %max3A_868 = vector.broadcast %max3A_867 : f32 to vector<16xf32>
      %max3A_869 = arith.maximumf %add3A_866, %max3A_868 : vector<16xf32>
      %add3A_870 = arith.constant 1 : i32
      %add3A_871 = arith.addi %add3A_629, %add3A_870 : i32
      %swap3A_872 = arith.index_cast %add3A_871 : i32 to index
      %swap3A_873 = arith.constant 64 : index
      %swap3A_874 = tpu.vector_load %arg8[%swap3A_872, %swap3A_873] {strides = array<i32>} : memref<80x128xf32, #tpu.memory_space<vmem>>, vector<16xf32>,
      tpu.vector_store %arg8[%swap3A_872, %swap3A_873], %max3A_869 {strides = array<i32>} : memref<80x128xf32, #tpu.memory_space<vmem>>, vector<16xf32>,
      %add3A_875 = arith.constant 1 : i32
      %add3A_876 = arith.addi %add3A_629, %add3A_875 : i32
      %get3A_877 = arith.index_cast %add3A_876 : i32 to index
      %get3A_878 = arith.constant 80 : index
      %get3A_879 = tpu.vector_load %arg8[%get3A_877, %get3A_878] {strides = array<i32>} : memref<80x128xf32, #tpu.memory_space<vmem>>, vector<16xf32>,
      %add3A_880 = arith.constant 1 : i32
      %add3A_881 = arith.addi %add3A_629, %add3A_880 : i32
      %get3A_882 = arith.index_cast %add3A_881 : i32 to index
      %get3A_883 = arith.constant 80 : index
      %get3A_884 = tpu.vector_load %arg10[%get3A_882, %get3A_883] {strides = array<i32>} : memref<80x128xf32, #tpu.memory_space<vmem>>, vector<16xf32>,
      %add3A_885 = arith.addf %get3A_879, %get3A_884 : vector<16xf32>
      %max3A_886 = arith.constant 0.000000e+00 : f32
      %max3A_887 = vector.broadcast %max3A_886 : f32 to vector<16xf32>
      %max3A_888 = arith.maximumf %add3A_885, %max3A_887 : vector<16xf32>
      %add3A_889 = arith.constant 1 : i32
      %add3A_890 = arith.addi %add3A_629, %add3A_889 : i32
      %swap3A_891 = arith.index_cast %add3A_890 : i32 to index
      %swap3A_892 = arith.constant 80 : index
      %swap3A_893 = tpu.vector_load %arg8[%swap3A_891, %swap3A_892] {strides = array<i32>} : memref<80x128xf32, #tpu.memory_space<vmem>>, vector<16xf32>,
      tpu.vector_store %arg8[%swap3A_891, %swap3A_892], %max3A_888 {strides = array<i32>} : memref<80x128xf32, #tpu.memory_space<vmem>>, vector<16xf32>,
      %add3A_894 = arith.constant 1 : i32
      %add3A_895 = arith.addi %add3A_629, %add3A_894 : i32
      %get3A_896 = arith.index_cast %add3A_895 : i32 to index
      %get3A_897 = arith.constant 96 : index
      %get3A_898 = tpu.vector_load %arg8[%get3A_896, %get3A_897] {strides = array<i32>} : memref<80x128xf32, #tpu.memory_space<vmem>>, vector<16xf32>,
      %add3A_899 = arith.constant 1 : i32
      %add3A_900 = arith.addi %add3A_629, %add3A_899 : i32
      %get3A_901 = arith.index_cast %add3A_900 : i32 to index
      %get3A_902 = arith.constant 96 : index
      %get3A_903 = tpu.vector_load %arg10[%get3A_901, %get3A_902] {strides = array<i32>} : memref<80x128xf32, #tpu.memory_space<vmem>>, vector<16xf32>,
      %add3A_904 = arith.addf %get3A_898, %get3A_903 : vector<16xf32>
      %max3A_905 = arith.constant 0.000000e+00 : f32
      %max3A_906 = vector.broadcast %max3A_905 : f32 to vector<16xf32>
      %max3A_907 = arith.maximumf %add3A_904, %max3A_906 : vector<16xf32>
      %add3A_908 = arith.constant 1 : i32
      %add3A_909 = arith.addi %add3A_629, %add3A_908 : i32
      %swap3A_910 = arith.index_cast %add3A_909 : i32 to index
      %swap3A_911 = arith.constant 96 : index
      %swap3A_912 = tpu.vector_load %arg8[%swap3A_910, %swap3A_911] {strides = array<i32>} : memref<80x128xf32, #tpu.memory_space<vmem>>, vector<16xf32>,
      tpu.vector_store %arg8[%swap3A_910, %swap3A_911], %max3A_907 {strides = array<i32>} : memref<80x128xf32, #tpu.memory_space<vmem>>, vector<16xf32>,
      %add3A_913 = arith.constant 1 : i32
      %add3A_914 = arith.addi %add3A_629, %add3A_913 : i32
      %get3A_915 = arith.index_cast %add3A_914 : i32 to index
      %get3A_916 = arith.constant 112 : index
      %get3A_917 = tpu.vector_load %arg8[%get3A_915, %get3A_916] {strides = array<i32>} : memref<80x128xf32, #tpu.memory_space<vmem>>, vector<16xf32>,
      %add3A_918 = arith.constant 1 : i32
      %add3A_919 = arith.addi %add3A_629, %add3A_918 : i32
      %get3A_920 = arith.index_cast %add3A_919 : i32 to index
      %get3A_921 = arith.constant 112 : index
      %get3A_922 = tpu.vector_load %arg10[%get3A_920, %get3A_921] {strides = array<i32>} : memref<80x128xf32, #tpu.memory_space<vmem>>, vector<16xf32>,
      %add3A_923 = arith.addf %get3A_917, %get3A_922 : vector<16xf32>
      %max3A_924 = arith.constant 0.000000e+00 : f32
      %max3A_925 = vector.broadcast %max3A_924 : f32 to vector<16xf32>
      %max3A_926 = arith.maximumf %add3A_923, %max3A_925 : vector<16xf32>
      %add3A_927 = arith.constant 1 : i32
      %add3A_928 = arith.addi %add3A_629, %add3A_927 : i32
      %swap3A_929 = arith.index_cast %add3A_928 : i32 to index
      %swap3A_930 = arith.constant 112 : index
      %swap3A_931 = tpu.vector_load %arg8[%swap3A_929, %swap3A_930] {strides = array<i32>} : memref<80x128xf32, #tpu.memory_space<vmem>>, vector<16xf32>,
      tpu.vector_store %arg8[%swap3A_929, %swap3A_930], %max3A_926 {strides = array<i32>} : memref<80x128xf32, #tpu.memory_space<vmem>>, vector<16xf32>,
    }
    %scan3A_577 = arith.constant 40 : i32
    %get3A_578 = arith.constant 0 : i32
    %get3A_579 = arith.constant 0 : i32
    %get3A_580 = arith.index_cast %get3A_578 : i32 to index
    %get3A_581 = arith.index_cast %get3A_579 : i32 to index
    %get3A_582 = arith.constant 0 : index
    %get3A_583 = tpu.vector_load %arg7[%get3A_580, %get3A_581, %get3A_582] {strides = array<i32>} : memref<4x2x80xi32, #tpu.memory_space<vmem>>, vector<16xi32>,
    tpu.vector_store_idx %arg12[%get3A_583], %broadcast_in_dim3A_2 {add = true} : memref<10240xf32, #tpu.memory_space<vmem>>[vector<16xi32>], vector<16xf32>,
    %get3A_584 = arith.constant 0 : i32
    %get3A_585 = arith.constant 0 : i32
    %get3A_586 = arith.index_cast %get3A_584 : i32 to index
    %get3A_587 = arith.index_cast %get3A_585 : i32 to index
    %get3A_588 = arith.constant 16 : index
    %get3A_589 = tpu.vector_load %arg7[%get3A_586, %get3A_587, %get3A_588] {strides = array<i32>} : memref<4x2x80xi32, #tpu.memory_space<vmem>>, vector<16xi32>,
    tpu.vector_store_idx %arg12[%get3A_589], %broadcast_in_dim3A_2 {add = true} : memref<10240xf32, #tpu.memory_space<vmem>>[vector<16xi32>], vector<16xf32>,
    %get3A_590 = arith.constant 0 : i32
    %get3A_591 = arith.constant 0 : i32
    %get3A_592 = arith.index_cast %get3A_590 : i32 to index
    %get3A_593 = arith.index_cast %get3A_591 : i32 to index
    %get3A_594 = arith.constant 32 : index
    %get3A_595 = tpu.vector_load %arg7[%get3A_592, %get3A_593, %get3A_594] {strides = array<i32>} : memref<4x2x80xi32, #tpu.memory_space<vmem>>, vector<16xi32>,
    tpu.vector_store_idx %arg12[%get3A_595], %broadcast_in_dim3A_2 {add = true} : memref<10240xf32, #tpu.memory_space<vmem>>[vector<16xi32>], vector<16xf32>,
    %get3A_596 = arith.constant 0 : i32
    %get3A_597 = arith.constant 0 : i32
    %get3A_598 = arith.index_cast %get3A_596 : i32 to index
    %get3A_599 = arith.index_cast %get3A_597 : i32 to index
    %get3A_600 = arith.constant 48 : index
    %get3A_601 = tpu.vector_load %arg7[%get3A_598, %get3A_599, %get3A_600] {strides = array<i32>} : memref<4x2x80xi32, #tpu.memory_space<vmem>>, vector<16xi32>,
    tpu.vector_store_idx %arg12[%get3A_601], %broadcast_in_dim3A_2 {add = true} : memref<10240xf32, #tpu.memory_space<vmem>>[vector<16xi32>], vector<16xf32>,
    %get3A_602 = arith.constant 0 : i32
    %get3A_603 = arith.constant 0 : i32
    %get3A_604 = arith.index_cast %get3A_602 : i32 to index
    %get3A_605 = arith.index_cast %get3A_603 : i32 to index
    %get3A_606 = arith.constant 64 : index
    %get3A_607 = tpu.vector_load %arg7[%get3A_604, %get3A_605, %get3A_606] {strides = array<i32>} : memref<4x2x80xi32, #tpu.memory_space<vmem>>, vector<16xi32>,
    tpu.vector_store_idx %arg12[%get3A_607], %broadcast_in_dim3A_2 {add = true} : memref<10240xf32, #tpu.memory_space<vmem>>[vector<16xi32>], vector<16xf32>,
    %dma_start3A_608 = arith.constant 0 : i32
    %dma_start3A_609 = arith.constant 0 : i32
    %dma_start3A_610 = arith.constant 0 : i32
    %dma_start3A_611 = tpu.memref_slice %arg7[%dma_start3A_608, %dma_start3A_609, %dma_start3A_610] : memref<4x2x80xi32, #tpu.memory_space<vmem>> -> memref<1x1x80xi32, #tpu.memory_space<vmem>>
    %dma_start3A_612 = tpu.memref_squeeze %dma_start3A_611 : memref<1x1x80xi32, #tpu.memory_space<vmem>> -> memref<80xi32, #tpu.memory_space<vmem>>
    %dma_start3A_613 = arith.constant 0 : i32
    %dma_start3A_614 = arith.constant 0 : i32
    %dma_start3A_615 = tpu.memref_slice %arg13[%dma_start3A_613, %dma_start3A_614] : memref<10240x128xf32, #tpu.memory_space<vmem_shared>> -> memref<10240x128xf32, #tpu.memory_space<vmem_shared>>
    tpu.enqueue_indirect_dma source(%arg8 : memref<80x128xf32, #tpu.memory_space<vmem>>) target(%dma_start3A_615 : memref<10240x128xf32, #tpu.memory_space<vmem_shared>>) offsets(%dma_start3A_612 : memref<80xi32, #tpu.memory_space<vmem>>) semaphore(%arg21 : memref<!tpu.dma_semaphore, #tpu.memory_space<semaphore_mem>>) {add = true}
    %dma_wait3A_616 = arith.constant 0 : i32
    %dma_wait3A_617 = arith.constant 0 : i32
    %dma_wait3A_618 = arith.constant 0 : i32
    %dma_wait3A_619 = tpu.memref_slice %arg7[%dma_wait3A_616, %dma_wait3A_617, %dma_wait3A_618] : memref<4x2x80xi32, #tpu.memory_space<vmem>> -> memref<1x1x80xi32, #tpu.memory_space<vmem>>
    %dma_wait3A_620 = tpu.memref_squeeze %dma_wait3A_619 : memref<1x1x80xi32, #tpu.memory_space<vmem>> -> memref<80xi32, #tpu.memory_space<vmem>>
    %dma_wait3A_621 = arith.constant 0 : i32
    %dma_wait3A_622 = arith.constant 0 : i32
    %dma_wait3A_623 = tpu.memref_slice %arg13[%dma_wait3A_621, %dma_wait3A_622] : memref<10240x128xf32, #tpu.memory_space<vmem_shared>> -> memref<10240x128xf32, #tpu.memory_space<vmem_shared>>
    tpu.wait_indirect_dma semaphore(%arg21 : memref<!tpu.dma_semaphore, #tpu.memory_space<semaphore_mem>>) src(%arg8 : memref<80x128xf32, #tpu.memory_space<vmem>>) dst(%dma_wait3A_623 : memref<10240x128xf32, #tpu.memory_space<vmem_shared>>)
    "tpu.region"() ({
      %run_scoped3A = tpu.sem_alloc : memref<!tpu.dma_semaphore, #tpu.memory_space<semaphore_mem>>
      %dma_start3A_625 = arith.constant 0 : i32
      %dma_start3A_626 = tpu.memref_slice %arg6[%add3A, %dma_start3A_625] : memref<32x10240xf32, #tpu.memory_space<hbm>> -> memref<1x10240xf32, #tpu.memory_space<hbm>>
      %dma_start3A_627 = tpu.memref_squeeze %dma_start3A_626 : memref<1x10240xf32, #tpu.memory_space<hbm>> -> memref<10240xf32, #tpu.memory_space<hbm>>
      %dma_start3A_628 = arith.constant 0 : i32
      %dma_start3A_629 = tpu.memref_slice %arg6[%add3A, %dma_start3A_628] : memref<32x10240xf32, #tpu.memory_space<hbm>> -> memref<1x10240xf32, #tpu.memory_space<hbm>>
      %dma_start3A_630 = tpu.memref_squeeze %dma_start3A_629 : memref<1x10240xf32, #tpu.memory_space<hbm>> -> memref<10240xf32, #tpu.memory_space<hbm>>
      tpu.enqueue_dma source(%arg12 : memref<10240xf32, #tpu.memory_space<vmem>>) target(%dma_start3A_630 : memref<10240xf32, #tpu.memory_space<hbm>>) target_semaphore(%run_scoped3A : memref<!tpu.dma_semaphore, #tpu.memory_space<semaphore_mem>>)
      %dma_wait3A_631 = arith.constant 0 : i32
      %dma_wait3A_632 = tpu.memref_slice %arg6[%add3A, %dma_wait3A_631] : memref<32x10240xf32, #tpu.memory_space<hbm>> -> memref<1x10240xf32, #tpu.memory_space<hbm>>
      %dma_wait3A_633 = tpu.memref_squeeze %dma_wait3A_632 : memref<1x10240xf32, #tpu.memory_space<hbm>> -> memref<10240xf32, #tpu.memory_space<hbm>>
      %dma_wait3A_634 = arith.constant 0 : i32
      %dma_wait3A_635 = tpu.memref_slice %arg6[%add3A, %dma_wait3A_634] : memref<32x10240xf32, #tpu.memory_space<hbm>> -> memref<1x10240xf32, #tpu.memory_space<hbm>>
      %dma_wait3A_636 = tpu.memref_squeeze %dma_wait3A_635 : memref<1x10240xf32, #tpu.memory_space<hbm>> -> memref<10240xf32, #tpu.memory_space<hbm>>
      tpu.wait_dma2 semaphore(%run_scoped3A : memref<!tpu.dma_semaphore, #tpu.memory_space<semaphore_mem>>) src(%arg12 : memref<10240xf32, #tpu.memory_space<vmem>>) dst(%dma_wait3A_636 : memref<10240xf32, #tpu.memory_space<hbm>>)
      tpu.yield
    }) : () -> ()
    %barrier3A_624 = arith.constant 0 : index
    tpu.barrier barrier_id(%barrier3A_624)
    "tpu.region"() ({
      %run_scoped3A = tpu.sem_alloc : memref<!tpu.dma_semaphore, #tpu.memory_space<semaphore_mem>>
      %dma_start3A_625 = arith.constant 0 : i32
      %dma_start3A_626 = tpu.memref_slice %arg5[%arg0, %mul3A_5, %dma_start3A_625] : memref<2x10240x128xf32, #tpu.memory_space<hbm>> -> memref<1x640x128xf32, #tpu.memory_space<hbm>>
      %dma_start3A_627 = tpu.memref_squeeze %dma_start3A_626 : memref<1x640x128xf32, #tpu.memory_space<hbm>> -> memref<640x128xf32, #tpu.memory_space<hbm>>
      %dma_start3A_628 = arith.constant 0 : i32
      %dma_start3A_629 = tpu.memref_slice %arg13[%mul3A_5, %dma_start3A_628] : memref<10240x128xf32, #tpu.memory_space<vmem_shared>> -> memref<640x128xf32, #tpu.memory_space<vmem_shared>>
      tpu.enqueue_dma source(%dma_start3A_629 : memref<640x128xf32, #tpu.memory_space<vmem_shared>>) target(%dma_start3A_627 : memref<640x128xf32, #tpu.memory_space<hbm>>) target_semaphore(%run_scoped3A : memref<!tpu.dma_semaphore, #tpu.memory_space<semaphore_mem>>)
      %dma_wait3A_630 = arith.constant 0 : i32
      %dma_wait3A_631 = tpu.memref_slice %arg5[%arg0, %mul3A_5, %dma_wait3A_630] : memref<2x10240x128xf32, #tpu.memory_space<hbm>> -> memref<1x640x128xf32, #tpu.memory_space<hbm>>
      %dma_wait3A_632 = tpu.memref_squeeze %dma_wait3A_631 : memref<1x640x128xf32, #tpu.memory_space<hbm>> -> memref<640x128xf32, #tpu.memory_space<hbm>>
      %dma_wait3A_633 = arith.constant 0 : i32
      %dma_wait3A_634 = tpu.memref_slice %arg13[%mul3A_5, %dma_wait3A_633] : memref<10240x128xf32, #tpu.memory_space<vmem_shared>> -> memref<640x128xf32, #tpu.memory_space<vmem_shared>>
      tpu.wait_dma2 semaphore(%run_scoped3A : memref<!tpu.dma_semaphore, #tpu.memory_space<semaphore_mem>>) src(%dma_wait3A_634 : memref<640x128xf32, #tpu.memory_space<vmem_shared>>) dst(%dma_wait3A_632 : memref<640x128xf32, #tpu.memory_space<hbm>>)
      tpu.yield
    }) : () -> ()
    return
  }
}

module attributes {stable_mosaic.version = 14 : i64} {
  func.func @_xa_body(%arg0: memref<10000x128xf32, #tpu.memory_space<vmem>>, %arg1: memref<128x128xf32, #tpu.memory_space<vmem>>, %arg2: memref<10000x128xf32, #tpu.memory_space<vmem>>) attributes {dimension_semantics = [], scalar_prefetch = 0 : i64, scratch_operands = 0 : i64, tpu.core_type = #tpu.core_type<tc>} {
    %get3A = arith.constant 0 : index
    %get3A_0 = arith.constant 0 : index
    %get3A_1 = vector.load %arg0[%get3A, %get3A_0] : memref<10000x128xf32, #tpu.memory_space<vmem>>, vector<10000x128xf32>
    %get3A_2 = arith.constant 0 : index
    %get3A_3 = arith.constant 0 : index
    %get3A_4 = vector.load %arg1[%get3A_2, %get3A_3] : memref<128x128xf32, #tpu.memory_space<vmem>>, vector<128x128xf32>
    %dot_general3A = arith.constant dense<0.000000e+00> : vector<10000x128xf32>
    %dot_general3A_5 = tpu.matmul %get3A_1, %get3A_4, %dot_general3A {dimension_numbers = #tpu.dot_dimension_numbers<[1], [0], [0], [1], [0, 0, 1, 1], [], []>, transpose_lhs_hint = false} : vector<10000x128xf32>, vector<128x128xf32>, vector<10000x128xf32> -> vector<10000x128xf32>
    %swap3A = arith.constant 0 : index
    %swap3A_6 = arith.constant 0 : index
    %swap3A_7 = vector.load %arg2[%swap3A, %swap3A_6] : memref<10000x128xf32, #tpu.memory_space<vmem>>, vector<10000x128xf32>
    tpu.vector_store %arg2[%swap3A, %swap3A_6], %dot_general3A_5 {strides = array<i32>} : memref<10000x128xf32, #tpu.memory_space<vmem>>, vector<10000x128xf32>,
    return
  }
}

module attributes {stable_mosaic.version = 14 : i64} {
  func.func @_edge_lin_body(%arg0: i32, %arg1: memref<16x6400xf32, #tpu.memory_space<vmem>>, %arg2: memref<16x128xf32, #tpu.memory_space<vmem>>, %arg3: memref<1x128xf32, #tpu.memory_space<vmem>>, %arg4: memref<6400x128xf32, #tpu.memory_space<vmem>>) attributes {dimension_semantics = [#tpu.dimension_semantics<arbitrary>], iteration_bounds = array<i64: 50>, scalar_prefetch = 0 : i64, scratch_operands = 0 : i64, tpu.core_type = #tpu.core_type<tc>, window_params = [{transform_indices = @transform_0, window_bounds = array<i64: 16, 6400>}, {pipeline_mode = #tpu.pipeline_mode<synchronous>, transform_indices = @transform_1, window_bounds = array<i64: 16, 128>}, {pipeline_mode = #tpu.pipeline_mode<synchronous>, transform_indices = @transform_2, window_bounds = array<i64: 1, 128>}, {transform_indices = @transform_3, window_bounds = array<i64: 6400, 128>}]} {
    %get3A = arith.constant 0 : index
    %get3A_0 = arith.constant 0 : index
    %get3A_1 = vector.load %arg1[%get3A, %get3A_0] : memref<16x6400xf32, #tpu.memory_space<vmem>>, vector<16x6400xf32>
    %get3A_2 = arith.constant 0 : index
    %get3A_3 = arith.constant 0 : index
    %get3A_4 = vector.load %arg2[%get3A_2, %get3A_3] : memref<16x128xf32, #tpu.memory_space<vmem>>, vector<16x128xf32>
    %dot_general3A = arith.constant dense<0.000000e+00> : vector<6400x128xf32>
    %dot_general3A_5 = tpu.matmul %get3A_1, %get3A_4, %dot_general3A {dimension_numbers = #tpu.dot_dimension_numbers<[0], [0], [1], [1], [0, 1, 1, 1], [], []>, transpose_lhs_hint = false} : vector<16x6400xf32>, vector<16x128xf32>, vector<6400x128xf32> -> vector<6400x128xf32>
    %get3A_6 = arith.constant 0 : index
    %get3A_7 = arith.constant 0 : index
    %get3A_8 = vector.load %arg3[%get3A_6, %get3A_7] : memref<1x128xf32, #tpu.memory_space<vmem>>, vector<1x128xf32>
    %add3A = vector.broadcast %get3A_8 : vector<1x128xf32> to vector<6400x128xf32>
    %add3A_9 = arith.addf %dot_general3A_5, %add3A : vector<6400x128xf32>
    %swap3A = arith.constant 0 : index
    %swap3A_10 = arith.constant 0 : index
    %swap3A_11 = vector.load %arg4[%swap3A, %swap3A_10] : memref<6400x128xf32, #tpu.memory_space<vmem>>, vector<6400x128xf32>
    tpu.vector_store %arg4[%swap3A, %swap3A_10], %add3A_9 {strides = array<i32>} : memref<6400x128xf32, #tpu.memory_space<vmem>>, vector<6400x128xf32>,
    return
  }
  func.func @transform_0(%arg0: i32) -> (i32, i32) {
    %c0_i32 = arith.constant 0 : i32
    %c0_i32_0 = arith.constant 0 : i32
    return %c0_i32, %arg0 : i32, i32
  }
  func.func @transform_1(%arg0: i32) -> (i32, i32) {
    %c0_i32 = arith.constant 0 : i32
    %c0_i32_0 = arith.constant 0 : i32
    %c0_i32_1 = arith.constant 0 : i32
    return %c0_i32, %c0_i32_0 : i32, i32
  }
  func.func @transform_2(%arg0: i32) -> (i32, i32) {
    %c0_i32 = arith.constant 0 : i32
    %c0_i32_0 = arith.constant 0 : i32
    %c0_i32_1 = arith.constant 0 : i32
    return %c0_i32, %c0_i32_0 : i32, i32
  }
  func.func @transform_3(%arg0: i32) -> (i32, i32) {
    %c0_i32 = arith.constant 0 : i32
    %c0_i32_0 = arith.constant 0 : i32
    return %arg0, %c0_i32 : i32, i32
  }
}

module attributes {stable_mosaic.version = 14 : i64} {
  func.func @_final_body(%arg0: i32, %arg1: memref<2048x128xf32, #tpu.memory_space<vmem>>, %arg2: memref<2048x128xf32, #tpu.memory_space<vmem>>, %arg3: memref<2048x128xf32, #tpu.memory_space<vmem>>, %arg4: memref<32x2048xf32, #tpu.memory_space<vmem>>, %arg5: memref<128x128xf32, #tpu.memory_space<vmem>>, %arg6: memref<1x128xf32, #tpu.memory_space<vmem>>, %arg7: memref<128x128xf32, #tpu.memory_space<vmem>>, %arg8: memref<128x128xf32, #tpu.memory_space<vmem>>, %arg9: memref<1x128xf32, #tpu.memory_space<vmem>>, %arg10: memref<128x128xf32, #tpu.memory_space<vmem>>, %arg11: memref<1x128xf32, #tpu.memory_space<vmem>>, %arg12: memref<2048x128xf32, #tpu.memory_space<vmem>>) attributes {dimension_semantics = [#tpu.dimension_semantics<arbitrary>], iteration_bounds = array<i64: 5>, scalar_prefetch = 0 : i64, scratch_operands = 0 : i64, tpu.core_type = #tpu.core_type<tc>, window_params = [{transform_indices = @transform_0, window_bounds = array<i64: 2048, 128>}, {transform_indices = @transform_1, window_bounds = array<i64: 2048, 128>}, {transform_indices = @transform_2, window_bounds = array<i64: 2048, 128>}, {transform_indices = @transform_3, window_bounds = array<i64: 32, 2048>}, {pipeline_mode = #tpu.pipeline_mode<synchronous>, transform_indices = @transform_4, window_bounds = array<i64: 128, 128>}, {pipeline_mode = #tpu.pipeline_mode<synchronous>, transform_indices = @transform_5, window_bounds = array<i64: 1, 128>}, {pipeline_mode = #tpu.pipeline_mode<synchronous>, transform_indices = @transform_6, window_bounds = array<i64: 128, 128>}, {pipeline_mode = #tpu.pipeline_mode<synchronous>, transform_indices = @transform_7, window_bounds = array<i64: 128, 128>}, {pipeline_mode = #tpu.pipeline_mode<synchronous>, transform_indices = @transform_8, window_bounds = array<i64: 1, 128>}, {pipeline_mode = #tpu.pipeline_mode<synchronous>, transform_indices = @transform_9, window_bounds = array<i64: 128, 128>}, {pipeline_mode = #tpu.pipeline_mode<synchronous>, transform_indices = @transform_10, window_bounds = array<i64: 1, 128>}, {transform_indices = @transform_11, window_bounds = array<i64: 2048, 128>}]} {
    %get3A = arith.constant 0 : index
    %get3A_0 = arith.constant 0 : index
    %get3A_1 = vector.load %arg2[%get3A, %get3A_0] : memref<2048x128xf32, #tpu.memory_space<vmem>>, vector<2048x128xf32>
    %get3A_2 = arith.constant 0 : index
    %get3A_3 = arith.constant 0 : index
    %get3A_4 = vector.load %arg3[%get3A_2, %get3A_3] : memref<2048x128xf32, #tpu.memory_space<vmem>>, vector<2048x128xf32>
    %add3A = arith.addf %get3A_1, %get3A_4 : vector<2048x128xf32>
    %get3A_5 = arith.constant 0 : index
    %get3A_6 = arith.constant 0 : index
    %get3A_7 = vector.load %arg4[%get3A_5, %get3A_6] : memref<32x2048xf32, #tpu.memory_space<vmem>>, vector<32x2048xf32>
    %broadcast_in_dim3A = arith.constant 1.000000e+00 : f32
    %broadcast_in_dim3A_8 = vector.broadcast %broadcast_in_dim3A : f32 to vector<32x1xf32>
    %dot_general3A = arith.constant dense<0.000000e+00> : vector<2048x1xf32>
    %dot_general3A_9 = tpu.matmul %get3A_7, %broadcast_in_dim3A_8, %dot_general3A {dimension_numbers = #tpu.dot_dimension_numbers<[0], [0], [1], [1], [0, 1, 1, 1], [], []>, transpose_lhs_hint = false} : vector<32x2048xf32>, vector<32x1xf32>, vector<2048x1xf32> -> vector<2048x1xf32>
    %get3A_10 = arith.constant 0 : index
    %get3A_11 = arith.constant 0 : index
    %get3A_12 = vector.load %arg5[%get3A_10, %get3A_11] : memref<128x128xf32, #tpu.memory_space<vmem>>, vector<128x128xf32>
    %dot_general3A_13 = arith.constant dense<0.000000e+00> : vector<2048x128xf32>
    %dot_general3A_14 = tpu.matmul %add3A, %get3A_12, %dot_general3A_13 {dimension_numbers = #tpu.dot_dimension_numbers<[1], [0], [0], [1], [0, 0, 1, 1], [], []>, transpose_lhs_hint = false} : vector<2048x128xf32>, vector<128x128xf32>, vector<2048x128xf32> -> vector<2048x128xf32>
    %get3A_15 = arith.constant 0 : index
    %get3A_16 = arith.constant 0 : index
    %get3A_17 = vector.load %arg6[%get3A_15, %get3A_16] : memref<1x128xf32, #tpu.memory_space<vmem>>, vector<1x128xf32>
    %mul3A = vector.broadcast %dot_general3A_9 : vector<2048x1xf32> to vector<2048x128xf32>
    %mul3A_18 = vector.broadcast %get3A_17 : vector<1x128xf32> to vector<2048x128xf32>
    %mul3A_19 = arith.mulf %mul3A, %mul3A_18 : vector<2048x128xf32>
    %add3A_20 = arith.addf %dot_general3A_14, %mul3A_19 : vector<2048x128xf32>
    %max3A = arith.constant 1.000000e+00 : f32
    %max3A_21 = vector.broadcast %max3A : f32 to vector<2048x1xf32>
    %max3A_22 = arith.maximumf %dot_general3A_9, %max3A_21 : vector<2048x1xf32>
    %div3A = vector.broadcast %max3A_22 : vector<2048x1xf32> to vector<2048x128xf32>
    %div3A_23 = arith.divf %add3A_20, %div3A : vector<2048x128xf32>
    %get3A_24 = arith.constant 0 : index
    %get3A_25 = arith.constant 0 : index
    %get3A_26 = vector.load %arg1[%get3A_24, %get3A_25] : memref<2048x128xf32, #tpu.memory_space<vmem>>, vector<2048x128xf32>
    %get3A_27 = arith.constant 0 : index
    %get3A_28 = arith.constant 0 : index
    %get3A_29 = vector.load %arg7[%get3A_27, %get3A_28] : memref<128x128xf32, #tpu.memory_space<vmem>>, vector<128x128xf32>
    %dot_general3A_30 = arith.constant dense<0.000000e+00> : vector<2048x128xf32>
    %dot_general3A_31 = tpu.matmul %get3A_26, %get3A_29, %dot_general3A_30 {dimension_numbers = #tpu.dot_dimension_numbers<[1], [0], [0], [1], [0, 0, 1, 1], [], []>, transpose_lhs_hint = false} : vector<2048x128xf32>, vector<128x128xf32>, vector<2048x128xf32> -> vector<2048x128xf32>
    %get3A_32 = arith.constant 0 : index
    %get3A_33 = arith.constant 0 : index
    %get3A_34 = vector.load %arg8[%get3A_32, %get3A_33] : memref<128x128xf32, #tpu.memory_space<vmem>>, vector<128x128xf32>
    %dot_general3A_35 = arith.constant dense<0.000000e+00> : vector<2048x128xf32>
    %dot_general3A_36 = tpu.matmul %div3A_23, %get3A_34, %dot_general3A_35 {dimension_numbers = #tpu.dot_dimension_numbers<[1], [0], [0], [1], [0, 0, 1, 1], [], []>, transpose_lhs_hint = false} : vector<2048x128xf32>, vector<128x128xf32>, vector<2048x128xf32> -> vector<2048x128xf32>
    %add3A_37 = arith.addf %dot_general3A_31, %dot_general3A_36 : vector<2048x128xf32>
    %get3A_38 = arith.constant 0 : index
    %get3A_39 = arith.constant 0 : index
    %get3A_40 = vector.load %arg9[%get3A_38, %get3A_39] : memref<1x128xf32, #tpu.memory_space<vmem>>, vector<1x128xf32>
    %add3A_41 = vector.broadcast %get3A_40 : vector<1x128xf32> to vector<2048x128xf32>
    %add3A_42 = arith.addf %add3A_37, %add3A_41 : vector<2048x128xf32>
    %max3A_43 = arith.constant 0.000000e+00 : f32
    %max3A_44 = vector.broadcast %max3A_43 : f32 to vector<2048x128xf32>
    %max3A_45 = arith.maximumf %add3A_42, %max3A_44 : vector<2048x128xf32>
    %get3A_46 = arith.constant 0 : index
    %get3A_47 = arith.constant 0 : index
    %get3A_48 = vector.load %arg10[%get3A_46, %get3A_47] : memref<128x128xf32, #tpu.memory_space<vmem>>, vector<128x128xf32>
    %dot_general3A_49 = arith.constant dense<0.000000e+00> : vector<2048x128xf32>
    %dot_general3A_50 = tpu.matmul %max3A_45, %get3A_48, %dot_general3A_49 {dimension_numbers = #tpu.dot_dimension_numbers<[1], [0], [0], [1], [0, 0, 1, 1], [], []>, transpose_lhs_hint = false} : vector<2048x128xf32>, vector<128x128xf32>, vector<2048x128xf32> -> vector<2048x128xf32>
    %get3A_51 = arith.constant 0 : index
    %get3A_52 = arith.constant 0 : index
    %get3A_53 = vector.load %arg11[%get3A_51, %get3A_52] : memref<1x128xf32, #tpu.memory_space<vmem>>, vector<1x128xf32>
    %add3A_54 = vector.broadcast %get3A_53 : vector<1x128xf32> to vector<2048x128xf32>
    %add3A_55 = arith.addf %dot_general3A_50, %add3A_54 : vector<2048x128xf32>
    %swap3A = arith.constant 0 : index
    %swap3A_56 = arith.constant 0 : index
    %swap3A_57 = vector.load %arg12[%swap3A, %swap3A_56] : memref<2048x128xf32, #tpu.memory_space<vmem>>, vector<2048x128xf32>
    tpu.vector_store %arg12[%swap3A, %swap3A_56], %add3A_55 {strides = array<i32>} : memref<2048x128xf32, #tpu.memory_space<vmem>>, vector<2048x128xf32>,
    return
  }
  func.func @transform_0(%arg0: i32) -> (i32, i32) {
    %c0_i32 = arith.constant 0 : i32
    %c0_i32_0 = arith.constant 0 : i32
    return %arg0, %c0_i32 : i32, i32
  }
  func.func @transform_1(%arg0: i32) -> (i32, i32) {
    %c0_i32 = arith.constant 0 : i32
    %c0_i32_0 = arith.constant 0 : i32
    return %arg0, %c0_i32 : i32, i32
  }
  func.func @transform_2(%arg0: i32) -> (i32, i32) {
    %c0_i32 = arith.constant 0 : i32
    %c0_i32_0 = arith.constant 0 : i32
    return %arg0, %c0_i32 : i32, i32
  }
  func.func @transform_3(%arg0: i32) -> (i32, i32) {
    %c0_i32 = arith.constant 0 : i32
    %c0_i32_0 = arith.constant 0 : i32
    return %c0_i32, %arg0 : i32, i32
  }
  func.func @transform_4(%arg0: i32) -> (i32, i32) {
    %c0_i32 = arith.constant 0 : i32
    %c0_i32_0 = arith.constant 0 : i32
    %c0_i32_1 = arith.constant 0 : i32
    return %c0_i32, %c0_i32_0 : i32, i32
  }
  func.func @transform_5(%arg0: i32) -> (i32, i32) {
    %c0_i32 = arith.constant 0 : i32
    %c0_i32_0 = arith.constant 0 : i32
    %c0_i32_1 = arith.constant 0 : i32
    return %c0_i32, %c0_i32_0 : i32, i32
  }
  func.func @transform_6(%arg0: i32) -> (i32, i32) {
    %c0_i32 = arith.constant 0 : i32
    %c0_i32_0 = arith.constant 0 : i32
    %c0_i32_1 = arith.constant 0 : i32
    return %c0_i32, %c0_i32_0 : i32, i32
  }
  func.func @transform_7(%arg0: i32) -> (i32, i32) {
    %c0_i32 = arith.constant 0 : i32
    %c0_i32_0 = arith.constant 0 : i32
    %c0_i32_1 = arith.constant 0 : i32
    return %c0_i32, %c0_i32_0 : i32, i32
  }
  func.func @transform_8(%arg0: i32) -> (i32, i32) {
    %c0_i32 = arith.constant 0 : i32
    %c0_i32_0 = arith.constant 0 : i32
    %c0_i32_1 = arith.constant 0 : i32
    return %c0_i32, %c0_i32_0 : i32, i32
  }
  func.func @transform_9(%arg0: i32) -> (i32, i32) {
    %c0_i32 = arith.constant 0 : i32
    %c0_i32_0 = arith.constant 0 : i32
    %c0_i32_1 = arith.constant 0 : i32
    return %c0_i32, %c0_i32_0 : i32, i32
  }
  func.func @transform_10(%arg0: i32) -> (i32, i32) {
    %c0_i32 = arith.constant 0 : i32
    %c0_i32_0 = arith.constant 0 : i32
    %c0_i32_1 = arith.constant 0 : i32
    return %c0_i32, %c0_i32_0 : i32, i32
  }
  func.func @transform_11(%arg0: i32) -> (i32, i32) {
    %c0_i32 = arith.constant 0 : i32
    %c0_i32_0 = arith.constant 0 : i32
    return %arg0, %c0_i32 : i32, i32
  }
}

</mosaic_0001>

<sc_bundles>
// kernel: kernel.6.cloned.1.call-start
scs
__scs_entry_jumppad:
0x0: {  	(pc) =	sbr.rel $0x88, $3  }
0x1: {  	(tag) =	ssettag $0x0;
	lr =	simm.s32 $0x1  }
0x2: {  	[smem:$0x3F96] =	sst lr;
	_ =	strace $0xD0000000  }
0x3: {  	_ = 	snop  }
0x4: {  	_ = 	snop  }
0x5: {  	_ = 	snop  }
0x6: {  	_ = 	snop  }
0x7: {  	_ = 	snop  }
__scs_overlays_trampoline_lowered:
0x8: {  	[smem:$0x3FA5] =	sst s0  }
0x9: {  	[smem:$0x3FA6] =	sst s1  }
0xa: {  	[smem:$0x3FA7] =	sst s2  }
0xb: {  	[smem:$0x3FA8] =	sst s3  }
0xc: {  	[smem:$0x3FA9] =	sst s4  }
0xd: {  	[smem:$0x3FAA] =	sst s5  }
0xe: {  	[smem:$0x3FAB] =	sst s6  }
0xf: {  	[smem:$0x3FAC] =	sst s7  }
0x10: {  	[smem:$0x3FAD] =	sst s8  }
0x11: {  	[smem:$0x3FAE] =	sst s9;
	s0 =	simm.s32 @!p0 $0x0  }
0x12: {  	s1 =	sld [smem:$0x3F94];
	s0 =	simm.s32 @p0 $0x1  }
0x13: {  	[smem:$0x3FAF] =	sst s0;
	s0 =	simm.s32 @!p1 $0x0  }
0x14: {  	s2 =	sld [smem:$0x3F93];
	s0 =	simm.s32 @p1 $0x1  }
0x15: {  	[smem:$0x3FB0] =	sst s0;
	s0 =	simm.s32 @!p2 $0x0  }
0x16: {  	s3 =	sld [smem:$0x3FDB];
	s0 =	simm.s32 @p2 $0x1  }
0x17: {  	s4 =	simm.s32 $0x1BF5;
	[smem:$0x3FB2] =	sst s0  }
0x18: {  	s0 =	sld [smem:$0x3F95];
	_ =	swait.ge [sflag:s4], $0x0  }
0x19: {  	s7 =	sld [smem:$0x3F96]  }
0x1a: {  	s8 =	sadd.s32 $0xFFFFE003, lr  }
0x1b: {  	s9 =	sadd.s32 $0xFFFFFEF7, lr;
	s5 =	simm.s32 $0xFFFFFFFF;
	p2 =	slt.u32 s8, $0xFFFFF086  }
0x1c: {  	p1 =	slt.u32 s9, $0xF7A;
	s5 =	simm.s32 @!p2 $0x0  }
0x1d: {  	s5 =	simm.s32 @p1 $0x1;
	p0 =	seq.s32 s7, s2  }
0x1e: {  	s7 =	smul.u32 @!p0 $0xF7A, s2;
	p2 =	seq.s32 @!p0 s5, $0x0  }
0x1f: {  	s9 =	smul.u32 $0xF7A, s1;
	s8 =	simm.s32 @!p0 $0x1BF5;
	p2 =	por !p2, p0  }
0x20: {  	[sflag:s8] =	ssyncset.s32 @!p0 $0xFFFFF086;
	s6 =	sadd.s32 @!p0 s3, s7;
	s7 =	simm.s32 @!p0 $0x108  }
0x21: {  	s3 =	sadd.s32 s3, s9;
	s6 =	sadd.s32 @!p0 $0x88, s6;
	s7 =	simm.s32 @p2 $0x1082  }
0x22: {  	[simem:s7], [sflag:s8] =	dma.local @!p0 [hbm:s6], $0xF7A  }
0x23: {  	s9 =	sor.u32 $0xD0000000, s2;
	s6 =	simm.s32 $0x108;
	_ =	swait.ge @!p0 [sflag:s8], $0x0  }
0x24: {  	s3 =	sadd.s32 $0x88, s3;
	s6 =	simm.s32 @!p1 $0x1082;
	[sflag:s4] =	ssyncset.s32 $0xFFFFF086  }
0x25: {  	[simem:s6], [sflag:s4] =	dma.local [hbm:s3], $0xF7A  }
0x26: {  	[smem:$0x3F96] =	sst s1;
	(tag) =	ssettag s2;
	_ =	strace s9  }
0x27: {  	s1 =	sld [smem:$0x3FA6]  }
0x28: {  	s2 =	sld [smem:$0x3FA7]  }
0x29: {  	s4 =	sld [smem:$0x3FA9]  }
0x2a: {  	p0 =	seq.s32 s5, $0x0;
	s5 =	sld [smem:$0x3FAA]  }
0x2b: {  	s6 =	sld [smem:$0x3FAB]  }
0x2c: {  	s7 =	sld [smem:$0x3FAC]  }
0x2d: {  	s3 =	simm.s32 $0x108;
	s8 =	sld [smem:$0x3FAD]  }
0x2e: {  	s3 =	simm.s32 @!p0 $0x1082;
	s9 =	sld [smem:$0x3FAE]  }
0x2f: {  	lr =	sadd.s32 s0, s3;
	s0 =	sld [smem:$0x3FA5]  }
0x30: {  	s3 =	sld [smem:$0x3FA8]  }
0x31: {  	[smem:$0x3FB1] =	sst s10  }
0x32: {  	s10 =	sld [smem:$0x3FAF];
	_ =	sdelay $0x3  }
0x33: {  	p0 =	seq.s32 s10, $0x1;
	s10 =	sld [smem:$0x3FB1];
	_ =	sdelay $0x3  }
0x34: {  	[smem:$0x3FB1] =	sst s10  }
0x35: {  	s10 =	sld [smem:$0x3FB0];
	_ =	sdelay $0x3  }
0x36: {  	p1 =	seq.s32 s10, $0x1;
	s10 =	sld [smem:$0x3FB1];
	_ =	sdelay $0x3  }
0x37: {  	[smem:$0x3FB1] =	sst s10  }
0x38: {  	s10 =	sld [smem:$0x3FB2]  }
0x39: {  	_ = 	snop;
	(pc) =	sbr.ind lr, $3  }
0x3a: {  	_ = 	snop  }
0x3b: {  	_ = 	snop  }
0x3c: {  	p2 =	seq.s32 s10, $0x1;
	s10 =	sld [smem:$0x3FB1]  }
0x3d: {  	_ =	shalt  }
0x3e: {  	_ =	shalt  }
0x3f: {  	_ =	shalt  }
0x40: {  	_ =	shalt  }
0x41: {  	_ =	shalt  }
0x42: {  	_ =	shalt  }
0x43: {  	_ =	shalt  }
0x44: {  	_ =	shalt  }
0x45: {  	_ =	shalt  }
0x46: {  	_ =	shalt  }
0x47: {  	_ =	shalt  }
0x48: {  	_ =	shalt  }
0x49: {  	_ =	shalt  }
0x4a: {  	_ =	shalt  }
0x4b: {  	_ =	shalt  }
0x4c: {  	_ =	shalt  }
0x4d: {  	_ =	shalt  }
0x4e: {  	_ =	shalt  }
0x4f: {  	_ =	shalt  }
0x50: {  	_ =	shalt  }
0x51: {  	_ =	shalt  }
0x52: {  	_ =	shalt  }
0x53: {  	_ =	shalt  }
0x54: {  	_ =	shalt  }
0x55: {  	_ =	shalt  }
0x56: {  	_ =	shalt  }
0x57: {  	_ =	shalt  }
0x58: {  	_ =	shalt  }
0x59: {  	_ =	shalt  }
0x5a: {  	_ =	shalt  }
0x5b: {  	_ =	shalt  }
0x5c: {  	_ =	shalt  }
0x5d: {  	_ =	shalt  }
0x5e: {  	_ =	shalt  }
0x5f: {  	_ =	shalt  }
0x60: {  	_ =	shalt  }
0x61: {  	_ =	shalt  }
0x62: {  	_ =	shalt  }
0x63: {  	_ =	shalt  }
0x64: {  	_ =	shalt  }
0x65: {  	_ =	shalt  }
0x66: {  	_ =	shalt  }
0x67: {  	_ =	shalt  }
0x68: {  	_ =	shalt  }
0x69: {  	_ =	shalt  }
0x6a: {  	_ =	shalt  }
0x6b: {  	_ =	shalt  }
0x6c: {  	_ =	shalt  }
0x6d: {  	_ =	shalt  }
0x6e: {  	_ =	shalt  }
0x6f: {  	_ =	shalt  }
0x70: {  	_ =	shalt  }
0x71: {  	_ =	shalt  }
0x72: {  	_ =	shalt  }
0x73: {  	_ =	shalt  }
0x74: {  	_ =	shalt  }
0x75: {  	_ =	shalt  }
0x76: {  	_ =	shalt  }
0x77: {  	_ =	shalt  }
0x78: {  	_ =	shalt  }
0x79: {  	_ =	shalt  }
0x7a: {  	_ =	shalt  }
0x7b: {  	_ =	shalt  }
0x7c: {  	_ =	shalt  }
0x7d: {  	_ =	shalt  }
0x7e: {  	_ =	shalt  }
0x7f: {  	_ =	shalt  }
0x80: {  	_ =	shalt  }
0x81: {  	_ =	shalt  }
0x82: {  	_ =	shalt  }
0x83: {  	_ =	shalt  }
0x84: {  	_ =	shalt  }
0x85: {  	_ =	shalt  }
0x86: {  	_ =	shalt  }
0x87: {  	_ =	shalt  }
.Lfunc_end0:
.L_simem_size_0:
called_computation_lowered:
.L_overlay_start_0:
0x88: {  	s2 =	sld [smem:$0x3FD9]  }
0x89: {  	s3 =	sld [smem:$0x3FFE];
	_ =	sdelay $0x1  }
0x8a: {  	s1 =	srdreg.scid  }
0x8b: {  	s0 =	sand.u32 $0x1, s1  }
0x8c: {  	s17 =	sshll.u32 s0, $0xA;
	s2 =	sadd.s32 s3, s2  }
0x8d: {  	s2 =	sadd.s32 s2, s17  }
0x8e: {  	[smem:$0x3FBD] =	sst s2  }
0x8f: {  	_ = 	snop  }
0x90: {  	s2 =	sld [smem:$0x3FD0];
	(tm) =	ssettm $0x1  }
0x91: {  	s18 =	sld [smem:$0x3FFB];
	_ =	sdelay $0x3  }
0x92: {  	_ =	strace s18  }
0x93: {  	s3 =	sld [smem:$0x3FFC];
	_ =	sdelay $0x3  }
0x94: {  	_ =	strace s3  }
0x95: {  	s3 =	sld [smem:$0x3FFD];
	_ =	sdelay $0x3  }
0x96: {  	_ =	strace s3  }
0x97: {  	_ =	strace $0x8FFFFFFF  }
0x98: {  	s19 =	sld [smem:$0x3FDB];
	_ =	sdelay $0x1  }
0x99: {  	s4 =	simm.s32 $_scs_section_size  }
0x9a: {  	s5 =	simm.s32 $_size__tile_overlayer_lowered;
	s6 =	simm.s32 $_tile_overlayer_lowered  }
0x9b: {  	s22 =	simm.s32 $0x1BFF;
	s21 =	sshll.u32 s6, $0x1;
	s3 =	sadd.s32 s4, s19  }
0x9c: {  	s7 =	simm.s32 $0x0;
	s20 =	sshll.u32 s5, $0x1;
	s5 =	sadd.s32 s21, s3  }
0x9d: {  	[timem:s7], [sflag:s22] =	dma.local [hbm:s5], s20  }
0x9e: {  	_ =	swait.ge [sflag:s22], s20  }
0x9f: {  	s4 =	ssub.s32 $0x0, s20;
	[sflag:s22] =	ssyncset.done $0x0  }
0xa0: {  	[sflag:s22] =	ssyncadd.s32 s4;
	_ =	sdelay $0x1  }
0xa1: {  	s23 =	simm.s32 $0x1B8B  }
0xa2: {  	_ =	swait.ge [sflag:s23], $0x1  }
0xa3: {  	[sflag:s23] =	ssyncset.done $0x0  }
0xa4: {  	s25 =	simm.s32 $0x1B8E;
	s24 =	sld [smem:$0x3FFE];
	[sflag:s23] =	ssyncadd.s32 $0xFFFFFFFF  }
0xa5: {  	s26 =	simm.s32 $execute0_lowered;
	[smem:$0x3FD2] =	sst s25  }
0xa6: {  	s5 =	sshll.u32 s26, $0x1;
	_ =	strace $0x80000046;
	[dreg:$0x1] =	wrdreg $0xFFFFFFFF  }
0xa7: {  	s28 =	simm.s32 $_size_execute0_lowered;
	s3 =	sadd.s32 s3, s5;
	[dreg:$0x0] =	wrdreg $0x0  }
0xa8: {  	s5 =	sshll.u32 s28, $0x1;
	[dreg:$0x2] =	wrdreg s3  }
0xa9: {  	[dreg:$0x3] =	wrdreg s5  }
0xaa: {  	[dreg:$0x4] =	wrdreg $0xC0  }
0xab: {  	_ =	task [dreg:s7], $0x5FFFF  }
0xac: {  	[dreg:$0x1] =	wrdreg $0xFFFFFFFF  }
0xad: {  	[dreg:$0x0] =	wrdreg $0x60  }
0xae: {  	[dreg:$0x2] =	wrdreg s2  }
0xaf: {  	[dreg:$0x3] =	wrdreg s24  }
0xb0: {  	[dreg:$0x4] =	wrdreg $0xB4000  }
0xb1: {  	[dreg:$0x5] =	wrdreg $0x9  }
0xb2: {  	_ =	task.clear_ibuf [dreg:s7], $0x6FFFF;
	_ =	strace $0x90000046  }
0xb3: {  	s29 =	simm.s32 $0x9;
	_ =	strace $0x80000048  }
0xb4: {  	_ =	swait.ge [sflag:s29], $0x1  }
0xb5: {  	[sflag:s29] =	ssyncadd.s32 $0xFFFFFFFF  }
0xb6: {  	_ =	strace $0x90000048  }
0xb7: {  	_ =	sfence  }
0xb8: {  	s30 =	sld [smem:$0x0];
	_ =	sdelay $0x2  }
0xb9: {  	s31 =	sshll.u32 s1, $0xD;
	s1 =	sshrl.u32 s1, $0x2  }
0xba: {  	s3 =	sand.u32 $0x4000, s31;
	s1 =	sadd.s32 s1, s30  }
0xbb: {  	s0 =	sor.u32 s3, s0;
	s1 =	sshll.u32 s1, $0x11  }
0xbc: {  	s0 =	sor.u32 s1, s0  }
0xbd: {  	s0 =	sadd.s32 $0x8F2B, s0  }
0xbe: {  	[sflag:s0] =	ssyncadd.remote.s32 $0x1  }
0xbf: {  	_ =	sfence.sel $0xFFFF  }
0xc0: {  	[dreg:$0x0] =	wrdreg $0xFFFFFFFF;
	(pc) =	sbr.abs _section_cstart, $3  }
0xc1: {  	[dreg:$0x1] =	wrdreg $0xFFFFFFFF  }
0xc2: {  	_ =	task.clear_ibuf [dreg:s7], $0x2FFFF;
	_ =	strace $0x9FFFFFFF  }
0xc3: {  	(tm) =	ssettm $0x7FFFFFFF  }
tec
execute0_lowered:
.L_overlay_start_1:
0x0: {  	(tag) =	ssettag $0x1  }
0x1: {  	s1 =	rddreg [dreg:$0x0]  }
0x2: {  	s0 =	rddreg [dreg:$0x1]  }
0x3: {  	s3 =	srdreg.scid;
	s12 =	stileid.u32  }
0x4: {  	s2 =	rddreg [dreg:$0x2];
	s3 =	sand.u32 $0x1, s3;
	s7 =	smul.u32 $0x14000, s12  }
0x5: {  	s10 =	sshll.u32 s12, $0x7;
	s6 =	smul.u32 $0x140000, s3;
	s5 =	sshll.u32 s3, $0x4  }
0x6: {  	s3 =	ssub.s32 $0x2, s3;
	s9 =	sor.u32 s12, s5;
	s12 =	smul.u32 $0x50000, s12  }
0x7: {  	s4 =	simm.s32 $0x0;
	s25 =	sshrl.u32 s3, $0x1;
	s28 =	smul.u32 $0x138800, s9  }
0x8: {  	[smem:$0x7FF] =	sst s4;
	s24 =	sand.u32 $0x380, s10;
	s3 =	ssub.s32 s3, s25  }
0x9: {  	s12 =	sshrl.u32 s12, $0x2;
	s10 =	sshrl.u32 s28, $0x3;
	s28 =	smax.u32 s3, $0x1  }
0xa: {  	_ =	strace $0x80000047;
	s19 =	sadd.s32 s12, s2;
	[dreg:$0x14] =	wrdreg s28  }
0xb: {  	s15 =	sadd.s32 $0x1000, s19;
	[dreg:$0x5] =	wrdreg s19  }
0xc: {  	s5 =	sadd.s32 $0x21C00, s0;
	s16 =	sadd.s32 $0x2000, s19;
	[dreg:$0x7] =	wrdreg s15  }
0xd: {  	s8 =	sshrl.u32 s9, $0x3;
	s17 =	sadd.s32 $0x3000, s19;
	[dreg:$0x8] =	wrdreg s16  }
0xe: {  	s7 =	sadd.s32 s7, s6;
	s18 =	sadd.s32 $0x4000, s19;
	[dreg:$0x9] =	wrdreg s17  }
0xf: {  	s6 =	sadd.s32 $0x2800, s0;
	s20 =	sadd.s32 $0x5000, s19;
	[dreg:$0xa] =	wrdreg s18  }
0x10: {  	s8 =	smul.u32 $0x14000, s8;
	s21 =	sadd.s32 $0x6000, s19;
	[dreg:$0xb] =	wrdreg s20  }
0x11: {  	s11 =	sshrl.u32 s7, $0x3;
	s3 =	sadd.s32 $0x7000, s19;
	[dreg:$0xc] =	wrdreg s21  }
0x12: {  	s10 =	sadd.s32 s5, s10;
	s12 =	sadd.s32 $0xB000, s19;
	[dreg:$0x15] =	wrdreg s3  }
0x13: {  	s7 =	smul.u32 $0x7D00, s9;
	s22 =	sadd.s32 $0x500, s10;
	[dreg:$0x19] =	wrdreg s12  }
0x14: {  	s11 =	sadd.s32 s11, s0;
	s23 =	sadd.s32 $0xA00, s10;
	[dreg:$0xe] =	wrdreg s22  }
0x15: {  	s8 =	sor.u32 s24, s8;
	s24 =	sadd.s32 $0x26700, s10;
	[dreg:$0xf] =	wrdreg s23  }
0x16: {  	s26 =	sshrl.u32 s7, $0x3;
	s25 =	sadd.s32 $0x26C00, s10;
	[dreg:$0x10] =	wrdreg s24  }
0x17: {  	s13 =	sadd.s32 s6, s26;
	s26 =	sadd.s32 $0x503C00, s11;
	[dreg:$0x11] =	wrdreg s25  }
0x18: {  	s29 =	simm.s32 $0x400;
	s10 =	sadd.s32 $0x9000, s19;
	[dreg:$0x13] =	wrdreg s26  }
0x19: {  	s30 =	simm.s32 $0x5400;
	s11 =	sadd.s32 $0xA000, s19;
	[dreg:$0x17] =	wrdreg s10  }
0x1a: {  	s31 =	simm.s32 $0x2;
	s15 =	sadd.s32 $0xD000, s19;
	[dreg:$0x18] =	wrdreg s11  }
0x1b: {  	s8 =	sshrl.u32 s8, $0x3;
	s16 =	sadd.s32 $0xE000, s19;
	[dreg:$0x1b] =	wrdreg s15  }
0x1c: {  	s17 =	sadd.s32 $0xF000, s19;
	s18 =	sadd.s32 $0x10000, s19;
	[dreg:$0x1c] =	wrdreg s16  }
0x1d: {  	s20 =	sadd.s32 $0x11000, s19;
	s21 =	sadd.s32 $0x12000, s19;
	[dreg:$0x1d] =	wrdreg s17  }
0x1e: {  	s3 =	simm.s32 $0x7;
	s12 =	simm.s32 $0x2C00;
	[dreg:$0x1e] =	wrdreg s18  }
0x1f: {  	s0 =	sadd.s32 s8, s0;
	s8 =	smul.u32 $0x2710, s9;
	[dreg:$0x1f] =	wrdreg s20  }
0x20: {  	s14 =	sadd.s32 $0x20, s13;
	s9 =	smul.u32 $0x27100, s9;
	[smem:$0x7F7] =	sst s21  }
0x21: {  	s22 =	sadd.s32 $0x13000, s19;
	s23 =	sadd.s32 $0x40, s13;
	[dreg:$0x4] =	wrdreg s13  }
0x22: {  	s24 =	sadd.s32 $0x60, s13;
	s26 =	sadd.s32 $0x700, s7;
	[dreg:$0x6] =	wrdreg s14  }
0x23: {  	s28 =	sadd.s32 $0xF80, s13;
	s13 =	simm.s32 $0x8C00;
	[smem:$0x7F8] =	sst s22  }
0x24: {  	s15 =	simm.s32 $0x3;
	s16 =	simm.s32 $0x6;
	[smem:$0x7F9] =	sst s23  }
0x25: {  	s17 =	simm.s32 $0x8;
	s21 =	simm.s32 $0x300;
	[smem:$0x7FA] =	sst s24  }
0x26: {  	s10 =	simm.s32 $0x9;
	s18 =	simm.s32 $0x0;
	[smem:$0x7FC] =	sst s26  }
0x27: {  	s0 =	sadd.s32 $0x553C00, s0;
	s14 =	sadd.s32 $0xC000, s19;
	[smem:$0x7FD] =	sst s28  }
0x28: {  	s22 =	simm.s32 $0x100;
	s24 =	simm.s32 $0xA;
	[dreg:$0x12] =	wrdreg s0  }
0x29: {  	s26 =	simm.s32 $0x50;
	s9 =	sadd.s32 s5, s9;
	[dreg:$0x1a] =	wrdreg s14  }
0x2a: {  	s25 =	sadd.s32 $0xF0, s8;
	s0 =	simm.s32 $0x5;
	[dreg:$0xd] =	wrdreg s9  }
0x2b: {  	s14 =	simm.s32 $0x200;
	s9 =	sadd.s32 $0x8000, s19;
	[smem:$0x7FB] =	sst s25  }
0x2c: {  	v0 =	vimm.f32 $0.0e+00;
	v1 =	vimm.f32 $1.000000000e+00;
	s25 =	simm.s32 $0x1;
	[dreg:$0x16] =	wrdreg s9;
	s9 =	simm.s32 $0x4  }
.LBB2_1:
0x2d: {  	[smem:$0x7F6] =	sst s18  }
0x2e: {  	s11 =	rddreg [dreg:$0x4]  }
0x2f: {  	[tilespmem:s4], [sflag:$0x1] =	stream.linear.gather [hbm4b:s11+s4], $0x100, $0x38;
	[tilespmem:$0x1F400] =	vst v63  }
0x30: {  	s28 =	rddreg [dreg:$0x6];
	s18 =	simm.s32 $0x200;
	s11 =	simm.s32 $0x0  }
0x31: {  	[tilespmem:s22], [sflag:$0x2] =	stream.linear.gather [hbm4b:s28+s4], $0x100, $0x38;
	[tilespmem:$0x1F400] =	vst v63  }
.LBB2_2:
0x32: {  	p0 =	sne.s32 s18, $0x3E00;
	[tilespmem:s11+$0x7C70] =	vst v0  }
0x33: {  	[tilespmem:s11+$0x7C00] =	vst v0  }
0x34: {  	[tilespmem:s11+$0x7C10] =	vst v0  }
.Ltmp0:
0x35: {  	[tilespmem:s11+$0x7C20] =	vst v0;
	(pc) =	sbr.rel @p0 .LBB2_2-.Ltmp0, $4  }
0x36: {  	[tilespmem:s11+$0x7C30] =	vst v0  }
0x37: {  	[tilespmem:s11+$0x7C40] =	vst v0  }
0x38: {  	[tilespmem:s11+$0x7C50] =	vst v0  }
0x39: {  	[tilespmem:s11+$0x7C60] =	vst v0;
	s11 =	sshra.s32 s18, $0x2;
	s18 =	sadd.s32 $0x200, s18  }
0x3a: {  	[tilespmem:s11+$0x7C70] =	vst v0  }
0x3b: {  	[tilespmem:s11+$0x7C00] =	vst v0  }
0x3c: {  	[tilespmem:s11+$0x7C10] =	vst v0  }
0x3d: {  	[tilespmem:s11+$0x7C20] =	vst v0  }
0x3e: {  	[tilespmem:s11+$0x7C30] =	vst v0  }
0x3f: {  	[tilespmem:s11+$0x7C40] =	vst v0  }
0x40: {  	[tilespmem:s11+$0x7C50] =	vst v0  }
0x41: {  	[tilespmem:s11+$0x7C60] =	vst v0;
	s11 =	simm.s32 $0x40;
	s18 =	simm.s32 $0x0  }
.LBB2_4:
0x42: {  	p0 =	sne.s32 s11, $0x9FC0;
	[tilespmem:s18+$0x8C00] =	vst v0;
	s18 =	smov.u32 s11;
	s11 =	sadd.s32 $0x40, s11  }
.Ltmp1:
0x43: {  	(pc) =	sbr.rel @p0 .LBB2_4-.Ltmp1, $2  }
0x44: {  	_ =	sdelay $0x2  }
0x45: {  	s18 =	sshra.s32 s18, $0x2  }
0x46: {  	[tilespmem:s18+$0x8C00] =	vst v0;
	s18 =	simm.s32 $0x7C00  }
0x47: {  	[spmem:s19] =	stream.linear.scatter [tilespmem:s18], [sflag:$0xA], $0x1000, $0x38;
	[tilespmem:$0x1F400] =	vst v63  }
0x48: {  	_ =	swait.ge [sflag:s24], $0x1000  }
0x49: {  	[sflag:s24] =	ssyncset.done $0x0  }
0x4a: {  	s11 =	rddreg [dreg:$0x7];
	[sflag:s24] =	ssyncadd.s32 $0xFFFFF000  }
0x4b: {  	[spmem:s11] =	stream.linear.scatter [tilespmem:s18], [sflag:$0xA], $0x1000, $0x38;
	[tilespmem:$0x1F400] =	vst v63  }
0x4c: {  	_ =	swait.ge [sflag:s24], $0x1000  }
0x4d: {  	[sflag:s24] =	ssyncset.done $0x0  }
0x4e: {  	s28 =	rddreg [dreg:$0x8];
	[sflag:s24] =	ssyncadd.s32 $0xFFFFF000  }
0x4f: {  	[spmem:s28] =	stream.linear.scatter [tilespmem:s18], [sflag:$0xA], $0x1000, $0x38;
	[tilespmem:$0x1F400] =	vst v63  }
0x50: {  	_ =	swait.ge [sflag:s24], $0x1000  }
0x51: {  	[sflag:s24] =	ssyncset.done $0x0  }
0x52: {  	s19 =	rddreg [dreg:$0x9];
	[sflag:s24] =	ssyncadd.s32 $0xFFFFF000  }
0x53: {  	[spmem:s19] =	stream.linear.scatter [tilespmem:s18], [sflag:$0xA], $0x1000, $0x38;
	[tilespmem:$0x1F400] =	vst v63  }
0x54: {  	_ =	swait.ge [sflag:s24], $0x1000  }
0x55: {  	[sflag:s24] =	ssyncset.done $0x0  }
0x56: {  	s20 =	rddreg [dreg:$0xa];
	[sflag:s24] =	ssyncadd.s32 $0xFFFFF000  }
0x57: {  	[spmem:s20] =	stream.linear.scatter [tilespmem:s18], [sflag:$0xA], $0x1000, $0x38;
	[tilespmem:$0x1F400] =	vst v63  }
0x58: {  	_ =	swait.ge [sflag:s24], $0x1000  }
0x59: {  	[sflag:s24] =	ssyncset.done $0x0  }
0x5a: {  	s23 =	rddreg [dreg:$0xb];
	[sflag:s24] =	ssyncadd.s32 $0xFFFFF000  }
0x5b: {  	[spmem:s23] =	stream.linear.scatter [tilespmem:s18], [sflag:$0xA], $0x1000, $0x38;
	[tilespmem:$0x1F400] =	vst v63  }
0x5c: {  	_ =	swait.ge [sflag:s24], $0x1000  }
0x5d: {  	[sflag:s24] =	ssyncset.done $0x0  }
0x5e: {  	s28 =	rddreg [dreg:$0xc];
	[sflag:s24] =	ssyncadd.s32 $0xFFFFF000  }
0x5f: {  	[spmem:s28] =	stream.linear.scatter [tilespmem:s18], [sflag:$0xA], $0x1000, $0x38;
	[tilespmem:$0x1F400] =	vst v63  }
0x60: {  	_ =	swait.ge [sflag:s24], $0x1000  }
0x61: {  	[sflag:s24] =	ssyncset.done $0x0  }
0x62: {  	s19 =	rddreg [dreg:$0x15];
	[sflag:s24] =	ssyncadd.s32 $0xFFFFF000  }
0x63: {  	[spmem:s19] =	stream.linear.scatter [tilespmem:s18], [sflag:$0xA], $0x1000, $0x38;
	[tilespmem:$0x1F400] =	vst v63  }
0x64: {  	_ =	swait.ge [sflag:s24], $0x1000  }
0x65: {  	[sflag:s24] =	ssyncset.done $0x0  }
0x66: {  	s20 =	rddreg [dreg:$0x16];
	[sflag:s24] =	ssyncadd.s32 $0xFFFFF000  }
0x67: {  	[spmem:s20] =	stream.linear.scatter [tilespmem:s18], [sflag:$0xA], $0x1000, $0x38;
	[tilespmem:$0x1F400] =	vst v63  }
0x68: {  	_ =	swait.ge [sflag:s24], $0x1000  }
0x69: {  	[sflag:s24] =	ssyncset.done $0x0  }
0x6a: {  	s23 =	rddreg [dreg:$0x17];
	[sflag:s24] =	ssyncadd.s32 $0xFFFFF000  }
0x6b: {  	[spmem:s23] =	stream.linear.scatter [tilespmem:s18], [sflag:$0xA], $0x1000, $0x38;
	[tilespmem:$0x1F400] =	vst v63  }
0x6c: {  	_ =	swait.ge [sflag:s24], $0x1000  }
0x6d: {  	[sflag:s24] =	ssyncset.done $0x0  }
0x6e: {  	s28 =	rddreg [dreg:$0x18];
	[sflag:s24] =	ssyncadd.s32 $0xFFFFF000  }
0x6f: {  	[spmem:s28] =	stream.linear.scatter [tilespmem:s18], [sflag:$0xA], $0x1000, $0x38;
	[tilespmem:$0x1F400] =	vst v63  }
0x70: {  	_ =	swait.ge [sflag:s24], $0x1000  }
0x71: {  	[sflag:s24] =	ssyncset.done $0x0  }
0x72: {  	s19 =	rddreg [dreg:$0x19];
	[sflag:s24] =	ssyncadd.s32 $0xFFFFF000  }
0x73: {  	[spmem:s19] =	stream.linear.scatter [tilespmem:s18], [sflag:$0xA], $0x1000, $0x38;
	[tilespmem:$0x1F400] =	vst v63  }
0x74: {  	_ =	swait.ge [sflag:s24], $0x1000  }
0x75: {  	[sflag:s24] =	ssyncset.done $0x0  }
0x76: {  	s20 =	rddreg [dreg:$0x1a];
	[sflag:s24] =	ssyncadd.s32 $0xFFFFF000  }
0x77: {  	[spmem:s20] =	stream.linear.scatter [tilespmem:s18], [sflag:$0xA], $0x1000, $0x38;
	[tilespmem:$0x1F400] =	vst v63  }
0x78: {  	_ =	swait.ge [sflag:s24], $0x1000  }
0x79: {  	[sflag:s24] =	ssyncset.done $0x0  }
0x7a: {  	s23 =	rddreg [dreg:$0x1b];
	[sflag:s24] =	ssyncadd.s32 $0xFFFFF000  }
0x7b: {  	[spmem:s23] =	stream.linear.scatter [tilespmem:s18], [sflag:$0xA], $0x1000, $0x38;
	[tilespmem:$0x1F400] =	vst v63  }
0x7c: {  	_ =	swait.ge [sflag:s24], $0x1000  }
0x7d: {  	[sflag:s24] =	ssyncset.done $0x0  }
0x7e: {  	s28 =	rddreg [dreg:$0x1c];
	[sflag:s24] =	ssyncadd.s32 $0xFFFFF000  }
0x7f: {  	[spmem:s28] =	stream.linear.scatter [tilespmem:s18], [sflag:$0xA], $0x1000, $0x38;
	[tilespmem:$0x1F400] =	vst v63  }
0x80: {  	_ =	swait.ge [sflag:s24], $0x1000  }
0x81: {  	[sflag:s24] =	ssyncset.done $0x0  }
0x82: {  	s19 =	rddreg [dreg:$0x1d];
	[sflag:s24] =	ssyncadd.s32 $0xFFFFF000  }
0x83: {  	[spmem:s19] =	stream.linear.scatter [tilespmem:s18], [sflag:$0xA], $0x1000, $0x38;
	[tilespmem:$0x1F400] =	vst v63  }
0x84: {  	_ =	swait.ge [sflag:s24], $0x1000  }
0x85: {  	[sflag:s24] =	ssyncset.done $0x0  }
0x86: {  	s20 =	rddreg [dreg:$0x1e];
	[sflag:s24] =	ssyncadd.s32 $0xFFFFF000  }
0x87: {  	[spmem:s20] =	stream.linear.scatter [tilespmem:s18], [sflag:$0xA], $0x1000, $0x38;
	[tilespmem:$0x1F400] =	vst v63  }
0x88: {  	_ =	swait.ge [sflag:s24], $0x1000  }
0x89: {  	[sflag:s24] =	ssyncset.done $0x0  }
0x8a: {  	s23 =	rddreg [dreg:$0x1f];
	[sflag:s24] =	ssyncadd.s32 $0xFFFFF000  }
0x8b: {  	[spmem:s23] =	stream.linear.scatter [tilespmem:s18], [sflag:$0xA], $0x1000, $0x38;
	[tilespmem:$0x1F400] =	vst v63  }
0x8c: {  	_ =	swait.ge [sflag:s24], $0x1000  }
0x8d: {  	s28 =	sld [smem:$0x7F7]  }
0x8e: {  	[sflag:s24] =	ssyncset.done $0x0  }
0x8f: {  	[sflag:s24] =	ssyncadd.s32 $0xFFFFF000  }
0x90: {  	[spmem:s28] =	stream.linear.scatter [tilespmem:s18], [sflag:$0xA], $0x1000, $0x38;
	[tilespmem:$0x1F400] =	vst v63  }
0x91: {  	_ =	swait.ge [sflag:s24], $0x1000  }
0x92: {  	s19 =	sld [smem:$0x7F8]  }
0x93: {  	[sflag:s24] =	ssyncset.done $0x0  }
0x94: {  	[sflag:s24] =	ssyncadd.s32 $0xFFFFF000  }
0x95: {  	[spmem:s19] =	stream.linear.scatter [tilespmem:s18], [sflag:$0xA], $0x1000, $0x38;
	[tilespmem:$0x1F400] =	vst v63  }
0x96: {  	_ =	swait.ge [sflag:s24], $0x1000  }
0x97: {  	[sflag:s24] =	ssyncset.done $0x0  }
0x98: {  	[sflag:s24] =	ssyncadd.s32 $0xFFFFF000  }
0x99: {  	_ =	swait.ge [sflag:s25], $0x100  }
0x9a: {  	[sflag:s25] =	ssyncset.done $0x0  }
0x9b: {  	s20 =	simm.s32 $0x80;
	[sflag:s25] =	ssyncadd.s32 $0xFFFFFF00  }
0x9c: {  	[tilespmem:s29], [sflag:$0x5] =	stream.indirect.gather [hbm4b:s1+s26], $0x80, s20, s26, $0xb8;
	[tilespmem:$0x1F400] =	vst v63  }
0x9d: {  	s23 =	rddreg [dreg:$0xd]  }
0x9e: {  	[tilespmem:s30], [sflag:$0x7] =	stream.linear.gather [hbm4b:s23+s4], $0x2800, $0x38;
	[tilespmem:$0x1F400] =	vst v63  }
0x9f: {  	[bflag:$0x0] =	sbarrier.arrive $0xFFFF  }
0xa0: {  	_ =	swait.ge [sflag:s31], $0x100  }
0xa1: {  	[sflag:s31] =	ssyncset.done $0x0  }
0xa2: {  	[sflag:s31] =	ssyncadd.s32 $0xFFFFFF00  }
0xa3: {  	_ =	swait.ge [sflag:s0], $0x2800  }
0xa4: {  	[sflag:s0] =	ssyncset.done $0x0  }
0xa5: {  	[sflag:s0] =	ssyncadd.s32 $0xFFFFD800  }
0xa6: {  	_ =	swait.ge [sflag:s3], $0x2800  }
0xa7: {  	[sflag:s3] =	ssyncset.done $0x0  }
0xa8: {  	s11 =	simm.s32 $0xF0;
	s28 =	simm.s32 $0x180;
	[sflag:s3] =	ssyncadd.s32 $0xFFFFD800  }
0xa9: {  	[tilespmem:s12], [sflag:$0x6] =	stream.indirect.gather [hbm4b:s1+s26], $0x80, s28, s26, $0xb8;
	[tilespmem:$0x1F400] =	vst v63  }
0xaa: {  	v8 =	vld [tilespmem:s11+$0x5310]  }
0xab: {  	v9 =	vld [tilespmem:s11+$0x5320]  }
0xac: {  	v10 =	vld [tilespmem:s11+$0x5330]  }
0xad: {  	v11 =	vld [tilespmem:s11+$0x5340]  }
0xae: {  	v12 =	vld [tilespmem:s11+$0x5350]  }
0xaf: {  	v13 =	vld [tilespmem:s11+$0x5360]  }
0xb0: {  	v14 =	vld [tilespmem:s11+$0x5370]  }
0xb1: {  	v15 =	vld [tilespmem:s11+$0x5380]  }
0xb2: {  	v16 =	vld [tilespmem:s11+$0x5390]  }
0xb3: {  	v17 =	vld [tilespmem:s11+$0x53A0]  }
0xb4: {  	v7 =	vld [tilespmem:s11+$0x53B0]  }
0xb5: {  	v6 =	vld [tilespmem:s11+$0x53C0]  }
0xb6: {  	v5 =	vld [tilespmem:s11+$0x53D0]  }
0xb7: {  	v18 =	vld [tilespmem:s11+$0x310]  }
0xb8: {  	v19 =	vld [tilespmem:s11+$0x320]  }
0xb9: {  	v4 =	vld [tilespmem:s11+$0x53E0]  }
0xba: {  	v20 =	vld [tilespmem:s11+$0x330]  }
0xbb: {  	v21 =	vld [tilespmem:s11+$0x340]  }
0xbc: {  	v3 =	vld [tilespmem:s11+$0x53F0];
	v8 =	vadd.f32 v8, v18  }
0xbd: {  	v22 =	vld [tilespmem:s11+$0x350];
	v9 =	vadd.f32 v9, v19  }
0xbe: {  	v60 =	vld [tilespmem:s11+$0x360];
	v8 =	vmax.f32 v8, $0.0e+00  }
0xbf: {  	v2 =	vld [tilespmem:s11+$0x5400];
	v9 =	vmax.f32 v9, $0.0e+00;
	[tilespmem:s11+$0x310] =	vst v8;
	v8 =	vadd.f32 v10, v20  }
0xc0: {  	v23 =	vld [tilespmem:s11+$0x370];
	[tilespmem:s11+$0x320] =	vst v9;
	v9 =	vadd.f32 v11, v21  }
0xc1: {  	v61 =	vld [tilespmem:s11+$0x380];
	v8 =	vmax.f32 v8, $0.0e+00  }
0xc2: {  	v62 =	vld [tilespmem:s11+$0x390];
	v10 =	vmax.f32 v9, $0.0e+00;
	[tilespmem:s11+$0x330] =	vst v8;
	v8 =	vadd.f32 v12, v22  }
0xc3: {  	v63 =	vld [tilespmem:s11+$0x3A0];
	[tilespmem:s11+$0x340] =	vst v10;
	v10 =	vadd.f32 v13, v60  }
0xc4: {  	v9 =	vld [tilespmem:s11+$0x3B0];
	v11 =	vmax.f32 v8, $0.0e+00  }
0xc5: {  	v8 =	vld [tilespmem:s11+$0x3C0];
	v12 =	vmax.f32 v10, $0.0e+00;
	[tilespmem:s11+$0x350] =	vst v11;
	v11 =	vadd.f32 v14, v23  }
0xc6: {  	v10 =	vld [tilespmem:s11+$0x3D0];
	[tilespmem:s11+$0x360] =	vst v12;
	v12 =	vadd.f32 v15, v61  }
0xc7: {  	v14 =	vadd.f32 v16, v62;
	v13 =	vmax.f32 v11, $0.0e+00;
	v11 =	vld [tilespmem:s11+$0x3E0]  }
0xc8: {  	s18 =	simm.s32 $0x7C0;
	v15 =	vmax.f32 v12, $0.0e+00;
	v12 =	vld [tilespmem:s11+$0x3F0];
	[tilespmem:s11+$0x370] =	vst v13;
	v13 =	vadd.f32 v17, v63  }
.LBB2_6:
0xc9: {  	s19 =	sshra.s32 s18, $0x2;
	p0 =	sne.s32 s18, $0x9FC0;
	[tilespmem:s11+$0x380] =	vst v15;
	v14 =	vmax.f32 v14, $0.0e+00;
	v7 =	vadd.f32 v7, v9;
	v9 =	vld [tilespmem:s11+$0x400]  }
0xca: {  	v15 =	vld [tilespmem:s19+$0x5310];
	[tilespmem:s11+$0x390] =	vst v14;
	v13 =	vmax.f32 v13, $0.0e+00;
	v6 =	vadd.f32 v6, v8  }
0xcb: {  	v8 =	vld [tilespmem:s19+$0x5320];
	[tilespmem:s11+$0x3A0] =	vst v13;
	v7 =	vmax.f32 v7, $0.0e+00;
	v5 =	vadd.f32 v5, v10  }
0xcc: {  	v10 =	vld [tilespmem:s19+$0x5330];
	[tilespmem:s11+$0x3B0] =	vst v7;
	v6 =	vmax.f32 v6, $0.0e+00;
	v4 =	vadd.f32 v4, v11  }
0xcd: {  	v11 =	vld [tilespmem:s19+$0x5340];
	[tilespmem:s11+$0x3C0] =	vst v6;
	v5 =	vmax.f32 v5, $0.0e+00;
	v3 =	vadd.f32 v3, v12  }
0xce: {  	v12 =	vld [tilespmem:s19+$0x5350];
	[tilespmem:s11+$0x3D0] =	vst v5;
	v4 =	vmax.f32 v4, $0.0e+00;
	v2 =	vadd.f32 v2, v9  }
0xcf: {  	v9 =	vld [tilespmem:s19+$0x5360];
	[tilespmem:s11+$0x3E0] =	vst v4;
	v3 =	vmax.f32 v3, $0.0e+00  }
0xd0: {  	v13 =	vld [tilespmem:s19+$0x5370];
	[tilespmem:s11+$0x3F0] =	vst v3;
	v2 =	vmax.f32 v2, $0.0e+00  }
0xd1: {  	v14 =	vld [tilespmem:s19+$0x5380];
	[tilespmem:s11+$0x400] =	vst v2;
	s11 =	smov.u32 s19  }
0xd2: {  	v16 =	vld [tilespmem:s11+$0x5390]  }
0xd3: {  	v17 =	vld [tilespmem:s11+$0x53A0]  }
0xd4: {  	v7 =	vld [tilespmem:s11+$0x53B0]  }
0xd5: {  	v6 =	vld [tilespmem:s11+$0x53C0]  }
0xd6: {  	v5 =	vld [tilespmem:s11+$0x53D0]  }
0xd7: {  	v4 =	vld [tilespmem:s11+$0x53E0]  }
0xd8: {  	v3 =	vld [tilespmem:s11+$0x53F0]  }
0xd9: {  	v2 =	vld [tilespmem:s11+$0x5400]  }
0xda: {  	v18 =	vld [tilespmem:s11+$0x310]  }
0xdb: {  	v19 =	vld [tilespmem:s11+$0x320]  }
0xdc: {  	v20 =	vld [tilespmem:s11+$0x330]  }
0xdd: {  	v21 =	vld [tilespmem:s11+$0x340]  }
0xde: {  	v22 =	vld [tilespmem:s11+$0x350]  }
0xdf: {  	v15 =	vadd.f32 v15, v18;
	v18 =	vld [tilespmem:s11+$0x360]  }
0xe0: {  	v8 =	vadd.f32 v8, v19;
	v19 =	vld [tilespmem:s11+$0x370]  }
0xe1: {  	v15 =	vmax.f32 v15, $0.0e+00;
	v10 =	vadd.f32 v10, v20;
	v20 =	vld [tilespmem:s11+$0x380]  }
0xe2: {  	[tilespmem:s11+$0x310] =	vst v15;
	v8 =	vmax.f32 v8, $0.0e+00;
	v11 =	vadd.f32 v11, v21;
	v15 =	vld [tilespmem:s11+$0x390]  }
0xe3: {  	[tilespmem:s11+$0x320] =	vst v8;
	v8 =	vmax.f32 v10, $0.0e+00;
	v10 =	vadd.f32 v12, v22;
	v12 =	vld [tilespmem:s11+$0x3A0]  }
.Ltmp2:
0xe4: {  	[tilespmem:s11+$0x330] =	vst v8;
	v8 =	vmax.f32 v11, $0.0e+00;
	v11 =	vadd.f32 v9, v18;
	v9 =	vld [tilespmem:s11+$0x3B0];
	(pc) =	sbr.rel @p0 .LBB2_6-.Ltmp2, $4  }
0xe5: {  	[tilespmem:s11+$0x340] =	vst v8;
	v10 =	vmax.f32 v10, $0.0e+00;
	v13 =	vadd.f32 v13, v19;
	v8 =	vld [tilespmem:s11+$0x3C0]  }
0xe6: {  	[tilespmem:s11+$0x350] =	vst v10;
	v11 =	vmax.f32 v11, $0.0e+00;
	v18 =	vadd.f32 v14, v20;
	v10 =	vld [tilespmem:s11+$0x3D0]  }
0xe7: {  	[tilespmem:s11+$0x360] =	vst v11;
	v13 =	vmax.f32 v13, $0.0e+00;
	v14 =	vadd.f32 v16, v15;
	v11 =	vld [tilespmem:s11+$0x3E0]  }
0xe8: {  	s18 =	sadd.s32 $0x400, s18;
	[tilespmem:s11+$0x370] =	vst v13;
	v15 =	vmax.f32 v18, $0.0e+00;
	v13 =	vadd.f32 v17, v12;
	v12 =	vld [tilespmem:s11+$0x3F0]  }
0xe9: {  	[tilespmem:s11+$0x380] =	vst v15;
	v14 =	vmax.f32 v14, $0.0e+00;
	v7 =	vadd.f32 v7, v9;
	v9 =	vld [tilespmem:s11+$0x400]  }
0xea: {  	[tilespmem:s11+$0x390] =	vst v14;
	v13 =	vmax.f32 v13, $0.0e+00;
	v6 =	vadd.f32 v6, v8  }
0xeb: {  	[tilespmem:s11+$0x3A0] =	vst v13;
	v7 =	vmax.f32 v7, $0.0e+00;
	v5 =	vadd.f32 v5, v10  }
0xec: {  	[tilespmem:s11+$0x3B0] =	vst v7;
	v6 =	vmax.f32 v6, $0.0e+00;
	v4 =	vadd.f32 v4, v11  }
0xed: {  	[tilespmem:s11+$0x3C0] =	vst v6;
	v5 =	vmax.f32 v5, $0.0e+00;
	v3 =	vadd.f32 v3, v12  }
0xee: {  	[tilespmem:s11+$0x3D0] =	vst v5;
	v4 =	vmax.f32 v4, $0.0e+00;
	v2 =	vadd.f32 v2, v9  }
0xef: {  	[tilespmem:s11+$0x3E0] =	vst v4;
	v3 =	vmax.f32 v3, $0.0e+00  }
0xf0: {  	[tilespmem:s11+$0x3F0] =	vst v3;
	v2 =	vmax.f32 v2, $0.0e+00  }
0xf1: {  	s20 =	rddreg [dreg:$0xe];
	[tilespmem:s11+$0x400] =	vst v2  }
0xf2: {  	[tilespmem:s30], [sflag:$0x7] =	stream.linear.gather [hbm4b:s20+s4], $0x2800, $0x38;
	[tilespmem:$0x1F400] =	vst v63  }
0xf3: {  	v2 =	vld [tilespmem:$0x0];
	_ =	sdelay $0x7  }
0xf4: {  	[tilespmem:v2+s13+$0x0] =	vst.idx.add.f32.msk $0xffff, v1  }
0xf5: {  	v2 =	vld [tilespmem:$0x10];
	_ =	sdelay $0x7  }
0xf6: {  	[tilespmem:v2+s13+$0x0] =	vst.idx.add.f32.msk $0xffff, v1  }
0xf7: {  	v2 =	vld [tilespmem:$0x20];
	_ =	sdelay $0x7  }
0xf8: {  	[tilespmem:v2+s13+$0x0] =	vst.idx.add.f32.msk $0xffff, v1  }
0xf9: {  	v2 =	vld [tilespmem:$0x30];
	_ =	sdelay $0x7  }
0xfa: {  	[tilespmem:v2+s13+$0x0] =	vst.idx.add.f32.msk $0xffff, v1  }
0xfb: {  	v2 =	vld [tilespmem:$0x40];
	_ =	sdelay $0x7  }
0xfc: {  	s23 =	sld [smem:$0x7F9];
	[tilespmem:v2+s13+$0x0] =	vst.idx.add.f32.msk $0xffff, v1  }
0xfd: {  	[spmem:s2] =	stream.indirect.scatter.add.f32 [tilespmem:s29], [sflag:$0x8], $0x80, s4, s26, $0xb8;
	[tilespmem:$0x1F400] =	vst v63  }
0xfe: {  	_ = 	snop  }
0xff: {  	[tilespmem:s14], [sflag:$0x3] =	stream.linear.gather [hbm4b:s23+s4], $0x100, $0x38;
	[tilespmem:$0x1F400] =	vst v63  }
0x100: {  	_ =	swait.ge [sflag:s15], $0x100  }
0x101: {  	[sflag:s15] =	ssyncset.done $0x0  }
0x102: {  	[sflag:s15] =	ssyncadd.s32 $0xFFFFFF00  }
0x103: {  	_ =	swait.ge [sflag:s16], $0x2800  }
0x104: {  	[sflag:s16] =	ssyncset.done $0x0  }
0x105: {  	[sflag:s16] =	ssyncadd.s32 $0xFFFFD800  }
0x106: {  	_ =	swait.ge [sflag:s3], $0x2800  }
0x107: {  	[sflag:s3] =	ssyncset.done $0x0  }
0x108: {  	[sflag:s3] =	ssyncadd.s32 $0xFFFFD800  }
0x109: {  	_ =	swait.ge [sflag:s17], $0x2800  }
0x10a: {  	[sflag:s17] =	ssyncset.done $0x0  }
0x10b: {  	s28 =	simm.s32 $0x280;
	s11 =	simm.s32 $0xF0;
	[sflag:s17] =	ssyncadd.s32 $0xFFFFD800  }
0x10c: {  	[tilespmem:s29], [sflag:$0x5] =	stream.indirect.gather [hbm4b:s1+s26], $0x80, s28, s26, $0xb8;
	[tilespmem:$0x1F400] =	vst v63  }
0x10d: {  	v8 =	vld [tilespmem:s11+$0x5310]  }
0x10e: {  	v9 =	vld [tilespmem:s11+$0x5320]  }
0x10f: {  	v10 =	vld [tilespmem:s11+$0x5330]  }
0x110: {  	v11 =	vld [tilespmem:s11+$0x5340]  }
0x111: {  	v12 =	vld [tilespmem:s11+$0x5350]  }
0x112: {  	v13 =	vld [tilespmem:s11+$0x5360]  }
0x113: {  	v14 =	vld [tilespmem:s11+$0x5370]  }
0x114: {  	v15 =	vld [tilespmem:s11+$0x5380]  }
0x115: {  	v16 =	vld [tilespmem:s11+$0x5390]  }
0x116: {  	v17 =	vld [tilespmem:s11+$0x53A0]  }
0x117: {  	v7 =	vld [tilespmem:s11+$0x53B0]  }
0x118: {  	v6 =	vld [tilespmem:s11+$0x53C0]  }
0x119: {  	v5 =	vld [tilespmem:s11+$0x53D0]  }
0x11a: {  	v18 =	vld [tilespmem:s11+$0x2B10]  }
0x11b: {  	v19 =	vld [tilespmem:s11+$0x2B20]  }
0x11c: {  	v4 =	vld [tilespmem:s11+$0x53E0]  }
0x11d: {  	v20 =	vld [tilespmem:s11+$0x2B30]  }
0x11e: {  	v21 =	vld [tilespmem:s11+$0x2B40]  }
0x11f: {  	v3 =	vld [tilespmem:s11+$0x53F0];
	v8 =	vadd.f32 v8, v18  }
0x120: {  	v22 =	vld [tilespmem:s11+$0x2B50];
	v9 =	vadd.f32 v9, v19  }
0x121: {  	v60 =	vld [tilespmem:s11+$0x2B60];
	v8 =	vmax.f32 v8, $0.0e+00  }
0x122: {  	v2 =	vld [tilespmem:s11+$0x5400];
	v9 =	vmax.f32 v9, $0.0e+00;
	[tilespmem:s11+$0x2B10] =	vst v8;
	v8 =	vadd.f32 v10, v20  }
0x123: {  	v23 =	vld [tilespmem:s11+$0x2B70];
	[tilespmem:s11+$0x2B20] =	vst v9;
	v9 =	vadd.f32 v11, v21  }
0x124: {  	v61 =	vld [tilespmem:s11+$0x2B80];
	v8 =	vmax.f32 v8, $0.0e+00  }
0x125: {  	v62 =	vld [tilespmem:s11+$0x2B90];
	v10 =	vmax.f32 v9, $0.0e+00;
	[tilespmem:s11+$0x2B30] =	vst v8;
	v8 =	vadd.f32 v12, v22  }
0x126: {  	v63 =	vld [tilespmem:s11+$0x2BA0];
	[tilespmem:s11+$0x2B40] =	vst v10;
	v10 =	vadd.f32 v13, v60  }
0x127: {  	v9 =	vld [tilespmem:s11+$0x2BB0];
	v11 =	vmax.f32 v8, $0.0e+00  }
0x128: {  	v8 =	vld [tilespmem:s11+$0x2BC0];
	v12 =	vmax.f32 v10, $0.0e+00;
	[tilespmem:s11+$0x2B50] =	vst v11;
	v11 =	vadd.f32 v14, v23  }
0x129: {  	v10 =	vld [tilespmem:s11+$0x2BD0];
	[tilespmem:s11+$0x2B60] =	vst v12;
	v12 =	vadd.f32 v15, v61  }
0x12a: {  	v14 =	vadd.f32 v16, v62;
	v13 =	vmax.f32 v11, $0.0e+00;
	v11 =	vld [tilespmem:s11+$0x2BE0]  }
0x12b: {  	s18 =	simm.s32 $0x7C0;
	v15 =	vmax.f32 v12, $0.0e+00;
	v12 =	vld [tilespmem:s11+$0x2BF0];
	[tilespmem:s11+$0x2B70] =	vst v13;
	v13 =	vadd.f32 v17, v63  }
.LBB2_8:
0x12c: {  	s19 =	sshra.s32 s18, $0x2;
	p0 =	sne.s32 s18, $0x9FC0;
	[tilespmem:s11+$0x2B80] =	vst v15;
	v14 =	vmax.f32 v14, $0.0e+00;
	v7 =	vadd.f32 v7, v9;
	v9 =	vld [tilespmem:s11+$0x2C00]  }
0x12d: {  	v15 =	vld [tilespmem:s19+$0x5310];
	[tilespmem:s11+$0x2B90] =	vst v14;
	v13 =	vmax.f32 v13, $0.0e+00;
	v6 =	vadd.f32 v6, v8  }
0x12e: {  	v8 =	vld [tilespmem:s19+$0x5320];
	[tilespmem:s11+$0x2BA0] =	vst v13;
	v7 =	vmax.f32 v7, $0.0e+00;
	v5 =	vadd.f32 v5, v10  }
0x12f: {  	v10 =	vld [tilespmem:s19+$0x5330];
	[tilespmem:s11+$0x2BB0] =	vst v7;
	v6 =	vmax.f32 v6, $0.0e+00;
	v4 =	vadd.f32 v4, v11  }
0x130: {  	v11 =	vld [tilespmem:s19+$0x5340];
	[tilespmem:s11+$0x2BC0] =	vst v6;
	v5 =	vmax.f32 v5, $0.0e+00;
	v3 =	vadd.f32 v3, v12  }
0x131: {  	v12 =	vld [tilespmem:s19+$0x5350];
	[tilespmem:s11+$0x2BD0] =	vst v5;
	v4 =	vmax.f32 v4, $0.0e+00;
	v2 =	vadd.f32 v2, v9  }
0x132: {  	v9 =	vld [tilespmem:s19+$0x5360];
	[tilespmem:s11+$0x2BE0] =	vst v4;
	v3 =	vmax.f32 v3, $0.0e+00  }
0x133: {  	v13 =	vld [tilespmem:s19+$0x5370];
	[tilespmem:s11+$0x2BF0] =	vst v3;
	v2 =	vmax.f32 v2, $0.0e+00  }
0x134: {  	v14 =	vld [tilespmem:s19+$0x5380];
	[tilespmem:s11+$0x2C00] =	vst v2;
	s11 =	smov.u32 s19  }
0x135: {  	v16 =	vld [tilespmem:s11+$0x5390]  }
0x136: {  	v17 =	vld [tilespmem:s11+$0x53A0]  }
0x137: {  	v7 =	vld [tilespmem:s11+$0x53B0]  }
0x138: {  	v6 =	vld [tilespmem:s11+$0x53C0]  }
0x139: {  	v5 =	vld [tilespmem:s11+$0x53D0]  }
0x13a: {  	v4 =	vld [tilespmem:s11+$0x53E0]  }
0x13b: {  	v3 =	vld [tilespmem:s11+$0x53F0]  }
0x13c: {  	v2 =	vld [tilespmem:s11+$0x5400]  }
0x13d: {  	v18 =	vld [tilespmem:s11+$0x2B10]  }
0x13e: {  	v19 =	vld [tilespmem:s11+$0x2B20]  }
0x13f: {  	v20 =	vld [tilespmem:s11+$0x2B30]  }
0x140: {  	v21 =	vld [tilespmem:s11+$0x2B40]  }
0x141: {  	v22 =	vld [tilespmem:s11+$0x2B50]  }
0x142: {  	v15 =	vadd.f32 v15, v18;
	v18 =	vld [tilespmem:s11+$0x2B60]  }
0x143: {  	v8 =	vadd.f32 v8, v19;
	v19 =	vld [tilespmem:s11+$0x2B70]  }
0x144: {  	v15 =	vmax.f32 v15, $0.0e+00;
	v10 =	vadd.f32 v10, v20;
	v20 =	vld [tilespmem:s11+$0x2B80]  }
0x145: {  	[tilespmem:s11+$0x2B10] =	vst v15;
	v8 =	vmax.f32 v8, $0.0e+00;
	v11 =	vadd.f32 v11, v21;
	v15 =	vld [tilespmem:s11+$0x2B90]  }
0x146: {  	[tilespmem:s11+$0x2B20] =	vst v8;
	v8 =	vmax.f32 v10, $0.0e+00;
	v10 =	vadd.f32 v12, v22;
	v12 =	vld [tilespmem:s11+$0x2BA0]  }
.Ltmp3:
0x147: {  	[tilespmem:s11+$0x2B30] =	vst v8;
	v8 =	vmax.f32 v11, $0.0e+00;
	v11 =	vadd.f32 v9, v18;
	v9 =	vld [tilespmem:s11+$0x2BB0];
	(pc) =	sbr.rel @p0 .LBB2_8-.Ltmp3, $4  }
0x148: {  	[tilespmem:s11+$0x2B40] =	vst v8;
	v10 =	vmax.f32 v10, $0.0e+00;
	v13 =	vadd.f32 v13, v19;
	v8 =	vld [tilespmem:s11+$0x2BC0]  }
0x149: {  	[tilespmem:s11+$0x2B50] =	vst v10;
	v11 =	vmax.f32 v11, $0.0e+00;
	v18 =	vadd.f32 v14, v20;
	v10 =	vld [tilespmem:s11+$0x2BD0]  }
0x14a: {  	[tilespmem:s11+$0x2B60] =	vst v11;
	v13 =	vmax.f32 v13, $0.0e+00;
	v14 =	vadd.f32 v16, v15;
	v11 =	vld [tilespmem:s11+$0x2BE0]  }
0x14b: {  	s18 =	sadd.s32 $0x400, s18;
	[tilespmem:s11+$0x2B70] =	vst v13;
	v15 =	vmax.f32 v18, $0.0e+00;
	v13 =	vadd.f32 v17, v12;
	v12 =	vld [tilespmem:s11+$0x2BF0]  }
0x14c: {  	[tilespmem:s11+$0x2B80] =	vst v15;
	v14 =	vmax.f32 v14, $0.0e+00;
	v7 =	vadd.f32 v7, v9;
	v63 =	vld [tilespmem:s11+$0x2C00]  }
0x14d: {  	[tilespmem:s11+$0x2B90] =	vst v14;
	v13 =	vmax.f32 v13, $0.0e+00;
	v6 =	vadd.f32 v6, v8  }
0x14e: {  	[tilespmem:s11+$0x2BA0] =	vst v13;
	v7 =	vmax.f32 v7, $0.0e+00;
	v5 =	vadd.f32 v5, v10  }
0x14f: {  	[tilespmem:s11+$0x2BB0] =	vst v7;
	v6 =	vmax.f32 v6, $0.0e+00;
	v4 =	vadd.f32 v4, v11  }
0x150: {  	[tilespmem:s11+$0x2BC0] =	vst v6;
	v5 =	vmax.f32 v5, $0.0e+00;
	v3 =	vadd.f32 v3, v12  }
0x151: {  	[tilespmem:s11+$0x2BD0] =	vst v5;
	v4 =	vmax.f32 v4, $0.0e+00;
	v2 =	vadd.f32 v2, v63  }
0x152: {  	[tilespmem:s11+$0x2BE0] =	vst v4;
	v3 =	vmax.f32 v3, $0.0e+00  }
0x153: {  	[tilespmem:s11+$0x2BF0] =	vst v3;
	v2 =	vmax.f32 v2, $0.0e+00  }
0x154: {  	s18 =	rddreg [dreg:$0xf];
	[tilespmem:s11+$0x2C00] =	vst v2;
	s11 =	simm.s32 $0x0  }
0x155: {  	[tilespmem:s30], [sflag:$0x7] =	stream.linear.gather [hbm4b:s18+s11], $0x2800, $0x38;
	[tilespmem:$0x1F400] =	vst v63  }
0x156: {  	v2 =	vld [tilespmem:$0x100];
	_ =	sdelay $0x7  }
0x157: {  	[tilespmem:v2+s13+$0x0] =	vst.idx.add.f32.msk $0xffff, v1  }
0x158: {  	v2 =	vld [tilespmem:$0x110];
	_ =	sdelay $0x7  }
0x159: {  	[tilespmem:v2+s13+$0x0] =	vst.idx.add.f32.msk $0xffff, v1  }
0x15a: {  	v2 =	vld [tilespmem:$0x120];
	_ =	sdelay $0x7  }
0x15b: {  	[tilespmem:v2+s13+$0x0] =	vst.idx.add.f32.msk $0xffff, v1  }
0x15c: {  	v2 =	vld [tilespmem:$0x130];
	_ =	sdelay $0x7  }
0x15d: {  	[tilespmem:v2+s13+$0x0] =	vst.idx.add.f32.msk $0xffff, v1  }
0x15e: {  	v2 =	vld [tilespmem:$0x140];
	_ =	sdelay $0x7  }
0x15f: {  	s28 =	sld [smem:$0x7FA];
	[tilespmem:v2+s13+$0x0] =	vst.idx.add.f32.msk $0xffff, v1  }
0x160: {  	[spmem:s2] =	stream.indirect.scatter.add.f32 [tilespmem:s12], [sflag:$0x9], $0x80, s22, s26, $0xb8;
	[tilespmem:$0x1F400] =	vst v63  }
0x161: {  	_ = 	snop  }
0x162: {  	[tilespmem:s21], [sflag:$0x4] =	stream.linear.gather [hbm4b:s28+s11], $0x100, $0x38;
	[tilespmem:$0x1F400] =	vst v63  }
.LBB2_10:
0x163: {  	_ =	swait.ge [sflag:s9], $0x100  }
0x164: {  	[sflag:s9] =	ssyncset.done $0x0  }
0x165: {  	[sflag:s9] =	ssyncadd.s32 $0xFFFFFF00  }
0x166: {  	_ =	swait.ge [sflag:s0], $0x2800  }
0x167: {  	[sflag:s0] =	ssyncset.done $0x0  }
0x168: {  	[sflag:s0] =	ssyncadd.s32 $0xFFFFD800  }
0x169: {  	_ =	swait.ge [sflag:s3], $0x2800  }
0x16a: {  	[sflag:s3] =	ssyncset.done $0x0  }
0x16b: {  	[sflag:s3] =	ssyncadd.s32 $0xFFFFD800  }
0x16c: {  	_ =	swait.ge [sflag:s10], $0x2800  }
0x16d: {  	[sflag:s10] =	ssyncset.done $0x0  }
0x16e: {  	s18 =	simm.s32 $0x380;
	[sflag:s10] =	ssyncadd.s32 $0xFFFFD800  }
0x16f: {  	[tilespmem:s12], [sflag:$0x6] =	stream.indirect.gather [hbm4b:s1+s26], $0x80, s18, s26, $0xb8;
	[tilespmem:$0x1F400] =	vst v63  }
0x170: {  	s18 =	simm.s32 $0xF0  }
0x171: {  	v8 =	vld [tilespmem:s18+$0x5310]  }
0x172: {  	v9 =	vld [tilespmem:s18+$0x5320]  }
0x173: {  	v10 =	vld [tilespmem:s18+$0x5330]  }
0x174: {  	v11 =	vld [tilespmem:s18+$0x5340]  }
0x175: {  	v12 =	vld [tilespmem:s18+$0x5350]  }
0x176: {  	v13 =	vld [tilespmem:s18+$0x5360]  }
0x177: {  	v14 =	vld [tilespmem:s18+$0x5370]  }
0x178: {  	v15 =	vld [tilespmem:s18+$0x5380]  }
0x179: {  	v16 =	vld [tilespmem:s18+$0x5390]  }
0x17a: {  	v17 =	vld [tilespmem:s18+$0x53A0]  }
0x17b: {  	v7 =	vld [tilespmem:s18+$0x53B0]  }
0x17c: {  	v6 =	vld [tilespmem:s18+$0x53C0]  }
0x17d: {  	v5 =	vld [tilespmem:s18+$0x53D0]  }
0x17e: {  	v18 =	vld [tilespmem:s18+$0x310]  }
0x17f: {  	v19 =	vld [tilespmem:s18+$0x320]  }
0x180: {  	v4 =	vld [tilespmem:s18+$0x53E0]  }
0x181: {  	v20 =	vld [tilespmem:s18+$0x330]  }
0x182: {  	v21 =	vld [tilespmem:s18+$0x340]  }
0x183: {  	v3 =	vld [tilespmem:s18+$0x53F0];
	v8 =	vadd.f32 v8, v18  }
0x184: {  	v22 =	vld [tilespmem:s18+$0x350];
	v9 =	vadd.f32 v9, v19  }
0x185: {  	v60 =	vld [tilespmem:s18+$0x360];
	v8 =	vmax.f32 v8, $0.0e+00  }
0x186: {  	v2 =	vld [tilespmem:s18+$0x5400];
	v9 =	vmax.f32 v9, $0.0e+00;
	[tilespmem:s18+$0x310] =	vst v8;
	v8 =	vadd.f32 v10, v20  }
0x187: {  	v23 =	vld [tilespmem:s18+$0x370];
	[tilespmem:s18+$0x320] =	vst v9;
	v9 =	vadd.f32 v11, v21  }
0x188: {  	v61 =	vld [tilespmem:s18+$0x380];
	v8 =	vmax.f32 v8, $0.0e+00  }
0x189: {  	v62 =	vld [tilespmem:s18+$0x390];
	v10 =	vmax.f32 v9, $0.0e+00;
	[tilespmem:s18+$0x330] =	vst v8;
	v8 =	vadd.f32 v12, v22  }
0x18a: {  	v63 =	vld [tilespmem:s18+$0x3A0];
	[tilespmem:s18+$0x340] =	vst v10;
	v10 =	vadd.f32 v13, v60  }
0x18b: {  	v9 =	vld [tilespmem:s18+$0x3B0];
	v11 =	vmax.f32 v8, $0.0e+00  }
0x18c: {  	v8 =	vld [tilespmem:s18+$0x3C0];
	v12 =	vmax.f32 v10, $0.0e+00;
	[tilespmem:s18+$0x350] =	vst v11;
	v11 =	vadd.f32 v14, v23  }
0x18d: {  	v10 =	vld [tilespmem:s18+$0x3D0];
	[tilespmem:s18+$0x360] =	vst v12;
	v12 =	vadd.f32 v15, v61  }
0x18e: {  	v14 =	vadd.f32 v16, v62;
	v13 =	vmax.f32 v11, $0.0e+00;
	v11 =	vld [tilespmem:s18+$0x3E0]  }
0x18f: {  	s23 =	simm.s32 $0x7C0;
	v15 =	vmax.f32 v12, $0.0e+00;
	v12 =	vld [tilespmem:s18+$0x3F0];
	[tilespmem:s18+$0x370] =	vst v13;
	v13 =	vadd.f32 v17, v63  }
.LBB2_11:
0x190: {  	s19 =	sshra.s32 s23, $0x2;
	p0 =	sne.s32 s23, $0x9FC0;
	[tilespmem:s18+$0x380] =	vst v15;
	v14 =	vmax.f32 v14, $0.0e+00;
	v7 =	vadd.f32 v7, v9;
	v9 =	vld [tilespmem:s18+$0x400]  }
0x191: {  	v15 =	vld [tilespmem:s19+$0x5310];
	[tilespmem:s18+$0x390] =	vst v14;
	v13 =	vmax.f32 v13, $0.0e+00;
	v6 =	vadd.f32 v6, v8  }
0x192: {  	v8 =	vld [tilespmem:s19+$0x5320];
	[tilespmem:s18+$0x3A0] =	vst v13;
	v7 =	vmax.f32 v7, $0.0e+00;
	v5 =	vadd.f32 v5, v10  }
0x193: {  	v10 =	vld [tilespmem:s19+$0x5330];
	[tilespmem:s18+$0x3B0] =	vst v7;
	v6 =	vmax.f32 v6, $0.0e+00;
	v4 =	vadd.f32 v4, v11  }
0x194: {  	v11 =	vld [tilespmem:s19+$0x5340];
	[tilespmem:s18+$0x3C0] =	vst v6;
	v5 =	vmax.f32 v5, $0.0e+00;
	v3 =	vadd.f32 v3, v12  }
0x195: {  	v12 =	vld [tilespmem:s19+$0x5350];
	[tilespmem:s18+$0x3D0] =	vst v5;
	v4 =	vmax.f32 v4, $0.0e+00;
	v2 =	vadd.f32 v2, v9  }
0x196: {  	v9 =	vld [tilespmem:s19+$0x5360];
	[tilespmem:s18+$0x3E0] =	vst v4;
	v3 =	vmax.f32 v3, $0.0e+00  }
0x197: {  	v13 =	vld [tilespmem:s19+$0x5370];
	[tilespmem:s18+$0x3F0] =	vst v3;
	v2 =	vmax.f32 v2, $0.0e+00  }
0x198: {  	v14 =	vld [tilespmem:s19+$0x5380];
	[tilespmem:s18+$0x400] =	vst v2;
	s18 =	smov.u32 s19  }
0x199: {  	v16 =	vld [tilespmem:s18+$0x5390]  }
0x19a: {  	v17 =	vld [tilespmem:s18+$0x53A0]  }
0x19b: {  	v7 =	vld [tilespmem:s18+$0x53B0]  }
0x19c: {  	v6 =	vld [tilespmem:s18+$0x53C0]  }
0x19d: {  	v5 =	vld [tilespmem:s18+$0x53D0]  }
0x19e: {  	v4 =	vld [tilespmem:s18+$0x53E0]  }
0x19f: {  	v3 =	vld [tilespmem:s18+$0x53F0]  }
0x1a0: {  	v2 =	vld [tilespmem:s18+$0x5400]  }
0x1a1: {  	v18 =	vld [tilespmem:s18+$0x310]  }
0x1a2: {  	v19 =	vld [tilespmem:s18+$0x320]  }
0x1a3: {  	v20 =	vld [tilespmem:s18+$0x330]  }
0x1a4: {  	v21 =	vld [tilespmem:s18+$0x340]  }
0x1a5: {  	v22 =	vld [tilespmem:s18+$0x350]  }
0x1a6: {  	v15 =	vadd.f32 v15, v18;
	v18 =	vld [tilespmem:s18+$0x360]  }
0x1a7: {  	v8 =	vadd.f32 v8, v19;
	v19 =	vld [tilespmem:s18+$0x370]  }
0x1a8: {  	v15 =	vmax.f32 v15, $0.0e+00;
	v10 =	vadd.f32 v10, v20;
	v20 =	vld [tilespmem:s18+$0x380]  }
0x1a9: {  	[tilespmem:s18+$0x310] =	vst v15;
	v8 =	vmax.f32 v8, $0.0e+00;
	v11 =	vadd.f32 v11, v21;
	v15 =	vld [tilespmem:s18+$0x390]  }
0x1aa: {  	[tilespmem:s18+$0x320] =	vst v8;
	v8 =	vmax.f32 v10, $0.0e+00;
	v10 =	vadd.f32 v12, v22;
	v12 =	vld [tilespmem:s18+$0x3A0]  }
.Ltmp4:
0x1ab: {  	[tilespmem:s18+$0x330] =	vst v8;
	v8 =	vmax.f32 v11, $0.0e+00;
	v11 =	vadd.f32 v9, v18;
	v9 =	vld [tilespmem:s18+$0x3B0];
	(pc) =	sbr.rel @p0 .LBB2_11-.Ltmp4, $4  }
0x1ac: {  	[tilespmem:s18+$0x340] =	vst v8;
	v10 =	vmax.f32 v10, $0.0e+00;
	v13 =	vadd.f32 v13, v19;
	v8 =	vld [tilespmem:s18+$0x3C0]  }
0x1ad: {  	[tilespmem:s18+$0x350] =	vst v10;
	v11 =	vmax.f32 v11, $0.0e+00;
	v18 =	vadd.f32 v14, v20;
	v10 =	vld [tilespmem:s18+$0x3D0]  }
0x1ae: {  	[tilespmem:s18+$0x360] =	vst v11;
	v13 =	vmax.f32 v13, $0.0e+00;
	v14 =	vadd.f32 v16, v15;
	v11 =	vld [tilespmem:s18+$0x3E0]  }
0x1af: {  	s23 =	sadd.s32 $0x400, s23;
	[tilespmem:s18+$0x370] =	vst v13;
	v15 =	vmax.f32 v18, $0.0e+00;
	v13 =	vadd.f32 v17, v12;
	v12 =	vld [tilespmem:s18+$0x3F0]  }
0x1b0: {  	[tilespmem:s18+$0x380] =	vst v15;
	v14 =	vmax.f32 v14, $0.0e+00;
	v7 =	vadd.f32 v7, v9;
	v9 =	vld [tilespmem:s18+$0x400]  }
0x1b1: {  	[tilespmem:s18+$0x390] =	vst v14;
	v13 =	vmax.f32 v13, $0.0e+00;
	v6 =	vadd.f32 v6, v8  }
0x1b2: {  	[tilespmem:s18+$0x3A0] =	vst v13;
	v7 =	vmax.f32 v7, $0.0e+00;
	v5 =	vadd.f32 v5, v10  }
0x1b3: {  	s20 =	sld [smem:$0x7FB];
	[tilespmem:s18+$0x3B0] =	vst v7;
	v6 =	vmax.f32 v6, $0.0e+00;
	v4 =	vadd.f32 v4, v11  }
0x1b4: {  	s19 =	smul.u32 $0x140, s11;
	[tilespmem:s18+$0x3C0] =	vst v6;
	v5 =	vmax.f32 v5, $0.0e+00;
	v3 =	vadd.f32 v3, v12  }
0x1b5: {  	[tilespmem:s18+$0x3D0] =	vst v5;
	v4 =	vmax.f32 v4, $0.0e+00;
	v2 =	vadd.f32 v2, v9  }
0x1b6: {  	s19 =	sadd.s32 s19, s20;
	[tilespmem:s18+$0x3E0] =	vst v4;
	v3 =	vmax.f32 v3, $0.0e+00  }
0x1b7: {  	s19 =	sshll.u32 s19, $0x4;
	[tilespmem:s18+$0x3F0] =	vst v3;
	v2 =	vmax.f32 v2, $0.0e+00  }
0x1b8: {  	s19 =	sadd.s32 s5, s19;
	[tilespmem:s18+$0x400] =	vst v2  }
0x1b9: {  	[tilespmem:s30], [sflag:$0x7] =	stream.linear.gather [hbm4b:s19+s4], $0x2800, $0x38;
	[tilespmem:$0x1F400] =	vst v63  }
0x1ba: {  	v2 =	vld [tilespmem:$0x200];
	_ =	sdelay $0x7  }
0x1bb: {  	[tilespmem:v2+s13+$0x0] =	vst.idx.add.f32.msk $0xffff, v1  }
0x1bc: {  	v2 =	vld [tilespmem:$0x210];
	_ =	sdelay $0x7  }
0x1bd: {  	[tilespmem:v2+s13+$0x0] =	vst.idx.add.f32.msk $0xffff, v1  }
0x1be: {  	v2 =	vld [tilespmem:$0x220];
	_ =	sdelay $0x7  }
0x1bf: {  	[tilespmem:v2+s13+$0x0] =	vst.idx.add.f32.msk $0xffff, v1  }
0x1c0: {  	v2 =	vld [tilespmem:$0x230];
	_ =	sdelay $0x7  }
0x1c1: {  	[tilespmem:v2+s13+$0x0] =	vst.idx.add.f32.msk $0xffff, v1  }
0x1c2: {  	v2 =	vld [tilespmem:$0x240];
	_ =	sdelay $0x3  }
0x1c3: {  	s18 =	sshll.u32 s11, $0x2  }
0x1c4: {  	s23 =	sadd.s32 $0x4, s18  }
0x1c5: {  	s20 =	sshll.u32 s23, $0x8  }
0x1c6: {  	s19 =	sadd.s32 s7, s20  }
0x1c7: {  	s19 =	sshrl.u32 s19, $0x3;
	[tilespmem:v2+s13+$0x0] =	vst.idx.add.f32.msk $0xffff, v1  }
0x1c8: {  	[spmem:s2] =	stream.indirect.scatter.add.f32 [tilespmem:s29], [sflag:$0x8], $0x80, s14, s26, $0xb8;
	[tilespmem:$0x1F400] =	vst v63  }
0x1c9: {  	s19 =	sadd.s32 s6, s19  }
0x1ca: {  	[tilespmem:s4], [sflag:$0x1] =	stream.linear.gather [hbm4b:s19+s4], $0x100, $0x38;
	[tilespmem:$0x1F400] =	vst v63  }
0x1cb: {  	_ =	swait.ge [sflag:s25], $0x100  }
0x1cc: {  	[sflag:s25] =	ssyncset.done $0x0  }
0x1cd: {  	[sflag:s25] =	ssyncadd.s32 $0xFFFFFF00  }
0x1ce: {  	_ =	swait.ge [sflag:s16], $0x2800  }
0x1cf: {  	[sflag:s16] =	ssyncset.done $0x0  }
0x1d0: {  	[sflag:s16] =	ssyncadd.s32 $0xFFFFD800  }
0x1d1: {  	_ =	swait.ge [sflag:s3], $0x2800  }
0x1d2: {  	[sflag:s3] =	ssyncset.done $0x0  }
0x1d3: {  	[sflag:s3] =	ssyncadd.s32 $0xFFFFD800  }
0x1d4: {  	_ =	swait.ge [sflag:s17], $0x2800  }
0x1d5: {  	[sflag:s17] =	ssyncset.done $0x0  }
0x1d6: {  	s28 =	simm.s32 $0xF0;
	s20 =	simm.s32 $0x80;
	[sflag:s17] =	ssyncadd.s32 $0xFFFFD800  }
0x1d7: {  	[tilespmem:s29], [sflag:$0x5] =	stream.indirect.gather [hbm4b:s1+s26], $0x80, s20, s26, $0xb8;
	[tilespmem:$0x1F400] =	vst v63  }
0x1d8: {  	v8 =	vld [tilespmem:s28+$0x5310]  }
0x1d9: {  	v9 =	vld [tilespmem:s28+$0x5320]  }
0x1da: {  	v10 =	vld [tilespmem:s28+$0x5330]  }
0x1db: {  	v11 =	vld [tilespmem:s28+$0x5340]  }
0x1dc: {  	v12 =	vld [tilespmem:s28+$0x5350]  }
0x1dd: {  	v13 =	vld [tilespmem:s28+$0x5360]  }
0x1de: {  	v14 =	vld [tilespmem:s28+$0x5370]  }
0x1df: {  	v15 =	vld [tilespmem:s28+$0x5380]  }
0x1e0: {  	v16 =	vld [tilespmem:s28+$0x5390]  }
0x1e1: {  	v17 =	vld [tilespmem:s28+$0x53A0]  }
0x1e2: {  	v7 =	vld [tilespmem:s28+$0x53B0]  }
0x1e3: {  	v6 =	vld [tilespmem:s28+$0x53C0]  }
0x1e4: {  	v5 =	vld [tilespmem:s28+$0x53D0]  }
0x1e5: {  	v18 =	vld [tilespmem:s28+$0x2B10]  }
0x1e6: {  	v19 =	vld [tilespmem:s28+$0x2B20]  }
0x1e7: {  	v4 =	vld [tilespmem:s28+$0x53E0]  }
0x1e8: {  	v20 =	vld [tilespmem:s28+$0x2B30]  }
0x1e9: {  	v21 =	vld [tilespmem:s28+$0x2B40]  }
0x1ea: {  	v3 =	vld [tilespmem:s28+$0x53F0];
	v8 =	vadd.f32 v8, v18  }
0x1eb: {  	v22 =	vld [tilespmem:s28+$0x2B50];
	v9 =	vadd.f32 v9, v19  }
0x1ec: {  	v60 =	vld [tilespmem:s28+$0x2B60];
	v8 =	vmax.f32 v8, $0.0e+00  }
0x1ed: {  	v2 =	vld [tilespmem:s28+$0x5400];
	v9 =	vmax.f32 v9, $0.0e+00;
	[tilespmem:s28+$0x2B10] =	vst v8;
	v8 =	vadd.f32 v10, v20  }
0x1ee: {  	v23 =	vld [tilespmem:s28+$0x2B70];
	[tilespmem:s28+$0x2B20] =	vst v9;
	v9 =	vadd.f32 v11, v21  }
0x1ef: {  	v61 =	vld [tilespmem:s28+$0x2B80];
	v8 =	vmax.f32 v8, $0.0e+00  }
0x1f0: {  	v62 =	vld [tilespmem:s28+$0x2B90];
	v10 =	vmax.f32 v9, $0.0e+00;
	[tilespmem:s28+$0x2B30] =	vst v8;
	v8 =	vadd.f32 v12, v22  }
0x1f1: {  	v63 =	vld [tilespmem:s28+$0x2BA0];
	[tilespmem:s28+$0x2B40] =	vst v10;
	v10 =	vadd.f32 v13, v60  }
0x1f2: {  	v9 =	vld [tilespmem:s28+$0x2BB0];
	v11 =	vmax.f32 v8, $0.0e+00  }
0x1f3: {  	v8 =	vld [tilespmem:s28+$0x2BC0];
	v12 =	vmax.f32 v10, $0.0e+00;
	[tilespmem:s28+$0x2B50] =	vst v11;
	v11 =	vadd.f32 v14, v23  }
0x1f4: {  	v10 =	vld [tilespmem:s28+$0x2BD0];
	[tilespmem:s28+$0x2B60] =	vst v12;
	v12 =	vadd.f32 v15, v61  }
0x1f5: {  	v14 =	vadd.f32 v16, v62;
	v13 =	vmax.f32 v11, $0.0e+00;
	v11 =	vld [tilespmem:s28+$0x2BE0]  }
0x1f6: {  	s19 =	simm.s32 $0x7C0;
	v15 =	vmax.f32 v12, $0.0e+00;
	v12 =	vld [tilespmem:s28+$0x2BF0];
	[tilespmem:s28+$0x2B70] =	vst v13;
	v13 =	vadd.f32 v17, v63  }
.LBB2_13:
0x1f7: {  	s20 =	sshra.s32 s19, $0x2;
	p0 =	sne.s32 s19, $0x9FC0;
	[tilespmem:s28+$0x2B80] =	vst v15;
	v14 =	vmax.f32 v14, $0.0e+00;
	v7 =	vadd.f32 v7, v9;
	v9 =	vld [tilespmem:s28+$0x2C00]  }
0x1f8: {  	v15 =	vld [tilespmem:s20+$0x5310];
	[tilespmem:s28+$0x2B90] =	vst v14;
	v13 =	vmax.f32 v13, $0.0e+00;
	v6 =	vadd.f32 v6, v8  }
0x1f9: {  	v8 =	vld [tilespmem:s20+$0x5320];
	[tilespmem:s28+$0x2BA0] =	vst v13;
	v7 =	vmax.f32 v7, $0.0e+00;
	v5 =	vadd.f32 v5, v10  }
0x1fa: {  	v10 =	vld [tilespmem:s20+$0x5330];
	[tilespmem:s28+$0x2BB0] =	vst v7;
	v6 =	vmax.f32 v6, $0.0e+00;
	v4 =	vadd.f32 v4, v11  }
0x1fb: {  	v11 =	vld [tilespmem:s20+$0x5340];
	[tilespmem:s28+$0x2BC0] =	vst v6;
	v5 =	vmax.f32 v5, $0.0e+00;
	v3 =	vadd.f32 v3, v12  }
0x1fc: {  	v12 =	vld [tilespmem:s20+$0x5350];
	[tilespmem:s28+$0x2BD0] =	vst v5;
	v4 =	vmax.f32 v4, $0.0e+00;
	v2 =	vadd.f32 v2, v9  }
0x1fd: {  	v9 =	vld [tilespmem:s20+$0x5360];
	[tilespmem:s28+$0x2BE0] =	vst v4;
	v3 =	vmax.f32 v3, $0.0e+00  }
0x1fe: {  	v13 =	vld [tilespmem:s20+$0x5370];
	[tilespmem:s28+$0x2BF0] =	vst v3;
	v2 =	vmax.f32 v2, $0.0e+00  }
0x1ff: {  	v14 =	vld [tilespmem:s20+$0x5380];
	[tilespmem:s28+$0x2C00] =	vst v2;
	s28 =	smov.u32 s20  }
0x200: {  	v16 =	vld [tilespmem:s28+$0x5390]  }
0x201: {  	v17 =	vld [tilespmem:s28+$0x53A0]  }
0x202: {  	v7 =	vld [tilespmem:s28+$0x53B0]  }
0x203: {  	v6 =	vld [tilespmem:s28+$0x53C0]  }
0x204: {  	v5 =	vld [tilespmem:s28+$0x53D0]  }
0x205: {  	v4 =	vld [tilespmem:s28+$0x53E0]  }
0x206: {  	v3 =	vld [tilespmem:s28+$0x53F0]  }
0x207: {  	v2 =	vld [tilespmem:s28+$0x5400]  }
0x208: {  	v18 =	vld [tilespmem:s28+$0x2B10]  }
0x209: {  	v19 =	vld [tilespmem:s28+$0x2B20]  }
0x20a: {  	v20 =	vld [tilespmem:s28+$0x2B30]  }
0x20b: {  	v21 =	vld [tilespmem:s28+$0x2B40]  }
0x20c: {  	v22 =	vld [tilespmem:s28+$0x2B50]  }
0x20d: {  	v15 =	vadd.f32 v15, v18;
	v18 =	vld [tilespmem:s28+$0x2B60]  }
0x20e: {  	v8 =	vadd.f32 v8, v19;
	v19 =	vld [tilespmem:s28+$0x2B70]  }
0x20f: {  	v15 =	vmax.f32 v15, $0.0e+00;
	v10 =	vadd.f32 v10, v20;
	v20 =	vld [tilespmem:s28+$0x2B80]  }
0x210: {  	[tilespmem:s28+$0x2B10] =	vst v15;
	v8 =	vmax.f32 v8, $0.0e+00;
	v11 =	vadd.f32 v11, v21;
	v15 =	vld [tilespmem:s28+$0x2B90]  }
0x211: {  	[tilespmem:s28+$0x2B20] =	vst v8;
	v8 =	vmax.f32 v10, $0.0e+00;
	v10 =	vadd.f32 v12, v22;
	v12 =	vld [tilespmem:s28+$0x2BA0]  }
.Ltmp5:
0x212: {  	[tilespmem:s28+$0x2B30] =	vst v8;
	v8 =	vmax.f32 v11, $0.0e+00;
	v11 =	vadd.f32 v9, v18;
	v9 =	vld [tilespmem:s28+$0x2BB0];
	(pc) =	sbr.rel @p0 .LBB2_13-.Ltmp5, $4  }
0x213: {  	[tilespmem:s28+$0x2B40] =	vst v8;
	v10 =	vmax.f32 v10, $0.0e+00;
	v13 =	vadd.f32 v13, v19;
	v8 =	vld [tilespmem:s28+$0x2BC0]  }
0x214: {  	[tilespmem:s28+$0x2B50] =	vst v10;
	v11 =	vmax.f32 v11, $0.0e+00;
	v18 =	vadd.f32 v14, v20;
	v10 =	vld [tilespmem:s28+$0x2BD0]  }
0x215: {  	[tilespmem:s28+$0x2B60] =	vst v11;
	v13 =	vmax.f32 v13, $0.0e+00;
	v14 =	vadd.f32 v16, v15;
	v11 =	vld [tilespmem:s28+$0x2BE0]  }
0x216: {  	s19 =	sadd.s32 $0x400, s19;
	[tilespmem:s28+$0x2B70] =	vst v13;
	v15 =	vmax.f32 v18, $0.0e+00;
	v13 =	vadd.f32 v17, v12;
	v12 =	vld [tilespmem:s28+$0x2BF0]  }
0x217: {  	[tilespmem:s28+$0x2B80] =	vst v15;
	v14 =	vmax.f32 v14, $0.0e+00;
	v7 =	vadd.f32 v7, v9;
	v9 =	vld [tilespmem:s28+$0x2C00]  }
0x218: {  	[tilespmem:s28+$0x2B90] =	vst v14;
	v13 =	vmax.f32 v13, $0.0e+00;
	v6 =	vadd.f32 v6, v8  }
0x219: {  	[tilespmem:s28+$0x2BA0] =	vst v13;
	v7 =	vmax.f32 v7, $0.0e+00;
	v5 =	vadd.f32 v5, v10  }
0x21a: {  	[tilespmem:s28+$0x2BB0] =	vst v7;
	v6 =	vmax.f32 v6, $0.0e+00;
	v4 =	vadd.f32 v4, v11  }
0x21b: {  	s19 =	smul.u32 $0x50, s23;
	[tilespmem:s28+$0x2BC0] =	vst v6;
	v5 =	vmax.f32 v5, $0.0e+00;
	v3 =	vadd.f32 v3, v12  }
0x21c: {  	[tilespmem:s28+$0x2BD0] =	vst v5;
	v4 =	vmax.f32 v4, $0.0e+00;
	v2 =	vadd.f32 v2, v9  }
0x21d: {  	s19 =	sadd.s32 s8, s19;
	[tilespmem:s28+$0x2BE0] =	vst v4;
	v3 =	vmax.f32 v3, $0.0e+00  }
0x21e: {  	s19 =	sshll.u32 s19, $0x4;
	[tilespmem:s28+$0x2BF0] =	vst v3;
	v2 =	vmax.f32 v2, $0.0e+00  }
0x21f: {  	s19 =	sadd.s32 s5, s19;
	[tilespmem:s28+$0x2C00] =	vst v2  }
0x220: {  	[tilespmem:s30], [sflag:$0x7] =	stream.linear.gather [hbm4b:s19+s4], $0x2800, $0x38;
	[tilespmem:$0x1F400] =	vst v63  }
0x221: {  	v2 =	vld [tilespmem:$0x300];
	_ =	sdelay $0x7  }
0x222: {  	[tilespmem:v2+s13+$0x0] =	vst.idx.add.f32.msk $0xffff, v1  }
0x223: {  	v2 =	vld [tilespmem:$0x310];
	_ =	sdelay $0x7  }
0x224: {  	[tilespmem:v2+s13+$0x0] =	vst.idx.add.f32.msk $0xffff, v1  }
0x225: {  	v2 =	vld [tilespmem:$0x320];
	_ =	sdelay $0x7  }
0x226: {  	[tilespmem:v2+s13+$0x0] =	vst.idx.add.f32.msk $0xffff, v1  }
0x227: {  	v2 =	vld [tilespmem:$0x330];
	_ =	sdelay $0x7  }
0x228: {  	[tilespmem:v2+s13+$0x0] =	vst.idx.add.f32.msk $0xffff, v1  }
0x229: {  	v2 =	vld [tilespmem:$0x340];
	_ =	sdelay $0x4  }
0x22a: {  	s23 =	sadd.s32 $0x5, s18  }
0x22b: {  	s20 =	sshll.u32 s23, $0x8  }
0x22c: {  	s19 =	sadd.s32 s7, s20  }
0x22d: {  	s19 =	sshrl.u32 s19, $0x3;
	[tilespmem:v2+s13+$0x0] =	vst.idx.add.f32.msk $0xffff, v1  }
0x22e: {  	[spmem:s2] =	stream.indirect.scatter.add.f32 [tilespmem:s12], [sflag:$0x9], $0x80, s21, s26, $0xb8;
	[tilespmem:$0x1F400] =	vst v63  }
0x22f: {  	s19 =	sadd.s32 s6, s19  }
0x230: {  	[tilespmem:s22], [sflag:$0x2] =	stream.linear.gather [hbm4b:s19+s4], $0x100, $0x38;
	[tilespmem:$0x1F400] =	vst v63  }
0x231: {  	_ =	swait.ge [sflag:s31], $0x100  }
0x232: {  	[sflag:s31] =	ssyncset.done $0x0  }
0x233: {  	[sflag:s31] =	ssyncadd.s32 $0xFFFFFF00  }
0x234: {  	_ =	swait.ge [sflag:s0], $0x2800  }
0x235: {  	[sflag:s0] =	ssyncset.done $0x0  }
0x236: {  	[sflag:s0] =	ssyncadd.s32 $0xFFFFD800  }
0x237: {  	_ =	swait.ge [sflag:s3], $0x2800  }
0x238: {  	[sflag:s3] =	ssyncset.done $0x0  }
0x239: {  	[sflag:s3] =	ssyncadd.s32 $0xFFFFD800  }
0x23a: {  	_ =	swait.ge [sflag:s10], $0x2800  }
0x23b: {  	[sflag:s10] =	ssyncset.done $0x0  }
0x23c: {  	s28 =	simm.s32 $0xF0;
	s20 =	simm.s32 $0x180;
	[sflag:s10] =	ssyncadd.s32 $0xFFFFD800  }
0x23d: {  	[tilespmem:s12], [sflag:$0x6] =	stream.indirect.gather [hbm4b:s1+s26], $0x80, s20, s26, $0xb8;
	[tilespmem:$0x1F400] =	vst v63  }
0x23e: {  	v8 =	vld [tilespmem:s28+$0x5310]  }
0x23f: {  	v9 =	vld [tilespmem:s28+$0x5320]  }
0x240: {  	v10 =	vld [tilespmem:s28+$0x5330]  }
0x241: {  	v11 =	vld [tilespmem:s28+$0x5340]  }
0x242: {  	v12 =	vld [tilespmem:s28+$0x5350]  }
0x243: {  	v13 =	vld [tilespmem:s28+$0x5360]  }
0x244: {  	v14 =	vld [tilespmem:s28+$0x5370]  }
0x245: {  	v15 =	vld [tilespmem:s28+$0x5380]  }
0x246: {  	v16 =	vld [tilespmem:s28+$0x5390]  }
0x247: {  	v17 =	vld [tilespmem:s28+$0x53A0]  }
0x248: {  	v7 =	vld [tilespmem:s28+$0x53B0]  }
0x249: {  	v6 =	vld [tilespmem:s28+$0x53C0]  }
0x24a: {  	v5 =	vld [tilespmem:s28+$0x53D0]  }
0x24b: {  	v18 =	vld [tilespmem:s28+$0x310]  }
0x24c: {  	v19 =	vld [tilespmem:s28+$0x320]  }
0x24d: {  	v4 =	vld [tilespmem:s28+$0x53E0]  }
0x24e: {  	v20 =	vld [tilespmem:s28+$0x330]  }
0x24f: {  	v21 =	vld [tilespmem:s28+$0x340]  }
0x250: {  	v3 =	vld [tilespmem:s28+$0x53F0];
	v8 =	vadd.f32 v8, v18  }
0x251: {  	v22 =	vld [tilespmem:s28+$0x350];
	v9 =	vadd.f32 v9, v19  }
0x252: {  	v60 =	vld [tilespmem:s28+$0x360];
	v8 =	vmax.f32 v8, $0.0e+00  }
0x253: {  	v2 =	vld [tilespmem:s28+$0x5400];
	v9 =	vmax.f32 v9, $0.0e+00;
	[tilespmem:s28+$0x310] =	vst v8;
	v8 =	vadd.f32 v10, v20  }
0x254: {  	v23 =	vld [tilespmem:s28+$0x370];
	[tilespmem:s28+$0x320] =	vst v9;
	v9 =	vadd.f32 v11, v21  }
0x255: {  	v61 =	vld [tilespmem:s28+$0x380];
	v8 =	vmax.f32 v8, $0.0e+00  }
0x256: {  	v62 =	vld [tilespmem:s28+$0x390];
	v10 =	vmax.f32 v9, $0.0e+00;
	[tilespmem:s28+$0x330] =	vst v8;
	v8 =	vadd.f32 v12, v22  }
0x257: {  	v63 =	vld [tilespmem:s28+$0x3A0];
	[tilespmem:s28+$0x340] =	vst v10;
	v10 =	vadd.f32 v13, v60  }
0x258: {  	v9 =	vld [tilespmem:s28+$0x3B0];
	v11 =	vmax.f32 v8, $0.0e+00  }
0x259: {  	v8 =	vld [tilespmem:s28+$0x3C0];
	v12 =	vmax.f32 v10, $0.0e+00;
	[tilespmem:s28+$0x350] =	vst v11;
	v11 =	vadd.f32 v14, v23  }
0x25a: {  	v10 =	vld [tilespmem:s28+$0x3D0];
	[tilespmem:s28+$0x360] =	vst v12;
	v12 =	vadd.f32 v15, v61  }
0x25b: {  	v14 =	vadd.f32 v16, v62;
	v13 =	vmax.f32 v11, $0.0e+00;
	v11 =	vld [tilespmem:s28+$0x3E0]  }
0x25c: {  	s19 =	simm.s32 $0x7C0;
	v15 =	vmax.f32 v12, $0.0e+00;
	v12 =	vld [tilespmem:s28+$0x3F0];
	[tilespmem:s28+$0x370] =	vst v13;
	v13 =	vadd.f32 v17, v63  }
.LBB2_15:
0x25d: {  	s20 =	sshra.s32 s19, $0x2;
	p0 =	sne.s32 s19, $0x9FC0;
	[tilespmem:s28+$0x380] =	vst v15;
	v14 =	vmax.f32 v14, $0.0e+00;
	v7 =	vadd.f32 v7, v9;
	v9 =	vld [tilespmem:s28+$0x400]  }
0x25e: {  	v15 =	vld [tilespmem:s20+$0x5310];
	[tilespmem:s28+$0x390] =	vst v14;
	v13 =	vmax.f32 v13, $0.0e+00;
	v6 =	vadd.f32 v6, v8  }
0x25f: {  	v8 =	vld [tilespmem:s20+$0x5320];
	[tilespmem:s28+$0x3A0] =	vst v13;
	v7 =	vmax.f32 v7, $0.0e+00;
	v5 =	vadd.f32 v5, v10  }
0x260: {  	v10 =	vld [tilespmem:s20+$0x5330];
	[tilespmem:s28+$0x3B0] =	vst v7;
	v6 =	vmax.f32 v6, $0.0e+00;
	v4 =	vadd.f32 v4, v11  }
0x261: {  	v11 =	vld [tilespmem:s20+$0x5340];
	[tilespmem:s28+$0x3C0] =	vst v6;
	v5 =	vmax.f32 v5, $0.0e+00;
	v3 =	vadd.f32 v3, v12  }
0x262: {  	v12 =	vld [tilespmem:s20+$0x5350];
	[tilespmem:s28+$0x3D0] =	vst v5;
	v4 =	vmax.f32 v4, $0.0e+00;
	v2 =	vadd.f32 v2, v9  }
0x263: {  	v9 =	vld [tilespmem:s20+$0x5360];
	[tilespmem:s28+$0x3E0] =	vst v4;
	v3 =	vmax.f32 v3, $0.0e+00  }
0x264: {  	v13 =	vld [tilespmem:s20+$0x5370];
	[tilespmem:s28+$0x3F0] =	vst v3;
	v2 =	vmax.f32 v2, $0.0e+00  }
0x265: {  	v14 =	vld [tilespmem:s20+$0x5380];
	[tilespmem:s28+$0x400] =	vst v2;
	s28 =	smov.u32 s20  }
0x266: {  	v16 =	vld [tilespmem:s28+$0x5390]  }
0x267: {  	v17 =	vld [tilespmem:s28+$0x53A0]  }
0x268: {  	v7 =	vld [tilespmem:s28+$0x53B0]  }
0x269: {  	v6 =	vld [tilespmem:s28+$0x53C0]  }
0x26a: {  	v5 =	vld [tilespmem:s28+$0x53D0]  }
0x26b: {  	v4 =	vld [tilespmem:s28+$0x53E0]  }
0x26c: {  	v3 =	vld [tilespmem:s28+$0x53F0]  }
0x26d: {  	v2 =	vld [tilespmem:s28+$0x5400]  }
0x26e: {  	v18 =	vld [tilespmem:s28+$0x310]  }
0x26f: {  	v19 =	vld [tilespmem:s28+$0x320]  }
0x270: {  	v20 =	vld [tilespmem:s28+$0x330]  }
0x271: {  	v21 =	vld [tilespmem:s28+$0x340]  }
0x272: {  	v22 =	vld [tilespmem:s28+$0x350]  }
0x273: {  	v15 =	vadd.f32 v15, v18;
	v18 =	vld [tilespmem:s28+$0x360]  }
0x274: {  	v8 =	vadd.f32 v8, v19;
	v19 =	vld [tilespmem:s28+$0x370]  }
0x275: {  	v15 =	vmax.f32 v15, $0.0e+00;
	v10 =	vadd.f32 v10, v20;
	v20 =	vld [tilespmem:s28+$0x380]  }
0x276: {  	[tilespmem:s28+$0x310] =	vst v15;
	v8 =	vmax.f32 v8, $0.0e+00;
	v11 =	vadd.f32 v11, v21;
	v15 =	vld [tilespmem:s28+$0x390]  }
0x277: {  	[tilespmem:s28+$0x320] =	vst v8;
	v8 =	vmax.f32 v10, $0.0e+00;
	v10 =	vadd.f32 v12, v22;
	v12 =	vld [tilespmem:s28+$0x3A0]  }
.Ltmp6:
0x278: {  	[tilespmem:s28+$0x330] =	vst v8;
	v8 =	vmax.f32 v11, $0.0e+00;
	v11 =	vadd.f32 v9, v18;
	v9 =	vld [tilespmem:s28+$0x3B0];
	(pc) =	sbr.rel @p0 .LBB2_15-.Ltmp6, $4  }
0x279: {  	[tilespmem:s28+$0x340] =	vst v8;
	v10 =	vmax.f32 v10, $0.0e+00;
	v13 =	vadd.f32 v13, v19;
	v8 =	vld [tilespmem:s28+$0x3C0]  }
0x27a: {  	[tilespmem:s28+$0x350] =	vst v10;
	v11 =	vmax.f32 v11, $0.0e+00;
	v18 =	vadd.f32 v14, v20;
	v10 =	vld [tilespmem:s28+$0x3D0]  }
0x27b: {  	[tilespmem:s28+$0x360] =	vst v11;
	v13 =	vmax.f32 v13, $0.0e+00;
	v14 =	vadd.f32 v16, v15;
	v11 =	vld [tilespmem:s28+$0x3E0]  }
0x27c: {  	s19 =	sadd.s32 $0x400, s19;
	[tilespmem:s28+$0x370] =	vst v13;
	v15 =	vmax.f32 v18, $0.0e+00;
	v13 =	vadd.f32 v17, v12;
	v12 =	vld [tilespmem:s28+$0x3F0]  }
0x27d: {  	[tilespmem:s28+$0x380] =	vst v15;
	v14 =	vmax.f32 v14, $0.0e+00;
	v7 =	vadd.f32 v7, v9;
	v9 =	vld [tilespmem:s28+$0x400]  }
0x27e: {  	[tilespmem:s28+$0x390] =	vst v14;
	v13 =	vmax.f32 v13, $0.0e+00;
	v6 =	vadd.f32 v6, v8  }
0x27f: {  	[tilespmem:s28+$0x3A0] =	vst v13;
	v7 =	vmax.f32 v7, $0.0e+00;
	v5 =	vadd.f32 v5, v10  }
0x280: {  	[tilespmem:s28+$0x3B0] =	vst v7;
	v6 =	vmax.f32 v6, $0.0e+00;
	v4 =	vadd.f32 v4, v11  }
0x281: {  	s19 =	smul.u32 $0x50, s23;
	[tilespmem:s28+$0x3C0] =	vst v6;
	v5 =	vmax.f32 v5, $0.0e+00;
	v3 =	vadd.f32 v3, v12  }
0x282: {  	[tilespmem:s28+$0x3D0] =	vst v5;
	v4 =	vmax.f32 v4, $0.0e+00;
	v2 =	vadd.f32 v2, v9  }
0x283: {  	s19 =	sadd.s32 s8, s19;
	[tilespmem:s28+$0x3E0] =	vst v4;
	v3 =	vmax.f32 v3, $0.0e+00  }
0x284: {  	s19 =	sshll.u32 s19, $0x4;
	[tilespmem:s28+$0x3F0] =	vst v3;
	v2 =	vmax.f32 v2, $0.0e+00  }
0x285: {  	s19 =	sadd.s32 s5, s19;
	[tilespmem:s28+$0x400] =	vst v2  }
0x286: {  	[tilespmem:s30], [sflag:$0x7] =	stream.linear.gather [hbm4b:s19+s4], $0x2800, $0x38;
	[tilespmem:$0x1F400] =	vst v63  }
0x287: {  	v2 =	vld [tilespmem:$0x0];
	_ =	sdelay $0x7  }
0x288: {  	[tilespmem:v2+s13+$0x0] =	vst.idx.add.f32.msk $0xffff, v1  }
0x289: {  	v2 =	vld [tilespmem:$0x10];
	_ =	sdelay $0x7  }
0x28a: {  	[tilespmem:v2+s13+$0x0] =	vst.idx.add.f32.msk $0xffff, v1  }
0x28b: {  	v2 =	vld [tilespmem:$0x20];
	_ =	sdelay $0x7  }
0x28c: {  	[tilespmem:v2+s13+$0x0] =	vst.idx.add.f32.msk $0xffff, v1  }
0x28d: {  	v2 =	vld [tilespmem:$0x30];
	_ =	sdelay $0x7  }
0x28e: {  	[tilespmem:v2+s13+$0x0] =	vst.idx.add.f32.msk $0xffff, v1  }
0x28f: {  	v2 =	vld [tilespmem:$0x40];
	_ =	sdelay $0x4  }
0x290: {  	s18 =	sadd.s32 $0x6, s18  }
0x291: {  	s23 =	sshll.u32 s18, $0x8  }
0x292: {  	s19 =	sadd.s32 s7, s23  }
0x293: {  	s19 =	sshrl.u32 s19, $0x3;
	[tilespmem:v2+s13+$0x0] =	vst.idx.add.f32.msk $0xffff, v1  }
0x294: {  	[spmem:s2] =	stream.indirect.scatter.add.f32 [tilespmem:s29], [sflag:$0x8], $0x80, s4, s26, $0xb8;
	[tilespmem:$0x1F400] =	vst v63  }
0x295: {  	s19 =	sadd.s32 s6, s19  }
0x296: {  	[tilespmem:s14], [sflag:$0x3] =	stream.linear.gather [hbm4b:s19+s4], $0x100, $0x38;
	[tilespmem:$0x1F400] =	vst v63  }
0x297: {  	_ =	swait.ge [sflag:s15], $0x100  }
0x298: {  	[sflag:s15] =	ssyncset.done $0x0  }
0x299: {  	[sflag:s15] =	ssyncadd.s32 $0xFFFFFF00  }
0x29a: {  	_ =	swait.ge [sflag:s16], $0x2800  }
0x29b: {  	[sflag:s16] =	ssyncset.done $0x0  }
0x29c: {  	[sflag:s16] =	ssyncadd.s32 $0xFFFFD800  }
0x29d: {  	_ =	swait.ge [sflag:s3], $0x2800  }
0x29e: {  	[sflag:s3] =	ssyncset.done $0x0  }
0x29f: {  	[sflag:s3] =	ssyncadd.s32 $0xFFFFD800  }
0x2a0: {  	_ =	swait.ge [sflag:s17], $0x2800  }
0x2a1: {  	[sflag:s17] =	ssyncset.done $0x0  }
0x2a2: {  	s28 =	simm.s32 $0x280;
	s23 =	simm.s32 $0xF0;
	[sflag:s17] =	ssyncadd.s32 $0xFFFFD800  }
0x2a3: {  	[tilespmem:s29], [sflag:$0x5] =	stream.indirect.gather [hbm4b:s1+s26], $0x80, s28, s26, $0xb8;
	[tilespmem:$0x1F400] =	vst v63  }
0x2a4: {  	v8 =	vld [tilespmem:s23+$0x5310]  }
0x2a5: {  	v9 =	vld [tilespmem:s23+$0x5320]  }
0x2a6: {  	v10 =	vld [tilespmem:s23+$0x5330]  }
0x2a7: {  	v11 =	vld [tilespmem:s23+$0x5340]  }
0x2a8: {  	v12 =	vld [tilespmem:s23+$0x5350]  }
0x2a9: {  	v13 =	vld [tilespmem:s23+$0x5360]  }
0x2aa: {  	v14 =	vld [tilespmem:s23+$0x5370]  }
0x2ab: {  	v15 =	vld [tilespmem:s23+$0x5380]  }
0x2ac: {  	v16 =	vld [tilespmem:s23+$0x5390]  }
0x2ad: {  	v17 =	vld [tilespmem:s23+$0x53A0]  }
0x2ae: {  	v7 =	vld [tilespmem:s23+$0x53B0]  }
0x2af: {  	v6 =	vld [tilespmem:s23+$0x53C0]  }
0x2b0: {  	v5 =	vld [tilespmem:s23+$0x53D0]  }
0x2b1: {  	v18 =	vld [tilespmem:s23+$0x2B10]  }
0x2b2: {  	v19 =	vld [tilespmem:s23+$0x2B20]  }
0x2b3: {  	v4 =	vld [tilespmem:s23+$0x53E0]  }
0x2b4: {  	v20 =	vld [tilespmem:s23+$0x2B30]  }
0x2b5: {  	v21 =	vld [tilespmem:s23+$0x2B40]  }
0x2b6: {  	v3 =	vld [tilespmem:s23+$0x53F0];
	v8 =	vadd.f32 v8, v18  }
0x2b7: {  	v22 =	vld [tilespmem:s23+$0x2B50];
	v9 =	vadd.f32 v9, v19  }
0x2b8: {  	v60 =	vld [tilespmem:s23+$0x2B60];
	v8 =	vmax.f32 v8, $0.0e+00  }
0x2b9: {  	v2 =	vld [tilespmem:s23+$0x5400];
	v9 =	vmax.f32 v9, $0.0e+00;
	[tilespmem:s23+$0x2B10] =	vst v8;
	v8 =	vadd.f32 v10, v20  }
0x2ba: {  	v23 =	vld [tilespmem:s23+$0x2B70];
	[tilespmem:s23+$0x2B20] =	vst v9;
	v9 =	vadd.f32 v11, v21  }
0x2bb: {  	v61 =	vld [tilespmem:s23+$0x2B80];
	v8 =	vmax.f32 v8, $0.0e+00  }
0x2bc: {  	v62 =	vld [tilespmem:s23+$0x2B90];
	v10 =	vmax.f32 v9, $0.0e+00;
	[tilespmem:s23+$0x2B30] =	vst v8;
	v8 =	vadd.f32 v12, v22  }
0x2bd: {  	v63 =	vld [tilespmem:s23+$0x2BA0];
	[tilespmem:s23+$0x2B40] =	vst v10;
	v10 =	vadd.f32 v13, v60  }
0x2be: {  	v9 =	vld [tilespmem:s23+$0x2BB0];
	v11 =	vmax.f32 v8, $0.0e+00  }
0x2bf: {  	v8 =	vld [tilespmem:s23+$0x2BC0];
	v12 =	vmax.f32 v10, $0.0e+00;
	[tilespmem:s23+$0x2B50] =	vst v11;
	v11 =	vadd.f32 v14, v23  }
0x2c0: {  	v10 =	vld [tilespmem:s23+$0x2BD0];
	[tilespmem:s23+$0x2B60] =	vst v12;
	v12 =	vadd.f32 v15, v61  }
0x2c1: {  	v14 =	vadd.f32 v16, v62;
	v13 =	vmax.f32 v11, $0.0e+00;
	v11 =	vld [tilespmem:s23+$0x2BE0]  }
0x2c2: {  	s19 =	simm.s32 $0x7C0;
	v15 =	vmax.f32 v12, $0.0e+00;
	v12 =	vld [tilespmem:s23+$0x2BF0];
	[tilespmem:s23+$0x2B70] =	vst v13;
	v13 =	vadd.f32 v17, v63  }
.LBB2_17:
0x2c3: {  	s20 =	sshra.s32 s19, $0x2;
	p0 =	sne.s32 s19, $0x9FC0;
	[tilespmem:s23+$0x2B80] =	vst v15;
	v14 =	vmax.f32 v14, $0.0e+00;
	v7 =	vadd.f32 v7, v9;
	v9 =	vld [tilespmem:s23+$0x2C00]  }
0x2c4: {  	v15 =	vld [tilespmem:s20+$0x5310];
	[tilespmem:s23+$0x2B90] =	vst v14;
	v13 =	vmax.f32 v13, $0.0e+00;
	v6 =	vadd.f32 v6, v8  }
0x2c5: {  	v8 =	vld [tilespmem:s20+$0x5320];
	[tilespmem:s23+$0x2BA0] =	vst v13;
	v7 =	vmax.f32 v7, $0.0e+00;
	v5 =	vadd.f32 v5, v10  }
0x2c6: {  	v10 =	vld [tilespmem:s20+$0x5330];
	[tilespmem:s23+$0x2BB0] =	vst v7;
	v6 =	vmax.f32 v6, $0.0e+00;
	v4 =	vadd.f32 v4, v11  }
0x2c7: {  	v11 =	vld [tilespmem:s20+$0x5340];
	[tilespmem:s23+$0x2BC0] =	vst v6;
	v5 =	vmax.f32 v5, $0.0e+00;
	v3 =	vadd.f32 v3, v12  }
0x2c8: {  	v12 =	vld [tilespmem:s20+$0x5350];
	[tilespmem:s23+$0x2BD0] =	vst v5;
	v4 =	vmax.f32 v4, $0.0e+00;
	v2 =	vadd.f32 v2, v9  }
0x2c9: {  	v9 =	vld [tilespmem:s20+$0x5360];
	[tilespmem:s23+$0x2BE0] =	vst v4;
	v3 =	vmax.f32 v3, $0.0e+00  }
0x2ca: {  	v13 =	vld [tilespmem:s20+$0x5370];
	[tilespmem:s23+$0x2BF0] =	vst v3;
	v2 =	vmax.f32 v2, $0.0e+00  }
0x2cb: {  	v14 =	vld [tilespmem:s20+$0x5380];
	[tilespmem:s23+$0x2C00] =	vst v2;
	s23 =	smov.u32 s20  }
0x2cc: {  	v16 =	vld [tilespmem:s23+$0x5390]  }
0x2cd: {  	v17 =	vld [tilespmem:s23+$0x53A0]  }
0x2ce: {  	v7 =	vld [tilespmem:s23+$0x53B0]  }
0x2cf: {  	v6 =	vld [tilespmem:s23+$0x53C0]  }
0x2d0: {  	v5 =	vld [tilespmem:s23+$0x53D0]  }
0x2d1: {  	v4 =	vld [tilespmem:s23+$0x53E0]  }
0x2d2: {  	v3 =	vld [tilespmem:s23+$0x53F0]  }
0x2d3: {  	v2 =	vld [tilespmem:s23+$0x5400]  }
0x2d4: {  	v18 =	vld [tilespmem:s23+$0x2B10]  }
0x2d5: {  	v19 =	vld [tilespmem:s23+$0x2B20]  }
0x2d6: {  	v20 =	vld [tilespmem:s23+$0x2B30]  }
0x2d7: {  	v21 =	vld [tilespmem:s23+$0x2B40]  }
0x2d8: {  	v22 =	vld [tilespmem:s23+$0x2B50]  }
0x2d9: {  	v15 =	vadd.f32 v15, v18;
	v18 =	vld [tilespmem:s23+$0x2B60]  }
0x2da: {  	v8 =	vadd.f32 v8, v19;
	v19 =	vld [tilespmem:s23+$0x2B70]  }
0x2db: {  	v15 =	vmax.f32 v15, $0.0e+00;
	v10 =	vadd.f32 v10, v20;
	v20 =	vld [tilespmem:s23+$0x2B80]  }
0x2dc: {  	[tilespmem:s23+$0x2B10] =	vst v15;
	v8 =	vmax.f32 v8, $0.0e+00;
	v11 =	vadd.f32 v11, v21;
	v15 =	vld [tilespmem:s23+$0x2B90]  }
0x2dd: {  	[tilespmem:s23+$0x2B20] =	vst v8;
	v8 =	vmax.f32 v10, $0.0e+00;
	v10 =	vadd.f32 v12, v22;
	v12 =	vld [tilespmem:s23+$0x2BA0]  }
.Ltmp7:
0x2de: {  	[tilespmem:s23+$0x2B30] =	vst v8;
	v8 =	vmax.f32 v11, $0.0e+00;
	v11 =	vadd.f32 v9, v18;
	v9 =	vld [tilespmem:s23+$0x2BB0];
	(pc) =	sbr.rel @p0 .LBB2_17-.Ltmp7, $4  }
0x2df: {  	[tilespmem:s23+$0x2B40] =	vst v8;
	v10 =	vmax.f32 v10, $0.0e+00;
	v13 =	vadd.f32 v13, v19;
	v8 =	vld [tilespmem:s23+$0x2BC0]  }
0x2e0: {  	[tilespmem:s23+$0x2B50] =	vst v10;
	v11 =	vmax.f32 v11, $0.0e+00;
	v18 =	vadd.f32 v14, v20;
	v10 =	vld [tilespmem:s23+$0x2BD0]  }
0x2e1: {  	[tilespmem:s23+$0x2B60] =	vst v11;
	v13 =	vmax.f32 v13, $0.0e+00;
	v14 =	vadd.f32 v16, v15;
	v11 =	vld [tilespmem:s23+$0x2BE0]  }
0x2e2: {  	s19 =	sadd.s32 $0x400, s19;
	[tilespmem:s23+$0x2B70] =	vst v13;
	v15 =	vmax.f32 v18, $0.0e+00;
	v13 =	vadd.f32 v17, v12;
	v12 =	vld [tilespmem:s23+$0x2BF0]  }
0x2e3: {  	[tilespmem:s23+$0x2B80] =	vst v15;
	v14 =	vmax.f32 v14, $0.0e+00;
	v7 =	vadd.f32 v7, v9;
	v63 =	vld [tilespmem:s23+$0x2C00]  }
0x2e4: {  	[tilespmem:s23+$0x2B90] =	vst v14;
	v13 =	vmax.f32 v13, $0.0e+00;
	v6 =	vadd.f32 v6, v8  }
0x2e5: {  	[tilespmem:s23+$0x2BA0] =	vst v13;
	v7 =	vmax.f32 v7, $0.0e+00;
	v5 =	vadd.f32 v5, v10  }
0x2e6: {  	[tilespmem:s23+$0x2BB0] =	vst v7;
	v6 =	vmax.f32 v6, $0.0e+00;
	v4 =	vadd.f32 v4, v11  }
0x2e7: {  	s18 =	smul.u32 $0x50, s18;
	[tilespmem:s23+$0x2BC0] =	vst v6;
	v5 =	vmax.f32 v5, $0.0e+00;
	v3 =	vadd.f32 v3, v12  }
0x2e8: {  	[tilespmem:s23+$0x2BD0] =	vst v5;
	v4 =	vmax.f32 v4, $0.0e+00;
	v2 =	vadd.f32 v2, v63  }
0x2e9: {  	s18 =	sadd.s32 s8, s18;
	[tilespmem:s23+$0x2BE0] =	vst v4;
	v3 =	vmax.f32 v3, $0.0e+00  }
0x2ea: {  	s18 =	sshll.u32 s18, $0x4;
	[tilespmem:s23+$0x2BF0] =	vst v3;
	v2 =	vmax.f32 v2, $0.0e+00  }
0x2eb: {  	s18 =	sadd.s32 s5, s18;
	[tilespmem:s23+$0x2C00] =	vst v2  }
0x2ec: {  	[tilespmem:s30], [sflag:$0x7] =	stream.linear.gather [hbm4b:s18+s4], $0x2800, $0x38;
	[tilespmem:$0x1F400] =	vst v63  }
0x2ed: {  	v2 =	vld [tilespmem:$0x100];
	_ =	sdelay $0x7  }
0x2ee: {  	[tilespmem:v2+s13+$0x0] =	vst.idx.add.f32.msk $0xffff, v1  }
0x2ef: {  	v2 =	vld [tilespmem:$0x110];
	_ =	sdelay $0x7  }
0x2f0: {  	[tilespmem:v2+s13+$0x0] =	vst.idx.add.f32.msk $0xffff, v1  }
0x2f1: {  	v2 =	vld [tilespmem:$0x120];
	_ =	sdelay $0x7  }
0x2f2: {  	[tilespmem:v2+s13+$0x0] =	vst.idx.add.f32.msk $0xffff, v1  }
0x2f3: {  	v2 =	vld [tilespmem:$0x130];
	_ =	sdelay $0x7  }
0x2f4: {  	[tilespmem:v2+s13+$0x0] =	vst.idx.add.f32.msk $0xffff, v1  }
0x2f5: {  	v2 =	vld [tilespmem:$0x140];
	_ =	sdelay $0x3  }
0x2f6: {  	s19 =	sld [smem:$0x7FC]  }
0x2f7: {  	s28 =	sshll.u32 s11, $0xA;
	s11 =	sadd.s32 $0x1, s11  }
0x2f8: {  	p0 =	sne.s32 s11, $0x1E  }
.Ltmp8:
0x2f9: {  	s18 =	sadd.s32 s28, s19;
	(pc) =	sbr.rel @p0 .LBB2_10-.Ltmp8, $4  }
0x2fa: {  	s18 =	sshrl.u32 s18, $0x3;
	[tilespmem:v2+s13+$0x0] =	vst.idx.add.f32.msk $0xffff, v1  }
0x2fb: {  	[spmem:s2] =	stream.indirect.scatter.add.f32 [tilespmem:s12], [sflag:$0x9], $0x80, s22, s26, $0xb8;
	[tilespmem:$0x1F400] =	vst v63  }
0x2fc: {  	s18 =	sadd.s32 s6, s18  }
0x2fd: {  	[tilespmem:s21], [sflag:$0x4] =	stream.linear.gather [hbm4b:s18+s4], $0x100, $0x38;
	[tilespmem:$0x1F400] =	vst v63  }
0x2fe: {  	_ =	swait.ge [sflag:s9], $0x100  }
0x2ff: {  	[sflag:s9] =	ssyncset.done $0x0  }
0x300: {  	[sflag:s9] =	ssyncadd.s32 $0xFFFFFF00  }
0x301: {  	_ =	swait.ge [sflag:s0], $0x2800  }
0x302: {  	[sflag:s0] =	ssyncset.done $0x0  }
0x303: {  	[sflag:s0] =	ssyncadd.s32 $0xFFFFD800  }
0x304: {  	_ =	swait.ge [sflag:s3], $0x2800  }
0x305: {  	[sflag:s3] =	ssyncset.done $0x0  }
0x306: {  	[sflag:s3] =	ssyncadd.s32 $0xFFFFD800  }
0x307: {  	_ =	swait.ge [sflag:s10], $0x2800  }
0x308: {  	[sflag:s10] =	ssyncset.done $0x0  }
0x309: {  	s11 =	simm.s32 $0x380;
	[sflag:s10] =	ssyncadd.s32 $0xFFFFD800  }
0x30a: {  	[tilespmem:s12], [sflag:$0x6] =	stream.indirect.gather [hbm4b:s1+s26], $0x80, s11, s26, $0xb8;
	[tilespmem:$0x1F400] =	vst v63  }
0x30b: {  	s11 =	simm.s32 $0xF0  }
0x30c: {  	v8 =	vld [tilespmem:s11+$0x5310]  }
0x30d: {  	v9 =	vld [tilespmem:s11+$0x5320]  }
0x30e: {  	v10 =	vld [tilespmem:s11+$0x5330]  }
0x30f: {  	v11 =	vld [tilespmem:s11+$0x5340]  }
0x310: {  	v12 =	vld [tilespmem:s11+$0x5350]  }
0x311: {  	v13 =	vld [tilespmem:s11+$0x5360]  }
0x312: {  	v14 =	vld [tilespmem:s11+$0x5370]  }
0x313: {  	v15 =	vld [tilespmem:s11+$0x5380]  }
0x314: {  	v16 =	vld [tilespmem:s11+$0x5390]  }
0x315: {  	v17 =	vld [tilespmem:s11+$0x53A0]  }
0x316: {  	v7 =	vld [tilespmem:s11+$0x53B0]  }
0x317: {  	v6 =	vld [tilespmem:s11+$0x53C0]  }
0x318: {  	v5 =	vld [tilespmem:s11+$0x53D0]  }
0x319: {  	v18 =	vld [tilespmem:s11+$0x310]  }
0x31a: {  	v19 =	vld [tilespmem:s11+$0x320]  }
0x31b: {  	v4 =	vld [tilespmem:s11+$0x53E0]  }
0x31c: {  	v20 =	vld [tilespmem:s11+$0x330]  }
0x31d: {  	v21 =	vld [tilespmem:s11+$0x340]  }
0x31e: {  	v3 =	vld [tilespmem:s11+$0x53F0];
	v8 =	vadd.f32 v8, v18  }
0x31f: {  	v22 =	vld [tilespmem:s11+$0x350];
	v9 =	vadd.f32 v9, v19  }
0x320: {  	v60 =	vld [tilespmem:s11+$0x360];
	v8 =	vmax.f32 v8, $0.0e+00  }
0x321: {  	v2 =	vld [tilespmem:s11+$0x5400];
	v9 =	vmax.f32 v9, $0.0e+00;
	[tilespmem:s11+$0x310] =	vst v8;
	v8 =	vadd.f32 v10, v20  }
0x322: {  	v23 =	vld [tilespmem:s11+$0x370];
	[tilespmem:s11+$0x320] =	vst v9;
	v9 =	vadd.f32 v11, v21  }
0x323: {  	v61 =	vld [tilespmem:s11+$0x380];
	v8 =	vmax.f32 v8, $0.0e+00  }
0x324: {  	v62 =	vld [tilespmem:s11+$0x390];
	v10 =	vmax.f32 v9, $0.0e+00;
	[tilespmem:s11+$0x330] =	vst v8;
	v8 =	vadd.f32 v12, v22  }
0x325: {  	v63 =	vld [tilespmem:s11+$0x3A0];
	[tilespmem:s11+$0x340] =	vst v10;
	v10 =	vadd.f32 v13, v60  }
0x326: {  	v9 =	vld [tilespmem:s11+$0x3B0];
	v11 =	vmax.f32 v8, $0.0e+00  }
0x327: {  	v8 =	vld [tilespmem:s11+$0x3C0];
	v12 =	vmax.f32 v10, $0.0e+00;
	[tilespmem:s11+$0x350] =	vst v11;
	v11 =	vadd.f32 v14, v23  }
0x328: {  	v10 =	vld [tilespmem:s11+$0x3D0];
	[tilespmem:s11+$0x360] =	vst v12;
	v12 =	vadd.f32 v15, v61  }
0x329: {  	v14 =	vadd.f32 v16, v62;
	v13 =	vmax.f32 v11, $0.0e+00;
	v11 =	vld [tilespmem:s11+$0x3E0]  }
0x32a: {  	s18 =	simm.s32 $0x7C0;
	v15 =	vmax.f32 v12, $0.0e+00;
	v12 =	vld [tilespmem:s11+$0x3F0];
	[tilespmem:s11+$0x370] =	vst v13;
	v13 =	vadd.f32 v17, v63  }
.LBB2_20:
0x32b: {  	s19 =	sshra.s32 s18, $0x2;
	p0 =	sne.s32 s18, $0x9FC0;
	[tilespmem:s11+$0x380] =	vst v15;
	v14 =	vmax.f32 v14, $0.0e+00;
	v7 =	vadd.f32 v7, v9;
	v9 =	vld [tilespmem:s11+$0x400]  }
0x32c: {  	v15 =	vld [tilespmem:s19+$0x5310];
	[tilespmem:s11+$0x390] =	vst v14;
	v13 =	vmax.f32 v13, $0.0e+00;
	v6 =	vadd.f32 v6, v8  }
0x32d: {  	v8 =	vld [tilespmem:s19+$0x5320];
	[tilespmem:s11+$0x3A0] =	vst v13;
	v7 =	vmax.f32 v7, $0.0e+00;
	v5 =	vadd.f32 v5, v10  }
0x32e: {  	v10 =	vld [tilespmem:s19+$0x5330];
	[tilespmem:s11+$0x3B0] =	vst v7;
	v6 =	vmax.f32 v6, $0.0e+00;
	v4 =	vadd.f32 v4, v11  }
0x32f: {  	v11 =	vld [tilespmem:s19+$0x5340];
	[tilespmem:s11+$0x3C0] =	vst v6;
	v5 =	vmax.f32 v5, $0.0e+00;
	v3 =	vadd.f32 v3, v12  }
0x330: {  	v12 =	vld [tilespmem:s19+$0x5350];
	[tilespmem:s11+$0x3D0] =	vst v5;
	v4 =	vmax.f32 v4, $0.0e+00;
	v2 =	vadd.f32 v2, v9  }
0x331: {  	v9 =	vld [tilespmem:s19+$0x5360];
	[tilespmem:s11+$0x3E0] =	vst v4;
	v3 =	vmax.f32 v3, $0.0e+00  }
0x332: {  	v13 =	vld [tilespmem:s19+$0x5370];
	[tilespmem:s11+$0x3F0] =	vst v3;
	v2 =	vmax.f32 v2, $0.0e+00  }
0x333: {  	v14 =	vld [tilespmem:s19+$0x5380];
	[tilespmem:s11+$0x400] =	vst v2;
	s11 =	smov.u32 s19  }
0x334: {  	v16 =	vld [tilespmem:s11+$0x5390]  }
0x335: {  	v17 =	vld [tilespmem:s11+$0x53A0]  }
0x336: {  	v7 =	vld [tilespmem:s11+$0x53B0]  }
0x337: {  	v6 =	vld [tilespmem:s11+$0x53C0]  }
0x338: {  	v5 =	vld [tilespmem:s11+$0x53D0]  }
0x339: {  	v4 =	vld [tilespmem:s11+$0x53E0]  }
0x33a: {  	v3 =	vld [tilespmem:s11+$0x53F0]  }
0x33b: {  	v2 =	vld [tilespmem:s11+$0x5400]  }
0x33c: {  	v18 =	vld [tilespmem:s11+$0x310]  }
0x33d: {  	v19 =	vld [tilespmem:s11+$0x320]  }
0x33e: {  	v20 =	vld [tilespmem:s11+$0x330]  }
0x33f: {  	v21 =	vld [tilespmem:s11+$0x340]  }
0x340: {  	v22 =	vld [tilespmem:s11+$0x350]  }
0x341: {  	v15 =	vadd.f32 v15, v18;
	v18 =	vld [tilespmem:s11+$0x360]  }
0x342: {  	v8 =	vadd.f32 v8, v19;
	v19 =	vld [tilespmem:s11+$0x370]  }
0x343: {  	v15 =	vmax.f32 v15, $0.0e+00;
	v10 =	vadd.f32 v10, v20;
	v20 =	vld [tilespmem:s11+$0x380]  }
0x344: {  	[tilespmem:s11+$0x310] =	vst v15;
	v8 =	vmax.f32 v8, $0.0e+00;
	v11 =	vadd.f32 v11, v21;
	v15 =	vld [tilespmem:s11+$0x390]  }
0x345: {  	[tilespmem:s11+$0x320] =	vst v8;
	v8 =	vmax.f32 v10, $0.0e+00;
	v10 =	vadd.f32 v12, v22;
	v12 =	vld [tilespmem:s11+$0x3A0]  }
.Ltmp9:
0x346: {  	[tilespmem:s11+$0x330] =	vst v8;
	v8 =	vmax.f32 v11, $0.0e+00;
	v11 =	vadd.f32 v9, v18;
	v9 =	vld [tilespmem:s11+$0x3B0];
	(pc) =	sbr.rel @p0 .LBB2_20-.Ltmp9, $4  }
0x347: {  	[tilespmem:s11+$0x340] =	vst v8;
	v10 =	vmax.f32 v10, $0.0e+00;
	v13 =	vadd.f32 v13, v19;
	v8 =	vld [tilespmem:s11+$0x3C0]  }
0x348: {  	[tilespmem:s11+$0x350] =	vst v10;
	v11 =	vmax.f32 v11, $0.0e+00;
	v18 =	vadd.f32 v14, v20;
	v10 =	vld [tilespmem:s11+$0x3D0]  }
0x349: {  	[tilespmem:s11+$0x360] =	vst v11;
	v13 =	vmax.f32 v13, $0.0e+00;
	v14 =	vadd.f32 v16, v15;
	v11 =	vld [tilespmem:s11+$0x3E0]  }
0x34a: {  	s18 =	sadd.s32 $0x400, s18;
	[tilespmem:s11+$0x370] =	vst v13;
	v15 =	vmax.f32 v18, $0.0e+00;
	v13 =	vadd.f32 v17, v12;
	v12 =	vld [tilespmem:s11+$0x3F0]  }
0x34b: {  	[tilespmem:s11+$0x380] =	vst v15;
	v14 =	vmax.f32 v14, $0.0e+00;
	v7 =	vadd.f32 v7, v9;
	v9 =	vld [tilespmem:s11+$0x400]  }
0x34c: {  	[tilespmem:s11+$0x390] =	vst v14;
	v13 =	vmax.f32 v13, $0.0e+00;
	v6 =	vadd.f32 v6, v8  }
0x34d: {  	[tilespmem:s11+$0x3A0] =	vst v13;
	v7 =	vmax.f32 v7, $0.0e+00;
	v5 =	vadd.f32 v5, v10  }
0x34e: {  	[tilespmem:s11+$0x3B0] =	vst v7;
	v6 =	vmax.f32 v6, $0.0e+00;
	v4 =	vadd.f32 v4, v11  }
0x34f: {  	[tilespmem:s11+$0x3C0] =	vst v6;
	v5 =	vmax.f32 v5, $0.0e+00;
	v3 =	vadd.f32 v3, v12  }
0x350: {  	[tilespmem:s11+$0x3D0] =	vst v5;
	v4 =	vmax.f32 v4, $0.0e+00;
	v2 =	vadd.f32 v2, v9  }
0x351: {  	[tilespmem:s11+$0x3E0] =	vst v4;
	v3 =	vmax.f32 v3, $0.0e+00  }
0x352: {  	[tilespmem:s11+$0x3F0] =	vst v3;
	v2 =	vmax.f32 v2, $0.0e+00  }
0x353: {  	s20 =	rddreg [dreg:$0x10];
	[tilespmem:s11+$0x400] =	vst v2  }
0x354: {  	[tilespmem:s30], [sflag:$0x7] =	stream.linear.gather [hbm4b:s20+s4], $0x2800, $0x38;
	[tilespmem:$0x1F400] =	vst v63  }
0x355: {  	v2 =	vld [tilespmem:$0x200];
	_ =	sdelay $0x7  }
0x356: {  	[tilespmem:v2+s13+$0x0] =	vst.idx.add.f32.msk $0xffff, v1  }
0x357: {  	v2 =	vld [tilespmem:$0x210];
	_ =	sdelay $0x7  }
0x358: {  	[tilespmem:v2+s13+$0x0] =	vst.idx.add.f32.msk $0xffff, v1  }
0x359: {  	v2 =	vld [tilespmem:$0x220];
	_ =	sdelay $0x7  }
0x35a: {  	[tilespmem:v2+s13+$0x0] =	vst.idx.add.f32.msk $0xffff, v1  }
0x35b: {  	v2 =	vld [tilespmem:$0x230];
	_ =	sdelay $0x7  }
0x35c: {  	[tilespmem:v2+s13+$0x0] =	vst.idx.add.f32.msk $0xffff, v1  }
0x35d: {  	v2 =	vld [tilespmem:$0x240];
	_ =	sdelay $0x7  }
0x35e: {  	s23 =	sld [smem:$0x7FD];
	[tilespmem:v2+s13+$0x0] =	vst.idx.add.f32.msk $0xffff, v1  }
0x35f: {  	[spmem:s2] =	stream.indirect.scatter.add.f32 [tilespmem:s29], [sflag:$0x8], $0x80, s14, s26, $0xb8;
	[tilespmem:$0x1F400] =	vst v63  }
0x360: {  	_ = 	snop  }
0x361: {  	[tilespmem:s4], [sflag:$0x1] =	stream.linear.gather [hbm4b:s23+s4], $0x100, $0x38;
	[tilespmem:$0x1F400] =	vst v63  }
0x362: {  	_ =	swait.ge [sflag:s25], $0x100  }
0x363: {  	[sflag:s25] =	ssyncset.done $0x0  }
0x364: {  	[sflag:s25] =	ssyncadd.s32 $0xFFFFFF00  }
0x365: {  	_ =	swait.ge [sflag:s16], $0x2800  }
0x366: {  	[sflag:s16] =	ssyncset.done $0x0  }
0x367: {  	[sflag:s16] =	ssyncadd.s32 $0xFFFFD800  }
0x368: {  	_ =	swait.ge [sflag:s3], $0x2800  }
0x369: {  	[sflag:s3] =	ssyncset.done $0x0  }
0x36a: {  	[sflag:s3] =	ssyncadd.s32 $0xFFFFD800  }
0x36b: {  	_ =	swait.ge [sflag:s17], $0x2800  }
0x36c: {  	[sflag:s17] =	ssyncset.done $0x0  }
0x36d: {  	s28 =	simm.s32 $0x80;
	s11 =	simm.s32 $0xF0;
	[sflag:s17] =	ssyncadd.s32 $0xFFFFD800  }
0x36e: {  	[tilespmem:s29], [sflag:$0x5] =	stream.indirect.gather [hbm4b:s1+s26], $0x80, s28, s26, $0xb8;
	[tilespmem:$0x1F400] =	vst v63  }
0x36f: {  	v8 =	vld [tilespmem:s11+$0x5310]  }
0x370: {  	v9 =	vld [tilespmem:s11+$0x5320]  }
0x371: {  	v10 =	vld [tilespmem:s11+$0x5330]  }
0x372: {  	v11 =	vld [tilespmem:s11+$0x5340]  }
0x373: {  	v12 =	vld [tilespmem:s11+$0x5350]  }
0x374: {  	v13 =	vld [tilespmem:s11+$0x5360]  }
0x375: {  	v14 =	vld [tilespmem:s11+$0x5370]  }
0x376: {  	v15 =	vld [tilespmem:s11+$0x5380]  }
0x377: {  	v16 =	vld [tilespmem:s11+$0x5390]  }
0x378: {  	v17 =	vld [tilespmem:s11+$0x53A0]  }
0x379: {  	v7 =	vld [tilespmem:s11+$0x53B0]  }
0x37a: {  	v6 =	vld [tilespmem:s11+$0x53C0]  }
0x37b: {  	v5 =	vld [tilespmem:s11+$0x53D0]  }
0x37c: {  	v18 =	vld [tilespmem:s11+$0x2B10]  }
0x37d: {  	v19 =	vld [tilespmem:s11+$0x2B20]  }
0x37e: {  	v4 =	vld [tilespmem:s11+$0x53E0]  }
0x37f: {  	v20 =	vld [tilespmem:s11+$0x2B30]  }
0x380: {  	v21 =	vld [tilespmem:s11+$0x2B40]  }
0x381: {  	v3 =	vld [tilespmem:s11+$0x53F0];
	v8 =	vadd.f32 v8, v18  }
0x382: {  	v22 =	vld [tilespmem:s11+$0x2B50];
	v9 =	vadd.f32 v9, v19  }
0x383: {  	v60 =	vld [tilespmem:s11+$0x2B60];
	v8 =	vmax.f32 v8, $0.0e+00  }
0x384: {  	v2 =	vld [tilespmem:s11+$0x5400];
	v9 =	vmax.f32 v9, $0.0e+00;
	[tilespmem:s11+$0x2B10] =	vst v8;
	v8 =	vadd.f32 v10, v20  }
0x385: {  	v23 =	vld [tilespmem:s11+$0x2B70];
	[tilespmem:s11+$0x2B20] =	vst v9;
	v9 =	vadd.f32 v11, v21  }
0x386: {  	v61 =	vld [tilespmem:s11+$0x2B80];
	v8 =	vmax.f32 v8, $0.0e+00  }
0x387: {  	v62 =	vld [tilespmem:s11+$0x2B90];
	v10 =	vmax.f32 v9, $0.0e+00;
	[tilespmem:s11+$0x2B30] =	vst v8;
	v8 =	vadd.f32 v12, v22  }
0x388: {  	v63 =	vld [tilespmem:s11+$0x2BA0];
	[tilespmem:s11+$0x2B40] =	vst v10;
	v10 =	vadd.f32 v13, v60  }
0x389: {  	v9 =	vld [tilespmem:s11+$0x2BB0];
	v11 =	vmax.f32 v8, $0.0e+00  }
0x38a: {  	v8 =	vld [tilespmem:s11+$0x2BC0];
	v12 =	vmax.f32 v10, $0.0e+00;
	[tilespmem:s11+$0x2B50] =	vst v11;
	v11 =	vadd.f32 v14, v23  }
0x38b: {  	v10 =	vld [tilespmem:s11+$0x2BD0];
	[tilespmem:s11+$0x2B60] =	vst v12;
	v12 =	vadd.f32 v15, v61  }
0x38c: {  	v14 =	vadd.f32 v16, v62;
	v13 =	vmax.f32 v11, $0.0e+00;
	v11 =	vld [tilespmem:s11+$0x2BE0]  }
0x38d: {  	s18 =	simm.s32 $0x7C0;
	v15 =	vmax.f32 v12, $0.0e+00;
	v12 =	vld [tilespmem:s11+$0x2BF0];
	[tilespmem:s11+$0x2B70] =	vst v13;
	v13 =	vadd.f32 v17, v63  }
.LBB2_22:
0x38e: {  	s19 =	sshra.s32 s18, $0x2;
	p0 =	sne.s32 s18, $0x9FC0;
	[tilespmem:s11+$0x2B80] =	vst v15;
	v14 =	vmax.f32 v14, $0.0e+00;
	v7 =	vadd.f32 v7, v9;
	v9 =	vld [tilespmem:s11+$0x2C00]  }
0x38f: {  	v15 =	vld [tilespmem:s19+$0x5310];
	[tilespmem:s11+$0x2B90] =	vst v14;
	v13 =	vmax.f32 v13, $0.0e+00;
	v6 =	vadd.f32 v6, v8  }
0x390: {  	v8 =	vld [tilespmem:s19+$0x5320];
	[tilespmem:s11+$0x2BA0] =	vst v13;
	v7 =	vmax.f32 v7, $0.0e+00;
	v5 =	vadd.f32 v5, v10  }
0x391: {  	v10 =	vld [tilespmem:s19+$0x5330];
	[tilespmem:s11+$0x2BB0] =	vst v7;
	v6 =	vmax.f32 v6, $0.0e+00;
	v4 =	vadd.f32 v4, v11  }
0x392: {  	v11 =	vld [tilespmem:s19+$0x5340];
	[tilespmem:s11+$0x2BC0] =	vst v6;
	v5 =	vmax.f32 v5, $0.0e+00;
	v3 =	vadd.f32 v3, v12  }
0x393: {  	v12 =	vld [tilespmem:s19+$0x5350];
	[tilespmem:s11+$0x2BD0] =	vst v5;
	v4 =	vmax.f32 v4, $0.0e+00;
	v2 =	vadd.f32 v2, v9  }
0x394: {  	v9 =	vld [tilespmem:s19+$0x5360];
	[tilespmem:s11+$0x2BE0] =	vst v4;
	v3 =	vmax.f32 v3, $0.0e+00  }
0x395: {  	v13 =	vld [tilespmem:s19+$0x5370];
	[tilespmem:s11+$0x2BF0] =	vst v3;
	v2 =	vmax.f32 v2, $0.0e+00  }
0x396: {  	v14 =	vld [tilespmem:s19+$0x5380];
	[tilespmem:s11+$0x2C00] =	vst v2;
	s11 =	smov.u32 s19  }
0x397: {  	v16 =	vld [tilespmem:s11+$0x5390]  }
0x398: {  	v17 =	vld [tilespmem:s11+$0x53A0]  }
0x399: {  	v7 =	vld [tilespmem:s11+$0x53B0]  }
0x39a: {  	v6 =	vld [tilespmem:s11+$0x53C0]  }
0x39b: {  	v5 =	vld [tilespmem:s11+$0x53D0]  }
0x39c: {  	v4 =	vld [tilespmem:s11+$0x53E0]  }
0x39d: {  	v3 =	vld [tilespmem:s11+$0x53F0]  }
0x39e: {  	v2 =	vld [tilespmem:s11+$0x5400]  }
0x39f: {  	v18 =	vld [tilespmem:s11+$0x2B10]  }
0x3a0: {  	v19 =	vld [tilespmem:s11+$0x2B20]  }
0x3a1: {  	v20 =	vld [tilespmem:s11+$0x2B30]  }
0x3a2: {  	v21 =	vld [tilespmem:s11+$0x2B40]  }
0x3a3: {  	v22 =	vld [tilespmem:s11+$0x2B50]  }
0x3a4: {  	v15 =	vadd.f32 v15, v18;
	v18 =	vld [tilespmem:s11+$0x2B60]  }
0x3a5: {  	v8 =	vadd.f32 v8, v19;
	v19 =	vld [tilespmem:s11+$0x2B70]  }
0x3a6: {  	v15 =	vmax.f32 v15, $0.0e+00;
	v10 =	vadd.f32 v10, v20;
	v20 =	vld [tilespmem:s11+$0x2B80]  }
0x3a7: {  	[tilespmem:s11+$0x2B10] =	vst v15;
	v8 =	vmax.f32 v8, $0.0e+00;
	v11 =	vadd.f32 v11, v21;
	v15 =	vld [tilespmem:s11+$0x2B90]  }
0x3a8: {  	[tilespmem:s11+$0x2B20] =	vst v8;
	v8 =	vmax.f32 v10, $0.0e+00;
	v10 =	vadd.f32 v12, v22;
	v12 =	vld [tilespmem:s11+$0x2BA0]  }
.Ltmp10:
0x3a9: {  	[tilespmem:s11+$0x2B30] =	vst v8;
	v8 =	vmax.f32 v11, $0.0e+00;
	v11 =	vadd.f32 v9, v18;
	v9 =	vld [tilespmem:s11+$0x2BB0];
	(pc) =	sbr.rel @p0 .LBB2_22-.Ltmp10, $4  }
0x3aa: {  	[tilespmem:s11+$0x2B40] =	vst v8;
	v10 =	vmax.f32 v10, $0.0e+00;
	v13 =	vadd.f32 v13, v19;
	v8 =	vld [tilespmem:s11+$0x2BC0]  }
0x3ab: {  	[tilespmem:s11+$0x2B50] =	vst v10;
	v11 =	vmax.f32 v11, $0.0e+00;
	v18 =	vadd.f32 v14, v20;
	v10 =	vld [tilespmem:s11+$0x2BD0]  }
0x3ac: {  	[tilespmem:s11+$0x2B60] =	vst v11;
	v13 =	vmax.f32 v13, $0.0e+00;
	v14 =	vadd.f32 v16, v15;
	v11 =	vld [tilespmem:s11+$0x2BE0]  }
0x3ad: {  	s18 =	sadd.s32 $0x400, s18;
	[tilespmem:s11+$0x2B70] =	vst v13;
	v15 =	vmax.f32 v18, $0.0e+00;
	v13 =	vadd.f32 v17, v12;
	v12 =	vld [tilespmem:s11+$0x2BF0]  }
0x3ae: {  	[tilespmem:s11+$0x2B80] =	vst v15;
	v14 =	vmax.f32 v14, $0.0e+00;
	v7 =	vadd.f32 v7, v9;
	v9 =	vld [tilespmem:s11+$0x2C00]  }
0x3af: {  	[tilespmem:s11+$0x2B90] =	vst v14;
	v13 =	vmax.f32 v13, $0.0e+00;
	v6 =	vadd.f32 v6, v8  }
0x3b0: {  	[tilespmem:s11+$0x2BA0] =	vst v13;
	v7 =	vmax.f32 v7, $0.0e+00;
	v5 =	vadd.f32 v5, v10  }
0x3b1: {  	[tilespmem:s11+$0x2BB0] =	vst v7;
	v6 =	vmax.f32 v6, $0.0e+00;
	v4 =	vadd.f32 v4, v11  }
0x3b2: {  	[tilespmem:s11+$0x2BC0] =	vst v6;
	v5 =	vmax.f32 v5, $0.0e+00;
	v3 =	vadd.f32 v3, v12  }
0x3b3: {  	[tilespmem:s11+$0x2BD0] =	vst v5;
	v4 =	vmax.f32 v4, $0.0e+00;
	v2 =	vadd.f32 v2, v9  }
0x3b4: {  	[tilespmem:s11+$0x2BE0] =	vst v4;
	v3 =	vmax.f32 v3, $0.0e+00  }
0x3b5: {  	[tilespmem:s11+$0x2BF0] =	vst v3;
	v2 =	vmax.f32 v2, $0.0e+00  }
0x3b6: {  	s28 =	rddreg [dreg:$0x11];
	[tilespmem:s11+$0x2C00] =	vst v2  }
0x3b7: {  	[tilespmem:s30], [sflag:$0x7] =	stream.linear.gather [hbm4b:s28+s4], $0x2800, $0x38;
	[tilespmem:$0x1F400] =	vst v63  }
0x3b8: {  	v2 =	vld [tilespmem:$0x300];
	_ =	sdelay $0x7  }
0x3b9: {  	[tilespmem:v2+s13+$0x0] =	vst.idx.add.f32.msk $0xffff, v1  }
0x3ba: {  	v2 =	vld [tilespmem:$0x310];
	_ =	sdelay $0x7  }
0x3bb: {  	[tilespmem:v2+s13+$0x0] =	vst.idx.add.f32.msk $0xffff, v1  }
0x3bc: {  	v2 =	vld [tilespmem:$0x320];
	_ =	sdelay $0x7  }
0x3bd: {  	[tilespmem:v2+s13+$0x0] =	vst.idx.add.f32.msk $0xffff, v1  }
0x3be: {  	v2 =	vld [tilespmem:$0x330];
	_ =	sdelay $0x7  }
0x3bf: {  	[tilespmem:v2+s13+$0x0] =	vst.idx.add.f32.msk $0xffff, v1  }
0x3c0: {  	v2 =	vld [tilespmem:$0x340];
	_ =	sdelay $0x7  }
0x3c1: {  	[tilespmem:v2+s13+$0x0] =	vst.idx.add.f32.msk $0xffff, v1  }
0x3c2: {  	[spmem:s2] =	stream.indirect.scatter.add.f32 [tilespmem:s12], [sflag:$0x9], $0x80, s21, s26, $0xb8;
	[tilespmem:$0x1F400] =	vst v63  }
0x3c3: {  	_ =	swait.ge [sflag:s0], $0x2800  }
0x3c4: {  	[sflag:s0] =	ssyncset.done $0x0  }
0x3c5: {  	[sflag:s0] =	ssyncadd.s32 $0xFFFFD800  }
0x3c6: {  	_ =	swait.ge [sflag:s3], $0x2800  }
0x3c7: {  	[sflag:s3] =	ssyncset.done $0x0  }
0x3c8: {  	[sflag:s3] =	ssyncadd.s32 $0xFFFFD800  }
0x3c9: {  	_ =	swait.ge [sflag:s10], $0x2800  }
0x3ca: {  	[sflag:s10] =	ssyncset.done $0x0  }
0x3cb: {  	s11 =	simm.s32 $0xF0;
	[sflag:s10] =	ssyncadd.s32 $0xFFFFD800  }
0x3cc: {  	v8 =	vld [tilespmem:s11+$0x5310]  }
0x3cd: {  	v9 =	vld [tilespmem:s11+$0x5320]  }
0x3ce: {  	v10 =	vld [tilespmem:s11+$0x5330]  }
0x3cf: {  	v11 =	vld [tilespmem:s11+$0x5340]  }
0x3d0: {  	v12 =	vld [tilespmem:s11+$0x5350]  }
0x3d1: {  	v13 =	vld [tilespmem:s11+$0x5360]  }
0x3d2: {  	v14 =	vld [tilespmem:s11+$0x5370]  }
0x3d3: {  	v15 =	vld [tilespmem:s11+$0x5380]  }
0x3d4: {  	v16 =	vld [tilespmem:s11+$0x5390]  }
0x3d5: {  	v17 =	vld [tilespmem:s11+$0x53A0]  }
0x3d6: {  	v7 =	vld [tilespmem:s11+$0x53B0]  }
0x3d7: {  	v6 =	vld [tilespmem:s11+$0x53C0]  }
0x3d8: {  	v5 =	vld [tilespmem:s11+$0x53D0]  }
0x3d9: {  	v18 =	vld [tilespmem:s11+$0x310]  }
0x3da: {  	v19 =	vld [tilespmem:s11+$0x320]  }
0x3db: {  	v4 =	vld [tilespmem:s11+$0x53E0]  }
0x3dc: {  	v20 =	vld [tilespmem:s11+$0x330]  }
0x3dd: {  	v21 =	vld [tilespmem:s11+$0x340]  }
0x3de: {  	v3 =	vld [tilespmem:s11+$0x53F0];
	v8 =	vadd.f32 v8, v18  }
0x3df: {  	v22 =	vld [tilespmem:s11+$0x350];
	v9 =	vadd.f32 v9, v19  }
0x3e0: {  	v60 =	vld [tilespmem:s11+$0x360];
	v8 =	vmax.f32 v8, $0.0e+00  }
0x3e1: {  	v2 =	vld [tilespmem:s11+$0x5400];
	v9 =	vmax.f32 v9, $0.0e+00;
	[tilespmem:s11+$0x310] =	vst v8;
	v8 =	vadd.f32 v10, v20  }
0x3e2: {  	v23 =	vld [tilespmem:s11+$0x370];
	[tilespmem:s11+$0x320] =	vst v9;
	v9 =	vadd.f32 v11, v21  }
0x3e3: {  	v61 =	vld [tilespmem:s11+$0x380];
	v8 =	vmax.f32 v8, $0.0e+00  }
0x3e4: {  	v62 =	vld [tilespmem:s11+$0x390];
	v10 =	vmax.f32 v9, $0.0e+00;
	[tilespmem:s11+$0x330] =	vst v8;
	v8 =	vadd.f32 v12, v22  }
0x3e5: {  	v63 =	vld [tilespmem:s11+$0x3A0];
	[tilespmem:s11+$0x340] =	vst v10;
	v10 =	vadd.f32 v13, v60  }
0x3e6: {  	v9 =	vld [tilespmem:s11+$0x3B0];
	v11 =	vmax.f32 v8, $0.0e+00  }
0x3e7: {  	v8 =	vld [tilespmem:s11+$0x3C0];
	v12 =	vmax.f32 v10, $0.0e+00;
	[tilespmem:s11+$0x350] =	vst v11;
	v11 =	vadd.f32 v14, v23  }
0x3e8: {  	v10 =	vld [tilespmem:s11+$0x3D0];
	[tilespmem:s11+$0x360] =	vst v12;
	v12 =	vadd.f32 v15, v61  }
0x3e9: {  	v14 =	vadd.f32 v16, v62;
	v13 =	vmax.f32 v11, $0.0e+00;
	v11 =	vld [tilespmem:s11+$0x3E0]  }
0x3ea: {  	s18 =	simm.s32 $0x7C0;
	v15 =	vmax.f32 v12, $0.0e+00;
	v12 =	vld [tilespmem:s11+$0x3F0];
	[tilespmem:s11+$0x370] =	vst v13;
	v13 =	vadd.f32 v17, v63  }
.LBB2_24:
0x3eb: {  	s19 =	sshra.s32 s18, $0x2;
	p0 =	sne.s32 s18, $0x9FC0;
	[tilespmem:s11+$0x380] =	vst v15;
	v14 =	vmax.f32 v14, $0.0e+00;
	v7 =	vadd.f32 v7, v9;
	v9 =	vld [tilespmem:s11+$0x400]  }
0x3ec: {  	v15 =	vld [tilespmem:s19+$0x5310];
	[tilespmem:s11+$0x390] =	vst v14;
	v13 =	vmax.f32 v13, $0.0e+00;
	v6 =	vadd.f32 v6, v8  }
0x3ed: {  	v8 =	vld [tilespmem:s19+$0x5320];
	[tilespmem:s11+$0x3A0] =	vst v13;
	v7 =	vmax.f32 v7, $0.0e+00;
	v5 =	vadd.f32 v5, v10  }
0x3ee: {  	v10 =	vld [tilespmem:s19+$0x5330];
	[tilespmem:s11+$0x3B0] =	vst v7;
	v6 =	vmax.f32 v6, $0.0e+00;
	v4 =	vadd.f32 v4, v11  }
0x3ef: {  	v11 =	vld [tilespmem:s19+$0x5340];
	[tilespmem:s11+$0x3C0] =	vst v6;
	v5 =	vmax.f32 v5, $0.0e+00;
	v3 =	vadd.f32 v3, v12  }
0x3f0: {  	v12 =	vld [tilespmem:s19+$0x5350];
	[tilespmem:s11+$0x3D0] =	vst v5;
	v4 =	vmax.f32 v4, $0.0e+00;
	v2 =	vadd.f32 v2, v9  }
0x3f1: {  	v9 =	vld [tilespmem:s19+$0x5360];
	[tilespmem:s11+$0x3E0] =	vst v4;
	v3 =	vmax.f32 v3, $0.0e+00  }
0x3f2: {  	v13 =	vld [tilespmem:s19+$0x5370];
	[tilespmem:s11+$0x3F0] =	vst v3;
	v2 =	vmax.f32 v2, $0.0e+00  }
0x3f3: {  	v14 =	vld [tilespmem:s19+$0x5380];
	[tilespmem:s11+$0x400] =	vst v2;
	s11 =	smov.u32 s19  }
0x3f4: {  	v16 =	vld [tilespmem:s11+$0x5390]  }
0x3f5: {  	v17 =	vld [tilespmem:s11+$0x53A0]  }
0x3f6: {  	v7 =	vld [tilespmem:s11+$0x53B0]  }
0x3f7: {  	v6 =	vld [tilespmem:s11+$0x53C0]  }
0x3f8: {  	v5 =	vld [tilespmem:s11+$0x53D0]  }
0x3f9: {  	v4 =	vld [tilespmem:s11+$0x53E0]  }
0x3fa: {  	v3 =	vld [tilespmem:s11+$0x53F0]  }
0x3fb: {  	v2 =	vld [tilespmem:s11+$0x5400]  }
0x3fc: {  	v18 =	vld [tilespmem:s11+$0x310]  }
0x3fd: {  	v19 =	vld [tilespmem:s11+$0x320]  }
0x3fe: {  	v20 =	vld [tilespmem:s11+$0x330]  }
0x3ff: {  	v21 =	vld [tilespmem:s11+$0x340]  }
0x400: {  	v22 =	vld [tilespmem:s11+$0x350]  }
0x401: {  	v15 =	vadd.f32 v15, v18;
	v18 =	vld [tilespmem:s11+$0x360]  }
0x402: {  	v8 =	vadd.f32 v8, v19;
	v19 =	vld [tilespmem:s11+$0x370]  }
0x403: {  	v15 =	vmax.f32 v15, $0.0e+00;
	v10 =	vadd.f32 v10, v20;
	v20 =	vld [tilespmem:s11+$0x380]  }
0x404: {  	[tilespmem:s11+$0x310] =	vst v15;
	v8 =	vmax.f32 v8, $0.0e+00;
	v11 =	vadd.f32 v11, v21;
	v15 =	vld [tilespmem:s11+$0x390]  }
0x405: {  	[tilespmem:s11+$0x320] =	vst v8;
	v8 =	vmax.f32 v10, $0.0e+00;
	v10 =	vadd.f32 v12, v22;
	v12 =	vld [tilespmem:s11+$0x3A0]  }
.Ltmp11:
0x406: {  	[tilespmem:s11+$0x330] =	vst v8;
	v8 =	vmax.f32 v11, $0.0e+00;
	v11 =	vadd.f32 v9, v18;
	v9 =	vld [tilespmem:s11+$0x3B0];
	(pc) =	sbr.rel @p0 .LBB2_24-.Ltmp11, $4  }
0x407: {  	[tilespmem:s11+$0x340] =	vst v8;
	v10 =	vmax.f32 v10, $0.0e+00;
	v13 =	vadd.f32 v13, v19;
	v8 =	vld [tilespmem:s11+$0x3C0]  }
0x408: {  	[tilespmem:s11+$0x350] =	vst v10;
	v11 =	vmax.f32 v11, $0.0e+00;
	v18 =	vadd.f32 v14, v20;
	v10 =	vld [tilespmem:s11+$0x3D0]  }
0x409: {  	[tilespmem:s11+$0x360] =	vst v11;
	v13 =	vmax.f32 v13, $0.0e+00;
	v14 =	vadd.f32 v16, v15;
	v11 =	vld [tilespmem:s11+$0x3E0]  }
0x40a: {  	s18 =	sadd.s32 $0x400, s18;
	[tilespmem:s11+$0x370] =	vst v13;
	v15 =	vmax.f32 v18, $0.0e+00;
	v13 =	vadd.f32 v17, v12;
	v12 =	vld [tilespmem:s11+$0x3F0]  }
0x40b: {  	[tilespmem:s11+$0x380] =	vst v15;
	v14 =	vmax.f32 v14, $0.0e+00;
	v7 =	vadd.f32 v7, v9;
	v63 =	vld [tilespmem:s11+$0x400]  }
0x40c: {  	[tilespmem:s11+$0x390] =	vst v14;
	v13 =	vmax.f32 v13, $0.0e+00;
	v6 =	vadd.f32 v6, v8  }
0x40d: {  	[tilespmem:s11+$0x3A0] =	vst v13;
	v7 =	vmax.f32 v7, $0.0e+00;
	v5 =	vadd.f32 v5, v10  }
0x40e: {  	[tilespmem:s11+$0x3B0] =	vst v7;
	v6 =	vmax.f32 v6, $0.0e+00;
	v4 =	vadd.f32 v4, v11  }
0x40f: {  	[tilespmem:s11+$0x3C0] =	vst v6;
	v5 =	vmax.f32 v5, $0.0e+00;
	v3 =	vadd.f32 v3, v12  }
0x410: {  	[tilespmem:s11+$0x3D0] =	vst v5;
	v4 =	vmax.f32 v4, $0.0e+00;
	v2 =	vadd.f32 v2, v63  }
0x411: {  	[tilespmem:s11+$0x3E0] =	vst v4;
	v3 =	vmax.f32 v3, $0.0e+00  }
0x412: {  	[tilespmem:s11+$0x3F0] =	vst v3;
	v2 =	vmax.f32 v2, $0.0e+00  }
0x413: {  	[tilespmem:s11+$0x400] =	vst v2  }
0x414: {  	v2 =	vld [tilespmem:$0x0];
	_ =	sdelay $0x7  }
0x415: {  	[tilespmem:v2+s13+$0x0] =	vst.idx.add.f32.msk $0xffff, v1  }
0x416: {  	v2 =	vld [tilespmem:$0x10];
	_ =	sdelay $0x7  }
0x417: {  	[tilespmem:v2+s13+$0x0] =	vst.idx.add.f32.msk $0xffff, v1  }
0x418: {  	v2 =	vld [tilespmem:$0x20];
	_ =	sdelay $0x7  }
0x419: {  	[tilespmem:v2+s13+$0x0] =	vst.idx.add.f32.msk $0xffff, v1  }
0x41a: {  	v2 =	vld [tilespmem:$0x30];
	_ =	sdelay $0x7  }
0x41b: {  	[tilespmem:v2+s13+$0x0] =	vst.idx.add.f32.msk $0xffff, v1  }
0x41c: {  	v2 =	vld [tilespmem:$0x40];
	_ =	sdelay $0x7  }
0x41d: {  	[tilespmem:v2+s13+$0x0] =	vst.idx.add.f32.msk $0xffff, v1  }
0x41e: {  	[spmem:s2] =	stream.indirect.scatter.add.f32 [tilespmem:s29], [sflag:$0x8], $0x80, s4, s26, $0xb8;
	[tilespmem:$0x1F400] =	vst v63  }
0x41f: {  	_ =	swait.ge [sflag:s17], $0x2800  }
0x420: {  	[sflag:s17] =	ssyncset.done $0x0  }
0x421: {  	s18 =	simm.s32 $0x80;
	s20 =	rddreg [dreg:$0x12];
	[sflag:s17] =	ssyncadd.s32 $0xFFFFD800  }
0x422: {  	[hbm4b:s20+s18] =	stream.strided.scatter [tilespmem:s13], [sflag:$0xA], $0x2800, s29, s18, $0x38;
	[tilespmem:$0x1F400] =	vst v63  }
0x423: {  	_ =	swait.ge [sflag:s24], $0x2800  }
0x424: {  	[sflag:s24] =	ssyncset.done $0x0  }
0x425: {  	[sflag:s24] =	ssyncadd.s32 $0xFFFFD800  }
0x426: {  	s23 =	stileid.u32;
	[bflag:$0x0] =	sbarrier.arrive $0xFFFF  }
0x427: {  	s11 =	sshll.u32 s23, $0x6;
	s19 =	rddreg [dreg:$0x5]  }
0x428: {  	s11 =	sor.u32 $0x1C0A, s11;
	s20 =	rddreg [dreg:$0x13];
	s28 =	sshrl.u32 s19, $0x3  }
0x429: {  	[hbm:s20], [sflag:s11] =	dma.local [spmem:s28], $0x2800  }
0x42a: {  	_ =	swait.ge [sflag:s24], $0x2800  }
0x42b: {  	s23 =	sld [smem:$0x7F6];
	_ =	sdelay $0x2  }
0x42c: {  	s28 =	rddreg [dreg:$0x14];
	s18 =	sadd.s32 $0x1, s23  }
0x42d: {  	p0 =	sne.s32 s18, s28  }
.Ltmp12:
0x42e: {  	_ = 	snop;
	(pc) =	sbr.rel @p0 .LBB2_1-.Ltmp12, $3  }
0x42f: {  	_ =	sdelay $0x1  }
0x430: {  	[sflag:s24] =	ssyncset.done $0x0  }
0x431: {  	[sflag:s24] =	ssyncadd.s32 $0xFFFFD800  }
0x432: {  	_ =	sfence.sel $0x180000  }
0x433: {  	[bflag:$0x0] =	sbarrier.arrive $0xFFFF  }
0x434: {  	_ =	strace $0x90000047  }
0x435: {  	s0 =	stileid.u32;
	[bflag:$0x2] =	sbarrier.arrive $0xFFFF  }
0x436: {  	p0 =	sne.s32 s0, $0x0;
	s0 =	rddreg [dreg:$0x3]  }
0x437: {  	s0 =	sadd.s32 @!p0 $0x100000, s0  }
0x438: {  	[sflag:s0] =	ssyncadd.tile.s32 @!p0 $0x1;
	_ =	shalt  }
.Lfunc_end2:
_tile_overlayer_lowered:
.L_overlay_start_2:
0x439: {  	(tag) =	ssettag $0x2  }
0x43a: {  	s0 =	rddreg [dreg:$0x0];
	s2 =	stileid.u32  }
0x43b: {  	s1 =	rddreg [dreg:$0x1];
	p0 =	sne.s32 s2, $0x0  }
0x43c: {  	s3 =	rddreg [dreg:$0x2];
	[bflag:$0x3] =	sbarrier.arrive $0xFFFF;
	s2 =	simm.s32 @!p0 $0x1C0A  }
0x43d: {  	[timem:s3], [sflag:s2] =	dma.local @!p0 [hbm:s0], s1  }
0x43e: {  	s0 =	simm.s32 @!p0 $0xA  }
0x43f: {  	_ =	swait.ge @!p0 [sflag:s0], s1  }
0x440: {  	s1 =	ssub.s32 @!p0 $0x0, s1;
	[sflag:s0] =	ssyncset.done @!p0 $0x0  }
0x441: {  	[sflag:s0] =	ssyncadd.s32 @!p0 s1  }
0x442: {  	[bflag:$0x3] =	sbarrier.arrive $0xFFFF  }
0x443: {  	_ =	shalt  }

</sc_bundles>
